<compile_context>
chip_gen: v7x
topology: tpu7x:2x2x1
jax: 0.10.2.dev20260603
libtpu: 0.0.44.dev20260713+nightly
codegen_flags: <defaults>
</compile_context>

<pallas_src>
import functools

import jax
import jax.numpy as jnp
from jax import lax
from jax.experimental import pallas as pl
from jax.experimental.pallas import tpu as pltpu
from jax.experimental.pallas import tpu_sc as plsc

DIM = 64
SL = 128
NT = 200
NSEQ = 16384
NBT = NSEQ // SL
NC = 2
NS = 16
NW = NC * NS
BT_PER_W = NBT // NW
V = 10000
V_PER_TILE = V // NS


def _transpose_block(g, w1d, iota16, kvecs, kvecs128):
    def bl_body(bl0, c0):
        rowv = iota16 + bl0 * 16
        base16 = bl0 * 16

        def d_body(d0i, c1):
            d0 = d0i * 16
            wbase = iota16 + (d0 * 128 + base16)
            for j0 in (0, 8):
                vals = [
                    plsc.load_gather(g, [rowv, kvecs[j0 + j] + d0])
                    for j in range(8)
                ]
                for j in range(8):
                    plsc.store_scatter(
                        w1d, [wbase + kvecs128[j0 + j]], vals[j]
                    )
            return c1

        lax.fori_loop(0, DIM // 16, d_body, c0)
        return c0

    lax.fori_loop(0, 8, bl_body, 0)


@functools.lru_cache(maxsize=None)
def _make_kernel():
    mesh = plsc.VectorSubcoreMesh(core_axis_name="c", subcore_axis_name="s")
    n2 = NT // 2

    @functools.partial(
        pl.kernel,
        out_type=jax.ShapeDtypeStruct((NT, 8, NBT, 1024), jnp.float32),
        mesh=mesh,
        scratch_types=[
            pltpu.VMEM_SHARED((V, DIM), jnp.float32),
            pltpu.VMEM((NT, SL), jnp.int32),
            pltpu.VMEM((SL, DIM), jnp.float32),
            pltpu.VMEM((SL, DIM), jnp.float32),
            pltpu.VMEM((8 * 1024,), jnp.float32),
            pltpu.VMEM((8 * 1024,), jnp.float32),
            pltpu.VMEM((8 * 1024,), jnp.float32),
            pltpu.VMEM((8 * 1024,), jnp.float32),
            pltpu.SemaphoreType.DMA,
            pltpu.SemaphoreType.DMA,
            pltpu.SemaphoreType.DMA,
            pltpu.SemaphoreType.DMA,
            pltpu.SemaphoreType.DMA,
            pltpu.SemaphoreType.DMA,
        ],
        compiler_params=pltpu.CompilerParams(
            use_tc_tiling_on_sc=False, needs_layout_passes=False
        ),
    )
    def emb_kernel(idx_hbm, table_hbm, out_hbm, tab_sp, iv, g0, g1,
                   w0, w1, w2, w3, gs0, gs1, ss0, ss1, ss2, ss3):
        sid = lax.axis_index("s")
        wid = sid * NC + lax.axis_index("c")

        pltpu.sync_copy(
            table_hbm.at[pl.ds(sid * V_PER_TILE, V_PER_TILE)],
            tab_sp.at[pl.ds(sid * V_PER_TILE, V_PER_TILE)],
        )
        plsc.subcore_barrier()

        iota16 = lax.iota(jnp.int32, 16)
        kvecs = [(iota16 + j) & 15 for j in range(16)]
        kvecs128 = [kv * 128 for kv in kvecs]

        def fire_gather(t, gv, sem):
            pltpu.async_copy(tab_sp.at[iv.at[t]], gv, sem)

        def wait_gather(t, gv, sem):
            pltpu.make_async_copy(tab_sp.at[iv.at[t]], gv, sem).wait()

        def start_store(wv, t, bt, sem):
            for dt in range(8):
                pltpu.async_copy(
                    wv.at[pl.ds(dt * 1024, 1024)],
                    out_hbm.at[t, dt, bt],
                    sem,
                )

        def wait_store(wv, t, bt, sem):
            for dt in range(8):
                pltpu.make_async_copy(
                    wv.at[pl.ds(dt * 1024, 1024)],
                    out_hbm.at[t, dt, bt],
                    sem,
                ).wait()

        gbufs = [(g0, gs0), (g1, gs1)]
        wbufs = [(w0, ss0), (w1, ss1), (w2, ss2), (w3, ss3)]
        n4 = NT // 4

        def kbody(k, kcarry):
            bt = wid * BT_PER_W + k
            pltpu.sync_copy(idx_hbm.at[bt], iv)
            fire_gather(0, g0, gs0)

            def body(i, carry):
                tb = 4 * i
                for step in range(4):
                    t = tb + step
                    gc, gcs = gbufs[step % 2]
                    gn, gns = gbufs[(step + 1) % 2]
                    wv, ws = wbufs[step]

                    @pl.when(t + 1 < NT)
                    def _():
                        fire_gather(t + 1, gn, gns)

                    wait_gather(t, gc, gcs)

                    @pl.when(i >= 1)
                    def _():
                        wait_store(wv, t - 4, bt, ws)

                    _transpose_block(gc, wv, iota16, kvecs, kvecs128)
                    start_store(wv, t, bt, ws)
                return carry

            lax.fori_loop(0, n4, body, 0)
            for step in range(4):
                wv, ws = wbufs[step]
                wait_store(wv, NT - 4 + step, bt, ws)
            return kcarry

        lax.fori_loop(0, BT_PER_W, kbody, 0)

    return emb_kernel


@jax.jit
def kernel(input, table):
    idx3 = (
        input.astype(jnp.float32)
        .reshape(NBT, SL, NT)
        .transpose(0, 2, 1)
        .astype(jnp.int32)
    )
    out5 = _make_kernel()(idx3, table)
    return (
        out5.reshape(NT, 8, NBT, 8, SL)
        .transpose(2, 4, 0, 1, 3)
        .reshape(NSEQ, NT, DIM)
    )

# --- scband reference (transcript-rebuilt; emitter-appended) ---
"""Pipeline reference for scband-custom-model-embedding-2190433321772 (READ-ONLY COPY).

The authoritative reference and input builder live on the scoring server;
editing this copy changes nothing except your own understanding.
"""

import jax, jax.numpy as jnp
import numpy as np

NUM_EMBEDDINGS = 10000
EMBEDDING_DIM = 64

def setup_inputs(seed: int = 0) -> dict:
    key = jax.random.key(seed)
    k1, k2 = jax.random.split(key)
    input_ids = jax.random.randint(k1, (16384, 200), 0, NUM_EMBEDDINGS, dtype=jnp.int64 if jax.config.jax_enable_x64 else jnp.int32)
    # nn.Embedding default init: N(0, 1)
    table = jax.random.normal(k2, (NUM_EMBEDDINGS, EMBEDDING_DIM), dtype=jnp.float32)
    return {"input": input_ids, "table": table}

def reference(input, table):
    # embedding lookup: gather rows of the table
    embed = jnp.take(table, input, axis=0)
    return embed

if __name__ == "__main__":
    import jax
    _d = setup_inputs()
    print(jax.jit(kernel)(*tuple(_d.values())))

</pallas_src>

<mosaic_0001>
#map = affine_map<(d0, d1) -> (0, 0, 0)>
#map1 = affine_map<(d0, d1) -> (0, 0)>
#map2 = affine_map<(d0, d1) -> (0, 0, 0, 0)>
module attributes {stable_mosaic.version = 14 : i64} {
  func.func @emb_kernel(%arg0: i32, %arg1: i32, %arg2: memref<128x200x128xi32, #tpu.memory_space<hbm>>, %arg3: memref<10000x64xf32, #tpu.memory_space<hbm>>, %arg4: memref<200x8x128x1024xf32, #tpu.memory_space<hbm>>, %arg5: memref<10000x64xf32, #tpu.memory_space<vmem_shared>>, %arg6: memref<200x128xi32, #tpu.memory_space<vmem>>, %arg7: memref<128x64xf32, #tpu.memory_space<vmem>>, %arg8: memref<128x64xf32, #tpu.memory_space<vmem>>, %arg9: memref<8192xf32, #tpu.memory_space<vmem>>, %arg10: memref<8192xf32, #tpu.memory_space<vmem>>, %arg11: memref<8192xf32, #tpu.memory_space<vmem>>, %arg12: memref<8192xf32, #tpu.memory_space<vmem>>, %arg13: memref<!tpu.dma_semaphore, #tpu.memory_space<semaphore_mem>>, %arg14: memref<!tpu.dma_semaphore, #tpu.memory_space<semaphore_mem>>, %arg15: memref<!tpu.dma_semaphore, #tpu.memory_space<semaphore_mem>>, %arg16: memref<!tpu.dma_semaphore, #tpu.memory_space<semaphore_mem>>, %arg17: memref<!tpu.dma_semaphore, #tpu.memory_space<semaphore_mem>>, %arg18: memref<!tpu.dma_semaphore, #tpu.memory_space<semaphore_mem>>) attributes {dimension_semantics = [#tpu.dimension_semantics<core_parallel>, #tpu.dimension_semantics<subcore_parallel>], iteration_bounds = array<i64: 2, 16>, scalar_prefetch = 0 : i64, scratch_operands = 14 : i64, tpu.core_type = #tpu.core_type<sc_vector_subcore>, window_params = [{transform_indices = #map}, {transform_indices = #map1}, {transform_indices = #map2}]} {
    %mul3A = arith.constant 2 : i32
    %mul3A_0 = arith.muli %arg1, %mul3A : i32
    %add3A = arith.addi %mul3A_0, %arg0 : i32
    %mul3A_1 = arith.constant 625 : i32
    %mul3A_2 = arith.muli %arg1, %mul3A_1 : i32
    %mul3A_3 = arith.constant 625 : i32
    %mul3A_4 = arith.muli %arg1, %mul3A_3 : i32
    "tpu.region"() ({
      %run_scoped3A = tpu.sem_alloc : memref<!tpu.dma_semaphore, #tpu.memory_space<semaphore_mem>>
      %dma_start3A = arith.constant 0 : i32
      %dma_start3A_153 = tpu.memref_slice %arg5[%mul3A_4, %dma_start3A] : memref<10000x64xf32, #tpu.memory_space<vmem_shared>> -> memref<625x64xf32, #tpu.memory_space<vmem_shared>>
      %dma_start3A_154 = arith.constant 0 : i32
      %dma_start3A_155 = tpu.memref_slice %arg3[%mul3A_2, %dma_start3A_154] : memref<10000x64xf32, #tpu.memory_space<hbm>> -> memref<625x64xf32, #tpu.memory_space<hbm>>
      tpu.enqueue_dma source(%dma_start3A_155 : memref<625x64xf32, #tpu.memory_space<hbm>>) target(%dma_start3A_153 : memref<625x64xf32, #tpu.memory_space<vmem_shared>>) target_semaphore(%run_scoped3A : memref<!tpu.dma_semaphore, #tpu.memory_space<semaphore_mem>>)
      %dma_wait3A = arith.constant 0 : i32
      %dma_wait3A_156 = tpu.memref_slice %arg5[%mul3A_4, %dma_wait3A] : memref<10000x64xf32, #tpu.memory_space<vmem_shared>> -> memref<625x64xf32, #tpu.memory_space<vmem_shared>>
      %dma_wait3A_157 = arith.constant 0 : i32
      %dma_wait3A_158 = tpu.memref_slice %arg3[%mul3A_2, %dma_wait3A_157] : memref<10000x64xf32, #tpu.memory_space<hbm>> -> memref<625x64xf32, #tpu.memory_space<hbm>>
      tpu.wait_dma2 semaphore(%run_scoped3A : memref<!tpu.dma_semaphore, #tpu.memory_space<semaphore_mem>>) src(%dma_wait3A_158 : memref<625x64xf32, #tpu.memory_space<hbm>>) dst(%dma_wait3A_156 : memref<625x64xf32, #tpu.memory_space<vmem_shared>>)
      tpu.yield
    }) : () -> ()
    %barrier3A = arith.constant 0 : index
    tpu.barrier barrier_id(%barrier3A)
    %iota3A = tpu.iota {dimensions = array<i32: 0>} : vector<16xi32>
    %add3A_5 = arith.constant 0 : i32
    %add3A_6 = vector.broadcast %add3A_5 : i32 to vector<16xi32>
    %add3A_7 = arith.addi %iota3A, %add3A_6 : vector<16xi32>
    %and3A = arith.constant 15 : i32
    %and3A_8 = vector.broadcast %and3A : i32 to vector<16xi32>
    %and3A_9 = arith.andi %add3A_7, %and3A_8 : vector<16xi32>
    %add3A_10 = arith.constant 1 : i32
    %add3A_11 = vector.broadcast %add3A_10 : i32 to vector<16xi32>
    %add3A_12 = arith.addi %iota3A, %add3A_11 : vector<16xi32>
    %and3A_13 = arith.constant 15 : i32
    %and3A_14 = vector.broadcast %and3A_13 : i32 to vector<16xi32>
    %and3A_15 = arith.andi %add3A_12, %and3A_14 : vector<16xi32>
    %add3A_16 = arith.constant 2 : i32
    %add3A_17 = vector.broadcast %add3A_16 : i32 to vector<16xi32>
    %add3A_18 = arith.addi %iota3A, %add3A_17 : vector<16xi32>
    %and3A_19 = arith.constant 15 : i32
    %and3A_20 = vector.broadcast %and3A_19 : i32 to vector<16xi32>
    %and3A_21 = arith.andi %add3A_18, %and3A_20 : vector<16xi32>
    %add3A_22 = arith.constant 3 : i32
    %add3A_23 = vector.broadcast %add3A_22 : i32 to vector<16xi32>
    %add3A_24 = arith.addi %iota3A, %add3A_23 : vector<16xi32>
    %and3A_25 = arith.constant 15 : i32
    %and3A_26 = vector.broadcast %and3A_25 : i32 to vector<16xi32>
    %and3A_27 = arith.andi %add3A_24, %and3A_26 : vector<16xi32>
    %add3A_28 = arith.constant 4 : i32
    %add3A_29 = vector.broadcast %add3A_28 : i32 to vector<16xi32>
    %add3A_30 = arith.addi %iota3A, %add3A_29 : vector<16xi32>
    %and3A_31 = arith.constant 15 : i32
    %and3A_32 = vector.broadcast %and3A_31 : i32 to vector<16xi32>
    %and3A_33 = arith.andi %add3A_30, %and3A_32 : vector<16xi32>
    %add3A_34 = arith.constant 5 : i32
    %add3A_35 = vector.broadcast %add3A_34 : i32 to vector<16xi32>
    %add3A_36 = arith.addi %iota3A, %add3A_35 : vector<16xi32>
    %and3A_37 = arith.constant 15 : i32
    %and3A_38 = vector.broadcast %and3A_37 : i32 to vector<16xi32>
    %and3A_39 = arith.andi %add3A_36, %and3A_38 : vector<16xi32>
    %add3A_40 = arith.constant 6 : i32
    %add3A_41 = vector.broadcast %add3A_40 : i32 to vector<16xi32>
    %add3A_42 = arith.addi %iota3A, %add3A_41 : vector<16xi32>
    %and3A_43 = arith.constant 15 : i32
    %and3A_44 = vector.broadcast %and3A_43 : i32 to vector<16xi32>
    %and3A_45 = arith.andi %add3A_42, %and3A_44 : vector<16xi32>
    %add3A_46 = arith.constant 7 : i32
    %add3A_47 = vector.broadcast %add3A_46 : i32 to vector<16xi32>
    %add3A_48 = arith.addi %iota3A, %add3A_47 : vector<16xi32>
    %and3A_49 = arith.constant 15 : i32
    %and3A_50 = vector.broadcast %and3A_49 : i32 to vector<16xi32>
    %and3A_51 = arith.andi %add3A_48, %and3A_50 : vector<16xi32>
    %add3A_52 = arith.constant 8 : i32
    %add3A_53 = vector.broadcast %add3A_52 : i32 to vector<16xi32>
    %add3A_54 = arith.addi %iota3A, %add3A_53 : vector<16xi32>
    %and3A_55 = arith.constant 15 : i32
    %and3A_56 = vector.broadcast %and3A_55 : i32 to vector<16xi32>
    %and3A_57 = arith.andi %add3A_54, %and3A_56 : vector<16xi32>
    %add3A_58 = arith.constant 9 : i32
    %add3A_59 = vector.broadcast %add3A_58 : i32 to vector<16xi32>
    %add3A_60 = arith.addi %iota3A, %add3A_59 : vector<16xi32>
    %and3A_61 = arith.constant 15 : i32
    %and3A_62 = vector.broadcast %and3A_61 : i32 to vector<16xi32>
    %and3A_63 = arith.andi %add3A_60, %and3A_62 : vector<16xi32>
    %add3A_64 = arith.constant 10 : i32
    %add3A_65 = vector.broadcast %add3A_64 : i32 to vector<16xi32>
    %add3A_66 = arith.addi %iota3A, %add3A_65 : vector<16xi32>
    %and3A_67 = arith.constant 15 : i32
    %and3A_68 = vector.broadcast %and3A_67 : i32 to vector<16xi32>
    %and3A_69 = arith.andi %add3A_66, %and3A_68 : vector<16xi32>
    %add3A_70 = arith.constant 11 : i32
    %add3A_71 = vector.broadcast %add3A_70 : i32 to vector<16xi32>
    %add3A_72 = arith.addi %iota3A, %add3A_71 : vector<16xi32>
    %and3A_73 = arith.constant 15 : i32
    %and3A_74 = vector.broadcast %and3A_73 : i32 to vector<16xi32>
    %and3A_75 = arith.andi %add3A_72, %and3A_74 : vector<16xi32>
    %add3A_76 = arith.constant 12 : i32
    %add3A_77 = vector.broadcast %add3A_76 : i32 to vector<16xi32>
    %add3A_78 = arith.addi %iota3A, %add3A_77 : vector<16xi32>
    %and3A_79 = arith.constant 15 : i32
    %and3A_80 = vector.broadcast %and3A_79 : i32 to vector<16xi32>
    %and3A_81 = arith.andi %add3A_78, %and3A_80 : vector<16xi32>
    %add3A_82 = arith.constant 13 : i32
    %add3A_83 = vector.broadcast %add3A_82 : i32 to vector<16xi32>
    %add3A_84 = arith.addi %iota3A, %add3A_83 : vector<16xi32>
    %and3A_85 = arith.constant 15 : i32
    %and3A_86 = vector.broadcast %and3A_85 : i32 to vector<16xi32>
    %and3A_87 = arith.andi %add3A_84, %and3A_86 : vector<16xi32>
    %add3A_88 = arith.constant 14 : i32
    %add3A_89 = vector.broadcast %add3A_88 : i32 to vector<16xi32>
    %add3A_90 = arith.addi %iota3A, %add3A_89 : vector<16xi32>
    %and3A_91 = arith.constant 15 : i32
    %and3A_92 = vector.broadcast %and3A_91 : i32 to vector<16xi32>
    %and3A_93 = arith.andi %add3A_90, %and3A_92 : vector<16xi32>
    %add3A_94 = arith.constant 15 : i32
    %add3A_95 = vector.broadcast %add3A_94 : i32 to vector<16xi32>
    %add3A_96 = arith.addi %iota3A, %add3A_95 : vector<16xi32>
    %and3A_97 = arith.constant 15 : i32
    %and3A_98 = vector.broadcast %and3A_97 : i32 to vector<16xi32>
    %and3A_99 = arith.andi %add3A_96, %and3A_98 : vector<16xi32>
    %mul3A_100 = arith.constant 128 : i32
    %mul3A_101 = vector.broadcast %mul3A_100 : i32 to vector<16xi32>
    %mul3A_102 = arith.muli %and3A_9, %mul3A_101 : vector<16xi32>
    %mul3A_103 = arith.constant 128 : i32
    %mul3A_104 = vector.broadcast %mul3A_103 : i32 to vector<16xi32>
    %mul3A_105 = arith.muli %and3A_15, %mul3A_104 : vector<16xi32>
    %mul3A_106 = arith.constant 128 : i32
    %mul3A_107 = vector.broadcast %mul3A_106 : i32 to vector<16xi32>
    %mul3A_108 = arith.muli %and3A_21, %mul3A_107 : vector<16xi32>
    %mul3A_109 = arith.constant 128 : i32
    %mul3A_110 = vector.broadcast %mul3A_109 : i32 to vector<16xi32>
    %mul3A_111 = arith.muli %and3A_27, %mul3A_110 : vector<16xi32>
    %mul3A_112 = arith.constant 128 : i32
    %mul3A_113 = vector.broadcast %mul3A_112 : i32 to vector<16xi32>
    %mul3A_114 = arith.muli %and3A_33, %mul3A_113 : vector<16xi32>
    %mul3A_115 = arith.constant 128 : i32
    %mul3A_116 = vector.broadcast %mul3A_115 : i32 to vector<16xi32>
    %mul3A_117 = arith.muli %and3A_39, %mul3A_116 : vector<16xi32>
    %mul3A_118 = arith.constant 128 : i32
    %mul3A_119 = vector.broadcast %mul3A_118 : i32 to vector<16xi32>
    %mul3A_120 = arith.muli %and3A_45, %mul3A_119 : vector<16xi32>
    %mul3A_121 = arith.constant 128 : i32
    %mul3A_122 = vector.broadcast %mul3A_121 : i32 to vector<16xi32>
    %mul3A_123 = arith.muli %and3A_51, %mul3A_122 : vector<16xi32>
    %mul3A_124 = arith.constant 128 : i32
    %mul3A_125 = vector.broadcast %mul3A_124 : i32 to vector<16xi32>
    %mul3A_126 = arith.muli %and3A_57, %mul3A_125 : vector<16xi32>
    %mul3A_127 = arith.constant 128 : i32
    %mul3A_128 = vector.broadcast %mul3A_127 : i32 to vector<16xi32>
    %mul3A_129 = arith.muli %and3A_63, %mul3A_128 : vector<16xi32>
    %mul3A_130 = arith.constant 128 : i32
    %mul3A_131 = vector.broadcast %mul3A_130 : i32 to vector<16xi32>
    %mul3A_132 = arith.muli %and3A_69, %mul3A_131 : vector<16xi32>
    %mul3A_133 = arith.constant 128 : i32
    %mul3A_134 = vector.broadcast %mul3A_133 : i32 to vector<16xi32>
    %mul3A_135 = arith.muli %and3A_75, %mul3A_134 : vector<16xi32>
    %mul3A_136 = arith.constant 128 : i32
    %mul3A_137 = vector.broadcast %mul3A_136 : i32 to vector<16xi32>
    %mul3A_138 = arith.muli %and3A_81, %mul3A_137 : vector<16xi32>
    %mul3A_139 = arith.constant 128 : i32
    %mul3A_140 = vector.broadcast %mul3A_139 : i32 to vector<16xi32>
    %mul3A_141 = arith.muli %and3A_87, %mul3A_140 : vector<16xi32>
    %mul3A_142 = arith.constant 128 : i32
    %mul3A_143 = vector.broadcast %mul3A_142 : i32 to vector<16xi32>
    %mul3A_144 = arith.muli %and3A_93, %mul3A_143 : vector<16xi32>
    %mul3A_145 = arith.constant 128 : i32
    %mul3A_146 = vector.broadcast %mul3A_145 : i32 to vector<16xi32>
    %mul3A_147 = arith.muli %and3A_99, %mul3A_146 : vector<16xi32>
    %scan3A = arith.constant 0 : i32
    %scan3A_148 = arith.constant 0 : i32
    %scan3A_149 = arith.constant 4 : i32
    %scan3A_150 = arith.addi %scan3A_148, %scan3A_149 : i32
    %scan3A_151 = arith.constant 1 : i32
    scf.for %scan3A_153 = %scan3A_148 to %scan3A_150 step %scan3A_151  : i32 {
      %mul3A_154 = arith.constant 4 : i32
      %mul3A_155 = arith.muli %add3A, %mul3A_154 : i32
      %add3A_156 = arith.addi %mul3A_155, %scan3A_153 : i32
      "tpu.region"() ({
        %run_scoped3A = tpu.sem_alloc : memref<!tpu.dma_semaphore, #tpu.memory_space<semaphore_mem>>
        %dma_start3A_552 = arith.constant 0 : i32
        %dma_start3A_553 = arith.constant 0 : i32
        %dma_start3A_554 = tpu.memref_slice %arg2[%add3A_156, %dma_start3A_552, %dma_start3A_553] : memref<128x200x128xi32, #tpu.memory_space<hbm>> -> memref<1x200x128xi32, #tpu.memory_space<hbm>>
        %dma_start3A_555 = tpu.memref_squeeze %dma_start3A_554 : memref<1x200x128xi32, #tpu.memory_space<hbm>> -> memref<200x128xi32, #tpu.memory_space<hbm>>
        %dma_start3A_556 = arith.constant 0 : i32
        %dma_start3A_557 = arith.constant 0 : i32
        %dma_start3A_558 = tpu.memref_slice %arg2[%add3A_156, %dma_start3A_556, %dma_start3A_557] : memref<128x200x128xi32, #tpu.memory_space<hbm>> -> memref<1x200x128xi32, #tpu.memory_space<hbm>>
        %dma_start3A_559 = tpu.memref_squeeze %dma_start3A_558 : memref<1x200x128xi32, #tpu.memory_space<hbm>> -> memref<200x128xi32, #tpu.memory_space<hbm>>
        tpu.enqueue_dma source(%dma_start3A_559 : memref<200x128xi32, #tpu.memory_space<hbm>>) target(%arg6 : memref<200x128xi32, #tpu.memory_space<vmem>>) target_semaphore(%run_scoped3A : memref<!tpu.dma_semaphore, #tpu.memory_space<semaphore_mem>>)
        %dma_wait3A_560 = arith.constant 0 : i32
        %dma_wait3A_561 = arith.constant 0 : i32
        %dma_wait3A_562 = tpu.memref_slice %arg2[%add3A_156, %dma_wait3A_560, %dma_wait3A_561] : memref<128x200x128xi32, #tpu.memory_space<hbm>> -> memref<1x200x128xi32, #tpu.memory_space<hbm>>
        %dma_wait3A_563 = tpu.memref_squeeze %dma_wait3A_562 : memref<1x200x128xi32, #tpu.memory_space<hbm>> -> memref<200x128xi32, #tpu.memory_space<hbm>>
        %dma_wait3A_564 = arith.constant 0 : i32
        %dma_wait3A_565 = arith.constant 0 : i32
        %dma_wait3A_566 = tpu.memref_slice %arg2[%add3A_156, %dma_wait3A_564, %dma_wait3A_565] : memref<128x200x128xi32, #tpu.memory_space<hbm>> -> memref<1x200x128xi32, #tpu.memory_space<hbm>>
        %dma_wait3A_567 = tpu.memref_squeeze %dma_wait3A_566 : memref<1x200x128xi32, #tpu.memory_space<hbm>> -> memref<200x128xi32, #tpu.memory_space<hbm>>
        tpu.wait_dma2 semaphore(%run_scoped3A : memref<!tpu.dma_semaphore, #tpu.memory_space<semaphore_mem>>) src(%dma_wait3A_567 : memref<200x128xi32, #tpu.memory_space<hbm>>) dst(%arg6 : memref<200x128xi32, #tpu.memory_space<vmem>>)
        tpu.yield
      }) : () -> ()
      %dma_start3A = arith.constant 0 : i32
      %dma_start3A_157 = arith.constant 0 : i32
      %dma_start3A_158 = tpu.memref_slice %arg6[%dma_start3A, %dma_start3A_157] : memref<200x128xi32, #tpu.memory_space<vmem>> -> memref<1x128xi32, #tpu.memory_space<vmem>>
      %dma_start3A_159 = tpu.memref_squeeze %dma_start3A_158 : memref<1x128xi32, #tpu.memory_space<vmem>> -> memref<128xi32, #tpu.memory_space<vmem>>
      %dma_start3A_160 = arith.constant 0 : i32
      %dma_start3A_161 = arith.constant 0 : i32
      %dma_start3A_162 = tpu.memref_slice %arg5[%dma_start3A_160, %dma_start3A_161] : memref<10000x64xf32, #tpu.memory_space<vmem_shared>> -> memref<10000x64xf32, #tpu.memory_space<vmem_shared>>
      tpu.enqueue_indirect_dma source(%dma_start3A_162 : memref<10000x64xf32, #tpu.memory_space<vmem_shared>>) target(%arg7 : memref<128x64xf32, #tpu.memory_space<vmem>>) offsets(%dma_start3A_159 : memref<128xi32, #tpu.memory_space<vmem>>) semaphore(%arg13 : memref<!tpu.dma_semaphore, #tpu.memory_space<semaphore_mem>>)
      %scan3A_163 = arith.constant 0 : i32
      %scan3A_164 = arith.constant 0 : i32
      %scan3A_165 = arith.constant 50 : i32
      %scan3A_166 = arith.addi %scan3A_164, %scan3A_165 : i32
      %scan3A_167 = arith.constant 1 : i32
      scf.for %scan3A_552 = %scan3A_164 to %scan3A_166 step %scan3A_167  : i32 {
        %mul3A_553 = arith.constant 4 : i32
        %mul3A_554 = arith.muli %mul3A_553, %scan3A_552 : i32
        %add3A_555 = arith.constant 0 : i32
        %add3A_556 = arith.addi %mul3A_554, %add3A_555 : i32
        %add3A_557 = arith.constant 1 : i32
        %add3A_558 = arith.addi %add3A_556, %add3A_557 : i32
        %lt3A = arith.constant 200 : i32
        %lt3A_559 = arith.cmpi slt, %add3A_558, %lt3A : i32
        %convert_element_type3A = arith.extui %lt3A_559 : i1 to i32
        %cond3A = arith.constant 0 : i32
        %cond3A_560 = arith.cmpi ne, %convert_element_type3A, %cond3A : i32
        scf.if %cond3A_560 {
          %add3A_1007 = arith.constant 1 : i32
          %add3A_1008 = arith.addi %add3A_556, %add3A_1007 : i32
          %dma_start3A_1009 = arith.constant 0 : i32
          %dma_start3A_1010 = tpu.memref_slice %arg6[%add3A_1008, %dma_start3A_1009] : memref<200x128xi32, #tpu.memory_space<vmem>> -> memref<1x128xi32, #tpu.memory_space<vmem>>
          %dma_start3A_1011 = tpu.memref_squeeze %dma_start3A_1010 : memref<1x128xi32, #tpu.memory_space<vmem>> -> memref<128xi32, #tpu.memory_space<vmem>>
          %dma_start3A_1012 = arith.constant 0 : i32
          %dma_start3A_1013 = arith.constant 0 : i32
          %dma_start3A_1014 = tpu.memref_slice %arg5[%dma_start3A_1012, %dma_start3A_1013] : memref<10000x64xf32, #tpu.memory_space<vmem_shared>> -> memref<10000x64xf32, #tpu.memory_space<vmem_shared>>
          tpu.enqueue_indirect_dma source(%dma_start3A_1014 : memref<10000x64xf32, #tpu.memory_space<vmem_shared>>) target(%arg8 : memref<128x64xf32, #tpu.memory_space<vmem>>) offsets(%dma_start3A_1011 : memref<128xi32, #tpu.memory_space<vmem>>) semaphore(%arg14 : memref<!tpu.dma_semaphore, #tpu.memory_space<semaphore_mem>>)
        } else {
        }
        %dma_wait3A_561 = arith.constant 0 : i32
        %dma_wait3A_562 = tpu.memref_slice %arg6[%add3A_556, %dma_wait3A_561] : memref<200x128xi32, #tpu.memory_space<vmem>> -> memref<1x128xi32, #tpu.memory_space<vmem>>
        %dma_wait3A_563 = tpu.memref_squeeze %dma_wait3A_562 : memref<1x128xi32, #tpu.memory_space<vmem>> -> memref<128xi32, #tpu.memory_space<vmem>>
        %dma_wait3A_564 = arith.constant 0 : i32
        %dma_wait3A_565 = arith.constant 0 : i32
        %dma_wait3A_566 = tpu.memref_slice %arg5[%dma_wait3A_564, %dma_wait3A_565] : memref<10000x64xf32, #tpu.memory_space<vmem_shared>> -> memref<10000x64xf32, #tpu.memory_space<vmem_shared>>
        tpu.wait_indirect_dma semaphore(%arg13 : memref<!tpu.dma_semaphore, #tpu.memory_space<semaphore_mem>>) src(%dma_wait3A_566 : memref<10000x64xf32, #tpu.memory_space<vmem_shared>>) dst(%arg7 : memref<128x64xf32, #tpu.memory_space<vmem>>)
        %ge3A = arith.constant 1 : i32
        %ge3A_567 = arith.cmpi sge, %scan3A_552, %ge3A : i32
        %convert_element_type3A_568 = arith.extui %ge3A_567 : i1 to i32
        %cond3A_569 = arith.constant 0 : i32
        %cond3A_570 = arith.cmpi ne, %convert_element_type3A_568, %cond3A_569 : i32
        scf.if %cond3A_570 {
          %sub3A = arith.constant 4 : i32
          %sub3A_1007 = arith.subi %add3A_556, %sub3A : i32
          %dma_wait3A_1008 = arith.constant 0 : i32
          %dma_wait3A_1009 = arith.constant 0 : i32
          %dma_wait3A_1010 = tpu.memref_slice %arg9[%dma_wait3A_1009] : memref<8192xf32, #tpu.memory_space<vmem>> -> memref<1024xf32, #tpu.memory_space<vmem>>
          %dma_wait3A_1011 = arith.constant 0 : i32
          %dma_wait3A_1012 = tpu.memref_slice %arg4[%sub3A_1007, %dma_wait3A_1008, %add3A_156, %dma_wait3A_1011] : memref<200x8x128x1024xf32, #tpu.memory_space<hbm>> -> memref<1x1x1x1024xf32, #tpu.memory_space<hbm>>
          %dma_wait3A_1013 = tpu.memref_squeeze %dma_wait3A_1012 : memref<1x1x1x1024xf32, #tpu.memory_space<hbm>> -> memref<1024xf32, #tpu.memory_space<hbm>>
          %dma_wait3A_1014 = arith.constant 0 : i32
          %dma_wait3A_1015 = tpu.memref_slice %arg4[%sub3A_1007, %dma_wait3A_1008, %add3A_156, %dma_wait3A_1014] : memref<200x8x128x1024xf32, #tpu.memory_space<hbm>> -> memref<1x1x1x1024xf32, #tpu.memory_space<hbm>>
          %dma_wait3A_1016 = tpu.memref_squeeze %dma_wait3A_1015 : memref<1x1x1x1024xf32, #tpu.memory_space<hbm>> -> memref<1024xf32, #tpu.memory_space<hbm>>
          %dma_wait3A_1017 = arith.constant 0 : i32
          %dma_wait3A_1018 = tpu.memref_slice %arg9[%dma_wait3A_1017] : memref<8192xf32, #tpu.memory_space<vmem>> -> memref<1024xf32, #tpu.memory_space<vmem>>
          tpu.wait_dma2 semaphore(%arg15 : memref<!tpu.dma_semaphore, #tpu.memory_space<semaphore_mem>>) src(%dma_wait3A_1018 : memref<1024xf32, #tpu.memory_space<vmem>>) dst(%dma_wait3A_1016 : memref<1024xf32, #tpu.memory_space<hbm>>)
          %dma_wait3A_1019 = arith.constant 1 : i32
          %dma_wait3A_1020 = arith.constant 1024 : i32
          %dma_wait3A_1021 = tpu.memref_slice %arg9[%dma_wait3A_1020] : memref<8192xf32, #tpu.memory_space<vmem>> -> memref<1024xf32, #tpu.memory_space<vmem>>
          %dma_wait3A_1022 = arith.constant 0 : i32
          %dma_wait3A_1023 = tpu.memref_slice %arg4[%sub3A_1007, %dma_wait3A_1019, %add3A_156, %dma_wait3A_1022] : memref<200x8x128x1024xf32, #tpu.memory_space<hbm>> -> memref<1x1x1x1024xf32, #tpu.memory_space<hbm>>
          %dma_wait3A_1024 = tpu.memref_squeeze %dma_wait3A_1023 : memref<1x1x1x1024xf32, #tpu.memory_space<hbm>> -> memref<1024xf32, #tpu.memory_space<hbm>>
          %dma_wait3A_1025 = arith.constant 0 : i32
          %dma_wait3A_1026 = tpu.memref_slice %arg4[%sub3A_1007, %dma_wait3A_1019, %add3A_156, %dma_wait3A_1025] : memref<200x8x128x1024xf32, #tpu.memory_space<hbm>> -> memref<1x1x1x1024xf32, #tpu.memory_space<hbm>>
          %dma_wait3A_1027 = tpu.memref_squeeze %dma_wait3A_1026 : memref<1x1x1x1024xf32, #tpu.memory_space<hbm>> -> memref<1024xf32, #tpu.memory_space<hbm>>
          %dma_wait3A_1028 = arith.constant 1024 : i32
          %dma_wait3A_1029 = tpu.memref_slice %arg9[%dma_wait3A_1028] : memref<8192xf32, #tpu.memory_space<vmem>> -> memref<1024xf32, #tpu.memory_space<vmem>>
          tpu.wait_dma2 semaphore(%arg15 : memref<!tpu.dma_semaphore, #tpu.memory_space<semaphore_mem>>) src(%dma_wait3A_1029 : memref<1024xf32, #tpu.memory_space<vmem>>) dst(%dma_wait3A_1027 : memref<1024xf32, #tpu.memory_space<hbm>>)
          %dma_wait3A_1030 = arith.constant 2 : i32
          %dma_wait3A_1031 = arith.constant 2048 : i32
          %dma_wait3A_1032 = tpu.memref_slice %arg9[%dma_wait3A_1031] : memref<8192xf32, #tpu.memory_space<vmem>> -> memref<1024xf32, #tpu.memory_space<vmem>>
          %dma_wait3A_1033 = arith.constant 0 : i32
          %dma_wait3A_1034 = tpu.memref_slice %arg4[%sub3A_1007, %dma_wait3A_1030, %add3A_156, %dma_wait3A_1033] : memref<200x8x128x1024xf32, #tpu.memory_space<hbm>> -> memref<1x1x1x1024xf32, #tpu.memory_space<hbm>>
          %dma_wait3A_1035 = tpu.memref_squeeze %dma_wait3A_1034 : memref<1x1x1x1024xf32, #tpu.memory_space<hbm>> -> memref<1024xf32, #tpu.memory_space<hbm>>
          %dma_wait3A_1036 = arith.constant 0 : i32
          %dma_wait3A_1037 = tpu.memref_slice %arg4[%sub3A_1007, %dma_wait3A_1030, %add3A_156, %dma_wait3A_1036] : memref<200x8x128x1024xf32, #tpu.memory_space<hbm>> -> memref<1x1x1x1024xf32, #tpu.memory_space<hbm>>
          %dma_wait3A_1038 = tpu.memref_squeeze %dma_wait3A_1037 : memref<1x1x1x1024xf32, #tpu.memory_space<hbm>> -> memref<1024xf32, #tpu.memory_space<hbm>>
          %dma_wait3A_1039 = arith.constant 2048 : i32
          %dma_wait3A_1040 = tpu.memref_slice %arg9[%dma_wait3A_1039] : memref<8192xf32, #tpu.memory_space<vmem>> -> memref<1024xf32, #tpu.memory_space<vmem>>
          tpu.wait_dma2 semaphore(%arg15 : memref<!tpu.dma_semaphore, #tpu.memory_space<semaphore_mem>>) src(%dma_wait3A_1040 : memref<1024xf32, #tpu.memory_space<vmem>>) dst(%dma_wait3A_1038 : memref<1024xf32, #tpu.memory_space<hbm>>)
          %dma_wait3A_1041 = arith.constant 3 : i32
          %dma_wait3A_1042 = arith.constant 3072 : i32
          %dma_wait3A_1043 = tpu.memref_slice %arg9[%dma_wait3A_1042] : memref<8192xf32, #tpu.memory_space<vmem>> -> memref<1024xf32, #tpu.memory_space<vmem>>
          %dma_wait3A_1044 = arith.constant 0 : i32
          %dma_wait3A_1045 = tpu.memref_slice %arg4[%sub3A_1007, %dma_wait3A_1041, %add3A_156, %dma_wait3A_1044] : memref<200x8x128x1024xf32, #tpu.memory_space<hbm>> -> memref<1x1x1x1024xf32, #tpu.memory_space<hbm>>
          %dma_wait3A_1046 = tpu.memref_squeeze %dma_wait3A_1045 : memref<1x1x1x1024xf32, #tpu.memory_space<hbm>> -> memref<1024xf32, #tpu.memory_space<hbm>>
          %dma_wait3A_1047 = arith.constant 0 : i32
          %dma_wait3A_1048 = tpu.memref_slice %arg4[%sub3A_1007, %dma_wait3A_1041, %add3A_156, %dma_wait3A_1047] : memref<200x8x128x1024xf32, #tpu.memory_space<hbm>> -> memref<1x1x1x1024xf32, #tpu.memory_space<hbm>>
          %dma_wait3A_1049 = tpu.memref_squeeze %dma_wait3A_1048 : memref<1x1x1x1024xf32, #tpu.memory_space<hbm>> -> memref<1024xf32, #tpu.memory_space<hbm>>
          %dma_wait3A_1050 = arith.constant 3072 : i32
          %dma_wait3A_1051 = tpu.memref_slice %arg9[%dma_wait3A_1050] : memref<8192xf32, #tpu.memory_space<vmem>> -> memref<1024xf32, #tpu.memory_space<vmem>>
          tpu.wait_dma2 semaphore(%arg15 : memref<!tpu.dma_semaphore, #tpu.memory_space<semaphore_mem>>) src(%dma_wait3A_1051 : memref<1024xf32, #tpu.memory_space<vmem>>) dst(%dma_wait3A_1049 : memref<1024xf32, #tpu.memory_space<hbm>>)
          %dma_wait3A_1052 = arith.constant 4 : i32
          %dma_wait3A_1053 = arith.constant 4096 : i32
          %dma_wait3A_1054 = tpu.memref_slice %arg9[%dma_wait3A_1053] : memref<8192xf32, #tpu.memory_space<vmem>> -> memref<1024xf32, #tpu.memory_space<vmem>>
          %dma_wait3A_1055 = arith.constant 0 : i32
          %dma_wait3A_1056 = tpu.memref_slice %arg4[%sub3A_1007, %dma_wait3A_1052, %add3A_156, %dma_wait3A_1055] : memref<200x8x128x1024xf32, #tpu.memory_space<hbm>> -> memref<1x1x1x1024xf32, #tpu.memory_space<hbm>>
          %dma_wait3A_1057 = tpu.memref_squeeze %dma_wait3A_1056 : memref<1x1x1x1024xf32, #tpu.memory_space<hbm>> -> memref<1024xf32, #tpu.memory_space<hbm>>
          %dma_wait3A_1058 = arith.constant 0 : i32
          %dma_wait3A_1059 = tpu.memref_slice %arg4[%sub3A_1007, %dma_wait3A_1052, %add3A_156, %dma_wait3A_1058] : memref<200x8x128x1024xf32, #tpu.memory_space<hbm>> -> memref<1x1x1x1024xf32, #tpu.memory_space<hbm>>
          %dma_wait3A_1060 = tpu.memref_squeeze %dma_wait3A_1059 : memref<1x1x1x1024xf32, #tpu.memory_space<hbm>> -> memref<1024xf32, #tpu.memory_space<hbm>>
          %dma_wait3A_1061 = arith.constant 4096 : i32
          %dma_wait3A_1062 = tpu.memref_slice %arg9[%dma_wait3A_1061] : memref<8192xf32, #tpu.memory_space<vmem>> -> memref<1024xf32, #tpu.memory_space<vmem>>
          tpu.wait_dma2 semaphore(%arg15 : memref<!tpu.dma_semaphore, #tpu.memory_space<semaphore_mem>>) src(%dma_wait3A_1062 : memref<1024xf32, #tpu.memory_space<vmem>>) dst(%dma_wait3A_1060 : memref<1024xf32, #tpu.memory_space<hbm>>)
          %dma_wait3A_1063 = arith.constant 5 : i32
          %dma_wait3A_1064 = arith.constant 5120 : i32
          %dma_wait3A_1065 = tpu.memref_slice %arg9[%dma_wait3A_1064] : memref<8192xf32, #tpu.memory_space<vmem>> -> memref<1024xf32, #tpu.memory_space<vmem>>
          %dma_wait3A_1066 = arith.constant 0 : i32
          %dma_wait3A_1067 = tpu.memref_slice %arg4[%sub3A_1007, %dma_wait3A_1063, %add3A_156, %dma_wait3A_1066] : memref<200x8x128x1024xf32, #tpu.memory_space<hbm>> -> memref<1x1x1x1024xf32, #tpu.memory_space<hbm>>
          %dma_wait3A_1068 = tpu.memref_squeeze %dma_wait3A_1067 : memref<1x1x1x1024xf32, #tpu.memory_space<hbm>> -> memref<1024xf32, #tpu.memory_space<hbm>>
          %dma_wait3A_1069 = arith.constant 0 : i32
          %dma_wait3A_1070 = tpu.memref_slice %arg4[%sub3A_1007, %dma_wait3A_1063, %add3A_156, %dma_wait3A_1069] : memref<200x8x128x1024xf32, #tpu.memory_space<hbm>> -> memref<1x1x1x1024xf32, #tpu.memory_space<hbm>>
          %dma_wait3A_1071 = tpu.memref_squeeze %dma_wait3A_1070 : memref<1x1x1x1024xf32, #tpu.memory_space<hbm>> -> memref<1024xf32, #tpu.memory_space<hbm>>
          %dma_wait3A_1072 = arith.constant 5120 : i32
          %dma_wait3A_1073 = tpu.memref_slice %arg9[%dma_wait3A_1072] : memref<8192xf32, #tpu.memory_space<vmem>> -> memref<1024xf32, #tpu.memory_space<vmem>>
          tpu.wait_dma2 semaphore(%arg15 : memref<!tpu.dma_semaphore, #tpu.memory_space<semaphore_mem>>) src(%dma_wait3A_1073 : memref<1024xf32, #tpu.memory_space<vmem>>) dst(%dma_wait3A_1071 : memref<1024xf32, #tpu.memory_space<hbm>>)
          %dma_wait3A_1074 = arith.constant 6 : i32
          %dma_wait3A_1075 = arith.constant 6144 : i32
          %dma_wait3A_1076 = tpu.memref_slice %arg9[%dma_wait3A_1075] : memref<8192xf32, #tpu.memory_space<vmem>> -> memref<1024xf32, #tpu.memory_space<vmem>>
          %dma_wait3A_1077 = arith.constant 0 : i32
          %dma_wait3A_1078 = tpu.memref_slice %arg4[%sub3A_1007, %dma_wait3A_1074, %add3A_156, %dma_wait3A_1077] : memref<200x8x128x1024xf32, #tpu.memory_space<hbm>> -> memref<1x1x1x1024xf32, #tpu.memory_space<hbm>>
          %dma_wait3A_1079 = tpu.memref_squeeze %dma_wait3A_1078 : memref<1x1x1x1024xf32, #tpu.memory_space<hbm>> -> memref<1024xf32, #tpu.memory_space<hbm>>
          %dma_wait3A_1080 = arith.constant 0 : i32
          %dma_wait3A_1081 = tpu.memref_slice %arg4[%sub3A_1007, %dma_wait3A_1074, %add3A_156, %dma_wait3A_1080] : memref<200x8x128x1024xf32, #tpu.memory_space<hbm>> -> memref<1x1x1x1024xf32, #tpu.memory_space<hbm>>
          %dma_wait3A_1082 = tpu.memref_squeeze %dma_wait3A_1081 : memref<1x1x1x1024xf32, #tpu.memory_space<hbm>> -> memref<1024xf32, #tpu.memory_space<hbm>>
          %dma_wait3A_1083 = arith.constant 6144 : i32
          %dma_wait3A_1084 = tpu.memref_slice %arg9[%dma_wait3A_1083] : memref<8192xf32, #tpu.memory_space<vmem>> -> memref<1024xf32, #tpu.memory_space<vmem>>
          tpu.wait_dma2 semaphore(%arg15 : memref<!tpu.dma_semaphore, #tpu.memory_space<semaphore_mem>>) src(%dma_wait3A_1084 : memref<1024xf32, #tpu.memory_space<vmem>>) dst(%dma_wait3A_1082 : memref<1024xf32, #tpu.memory_space<hbm>>)
          %dma_wait3A_1085 = arith.constant 7 : i32
          %dma_wait3A_1086 = arith.constant 7168 : i32
          %dma_wait3A_1087 = tpu.memref_slice %arg9[%dma_wait3A_1086] : memref<8192xf32, #tpu.memory_space<vmem>> -> memref<1024xf32, #tpu.memory_space<vmem>>
          %dma_wait3A_1088 = arith.constant 0 : i32
          %dma_wait3A_1089 = tpu.memref_slice %arg4[%sub3A_1007, %dma_wait3A_1085, %add3A_156, %dma_wait3A_1088] : memref<200x8x128x1024xf32, #tpu.memory_space<hbm>> -> memref<1x1x1x1024xf32, #tpu.memory_space<hbm>>
          %dma_wait3A_1090 = tpu.memref_squeeze %dma_wait3A_1089 : memref<1x1x1x1024xf32, #tpu.memory_space<hbm>> -> memref<1024xf32, #tpu.memory_space<hbm>>
          %dma_wait3A_1091 = arith.constant 0 : i32
          %dma_wait3A_1092 = tpu.memref_slice %arg4[%sub3A_1007, %dma_wait3A_1085, %add3A_156, %dma_wait3A_1091] : memref<200x8x128x1024xf32, #tpu.memory_space<hbm>> -> memref<1x1x1x1024xf32, #tpu.memory_space<hbm>>
          %dma_wait3A_1093 = tpu.memref_squeeze %dma_wait3A_1092 : memref<1x1x1x1024xf32, #tpu.memory_space<hbm>> -> memref<1024xf32, #tpu.memory_space<hbm>>
          %dma_wait3A_1094 = arith.constant 7168 : i32
          %dma_wait3A_1095 = tpu.memref_slice %arg9[%dma_wait3A_1094] : memref<8192xf32, #tpu.memory_space<vmem>> -> memref<1024xf32, #tpu.memory_space<vmem>>
          tpu.wait_dma2 semaphore(%arg15 : memref<!tpu.dma_semaphore, #tpu.memory_space<semaphore_mem>>) src(%dma_wait3A_1095 : memref<1024xf32, #tpu.memory_space<vmem>>) dst(%dma_wait3A_1093 : memref<1024xf32, #tpu.memory_space<hbm>>)
        } else {
        }
        %scan3A_571 = arith.constant 0 : i32
        %scan3A_572 = arith.constant 0 : i32
        %scan3A_573 = arith.constant 8 : i32
        %scan3A_574 = arith.addi %scan3A_572, %scan3A_573 : i32
        %scan3A_575 = arith.constant 1 : i32
        scf.for %scan3A_1007 = %scan3A_572 to %scan3A_574 step %scan3A_575  : i32 {
          %mul3A_1008 = arith.constant 16 : i32
          %mul3A_1009 = arith.muli %scan3A_1007, %mul3A_1008 : i32
          %add3A_1010 = vector.broadcast %mul3A_1009 : i32 to vector<16xi32>
          %add3A_1011 = arith.addi %iota3A, %add3A_1010 : vector<16xi32>
          %mul3A_1012 = arith.constant 16 : i32
          %mul3A_1013 = arith.muli %scan3A_1007, %mul3A_1012 : i32
          %scan3A_1014 = arith.constant 0 : i32
          %scan3A_1015 = arith.constant 4 : i32
          %scan3A_1016 = arith.addi %scan3A_1014, %scan3A_1015 : i32
          %scan3A_1017 = arith.constant 1 : i32
          scf.for %scan3A_1019 = %scan3A_1014 to %scan3A_1016 step %scan3A_1017  : i32 {
            %mul3A_1020 = arith.constant 16 : i32
            %mul3A_1021 = arith.muli %scan3A_1019, %mul3A_1020 : i32
            %mul3A_1022 = arith.constant 128 : i32
            %mul3A_1023 = arith.muli %mul3A_1021, %mul3A_1022 : i32
            %add3A_1024 = arith.addi %mul3A_1023, %mul3A_1013 : i32
            %add3A_1025 = vector.broadcast %add3A_1024 : i32 to vector<16xi32>
            %add3A_1026 = arith.addi %iota3A, %add3A_1025 : vector<16xi32>
            %add3A_1027 = vector.broadcast %mul3A_1021 : i32 to vector<16xi32>
            %add3A_1028 = arith.addi %and3A_9, %add3A_1027 : vector<16xi32>
            %gather3A = tpu.vector_load_idx %arg7[%add3A_1011, %add3A_1028] : memref<128x64xf32, #tpu.memory_space<vmem>>[vector<16xi32>, vector<16xi32>], vector<16xf32>,
            %add3A_1029 = vector.broadcast %mul3A_1021 : i32 to vector<16xi32>
            %add3A_1030 = arith.addi %and3A_15, %add3A_1029 : vector<16xi32>
            %gather3A_1031 = tpu.vector_load_idx %arg7[%add3A_1011, %add3A_1030] : memref<128x64xf32, #tpu.memory_space<vmem>>[vector<16xi32>, vector<16xi32>], vector<16xf32>,
            %add3A_1032 = vector.broadcast %mul3A_1021 : i32 to vector<16xi32>
            %add3A_1033 = arith.addi %and3A_21, %add3A_1032 : vector<16xi32>
            %gather3A_1034 = tpu.vector_load_idx %arg7[%add3A_1011, %add3A_1033] : memref<128x64xf32, #tpu.memory_space<vmem>>[vector<16xi32>, vector<16xi32>], vector<16xf32>,
            %add3A_1035 = vector.broadcast %mul3A_1021 : i32 to vector<16xi32>
            %add3A_1036 = arith.addi %and3A_27, %add3A_1035 : vector<16xi32>
            %gather3A_1037 = tpu.vector_load_idx %arg7[%add3A_1011, %add3A_1036] : memref<128x64xf32, #tpu.memory_space<vmem>>[vector<16xi32>, vector<16xi32>], vector<16xf32>,
            %add3A_1038 = vector.broadcast %mul3A_1021 : i32 to vector<16xi32>
            %add3A_1039 = arith.addi %and3A_33, %add3A_1038 : vector<16xi32>
            %gather3A_1040 = tpu.vector_load_idx %arg7[%add3A_1011, %add3A_1039] : memref<128x64xf32, #tpu.memory_space<vmem>>[vector<16xi32>, vector<16xi32>], vector<16xf32>,
            %add3A_1041 = vector.broadcast %mul3A_1021 : i32 to vector<16xi32>
            %add3A_1042 = arith.addi %and3A_39, %add3A_1041 : vector<16xi32>
            %gather3A_1043 = tpu.vector_load_idx %arg7[%add3A_1011, %add3A_1042] : memref<128x64xf32, #tpu.memory_space<vmem>>[vector<16xi32>, vector<16xi32>], vector<16xf32>,
            %add3A_1044 = vector.broadcast %mul3A_1021 : i32 to vector<16xi32>
            %add3A_1045 = arith.addi %and3A_45, %add3A_1044 : vector<16xi32>
            %gather3A_1046 = tpu.vector_load_idx %arg7[%add3A_1011, %add3A_1045] : memref<128x64xf32, #tpu.memory_space<vmem>>[vector<16xi32>, vector<16xi32>], vector<16xf32>,
            %add3A_1047 = vector.broadcast %mul3A_1021 : i32 to vector<16xi32>
            %add3A_1048 = arith.addi %and3A_51, %add3A_1047 : vector<16xi32>
            %gather3A_1049 = tpu.vector_load_idx %arg7[%add3A_1011, %add3A_1048] : memref<128x64xf32, #tpu.memory_space<vmem>>[vector<16xi32>, vector<16xi32>], vector<16xf32>,
            %add3A_1050 = arith.addi %add3A_1026, %mul3A_102 : vector<16xi32>
            tpu.vector_store_idx %arg9[%add3A_1050], %gather3A : memref<8192xf32, #tpu.memory_space<vmem>>[vector<16xi32>], vector<16xf32>,
            %add3A_1051 = arith.addi %add3A_1026, %mul3A_105 : vector<16xi32>
            tpu.vector_store_idx %arg9[%add3A_1051], %gather3A_1031 : memref<8192xf32, #tpu.memory_space<vmem>>[vector<16xi32>], vector<16xf32>,
            %add3A_1052 = arith.addi %add3A_1026, %mul3A_108 : vector<16xi32>
            tpu.vector_store_idx %arg9[%add3A_1052], %gather3A_1034 : memref<8192xf32, #tpu.memory_space<vmem>>[vector<16xi32>], vector<16xf32>,
            %add3A_1053 = arith.addi %add3A_1026, %mul3A_111 : vector<16xi32>
            tpu.vector_store_idx %arg9[%add3A_1053], %gather3A_1037 : memref<8192xf32, #tpu.memory_space<vmem>>[vector<16xi32>], vector<16xf32>,
            %add3A_1054 = arith.addi %add3A_1026, %mul3A_114 : vector<16xi32>
            tpu.vector_store_idx %arg9[%add3A_1054], %gather3A_1040 : memref<8192xf32, #tpu.memory_space<vmem>>[vector<16xi32>], vector<16xf32>,
            %add3A_1055 = arith.addi %add3A_1026, %mul3A_117 : vector<16xi32>
            tpu.vector_store_idx %arg9[%add3A_1055], %gather3A_1043 : memref<8192xf32, #tpu.memory_space<vmem>>[vector<16xi32>], vector<16xf32>,
            %add3A_1056 = arith.addi %add3A_1026, %mul3A_120 : vector<16xi32>
            tpu.vector_store_idx %arg9[%add3A_1056], %gather3A_1046 : memref<8192xf32, #tpu.memory_space<vmem>>[vector<16xi32>], vector<16xf32>,
            %add3A_1057 = arith.addi %add3A_1026, %mul3A_123 : vector<16xi32>
            tpu.vector_store_idx %arg9[%add3A_1057], %gather3A_1049 : memref<8192xf32, #tpu.memory_space<vmem>>[vector<16xi32>], vector<16xf32>,
            %add3A_1058 = vector.broadcast %mul3A_1021 : i32 to vector<16xi32>
            %add3A_1059 = arith.addi %and3A_57, %add3A_1058 : vector<16xi32>
            %gather3A_1060 = tpu.vector_load_idx %arg7[%add3A_1011, %add3A_1059] : memref<128x64xf32, #tpu.memory_space<vmem>>[vector<16xi32>, vector<16xi32>], vector<16xf32>,
            %add3A_1061 = vector.broadcast %mul3A_1021 : i32 to vector<16xi32>
            %add3A_1062 = arith.addi %and3A_63, %add3A_1061 : vector<16xi32>
            %gather3A_1063 = tpu.vector_load_idx %arg7[%add3A_1011, %add3A_1062] : memref<128x64xf32, #tpu.memory_space<vmem>>[vector<16xi32>, vector<16xi32>], vector<16xf32>,
            %add3A_1064 = vector.broadcast %mul3A_1021 : i32 to vector<16xi32>
            %add3A_1065 = arith.addi %and3A_69, %add3A_1064 : vector<16xi32>
            %gather3A_1066 = tpu.vector_load_idx %arg7[%add3A_1011, %add3A_1065] : memref<128x64xf32, #tpu.memory_space<vmem>>[vector<16xi32>, vector<16xi32>], vector<16xf32>,
            %add3A_1067 = vector.broadcast %mul3A_1021 : i32 to vector<16xi32>
            %add3A_1068 = arith.addi %and3A_75, %add3A_1067 : vector<16xi32>
            %gather3A_1069 = tpu.vector_load_idx %arg7[%add3A_1011, %add3A_1068] : memref<128x64xf32, #tpu.memory_space<vmem>>[vector<16xi32>, vector<16xi32>], vector<16xf32>,
            %add3A_1070 = vector.broadcast %mul3A_1021 : i32 to vector<16xi32>
            %add3A_1071 = arith.addi %and3A_81, %add3A_1070 : vector<16xi32>
            %gather3A_1072 = tpu.vector_load_idx %arg7[%add3A_1011, %add3A_1071] : memref<128x64xf32, #tpu.memory_space<vmem>>[vector<16xi32>, vector<16xi32>], vector<16xf32>,
            %add3A_1073 = vector.broadcast %mul3A_1021 : i32 to vector<16xi32>
            %add3A_1074 = arith.addi %and3A_87, %add3A_1073 : vector<16xi32>
            %gather3A_1075 = tpu.vector_load_idx %arg7[%add3A_1011, %add3A_1074] : memref<128x64xf32, #tpu.memory_space<vmem>>[vector<16xi32>, vector<16xi32>], vector<16xf32>,
            %add3A_1076 = vector.broadcast %mul3A_1021 : i32 to vector<16xi32>
            %add3A_1077 = arith.addi %and3A_93, %add3A_1076 : vector<16xi32>
            %gather3A_1078 = tpu.vector_load_idx %arg7[%add3A_1011, %add3A_1077] : memref<128x64xf32, #tpu.memory_space<vmem>>[vector<16xi32>, vector<16xi32>], vector<16xf32>,
            %add3A_1079 = vector.broadcast %mul3A_1021 : i32 to vector<16xi32>
            %add3A_1080 = arith.addi %and3A_99, %add3A_1079 : vector<16xi32>
            %gather3A_1081 = tpu.vector_load_idx %arg7[%add3A_1011, %add3A_1080] : memref<128x64xf32, #tpu.memory_space<vmem>>[vector<16xi32>, vector<16xi32>], vector<16xf32>,
            %add3A_1082 = arith.addi %add3A_1026, %mul3A_126 : vector<16xi32>
            tpu.vector_store_idx %arg9[%add3A_1082], %gather3A_1060 : memref<8192xf32, #tpu.memory_space<vmem>>[vector<16xi32>], vector<16xf32>,
            %add3A_1083 = arith.addi %add3A_1026, %mul3A_129 : vector<16xi32>
            tpu.vector_store_idx %arg9[%add3A_1083], %gather3A_1063 : memref<8192xf32, #tpu.memory_space<vmem>>[vector<16xi32>], vector<16xf32>,
            %add3A_1084 = arith.addi %add3A_1026, %mul3A_132 : vector<16xi32>
            tpu.vector_store_idx %arg9[%add3A_1084], %gather3A_1066 : memref<8192xf32, #tpu.memory_space<vmem>>[vector<16xi32>], vector<16xf32>,
            %add3A_1085 = arith.addi %add3A_1026, %mul3A_135 : vector<16xi32>
            tpu.vector_store_idx %arg9[%add3A_1085], %gather3A_1069 : memref<8192xf32, #tpu.memory_space<vmem>>[vector<16xi32>], vector<16xf32>,
            %add3A_1086 = arith.addi %add3A_1026, %mul3A_138 : vector<16xi32>
            tpu.vector_store_idx %arg9[%add3A_1086], %gather3A_1072 : memref<8192xf32, #tpu.memory_space<vmem>>[vector<16xi32>], vector<16xf32>,
            %add3A_1087 = arith.addi %add3A_1026, %mul3A_141 : vector<16xi32>
            tpu.vector_store_idx %arg9[%add3A_1087], %gather3A_1075 : memref<8192xf32, #tpu.memory_space<vmem>>[vector<16xi32>], vector<16xf32>,
            %add3A_1088 = arith.addi %add3A_1026, %mul3A_144 : vector<16xi32>
            tpu.vector_store_idx %arg9[%add3A_1088], %gather3A_1078 : memref<8192xf32, #tpu.memory_space<vmem>>[vector<16xi32>], vector<16xf32>,
            %add3A_1089 = arith.addi %add3A_1026, %mul3A_147 : vector<16xi32>
            tpu.vector_store_idx %arg9[%add3A_1089], %gather3A_1081 : memref<8192xf32, #tpu.memory_space<vmem>>[vector<16xi32>], vector<16xf32>,
          }
          %scan3A_1018 = arith.constant 4 : i32
        }
        %scan3A_576 = arith.constant 8 : i32
        %dma_start3A_577 = arith.constant 0 : i32
        %dma_start3A_578 = arith.constant 0 : i32
        %dma_start3A_579 = tpu.memref_slice %arg9[%dma_start3A_578] : memref<8192xf32, #tpu.memory_space<vmem>> -> memref<1024xf32, #tpu.memory_space<vmem>>
        %dma_start3A_580 = arith.constant 0 : i32
        %dma_start3A_581 = tpu.memref_slice %arg4[%add3A_556, %dma_start3A_577, %add3A_156, %dma_start3A_580] : memref<200x8x128x1024xf32, #tpu.memory_space<hbm>> -> memref<1x1x1x1024xf32, #tpu.memory_space<hbm>>
        %dma_start3A_582 = tpu.memref_squeeze %dma_start3A_581 : memref<1x1x1x1024xf32, #tpu.memory_space<hbm>> -> memref<1024xf32, #tpu.memory_space<hbm>>
        %dma_start3A_583 = arith.constant 0 : i32
        %dma_start3A_584 = tpu.memref_slice %arg4[%add3A_556, %dma_start3A_577, %add3A_156, %dma_start3A_583] : memref<200x8x128x1024xf32, #tpu.memory_space<hbm>> -> memref<1x1x1x1024xf32, #tpu.memory_space<hbm>>
        %dma_start3A_585 = tpu.memref_squeeze %dma_start3A_584 : memref<1x1x1x1024xf32, #tpu.memory_space<hbm>> -> memref<1024xf32, #tpu.memory_space<hbm>>
        %dma_start3A_586 = arith.constant 0 : i32
        %dma_start3A_587 = tpu.memref_slice %arg9[%dma_start3A_586] : memref<8192xf32, #tpu.memory_space<vmem>> -> memref<1024xf32, #tpu.memory_space<vmem>>
        tpu.enqueue_dma source(%dma_start3A_587 : memref<1024xf32, #tpu.memory_space<vmem>>) target(%dma_start3A_585 : memref<1024xf32, #tpu.memory_space<hbm>>) target_semaphore(%arg15 : memref<!tpu.dma_semaphore, #tpu.memory_space<semaphore_mem>>)
        %dma_start3A_588 = arith.constant 1 : i32
        %dma_start3A_589 = arith.constant 1024 : i32
        %dma_start3A_590 = tpu.memref_slice %arg9[%dma_start3A_589] : memref<8192xf32, #tpu.memory_space<vmem>> -> memref<1024xf32, #tpu.memory_space<vmem>>
        %dma_start3A_591 = arith.constant 0 : i32
        %dma_start3A_592 = tpu.memref_slice %arg4[%add3A_556, %dma_start3A_588, %add3A_156, %dma_start3A_591] : memref<200x8x128x1024xf32, #tpu.memory_space<hbm>> -> memref<1x1x1x1024xf32, #tpu.memory_space<hbm>>
        %dma_start3A_593 = tpu.memref_squeeze %dma_start3A_592 : memref<1x1x1x1024xf32, #tpu.memory_space<hbm>> -> memref<1024xf32, #tpu.memory_space<hbm>>
        %dma_start3A_594 = arith.constant 0 : i32
        %dma_start3A_595 = tpu.memref_slice %arg4[%add3A_556, %dma_start3A_588, %add3A_156, %dma_start3A_594] : memref<200x8x128x1024xf32, #tpu.memory_space<hbm>> -> memref<1x1x1x1024xf32, #tpu.memory_space<hbm>>
        %dma_start3A_596 = tpu.memref_squeeze %dma_start3A_595 : memref<1x1x1x1024xf32, #tpu.memory_space<hbm>> -> memref<1024xf32, #tpu.memory_space<hbm>>
        %dma_start3A_597 = arith.constant 1024 : i32
        %dma_start3A_598 = tpu.memref_slice %arg9[%dma_start3A_597] : memref<8192xf32, #tpu.memory_space<vmem>> -> memref<1024xf32, #tpu.memory_space<vmem>>
        tpu.enqueue_dma source(%dma_start3A_598 : memref<1024xf32, #tpu.memory_space<vmem>>) target(%dma_start3A_596 : memref<1024xf32, #tpu.memory_space<hbm>>) target_semaphore(%arg15 : memref<!tpu.dma_semaphore, #tpu.memory_space<semaphore_mem>>)
        %dma_start3A_599 = arith.constant 2 : i32
        %dma_start3A_600 = arith.constant 2048 : i32
        %dma_start3A_601 = tpu.memref_slice %arg9[%dma_start3A_600] : memref<8192xf32, #tpu.memory_space<vmem>> -> memref<1024xf32, #tpu.memory_space<vmem>>
        %dma_start3A_602 = arith.constant 0 : i32
        %dma_start3A_603 = tpu.memref_slice %arg4[%add3A_556, %dma_start3A_599, %add3A_156, %dma_start3A_602] : memref<200x8x128x1024xf32, #tpu.memory_space<hbm>> -> memref<1x1x1x1024xf32, #tpu.memory_space<hbm>>
        %dma_start3A_604 = tpu.memref_squeeze %dma_start3A_603 : memref<1x1x1x1024xf32, #tpu.memory_space<hbm>> -> memref<1024xf32, #tpu.memory_space<hbm>>
        %dma_start3A_605 = arith.constant 0 : i32
        %dma_start3A_606 = tpu.memref_slice %arg4[%add3A_556, %dma_start3A_599, %add3A_156, %dma_start3A_605] : memref<200x8x128x1024xf32, #tpu.memory_space<hbm>> -> memref<1x1x1x1024xf32, #tpu.memory_space<hbm>>
        %dma_start3A_607 = tpu.memref_squeeze %dma_start3A_606 : memref<1x1x1x1024xf32, #tpu.memory_space<hbm>> -> memref<1024xf32, #tpu.memory_space<hbm>>
        %dma_start3A_608 = arith.constant 2048 : i32
        %dma_start3A_609 = tpu.memref_slice %arg9[%dma_start3A_608] : memref<8192xf32, #tpu.memory_space<vmem>> -> memref<1024xf32, #tpu.memory_space<vmem>>
        tpu.enqueue_dma source(%dma_start3A_609 : memref<1024xf32, #tpu.memory_space<vmem>>) target(%dma_start3A_607 : memref<1024xf32, #tpu.memory_space<hbm>>) target_semaphore(%arg15 : memref<!tpu.dma_semaphore, #tpu.memory_space<semaphore_mem>>)
        %dma_start3A_610 = arith.constant 3 : i32
        %dma_start3A_611 = arith.constant 3072 : i32
        %dma_start3A_612 = tpu.memref_slice %arg9[%dma_start3A_611] : memref<8192xf32, #tpu.memory_space<vmem>> -> memref<1024xf32, #tpu.memory_space<vmem>>
        %dma_start3A_613 = arith.constant 0 : i32
        %dma_start3A_614 = tpu.memref_slice %arg4[%add3A_556, %dma_start3A_610, %add3A_156, %dma_start3A_613] : memref<200x8x128x1024xf32, #tpu.memory_space<hbm>> -> memref<1x1x1x1024xf32, #tpu.memory_space<hbm>>
        %dma_start3A_615 = tpu.memref_squeeze %dma_start3A_614 : memref<1x1x1x1024xf32, #tpu.memory_space<hbm>> -> memref<1024xf32, #tpu.memory_space<hbm>>
        %dma_start3A_616 = arith.constant 0 : i32
        %dma_start3A_617 = tpu.memref_slice %arg4[%add3A_556, %dma_start3A_610, %add3A_156, %dma_start3A_616] : memref<200x8x128x1024xf32, #tpu.memory_space<hbm>> -> memref<1x1x1x1024xf32, #tpu.memory_space<hbm>>
        %dma_start3A_618 = tpu.memref_squeeze %dma_start3A_617 : memref<1x1x1x1024xf32, #tpu.memory_space<hbm>> -> memref<1024xf32, #tpu.memory_space<hbm>>
        %dma_start3A_619 = arith.constant 3072 : i32
        %dma_start3A_620 = tpu.memref_slice %arg9[%dma_start3A_619] : memref<8192xf32, #tpu.memory_space<vmem>> -> memref<1024xf32, #tpu.memory_space<vmem>>
        tpu.enqueue_dma source(%dma_start3A_620 : memref<1024xf32, #tpu.memory_space<vmem>>) target(%dma_start3A_618 : memref<1024xf32, #tpu.memory_space<hbm>>) target_semaphore(%arg15 : memref<!tpu.dma_semaphore, #tpu.memory_space<semaphore_mem>>)
        %dma_start3A_621 = arith.constant 4 : i32
        %dma_start3A_622 = arith.constant 4096 : i32
        %dma_start3A_623 = tpu.memref_slice %arg9[%dma_start3A_622] : memref<8192xf32, #tpu.memory_space<vmem>> -> memref<1024xf32, #tpu.memory_space<vmem>>
        %dma_start3A_624 = arith.constant 0 : i32
        %dma_start3A_625 = tpu.memref_slice %arg4[%add3A_556, %dma_start3A_621, %add3A_156, %dma_start3A_624] : memref<200x8x128x1024xf32, #tpu.memory_space<hbm>> -> memref<1x1x1x1024xf32, #tpu.memory_space<hbm>>
        %dma_start3A_626 = tpu.memref_squeeze %dma_start3A_625 : memref<1x1x1x1024xf32, #tpu.memory_space<hbm>> -> memref<1024xf32, #tpu.memory_space<hbm>>
        %dma_start3A_627 = arith.constant 0 : i32
        %dma_start3A_628 = tpu.memref_slice %arg4[%add3A_556, %dma_start3A_621, %add3A_156, %dma_start3A_627] : memref<200x8x128x1024xf32, #tpu.memory_space<hbm>> -> memref<1x1x1x1024xf32, #tpu.memory_space<hbm>>
        %dma_start3A_629 = tpu.memref_squeeze %dma_start3A_628 : memref<1x1x1x1024xf32, #tpu.memory_space<hbm>> -> memref<1024xf32, #tpu.memory_space<hbm>>
        %dma_start3A_630 = arith.constant 4096 : i32
        %dma_start3A_631 = tpu.memref_slice %arg9[%dma_start3A_630] : memref<8192xf32, #tpu.memory_space<vmem>> -> memref<1024xf32, #tpu.memory_space<vmem>>
        tpu.enqueue_dma source(%dma_start3A_631 : memref<1024xf32, #tpu.memory_space<vmem>>) target(%dma_start3A_629 : memref<1024xf32, #tpu.memory_space<hbm>>) target_semaphore(%arg15 : memref<!tpu.dma_semaphore, #tpu.memory_space<semaphore_mem>>)
        %dma_start3A_632 = arith.constant 5 : i32
        %dma_start3A_633 = arith.constant 5120 : i32
        %dma_start3A_634 = tpu.memref_slice %arg9[%dma_start3A_633] : memref<8192xf32, #tpu.memory_space<vmem>> -> memref<1024xf32, #tpu.memory_space<vmem>>
        %dma_start3A_635 = arith.constant 0 : i32
        %dma_start3A_636 = tpu.memref_slice %arg4[%add3A_556, %dma_start3A_632, %add3A_156, %dma_start3A_635] : memref<200x8x128x1024xf32, #tpu.memory_space<hbm>> -> memref<1x1x1x1024xf32, #tpu.memory_space<hbm>>
        %dma_start3A_637 = tpu.memref_squeeze %dma_start3A_636 : memref<1x1x1x1024xf32, #tpu.memory_space<hbm>> -> memref<1024xf32, #tpu.memory_space<hbm>>
        %dma_start3A_638 = arith.constant 0 : i32
        %dma_start3A_639 = tpu.memref_slice %arg4[%add3A_556, %dma_start3A_632, %add3A_156, %dma_start3A_638] : memref<200x8x128x1024xf32, #tpu.memory_space<hbm>> -> memref<1x1x1x1024xf32, #tpu.memory_space<hbm>>
        %dma_start3A_640 = tpu.memref_squeeze %dma_start3A_639 : memref<1x1x1x1024xf32, #tpu.memory_space<hbm>> -> memref<1024xf32, #tpu.memory_space<hbm>>
        %dma_start3A_641 = arith.constant 5120 : i32
        %dma_start3A_642 = tpu.memref_slice %arg9[%dma_start3A_641] : memref<8192xf32, #tpu.memory_space<vmem>> -> memref<1024xf32, #tpu.memory_space<vmem>>
        tpu.enqueue_dma source(%dma_start3A_642 : memref<1024xf32, #tpu.memory_space<vmem>>) target(%dma_start3A_640 : memref<1024xf32, #tpu.memory_space<hbm>>) target_semaphore(%arg15 : memref<!tpu.dma_semaphore, #tpu.memory_space<semaphore_mem>>)
        %dma_start3A_643 = arith.constant 6 : i32
        %dma_start3A_644 = arith.constant 6144 : i32
        %dma_start3A_645 = tpu.memref_slice %arg9[%dma_start3A_644] : memref<8192xf32, #tpu.memory_space<vmem>> -> memref<1024xf32, #tpu.memory_space<vmem>>
        %dma_start3A_646 = arith.constant 0 : i32
        %dma_start3A_647 = tpu.memref_slice %arg4[%add3A_556, %dma_start3A_643, %add3A_156, %dma_start3A_646] : memref<200x8x128x1024xf32, #tpu.memory_space<hbm>> -> memref<1x1x1x1024xf32, #tpu.memory_space<hbm>>
        %dma_start3A_648 = tpu.memref_squeeze %dma_start3A_647 : memref<1x1x1x1024xf32, #tpu.memory_space<hbm>> -> memref<1024xf32, #tpu.memory_space<hbm>>
        %dma_start3A_649 = arith.constant 0 : i32
        %dma_start3A_650 = tpu.memref_slice %arg4[%add3A_556, %dma_start3A_643, %add3A_156, %dma_start3A_649] : memref<200x8x128x1024xf32, #tpu.memory_space<hbm>> -> memref<1x1x1x1024xf32, #tpu.memory_space<hbm>>
        %dma_start3A_651 = tpu.memref_squeeze %dma_start3A_650 : memref<1x1x1x1024xf32, #tpu.memory_space<hbm>> -> memref<1024xf32, #tpu.memory_space<hbm>>
        %dma_start3A_652 = arith.constant 6144 : i32
        %dma_start3A_653 = tpu.memref_slice %arg9[%dma_start3A_652] : memref<8192xf32, #tpu.memory_space<vmem>> -> memref<1024xf32, #tpu.memory_space<vmem>>
        tpu.enqueue_dma source(%dma_start3A_653 : memref<1024xf32, #tpu.memory_space<vmem>>) target(%dma_start3A_651 : memref<1024xf32, #tpu.memory_space<hbm>>) target_semaphore(%arg15 : memref<!tpu.dma_semaphore, #tpu.memory_space<semaphore_mem>>)
        %dma_start3A_654 = arith.constant 7 : i32
        %dma_start3A_655 = arith.constant 7168 : i32
        %dma_start3A_656 = tpu.memref_slice %arg9[%dma_start3A_655] : memref<8192xf32, #tpu.memory_space<vmem>> -> memref<1024xf32, #tpu.memory_space<vmem>>
        %dma_start3A_657 = arith.constant 0 : i32
        %dma_start3A_658 = tpu.memref_slice %arg4[%add3A_556, %dma_start3A_654, %add3A_156, %dma_start3A_657] : memref<200x8x128x1024xf32, #tpu.memory_space<hbm>> -> memref<1x1x1x1024xf32, #tpu.memory_space<hbm>>
        %dma_start3A_659 = tpu.memref_squeeze %dma_start3A_658 : memref<1x1x1x1024xf32, #tpu.memory_space<hbm>> -> memref<1024xf32, #tpu.memory_space<hbm>>
        %dma_start3A_660 = arith.constant 0 : i32
        %dma_start3A_661 = tpu.memref_slice %arg4[%add3A_556, %dma_start3A_654, %add3A_156, %dma_start3A_660] : memref<200x8x128x1024xf32, #tpu.memory_space<hbm>> -> memref<1x1x1x1024xf32, #tpu.memory_space<hbm>>
        %dma_start3A_662 = tpu.memref_squeeze %dma_start3A_661 : memref<1x1x1x1024xf32, #tpu.memory_space<hbm>> -> memref<1024xf32, #tpu.memory_space<hbm>>
        %dma_start3A_663 = arith.constant 7168 : i32
        %dma_start3A_664 = tpu.memref_slice %arg9[%dma_start3A_663] : memref<8192xf32, #tpu.memory_space<vmem>> -> memref<1024xf32, #tpu.memory_space<vmem>>
        tpu.enqueue_dma source(%dma_start3A_664 : memref<1024xf32, #tpu.memory_space<vmem>>) target(%dma_start3A_662 : memref<1024xf32, #tpu.memory_space<hbm>>) target_semaphore(%arg15 : memref<!tpu.dma_semaphore, #tpu.memory_space<semaphore_mem>>)
        %add3A_665 = arith.constant 1 : i32
        %add3A_666 = arith.addi %mul3A_554, %add3A_665 : i32
        %add3A_667 = arith.constant 1 : i32
        %add3A_668 = arith.addi %add3A_666, %add3A_667 : i32
        %lt3A_669 = arith.constant 200 : i32
        %lt3A_670 = arith.cmpi slt, %add3A_668, %lt3A_669 : i32
        %convert_element_type3A_671 = arith.extui %lt3A_670 : i1 to i32
        %cond3A_672 = arith.constant 0 : i32
        %cond3A_673 = arith.cmpi ne, %convert_element_type3A_671, %cond3A_672 : i32
        scf.if %cond3A_673 {
          %add3A_1007 = arith.constant 1 : i32
          %add3A_1008 = arith.addi %add3A_666, %add3A_1007 : i32
          %dma_start3A_1009 = arith.constant 0 : i32
          %dma_start3A_1010 = tpu.memref_slice %arg6[%add3A_1008, %dma_start3A_1009] : memref<200x128xi32, #tpu.memory_space<vmem>> -> memref<1x128xi32, #tpu.memory_space<vmem>>
          %dma_start3A_1011 = tpu.memref_squeeze %dma_start3A_1010 : memref<1x128xi32, #tpu.memory_space<vmem>> -> memref<128xi32, #tpu.memory_space<vmem>>
          %dma_start3A_1012 = arith.constant 0 : i32
          %dma_start3A_1013 = arith.constant 0 : i32
          %dma_start3A_1014 = tpu.memref_slice %arg5[%dma_start3A_1012, %dma_start3A_1013] : memref<10000x64xf32, #tpu.memory_space<vmem_shared>> -> memref<10000x64xf32, #tpu.memory_space<vmem_shared>>
          tpu.enqueue_indirect_dma source(%dma_start3A_1014 : memref<10000x64xf32, #tpu.memory_space<vmem_shared>>) target(%arg7 : memref<128x64xf32, #tpu.memory_space<vmem>>) offsets(%dma_start3A_1011 : memref<128xi32, #tpu.memory_space<vmem>>) semaphore(%arg13 : memref<!tpu.dma_semaphore, #tpu.memory_space<semaphore_mem>>)
        } else {
        }
        %dma_wait3A_674 = arith.constant 0 : i32
        %dma_wait3A_675 = tpu.memref_slice %arg6[%add3A_666, %dma_wait3A_674] : memref<200x128xi32, #tpu.memory_space<vmem>> -> memref<1x128xi32, #tpu.memory_space<vmem>>
        %dma_wait3A_676 = tpu.memref_squeeze %dma_wait3A_675 : memref<1x128xi32, #tpu.memory_space<vmem>> -> memref<128xi32, #tpu.memory_space<vmem>>
        %dma_wait3A_677 = arith.constant 0 : i32
        %dma_wait3A_678 = arith.constant 0 : i32
        %dma_wait3A_679 = tpu.memref_slice %arg5[%dma_wait3A_677, %dma_wait3A_678] : memref<10000x64xf32, #tpu.memory_space<vmem_shared>> -> memref<10000x64xf32, #tpu.memory_space<vmem_shared>>
        tpu.wait_indirect_dma semaphore(%arg14 : memref<!tpu.dma_semaphore, #tpu.memory_space<semaphore_mem>>) src(%dma_wait3A_679 : memref<10000x64xf32, #tpu.memory_space<vmem_shared>>) dst(%arg8 : memref<128x64xf32, #tpu.memory_space<vmem>>)
        %ge3A_680 = arith.constant 1 : i32
        %ge3A_681 = arith.cmpi sge, %scan3A_552, %ge3A_680 : i32
        %convert_element_type3A_682 = arith.extui %ge3A_681 : i1 to i32
        %cond3A_683 = arith.constant 0 : i32
        %cond3A_684 = arith.cmpi ne, %convert_element_type3A_682, %cond3A_683 : i32
        scf.if %cond3A_684 {
          %sub3A = arith.constant 4 : i32
          %sub3A_1007 = arith.subi %add3A_666, %sub3A : i32
          %dma_wait3A_1008 = arith.constant 0 : i32
          %dma_wait3A_1009 = arith.constant 0 : i32
          %dma_wait3A_1010 = tpu.memref_slice %arg10[%dma_wait3A_1009] : memref<8192xf32, #tpu.memory_space<vmem>> -> memref<1024xf32, #tpu.memory_space<vmem>>
          %dma_wait3A_1011 = arith.constant 0 : i32
          %dma_wait3A_1012 = tpu.memref_slice %arg4[%sub3A_1007, %dma_wait3A_1008, %add3A_156, %dma_wait3A_1011] : memref<200x8x128x1024xf32, #tpu.memory_space<hbm>> -> memref<1x1x1x1024xf32, #tpu.memory_space<hbm>>
          %dma_wait3A_1013 = tpu.memref_squeeze %dma_wait3A_1012 : memref<1x1x1x1024xf32, #tpu.memory_space<hbm>> -> memref<1024xf32, #tpu.memory_space<hbm>>
          %dma_wait3A_1014 = arith.constant 0 : i32
          %dma_wait3A_1015 = tpu.memref_slice %arg4[%sub3A_1007, %dma_wait3A_1008, %add3A_156, %dma_wait3A_1014] : memref<200x8x128x1024xf32, #tpu.memory_space<hbm>> -> memref<1x1x1x1024xf32, #tpu.memory_space<hbm>>
          %dma_wait3A_1016 = tpu.memref_squeeze %dma_wait3A_1015 : memref<1x1x1x1024xf32, #tpu.memory_space<hbm>> -> memref<1024xf32, #tpu.memory_space<hbm>>
          %dma_wait3A_1017 = arith.constant 0 : i32
          %dma_wait3A_1018 = tpu.memref_slice %arg10[%dma_wait3A_1017] : memref<8192xf32, #tpu.memory_space<vmem>> -> memref<1024xf32, #tpu.memory_space<vmem>>
          tpu.wait_dma2 semaphore(%arg16 : memref<!tpu.dma_semaphore, #tpu.memory_space<semaphore_mem>>) src(%dma_wait3A_1018 : memref<1024xf32, #tpu.memory_space<vmem>>) dst(%dma_wait3A_1016 : memref<1024xf32, #tpu.memory_space<hbm>>)
          %dma_wait3A_1019 = arith.constant 1 : i32
          %dma_wait3A_1020 = arith.constant 1024 : i32
          %dma_wait3A_1021 = tpu.memref_slice %arg10[%dma_wait3A_1020] : memref<8192xf32, #tpu.memory_space<vmem>> -> memref<1024xf32, #tpu.memory_space<vmem>>
          %dma_wait3A_1022 = arith.constant 0 : i32
          %dma_wait3A_1023 = tpu.memref_slice %arg4[%sub3A_1007, %dma_wait3A_1019, %add3A_156, %dma_wait3A_1022] : memref<200x8x128x1024xf32, #tpu.memory_space<hbm>> -> memref<1x1x1x1024xf32, #tpu.memory_space<hbm>>
          %dma_wait3A_1024 = tpu.memref_squeeze %dma_wait3A_1023 : memref<1x1x1x1024xf32, #tpu.memory_space<hbm>> -> memref<1024xf32, #tpu.memory_space<hbm>>
          %dma_wait3A_1025 = arith.constant 0 : i32
          %dma_wait3A_1026 = tpu.memref_slice %arg4[%sub3A_1007, %dma_wait3A_1019, %add3A_156, %dma_wait3A_1025] : memref<200x8x128x1024xf32, #tpu.memory_space<hbm>> -> memref<1x1x1x1024xf32, #tpu.memory_space<hbm>>
          %dma_wait3A_1027 = tpu.memref_squeeze %dma_wait3A_1026 : memref<1x1x1x1024xf32, #tpu.memory_space<hbm>> -> memref<1024xf32, #tpu.memory_space<hbm>>
          %dma_wait3A_1028 = arith.constant 1024 : i32
          %dma_wait3A_1029 = tpu.memref_slice %arg10[%dma_wait3A_1028] : memref<8192xf32, #tpu.memory_space<vmem>> -> memref<1024xf32, #tpu.memory_space<vmem>>
          tpu.wait_dma2 semaphore(%arg16 : memref<!tpu.dma_semaphore, #tpu.memory_space<semaphore_mem>>) src(%dma_wait3A_1029 : memref<1024xf32, #tpu.memory_space<vmem>>) dst(%dma_wait3A_1027 : memref<1024xf32, #tpu.memory_space<hbm>>)
          %dma_wait3A_1030 = arith.constant 2 : i32
          %dma_wait3A_1031 = arith.constant 2048 : i32
          %dma_wait3A_1032 = tpu.memref_slice %arg10[%dma_wait3A_1031] : memref<8192xf32, #tpu.memory_space<vmem>> -> memref<1024xf32, #tpu.memory_space<vmem>>
          %dma_wait3A_1033 = arith.constant 0 : i32
          %dma_wait3A_1034 = tpu.memref_slice %arg4[%sub3A_1007, %dma_wait3A_1030, %add3A_156, %dma_wait3A_1033] : memref<200x8x128x1024xf32, #tpu.memory_space<hbm>> -> memref<1x1x1x1024xf32, #tpu.memory_space<hbm>>
          %dma_wait3A_1035 = tpu.memref_squeeze %dma_wait3A_1034 : memref<1x1x1x1024xf32, #tpu.memory_space<hbm>> -> memref<1024xf32, #tpu.memory_space<hbm>>
          %dma_wait3A_1036 = arith.constant 0 : i32
          %dma_wait3A_1037 = tpu.memref_slice %arg4[%sub3A_1007, %dma_wait3A_1030, %add3A_156, %dma_wait3A_1036] : memref<200x8x128x1024xf32, #tpu.memory_space<hbm>> -> memref<1x1x1x1024xf32, #tpu.memory_space<hbm>>
          %dma_wait3A_1038 = tpu.memref_squeeze %dma_wait3A_1037 : memref<1x1x1x1024xf32, #tpu.memory_space<hbm>> -> memref<1024xf32, #tpu.memory_space<hbm>>
          %dma_wait3A_1039 = arith.constant 2048 : i32
          %dma_wait3A_1040 = tpu.memref_slice %arg10[%dma_wait3A_1039] : memref<8192xf32, #tpu.memory_space<vmem>> -> memref<1024xf32, #tpu.memory_space<vmem>>
          tpu.wait_dma2 semaphore(%arg16 : memref<!tpu.dma_semaphore, #tpu.memory_space<semaphore_mem>>) src(%dma_wait3A_1040 : memref<1024xf32, #tpu.memory_space<vmem>>) dst(%dma_wait3A_1038 : memref<1024xf32, #tpu.memory_space<hbm>>)
          %dma_wait3A_1041 = arith.constant 3 : i32
          %dma_wait3A_1042 = arith.constant 3072 : i32
          %dma_wait3A_1043 = tpu.memref_slice %arg10[%dma_wait3A_1042] : memref<8192xf32, #tpu.memory_space<vmem>> -> memref<1024xf32, #tpu.memory_space<vmem>>
          %dma_wait3A_1044 = arith.constant 0 : i32
          %dma_wait3A_1045 = tpu.memref_slice %arg4[%sub3A_1007, %dma_wait3A_1041, %add3A_156, %dma_wait3A_1044] : memref<200x8x128x1024xf32, #tpu.memory_space<hbm>> -> memref<1x1x1x1024xf32, #tpu.memory_space<hbm>>
          %dma_wait3A_1046 = tpu.memref_squeeze %dma_wait3A_1045 : memref<1x1x1x1024xf32, #tpu.memory_space<hbm>> -> memref<1024xf32, #tpu.memory_space<hbm>>
          %dma_wait3A_1047 = arith.constant 0 : i32
          %dma_wait3A_1048 = tpu.memref_slice %arg4[%sub3A_1007, %dma_wait3A_1041, %add3A_156, %dma_wait3A_1047] : memref<200x8x128x1024xf32, #tpu.memory_space<hbm>> -> memref<1x1x1x1024xf32, #tpu.memory_space<hbm>>
          %dma_wait3A_1049 = tpu.memref_squeeze %dma_wait3A_1048 : memref<1x1x1x1024xf32, #tpu.memory_space<hbm>> -> memref<1024xf32, #tpu.memory_space<hbm>>
          %dma_wait3A_1050 = arith.constant 3072 : i32
          %dma_wait3A_1051 = tpu.memref_slice %arg10[%dma_wait3A_1050] : memref<8192xf32, #tpu.memory_space<vmem>> -> memref<1024xf32, #tpu.memory_space<vmem>>
          tpu.wait_dma2 semaphore(%arg16 : memref<!tpu.dma_semaphore, #tpu.memory_space<semaphore_mem>>) src(%dma_wait3A_1051 : memref<1024xf32, #tpu.memory_space<vmem>>) dst(%dma_wait3A_1049 : memref<1024xf32, #tpu.memory_space<hbm>>)
          %dma_wait3A_1052 = arith.constant 4 : i32
          %dma_wait3A_1053 = arith.constant 4096 : i32
          %dma_wait3A_1054 = tpu.memref_slice %arg10[%dma_wait3A_1053] : memref<8192xf32, #tpu.memory_space<vmem>> -> memref<1024xf32, #tpu.memory_space<vmem>>
          %dma_wait3A_1055 = arith.constant 0 : i32
          %dma_wait3A_1056 = tpu.memref_slice %arg4[%sub3A_1007, %dma_wait3A_1052, %add3A_156, %dma_wait3A_1055] : memref<200x8x128x1024xf32, #tpu.memory_space<hbm>> -> memref<1x1x1x1024xf32, #tpu.memory_space<hbm>>
          %dma_wait3A_1057 = tpu.memref_squeeze %dma_wait3A_1056 : memref<1x1x1x1024xf32, #tpu.memory_space<hbm>> -> memref<1024xf32, #tpu.memory_space<hbm>>
          %dma_wait3A_1058 = arith.constant 0 : i32
          %dma_wait3A_1059 = tpu.memref_slice %arg4[%sub3A_1007, %dma_wait3A_1052, %add3A_156, %dma_wait3A_1058] : memref<200x8x128x1024xf32, #tpu.memory_space<hbm>> -> memref<1x1x1x1024xf32, #tpu.memory_space<hbm>>
          %dma_wait3A_1060 = tpu.memref_squeeze %dma_wait3A_1059 : memref<1x1x1x1024xf32, #tpu.memory_space<hbm>> -> memref<1024xf32, #tpu.memory_space<hbm>>
          %dma_wait3A_1061 = arith.constant 4096 : i32
          %dma_wait3A_1062 = tpu.memref_slice %arg10[%dma_wait3A_1061] : memref<8192xf32, #tpu.memory_space<vmem>> -> memref<1024xf32, #tpu.memory_space<vmem>>
          tpu.wait_dma2 semaphore(%arg16 : memref<!tpu.dma_semaphore, #tpu.memory_space<semaphore_mem>>) src(%dma_wait3A_1062 : memref<1024xf32, #tpu.memory_space<vmem>>) dst(%dma_wait3A_1060 : memref<1024xf32, #tpu.memory_space<hbm>>)
          %dma_wait3A_1063 = arith.constant 5 : i32
          %dma_wait3A_1064 = arith.constant 5120 : i32
          %dma_wait3A_1065 = tpu.memref_slice %arg10[%dma_wait3A_1064] : memref<8192xf32, #tpu.memory_space<vmem>> -> memref<1024xf32, #tpu.memory_space<vmem>>
          %dma_wait3A_1066 = arith.constant 0 : i32
          %dma_wait3A_1067 = tpu.memref_slice %arg4[%sub3A_1007, %dma_wait3A_1063, %add3A_156, %dma_wait3A_1066] : memref<200x8x128x1024xf32, #tpu.memory_space<hbm>> -> memref<1x1x1x1024xf32, #tpu.memory_space<hbm>>
          %dma_wait3A_1068 = tpu.memref_squeeze %dma_wait3A_1067 : memref<1x1x1x1024xf32, #tpu.memory_space<hbm>> -> memref<1024xf32, #tpu.memory_space<hbm>>
          %dma_wait3A_1069 = arith.constant 0 : i32
          %dma_wait3A_1070 = tpu.memref_slice %arg4[%sub3A_1007, %dma_wait3A_1063, %add3A_156, %dma_wait3A_1069] : memref<200x8x128x1024xf32, #tpu.memory_space<hbm>> -> memref<1x1x1x1024xf32, #tpu.memory_space<hbm>>
          %dma_wait3A_1071 = tpu.memref_squeeze %dma_wait3A_1070 : memref<1x1x1x1024xf32, #tpu.memory_space<hbm>> -> memref<1024xf32, #tpu.memory_space<hbm>>
          %dma_wait3A_1072 = arith.constant 5120 : i32
          %dma_wait3A_1073 = tpu.memref_slice %arg10[%dma_wait3A_1072] : memref<8192xf32, #tpu.memory_space<vmem>> -> memref<1024xf32, #tpu.memory_space<vmem>>
          tpu.wait_dma2 semaphore(%arg16 : memref<!tpu.dma_semaphore, #tpu.memory_space<semaphore_mem>>) src(%dma_wait3A_1073 : memref<1024xf32, #tpu.memory_space<vmem>>) dst(%dma_wait3A_1071 : memref<1024xf32, #tpu.memory_space<hbm>>)
          %dma_wait3A_1074 = arith.constant 6 : i32
          %dma_wait3A_1075 = arith.constant 6144 : i32
          %dma_wait3A_1076 = tpu.memref_slice %arg10[%dma_wait3A_1075] : memref<8192xf32, #tpu.memory_space<vmem>> -> memref<1024xf32, #tpu.memory_space<vmem>>
          %dma_wait3A_1077 = arith.constant 0 : i32
          %dma_wait3A_1078 = tpu.memref_slice %arg4[%sub3A_1007, %dma_wait3A_1074, %add3A_156, %dma_wait3A_1077] : memref<200x8x128x1024xf32, #tpu.memory_space<hbm>> -> memref<1x1x1x1024xf32, #tpu.memory_space<hbm>>
          %dma_wait3A_1079 = tpu.memref_squeeze %dma_wait3A_1078 : memref<1x1x1x1024xf32, #tpu.memory_space<hbm>> -> memref<1024xf32, #tpu.memory_space<hbm>>
          %dma_wait3A_1080 = arith.constant 0 : i32
          %dma_wait3A_1081 = tpu.memref_slice %arg4[%sub3A_1007, %dma_wait3A_1074, %add3A_156, %dma_wait3A_1080] : memref<200x8x128x1024xf32, #tpu.memory_space<hbm>> -> memref<1x1x1x1024xf32, #tpu.memory_space<hbm>>
          %dma_wait3A_1082 = tpu.memref_squeeze %dma_wait3A_1081 : memref<1x1x1x1024xf32, #tpu.memory_space<hbm>> -> memref<1024xf32, #tpu.memory_space<hbm>>
          %dma_wait3A_1083 = arith.constant 6144 : i32
          %dma_wait3A_1084 = tpu.memref_slice %arg10[%dma_wait3A_1083] : memref<8192xf32, #tpu.memory_space<vmem>> -> memref<1024xf32, #tpu.memory_space<vmem>>
          tpu.wait_dma2 semaphore(%arg16 : memref<!tpu.dma_semaphore, #tpu.memory_space<semaphore_mem>>) src(%dma_wait3A_1084 : memref<1024xf32, #tpu.memory_space<vmem>>) dst(%dma_wait3A_1082 : memref<1024xf32, #tpu.memory_space<hbm>>)
          %dma_wait3A_1085 = arith.constant 7 : i32
          %dma_wait3A_1086 = arith.constant 7168 : i32
          %dma_wait3A_1087 = tpu.memref_slice %arg10[%dma_wait3A_1086] : memref<8192xf32, #tpu.memory_space<vmem>> -> memref<1024xf32, #tpu.memory_space<vmem>>
          %dma_wait3A_1088 = arith.constant 0 : i32
          %dma_wait3A_1089 = tpu.memref_slice %arg4[%sub3A_1007, %dma_wait3A_1085, %add3A_156, %dma_wait3A_1088] : memref<200x8x128x1024xf32, #tpu.memory_space<hbm>> -> memref<1x1x1x1024xf32, #tpu.memory_space<hbm>>
          %dma_wait3A_1090 = tpu.memref_squeeze %dma_wait3A_1089 : memref<1x1x1x1024xf32, #tpu.memory_space<hbm>> -> memref<1024xf32, #tpu.memory_space<hbm>>
          %dma_wait3A_1091 = arith.constant 0 : i32
          %dma_wait3A_1092 = tpu.memref_slice %arg4[%sub3A_1007, %dma_wait3A_1085, %add3A_156, %dma_wait3A_1091] : memref<200x8x128x1024xf32, #tpu.memory_space<hbm>> -> memref<1x1x1x1024xf32, #tpu.memory_space<hbm>>
          %dma_wait3A_1093 = tpu.memref_squeeze %dma_wait3A_1092 : memref<1x1x1x1024xf32, #tpu.memory_space<hbm>> -> memref<1024xf32, #tpu.memory_space<hbm>>
          %dma_wait3A_1094 = arith.constant 7168 : i32
          %dma_wait3A_1095 = tpu.memref_slice %arg10[%dma_wait3A_1094] : memref<8192xf32, #tpu.memory_space<vmem>> -> memref<1024xf32, #tpu.memory_space<vmem>>
          tpu.wait_dma2 semaphore(%arg16 : memref<!tpu.dma_semaphore, #tpu.memory_space<semaphore_mem>>) src(%dma_wait3A_1095 : memref<1024xf32, #tpu.memory_space<vmem>>) dst(%dma_wait3A_1093 : memref<1024xf32, #tpu.memory_space<hbm>>)
        } else {
        }
        %scan3A_685 = arith.constant 0 : i32
        %scan3A_686 = arith.constant 0 : i32
        %scan3A_687 = arith.constant 8 : i32
        %scan3A_688 = arith.addi %scan3A_686, %scan3A_687 : i32
        %scan3A_689 = arith.constant 1 : i32
        scf.for %scan3A_1007 = %scan3A_686 to %scan3A_688 step %scan3A_689  : i32 {
          %mul3A_1008 = arith.constant 16 : i32
          %mul3A_1009 = arith.muli %scan3A_1007, %mul3A_1008 : i32
          %add3A_1010 = vector.broadcast %mul3A_1009 : i32 to vector<16xi32>
          %add3A_1011 = arith.addi %iota3A, %add3A_1010 : vector<16xi32>
          %mul3A_1012 = arith.constant 16 : i32
          %mul3A_1013 = arith.muli %scan3A_1007, %mul3A_1012 : i32
          %scan3A_1014 = arith.constant 0 : i32
          %scan3A_1015 = arith.constant 4 : i32
          %scan3A_1016 = arith.addi %scan3A_1014, %scan3A_1015 : i32
          %scan3A_1017 = arith.constant 1 : i32
          scf.for %scan3A_1019 = %scan3A_1014 to %scan3A_1016 step %scan3A_1017  : i32 {
            %mul3A_1020 = arith.constant 16 : i32
            %mul3A_1021 = arith.muli %scan3A_1019, %mul3A_1020 : i32
            %mul3A_1022 = arith.constant 128 : i32
            %mul3A_1023 = arith.muli %mul3A_1021, %mul3A_1022 : i32
            %add3A_1024 = arith.addi %mul3A_1023, %mul3A_1013 : i32
            %add3A_1025 = vector.broadcast %add3A_1024 : i32 to vector<16xi32>
            %add3A_1026 = arith.addi %iota3A, %add3A_1025 : vector<16xi32>
            %add3A_1027 = vector.broadcast %mul3A_1021 : i32 to vector<16xi32>
            %add3A_1028 = arith.addi %and3A_9, %add3A_1027 : vector<16xi32>
            %gather3A = tpu.vector_load_idx %arg8[%add3A_1011, %add3A_1028] : memref<128x64xf32, #tpu.memory_space<vmem>>[vector<16xi32>, vector<16xi32>], vector<16xf32>,
            %add3A_1029 = vector.broadcast %mul3A_1021 : i32 to vector<16xi32>
            %add3A_1030 = arith.addi %and3A_15, %add3A_1029 : vector<16xi32>
            %gather3A_1031 = tpu.vector_load_idx %arg8[%add3A_1011, %add3A_1030] : memref<128x64xf32, #tpu.memory_space<vmem>>[vector<16xi32>, vector<16xi32>], vector<16xf32>,
            %add3A_1032 = vector.broadcast %mul3A_1021 : i32 to vector<16xi32>
            %add3A_1033 = arith.addi %and3A_21, %add3A_1032 : vector<16xi32>
            %gather3A_1034 = tpu.vector_load_idx %arg8[%add3A_1011, %add3A_1033] : memref<128x64xf32, #tpu.memory_space<vmem>>[vector<16xi32>, vector<16xi32>], vector<16xf32>,
            %add3A_1035 = vector.broadcast %mul3A_1021 : i32 to vector<16xi32>
            %add3A_1036 = arith.addi %and3A_27, %add3A_1035 : vector<16xi32>
            %gather3A_1037 = tpu.vector_load_idx %arg8[%add3A_1011, %add3A_1036] : memref<128x64xf32, #tpu.memory_space<vmem>>[vector<16xi32>, vector<16xi32>], vector<16xf32>,
            %add3A_1038 = vector.broadcast %mul3A_1021 : i32 to vector<16xi32>
            %add3A_1039 = arith.addi %and3A_33, %add3A_1038 : vector<16xi32>
            %gather3A_1040 = tpu.vector_load_idx %arg8[%add3A_1011, %add3A_1039] : memref<128x64xf32, #tpu.memory_space<vmem>>[vector<16xi32>, vector<16xi32>], vector<16xf32>,
            %add3A_1041 = vector.broadcast %mul3A_1021 : i32 to vector<16xi32>
            %add3A_1042 = arith.addi %and3A_39, %add3A_1041 : vector<16xi32>
            %gather3A_1043 = tpu.vector_load_idx %arg8[%add3A_1011, %add3A_1042] : memref<128x64xf32, #tpu.memory_space<vmem>>[vector<16xi32>, vector<16xi32>], vector<16xf32>,
            %add3A_1044 = vector.broadcast %mul3A_1021 : i32 to vector<16xi32>
            %add3A_1045 = arith.addi %and3A_45, %add3A_1044 : vector<16xi32>
            %gather3A_1046 = tpu.vector_load_idx %arg8[%add3A_1011, %add3A_1045] : memref<128x64xf32, #tpu.memory_space<vmem>>[vector<16xi32>, vector<16xi32>], vector<16xf32>,
            %add3A_1047 = vector.broadcast %mul3A_1021 : i32 to vector<16xi32>
            %add3A_1048 = arith.addi %and3A_51, %add3A_1047 : vector<16xi32>
            %gather3A_1049 = tpu.vector_load_idx %arg8[%add3A_1011, %add3A_1048] : memref<128x64xf32, #tpu.memory_space<vmem>>[vector<16xi32>, vector<16xi32>], vector<16xf32>,
            %add3A_1050 = arith.addi %add3A_1026, %mul3A_102 : vector<16xi32>
            tpu.vector_store_idx %arg10[%add3A_1050], %gather3A : memref<8192xf32, #tpu.memory_space<vmem>>[vector<16xi32>], vector<16xf32>,
            %add3A_1051 = arith.addi %add3A_1026, %mul3A_105 : vector<16xi32>
            tpu.vector_store_idx %arg10[%add3A_1051], %gather3A_1031 : memref<8192xf32, #tpu.memory_space<vmem>>[vector<16xi32>], vector<16xf32>,
            %add3A_1052 = arith.addi %add3A_1026, %mul3A_108 : vector<16xi32>
            tpu.vector_store_idx %arg10[%add3A_1052], %gather3A_1034 : memref<8192xf32, #tpu.memory_space<vmem>>[vector<16xi32>], vector<16xf32>,
            %add3A_1053 = arith.addi %add3A_1026, %mul3A_111 : vector<16xi32>
            tpu.vector_store_idx %arg10[%add3A_1053], %gather3A_1037 : memref<8192xf32, #tpu.memory_space<vmem>>[vector<16xi32>], vector<16xf32>,
            %add3A_1054 = arith.addi %add3A_1026, %mul3A_114 : vector<16xi32>
            tpu.vector_store_idx %arg10[%add3A_1054], %gather3A_1040 : memref<8192xf32, #tpu.memory_space<vmem>>[vector<16xi32>], vector<16xf32>,
            %add3A_1055 = arith.addi %add3A_1026, %mul3A_117 : vector<16xi32>
            tpu.vector_store_idx %arg10[%add3A_1055], %gather3A_1043 : memref<8192xf32, #tpu.memory_space<vmem>>[vector<16xi32>], vector<16xf32>,
            %add3A_1056 = arith.addi %add3A_1026, %mul3A_120 : vector<16xi32>
            tpu.vector_store_idx %arg10[%add3A_1056], %gather3A_1046 : memref<8192xf32, #tpu.memory_space<vmem>>[vector<16xi32>], vector<16xf32>,
            %add3A_1057 = arith.addi %add3A_1026, %mul3A_123 : vector<16xi32>
            tpu.vector_store_idx %arg10[%add3A_1057], %gather3A_1049 : memref<8192xf32, #tpu.memory_space<vmem>>[vector<16xi32>], vector<16xf32>,
            %add3A_1058 = vector.broadcast %mul3A_1021 : i32 to vector<16xi32>
            %add3A_1059 = arith.addi %and3A_57, %add3A_1058 : vector<16xi32>
            %gather3A_1060 = tpu.vector_load_idx %arg8[%add3A_1011, %add3A_1059] : memref<128x64xf32, #tpu.memory_space<vmem>>[vector<16xi32>, vector<16xi32>], vector<16xf32>,
            %add3A_1061 = vector.broadcast %mul3A_1021 : i32 to vector<16xi32>
            %add3A_1062 = arith.addi %and3A_63, %add3A_1061 : vector<16xi32>
            %gather3A_1063 = tpu.vector_load_idx %arg8[%add3A_1011, %add3A_1062] : memref<128x64xf32, #tpu.memory_space<vmem>>[vector<16xi32>, vector<16xi32>], vector<16xf32>,
            %add3A_1064 = vector.broadcast %mul3A_1021 : i32 to vector<16xi32>
            %add3A_1065 = arith.addi %and3A_69, %add3A_1064 : vector<16xi32>
            %gather3A_1066 = tpu.vector_load_idx %arg8[%add3A_1011, %add3A_1065] : memref<128x64xf32, #tpu.memory_space<vmem>>[vector<16xi32>, vector<16xi32>], vector<16xf32>,
            %add3A_1067 = vector.broadcast %mul3A_1021 : i32 to vector<16xi32>
            %add3A_1068 = arith.addi %and3A_75, %add3A_1067 : vector<16xi32>
            %gather3A_1069 = tpu.vector_load_idx %arg8[%add3A_1011, %add3A_1068] : memref<128x64xf32, #tpu.memory_space<vmem>>[vector<16xi32>, vector<16xi32>], vector<16xf32>,
            %add3A_1070 = vector.broadcast %mul3A_1021 : i32 to vector<16xi32>
            %add3A_1071 = arith.addi %and3A_81, %add3A_1070 : vector<16xi32>
            %gather3A_1072 = tpu.vector_load_idx %arg8[%add3A_1011, %add3A_1071] : memref<128x64xf32, #tpu.memory_space<vmem>>[vector<16xi32>, vector<16xi32>], vector<16xf32>,
            %add3A_1073 = vector.broadcast %mul3A_1021 : i32 to vector<16xi32>
            %add3A_1074 = arith.addi %and3A_87, %add3A_1073 : vector<16xi32>
            %gather3A_1075 = tpu.vector_load_idx %arg8[%add3A_1011, %add3A_1074] : memref<128x64xf32, #tpu.memory_space<vmem>>[vector<16xi32>, vector<16xi32>], vector<16xf32>,
            %add3A_1076 = vector.broadcast %mul3A_1021 : i32 to vector<16xi32>
            %add3A_1077 = arith.addi %and3A_93, %add3A_1076 : vector<16xi32>
            %gather3A_1078 = tpu.vector_load_idx %arg8[%add3A_1011, %add3A_1077] : memref<128x64xf32, #tpu.memory_space<vmem>>[vector<16xi32>, vector<16xi32>], vector<16xf32>,
            %add3A_1079 = vector.broadcast %mul3A_1021 : i32 to vector<16xi32>
            %add3A_1080 = arith.addi %and3A_99, %add3A_1079 : vector<16xi32>
            %gather3A_1081 = tpu.vector_load_idx %arg8[%add3A_1011, %add3A_1080] : memref<128x64xf32, #tpu.memory_space<vmem>>[vector<16xi32>, vector<16xi32>], vector<16xf32>,
            %add3A_1082 = arith.addi %add3A_1026, %mul3A_126 : vector<16xi32>
            tpu.vector_store_idx %arg10[%add3A_1082], %gather3A_1060 : memref<8192xf32, #tpu.memory_space<vmem>>[vector<16xi32>], vector<16xf32>,
            %add3A_1083 = arith.addi %add3A_1026, %mul3A_129 : vector<16xi32>
            tpu.vector_store_idx %arg10[%add3A_1083], %gather3A_1063 : memref<8192xf32, #tpu.memory_space<vmem>>[vector<16xi32>], vector<16xf32>,
            %add3A_1084 = arith.addi %add3A_1026, %mul3A_132 : vector<16xi32>
            tpu.vector_store_idx %arg10[%add3A_1084], %gather3A_1066 : memref<8192xf32, #tpu.memory_space<vmem>>[vector<16xi32>], vector<16xf32>,
            %add3A_1085 = arith.addi %add3A_1026, %mul3A_135 : vector<16xi32>
            tpu.vector_store_idx %arg10[%add3A_1085], %gather3A_1069 : memref<8192xf32, #tpu.memory_space<vmem>>[vector<16xi32>], vector<16xf32>,
            %add3A_1086 = arith.addi %add3A_1026, %mul3A_138 : vector<16xi32>
            tpu.vector_store_idx %arg10[%add3A_1086], %gather3A_1072 : memref<8192xf32, #tpu.memory_space<vmem>>[vector<16xi32>], vector<16xf32>,
            %add3A_1087 = arith.addi %add3A_1026, %mul3A_141 : vector<16xi32>
            tpu.vector_store_idx %arg10[%add3A_1087], %gather3A_1075 : memref<8192xf32, #tpu.memory_space<vmem>>[vector<16xi32>], vector<16xf32>,
            %add3A_1088 = arith.addi %add3A_1026, %mul3A_144 : vector<16xi32>
            tpu.vector_store_idx %arg10[%add3A_1088], %gather3A_1078 : memref<8192xf32, #tpu.memory_space<vmem>>[vector<16xi32>], vector<16xf32>,
            %add3A_1089 = arith.addi %add3A_1026, %mul3A_147 : vector<16xi32>
            tpu.vector_store_idx %arg10[%add3A_1089], %gather3A_1081 : memref<8192xf32, #tpu.memory_space<vmem>>[vector<16xi32>], vector<16xf32>,
          }
          %scan3A_1018 = arith.constant 4 : i32
        }
        %scan3A_690 = arith.constant 8 : i32
        %dma_start3A_691 = arith.constant 0 : i32
        %dma_start3A_692 = arith.constant 0 : i32
        %dma_start3A_693 = tpu.memref_slice %arg10[%dma_start3A_692] : memref<8192xf32, #tpu.memory_space<vmem>> -> memref<1024xf32, #tpu.memory_space<vmem>>
        %dma_start3A_694 = arith.constant 0 : i32
        %dma_start3A_695 = tpu.memref_slice %arg4[%add3A_666, %dma_start3A_691, %add3A_156, %dma_start3A_694] : memref<200x8x128x1024xf32, #tpu.memory_space<hbm>> -> memref<1x1x1x1024xf32, #tpu.memory_space<hbm>>
        %dma_start3A_696 = tpu.memref_squeeze %dma_start3A_695 : memref<1x1x1x1024xf32, #tpu.memory_space<hbm>> -> memref<1024xf32, #tpu.memory_space<hbm>>
        %dma_start3A_697 = arith.constant 0 : i32
        %dma_start3A_698 = tpu.memref_slice %arg4[%add3A_666, %dma_start3A_691, %add3A_156, %dma_start3A_697] : memref<200x8x128x1024xf32, #tpu.memory_space<hbm>> -> memref<1x1x1x1024xf32, #tpu.memory_space<hbm>>
        %dma_start3A_699 = tpu.memref_squeeze %dma_start3A_698 : memref<1x1x1x1024xf32, #tpu.memory_space<hbm>> -> memref<1024xf32, #tpu.memory_space<hbm>>
        %dma_start3A_700 = arith.constant 0 : i32
        %dma_start3A_701 = tpu.memref_slice %arg10[%dma_start3A_700] : memref<8192xf32, #tpu.memory_space<vmem>> -> memref<1024xf32, #tpu.memory_space<vmem>>
        tpu.enqueue_dma source(%dma_start3A_701 : memref<1024xf32, #tpu.memory_space<vmem>>) target(%dma_start3A_699 : memref<1024xf32, #tpu.memory_space<hbm>>) target_semaphore(%arg16 : memref<!tpu.dma_semaphore, #tpu.memory_space<semaphore_mem>>)
        %dma_start3A_702 = arith.constant 1 : i32
        %dma_start3A_703 = arith.constant 1024 : i32
        %dma_start3A_704 = tpu.memref_slice %arg10[%dma_start3A_703] : memref<8192xf32, #tpu.memory_space<vmem>> -> memref<1024xf32, #tpu.memory_space<vmem>>
        %dma_start3A_705 = arith.constant 0 : i32
        %dma_start3A_706 = tpu.memref_slice %arg4[%add3A_666, %dma_start3A_702, %add3A_156, %dma_start3A_705] : memref<200x8x128x1024xf32, #tpu.memory_space<hbm>> -> memref<1x1x1x1024xf32, #tpu.memory_space<hbm>>
        %dma_start3A_707 = tpu.memref_squeeze %dma_start3A_706 : memref<1x1x1x1024xf32, #tpu.memory_space<hbm>> -> memref<1024xf32, #tpu.memory_space<hbm>>
        %dma_start3A_708 = arith.constant 0 : i32
        %dma_start3A_709 = tpu.memref_slice %arg4[%add3A_666, %dma_start3A_702, %add3A_156, %dma_start3A_708] : memref<200x8x128x1024xf32, #tpu.memory_space<hbm>> -> memref<1x1x1x1024xf32, #tpu.memory_space<hbm>>
        %dma_start3A_710 = tpu.memref_squeeze %dma_start3A_709 : memref<1x1x1x1024xf32, #tpu.memory_space<hbm>> -> memref<1024xf32, #tpu.memory_space<hbm>>
        %dma_start3A_711 = arith.constant 1024 : i32
        %dma_start3A_712 = tpu.memref_slice %arg10[%dma_start3A_711] : memref<8192xf32, #tpu.memory_space<vmem>> -> memref<1024xf32, #tpu.memory_space<vmem>>
        tpu.enqueue_dma source(%dma_start3A_712 : memref<1024xf32, #tpu.memory_space<vmem>>) target(%dma_start3A_710 : memref<1024xf32, #tpu.memory_space<hbm>>) target_semaphore(%arg16 : memref<!tpu.dma_semaphore, #tpu.memory_space<semaphore_mem>>)
        %dma_start3A_713 = arith.constant 2 : i32
        %dma_start3A_714 = arith.constant 2048 : i32
        %dma_start3A_715 = tpu.memref_slice %arg10[%dma_start3A_714] : memref<8192xf32, #tpu.memory_space<vmem>> -> memref<1024xf32, #tpu.memory_space<vmem>>
        %dma_start3A_716 = arith.constant 0 : i32
        %dma_start3A_717 = tpu.memref_slice %arg4[%add3A_666, %dma_start3A_713, %add3A_156, %dma_start3A_716] : memref<200x8x128x1024xf32, #tpu.memory_space<hbm>> -> memref<1x1x1x1024xf32, #tpu.memory_space<hbm>>
        %dma_start3A_718 = tpu.memref_squeeze %dma_start3A_717 : memref<1x1x1x1024xf32, #tpu.memory_space<hbm>> -> memref<1024xf32, #tpu.memory_space<hbm>>
        %dma_start3A_719 = arith.constant 0 : i32
        %dma_start3A_720 = tpu.memref_slice %arg4[%add3A_666, %dma_start3A_713, %add3A_156, %dma_start3A_719] : memref<200x8x128x1024xf32, #tpu.memory_space<hbm>> -> memref<1x1x1x1024xf32, #tpu.memory_space<hbm>>
        %dma_start3A_721 = tpu.memref_squeeze %dma_start3A_720 : memref<1x1x1x1024xf32, #tpu.memory_space<hbm>> -> memref<1024xf32, #tpu.memory_space<hbm>>
        %dma_start3A_722 = arith.constant 2048 : i32
        %dma_start3A_723 = tpu.memref_slice %arg10[%dma_start3A_722] : memref<8192xf32, #tpu.memory_space<vmem>> -> memref<1024xf32, #tpu.memory_space<vmem>>
        tpu.enqueue_dma source(%dma_start3A_723 : memref<1024xf32, #tpu.memory_space<vmem>>) target(%dma_start3A_721 : memref<1024xf32, #tpu.memory_space<hbm>>) target_semaphore(%arg16 : memref<!tpu.dma_semaphore, #tpu.memory_space<semaphore_mem>>)
        %dma_start3A_724 = arith.constant 3 : i32
        %dma_start3A_725 = arith.constant 3072 : i32
        %dma_start3A_726 = tpu.memref_slice %arg10[%dma_start3A_725] : memref<8192xf32, #tpu.memory_space<vmem>> -> memref<1024xf32, #tpu.memory_space<vmem>>
        %dma_start3A_727 = arith.constant 0 : i32
        %dma_start3A_728 = tpu.memref_slice %arg4[%add3A_666, %dma_start3A_724, %add3A_156, %dma_start3A_727] : memref<200x8x128x1024xf32, #tpu.memory_space<hbm>> -> memref<1x1x1x1024xf32, #tpu.memory_space<hbm>>
        %dma_start3A_729 = tpu.memref_squeeze %dma_start3A_728 : memref<1x1x1x1024xf32, #tpu.memory_space<hbm>> -> memref<1024xf32, #tpu.memory_space<hbm>>
        %dma_start3A_730 = arith.constant 0 : i32
        %dma_start3A_731 = tpu.memref_slice %arg4[%add3A_666, %dma_start3A_724, %add3A_156, %dma_start3A_730] : memref<200x8x128x1024xf32, #tpu.memory_space<hbm>> -> memref<1x1x1x1024xf32, #tpu.memory_space<hbm>>
        %dma_start3A_732 = tpu.memref_squeeze %dma_start3A_731 : memref<1x1x1x1024xf32, #tpu.memory_space<hbm>> -> memref<1024xf32, #tpu.memory_space<hbm>>
        %dma_start3A_733 = arith.constant 3072 : i32
        %dma_start3A_734 = tpu.memref_slice %arg10[%dma_start3A_733] : memref<8192xf32, #tpu.memory_space<vmem>> -> memref<1024xf32, #tpu.memory_space<vmem>>
        tpu.enqueue_dma source(%dma_start3A_734 : memref<1024xf32, #tpu.memory_space<vmem>>) target(%dma_start3A_732 : memref<1024xf32, #tpu.memory_space<hbm>>) target_semaphore(%arg16 : memref<!tpu.dma_semaphore, #tpu.memory_space<semaphore_mem>>)
        %dma_start3A_735 = arith.constant 4 : i32
        %dma_start3A_736 = arith.constant 4096 : i32
        %dma_start3A_737 = tpu.memref_slice %arg10[%dma_start3A_736] : memref<8192xf32, #tpu.memory_space<vmem>> -> memref<1024xf32, #tpu.memory_space<vmem>>
        %dma_start3A_738 = arith.constant 0 : i32
        %dma_start3A_739 = tpu.memref_slice %arg4[%add3A_666, %dma_start3A_735, %add3A_156, %dma_start3A_738] : memref<200x8x128x1024xf32, #tpu.memory_space<hbm>> -> memref<1x1x1x1024xf32, #tpu.memory_space<hbm>>
        %dma_start3A_740 = tpu.memref_squeeze %dma_start3A_739 : memref<1x1x1x1024xf32, #tpu.memory_space<hbm>> -> memref<1024xf32, #tpu.memory_space<hbm>>
        %dma_start3A_741 = arith.constant 0 : i32
        %dma_start3A_742 = tpu.memref_slice %arg4[%add3A_666, %dma_start3A_735, %add3A_156, %dma_start3A_741] : memref<200x8x128x1024xf32, #tpu.memory_space<hbm>> -> memref<1x1x1x1024xf32, #tpu.memory_space<hbm>>
        %dma_start3A_743 = tpu.memref_squeeze %dma_start3A_742 : memref<1x1x1x1024xf32, #tpu.memory_space<hbm>> -> memref<1024xf32, #tpu.memory_space<hbm>>
        %dma_start3A_744 = arith.constant 4096 : i32
        %dma_start3A_745 = tpu.memref_slice %arg10[%dma_start3A_744] : memref<8192xf32, #tpu.memory_space<vmem>> -> memref<1024xf32, #tpu.memory_space<vmem>>
        tpu.enqueue_dma source(%dma_start3A_745 : memref<1024xf32, #tpu.memory_space<vmem>>) target(%dma_start3A_743 : memref<1024xf32, #tpu.memory_space<hbm>>) target_semaphore(%arg16 : memref<!tpu.dma_semaphore, #tpu.memory_space<semaphore_mem>>)
        %dma_start3A_746 = arith.constant 5 : i32
        %dma_start3A_747 = arith.constant 5120 : i32
        %dma_start3A_748 = tpu.memref_slice %arg10[%dma_start3A_747] : memref<8192xf32, #tpu.memory_space<vmem>> -> memref<1024xf32, #tpu.memory_space<vmem>>
        %dma_start3A_749 = arith.constant 0 : i32
        %dma_start3A_750 = tpu.memref_slice %arg4[%add3A_666, %dma_start3A_746, %add3A_156, %dma_start3A_749] : memref<200x8x128x1024xf32, #tpu.memory_space<hbm>> -> memref<1x1x1x1024xf32, #tpu.memory_space<hbm>>
        %dma_start3A_751 = tpu.memref_squeeze %dma_start3A_750 : memref<1x1x1x1024xf32, #tpu.memory_space<hbm>> -> memref<1024xf32, #tpu.memory_space<hbm>>
        %dma_start3A_752 = arith.constant 0 : i32
        %dma_start3A_753 = tpu.memref_slice %arg4[%add3A_666, %dma_start3A_746, %add3A_156, %dma_start3A_752] : memref<200x8x128x1024xf32, #tpu.memory_space<hbm>> -> memref<1x1x1x1024xf32, #tpu.memory_space<hbm>>
        %dma_start3A_754 = tpu.memref_squeeze %dma_start3A_753 : memref<1x1x1x1024xf32, #tpu.memory_space<hbm>> -> memref<1024xf32, #tpu.memory_space<hbm>>
        %dma_start3A_755 = arith.constant 5120 : i32
        %dma_start3A_756 = tpu.memref_slice %arg10[%dma_start3A_755] : memref<8192xf32, #tpu.memory_space<vmem>> -> memref<1024xf32, #tpu.memory_space<vmem>>
        tpu.enqueue_dma source(%dma_start3A_756 : memref<1024xf32, #tpu.memory_space<vmem>>) target(%dma_start3A_754 : memref<1024xf32, #tpu.memory_space<hbm>>) target_semaphore(%arg16 : memref<!tpu.dma_semaphore, #tpu.memory_space<semaphore_mem>>)
        %dma_start3A_757 = arith.constant 6 : i32
        %dma_start3A_758 = arith.constant 6144 : i32
        %dma_start3A_759 = tpu.memref_slice %arg10[%dma_start3A_758] : memref<8192xf32, #tpu.memory_space<vmem>> -> memref<1024xf32, #tpu.memory_space<vmem>>
        %dma_start3A_760 = arith.constant 0 : i32
        %dma_start3A_761 = tpu.memref_slice %arg4[%add3A_666, %dma_start3A_757, %add3A_156, %dma_start3A_760] : memref<200x8x128x1024xf32, #tpu.memory_space<hbm>> -> memref<1x1x1x1024xf32, #tpu.memory_space<hbm>>
        %dma_start3A_762 = tpu.memref_squeeze %dma_start3A_761 : memref<1x1x1x1024xf32, #tpu.memory_space<hbm>> -> memref<1024xf32, #tpu.memory_space<hbm>>
        %dma_start3A_763 = arith.constant 0 : i32
        %dma_start3A_764 = tpu.memref_slice %arg4[%add3A_666, %dma_start3A_757, %add3A_156, %dma_start3A_763] : memref<200x8x128x1024xf32, #tpu.memory_space<hbm>> -> memref<1x1x1x1024xf32, #tpu.memory_space<hbm>>
        %dma_start3A_765 = tpu.memref_squeeze %dma_start3A_764 : memref<1x1x1x1024xf32, #tpu.memory_space<hbm>> -> memref<1024xf32, #tpu.memory_space<hbm>>
        %dma_start3A_766 = arith.constant 6144 : i32
        %dma_start3A_767 = tpu.memref_slice %arg10[%dma_start3A_766] : memref<8192xf32, #tpu.memory_space<vmem>> -> memref<1024xf32, #tpu.memory_space<vmem>>
        tpu.enqueue_dma source(%dma_start3A_767 : memref<1024xf32, #tpu.memory_space<vmem>>) target(%dma_start3A_765 : memref<1024xf32, #tpu.memory_space<hbm>>) target_semaphore(%arg16 : memref<!tpu.dma_semaphore, #tpu.memory_space<semaphore_mem>>)
        %dma_start3A_768 = arith.constant 7 : i32
        %dma_start3A_769 = arith.constant 7168 : i32
        %dma_start3A_770 = tpu.memref_slice %arg10[%dma_start3A_769] : memref<8192xf32, #tpu.memory_space<vmem>> -> memref<1024xf32, #tpu.memory_space<vmem>>
        %dma_start3A_771 = arith.constant 0 : i32
        %dma_start3A_772 = tpu.memref_slice %arg4[%add3A_666, %dma_start3A_768, %add3A_156, %dma_start3A_771] : memref<200x8x128x1024xf32, #tpu.memory_space<hbm>> -> memref<1x1x1x1024xf32, #tpu.memory_space<hbm>>
        %dma_start3A_773 = tpu.memref_squeeze %dma_start3A_772 : memref<1x1x1x1024xf32, #tpu.memory_space<hbm>> -> memref<1024xf32, #tpu.memory_space<hbm>>
        %dma_start3A_774 = arith.constant 0 : i32
        %dma_start3A_775 = tpu.memref_slice %arg4[%add3A_666, %dma_start3A_768, %add3A_156, %dma_start3A_774] : memref<200x8x128x1024xf32, #tpu.memory_space<hbm>> -> memref<1x1x1x1024xf32, #tpu.memory_space<hbm>>
        %dma_start3A_776 = tpu.memref_squeeze %dma_start3A_775 : memref<1x1x1x1024xf32, #tpu.memory_space<hbm>> -> memref<1024xf32, #tpu.memory_space<hbm>>
        %dma_start3A_777 = arith.constant 7168 : i32
        %dma_start3A_778 = tpu.memref_slice %arg10[%dma_start3A_777] : memref<8192xf32, #tpu.memory_space<vmem>> -> memref<1024xf32, #tpu.memory_space<vmem>>
        tpu.enqueue_dma source(%dma_start3A_778 : memref<1024xf32, #tpu.memory_space<vmem>>) target(%dma_start3A_776 : memref<1024xf32, #tpu.memory_space<hbm>>) target_semaphore(%arg16 : memref<!tpu.dma_semaphore, #tpu.memory_space<semaphore_mem>>)
        %add3A_779 = arith.constant 2 : i32
        %add3A_780 = arith.addi %mul3A_554, %add3A_779 : i32
        %add3A_781 = arith.constant 1 : i32
        %add3A_782 = arith.addi %add3A_780, %add3A_781 : i32
        %lt3A_783 = arith.constant 200 : i32
        %lt3A_784 = arith.cmpi slt, %add3A_782, %lt3A_783 : i32
        %convert_element_type3A_785 = arith.extui %lt3A_784 : i1 to i32
        %cond3A_786 = arith.constant 0 : i32
        %cond3A_787 = arith.cmpi ne, %convert_element_type3A_785, %cond3A_786 : i32
        scf.if %cond3A_787 {
          %add3A_1007 = arith.constant 1 : i32
          %add3A_1008 = arith.addi %add3A_780, %add3A_1007 : i32
          %dma_start3A_1009 = arith.constant 0 : i32
          %dma_start3A_1010 = tpu.memref_slice %arg6[%add3A_1008, %dma_start3A_1009] : memref<200x128xi32, #tpu.memory_space<vmem>> -> memref<1x128xi32, #tpu.memory_space<vmem>>
          %dma_start3A_1011 = tpu.memref_squeeze %dma_start3A_1010 : memref<1x128xi32, #tpu.memory_space<vmem>> -> memref<128xi32, #tpu.memory_space<vmem>>
          %dma_start3A_1012 = arith.constant 0 : i32
          %dma_start3A_1013 = arith.constant 0 : i32
          %dma_start3A_1014 = tpu.memref_slice %arg5[%dma_start3A_1012, %dma_start3A_1013] : memref<10000x64xf32, #tpu.memory_space<vmem_shared>> -> memref<10000x64xf32, #tpu.memory_space<vmem_shared>>
          tpu.enqueue_indirect_dma source(%dma_start3A_1014 : memref<10000x64xf32, #tpu.memory_space<vmem_shared>>) target(%arg8 : memref<128x64xf32, #tpu.memory_space<vmem>>) offsets(%dma_start3A_1011 : memref<128xi32, #tpu.memory_space<vmem>>) semaphore(%arg14 : memref<!tpu.dma_semaphore, #tpu.memory_space<semaphore_mem>>)
        } else {
        }
        %dma_wait3A_788 = arith.constant 0 : i32
        %dma_wait3A_789 = tpu.memref_slice %arg6[%add3A_780, %dma_wait3A_788] : memref<200x128xi32, #tpu.memory_space<vmem>> -> memref<1x128xi32, #tpu.memory_space<vmem>>
        %dma_wait3A_790 = tpu.memref_squeeze %dma_wait3A_789 : memref<1x128xi32, #tpu.memory_space<vmem>> -> memref<128xi32, #tpu.memory_space<vmem>>
        %dma_wait3A_791 = arith.constant 0 : i32
        %dma_wait3A_792 = arith.constant 0 : i32
        %dma_wait3A_793 = tpu.memref_slice %arg5[%dma_wait3A_791, %dma_wait3A_792] : memref<10000x64xf32, #tpu.memory_space<vmem_shared>> -> memref<10000x64xf32, #tpu.memory_space<vmem_shared>>
        tpu.wait_indirect_dma semaphore(%arg13 : memref<!tpu.dma_semaphore, #tpu.memory_space<semaphore_mem>>) src(%dma_wait3A_793 : memref<10000x64xf32, #tpu.memory_space<vmem_shared>>) dst(%arg7 : memref<128x64xf32, #tpu.memory_space<vmem>>)
        %ge3A_794 = arith.constant 1 : i32
        %ge3A_795 = arith.cmpi sge, %scan3A_552, %ge3A_794 : i32
        %convert_element_type3A_796 = arith.extui %ge3A_795 : i1 to i32
        %cond3A_797 = arith.constant 0 : i32
        %cond3A_798 = arith.cmpi ne, %convert_element_type3A_796, %cond3A_797 : i32
        scf.if %cond3A_798 {
          %sub3A = arith.constant 4 : i32
          %sub3A_1007 = arith.subi %add3A_780, %sub3A : i32
          %dma_wait3A_1008 = arith.constant 0 : i32
          %dma_wait3A_1009 = arith.constant 0 : i32
          %dma_wait3A_1010 = tpu.memref_slice %arg11[%dma_wait3A_1009] : memref<8192xf32, #tpu.memory_space<vmem>> -> memref<1024xf32, #tpu.memory_space<vmem>>
          %dma_wait3A_1011 = arith.constant 0 : i32
          %dma_wait3A_1012 = tpu.memref_slice %arg4[%sub3A_1007, %dma_wait3A_1008, %add3A_156, %dma_wait3A_1011] : memref<200x8x128x1024xf32, #tpu.memory_space<hbm>> -> memref<1x1x1x1024xf32, #tpu.memory_space<hbm>>
          %dma_wait3A_1013 = tpu.memref_squeeze %dma_wait3A_1012 : memref<1x1x1x1024xf32, #tpu.memory_space<hbm>> -> memref<1024xf32, #tpu.memory_space<hbm>>
          %dma_wait3A_1014 = arith.constant 0 : i32
          %dma_wait3A_1015 = tpu.memref_slice %arg4[%sub3A_1007, %dma_wait3A_1008, %add3A_156, %dma_wait3A_1014] : memref<200x8x128x1024xf32, #tpu.memory_space<hbm>> -> memref<1x1x1x1024xf32, #tpu.memory_space<hbm>>
          %dma_wait3A_1016 = tpu.memref_squeeze %dma_wait3A_1015 : memref<1x1x1x1024xf32, #tpu.memory_space<hbm>> -> memref<1024xf32, #tpu.memory_space<hbm>>
          %dma_wait3A_1017 = arith.constant 0 : i32
          %dma_wait3A_1018 = tpu.memref_slice %arg11[%dma_wait3A_1017] : memref<8192xf32, #tpu.memory_space<vmem>> -> memref<1024xf32, #tpu.memory_space<vmem>>
          tpu.wait_dma2 semaphore(%arg17 : memref<!tpu.dma_semaphore, #tpu.memory_space<semaphore_mem>>) src(%dma_wait3A_1018 : memref<1024xf32, #tpu.memory_space<vmem>>) dst(%dma_wait3A_1016 : memref<1024xf32, #tpu.memory_space<hbm>>)
          %dma_wait3A_1019 = arith.constant 1 : i32
          %dma_wait3A_1020 = arith.constant 1024 : i32
          %dma_wait3A_1021 = tpu.memref_slice %arg11[%dma_wait3A_1020] : memref<8192xf32, #tpu.memory_space<vmem>> -> memref<1024xf32, #tpu.memory_space<vmem>>
          %dma_wait3A_1022 = arith.constant 0 : i32
          %dma_wait3A_1023 = tpu.memref_slice %arg4[%sub3A_1007, %dma_wait3A_1019, %add3A_156, %dma_wait3A_1022] : memref<200x8x128x1024xf32, #tpu.memory_space<hbm>> -> memref<1x1x1x1024xf32, #tpu.memory_space<hbm>>
          %dma_wait3A_1024 = tpu.memref_squeeze %dma_wait3A_1023 : memref<1x1x1x1024xf32, #tpu.memory_space<hbm>> -> memref<1024xf32, #tpu.memory_space<hbm>>
          %dma_wait3A_1025 = arith.constant 0 : i32
          %dma_wait3A_1026 = tpu.memref_slice %arg4[%sub3A_1007, %dma_wait3A_1019, %add3A_156, %dma_wait3A_1025] : memref<200x8x128x1024xf32, #tpu.memory_space<hbm>> -> memref<1x1x1x1024xf32, #tpu.memory_space<hbm>>
          %dma_wait3A_1027 = tpu.memref_squeeze %dma_wait3A_1026 : memref<1x1x1x1024xf32, #tpu.memory_space<hbm>> -> memref<1024xf32, #tpu.memory_space<hbm>>
          %dma_wait3A_1028 = arith.constant 1024 : i32
          %dma_wait3A_1029 = tpu.memref_slice %arg11[%dma_wait3A_1028] : memref<8192xf32, #tpu.memory_space<vmem>> -> memref<1024xf32, #tpu.memory_space<vmem>>
          tpu.wait_dma2 semaphore(%arg17 : memref<!tpu.dma_semaphore, #tpu.memory_space<semaphore_mem>>) src(%dma_wait3A_1029 : memref<1024xf32, #tpu.memory_space<vmem>>) dst(%dma_wait3A_1027 : memref<1024xf32, #tpu.memory_space<hbm>>)
          %dma_wait3A_1030 = arith.constant 2 : i32
          %dma_wait3A_1031 = arith.constant 2048 : i32
          %dma_wait3A_1032 = tpu.memref_slice %arg11[%dma_wait3A_1031] : memref<8192xf32, #tpu.memory_space<vmem>> -> memref<1024xf32, #tpu.memory_space<vmem>>
          %dma_wait3A_1033 = arith.constant 0 : i32
          %dma_wait3A_1034 = tpu.memref_slice %arg4[%sub3A_1007, %dma_wait3A_1030, %add3A_156, %dma_wait3A_1033] : memref<200x8x128x1024xf32, #tpu.memory_space<hbm>> -> memref<1x1x1x1024xf32, #tpu.memory_space<hbm>>
          %dma_wait3A_1035 = tpu.memref_squeeze %dma_wait3A_1034 : memref<1x1x1x1024xf32, #tpu.memory_space<hbm>> -> memref<1024xf32, #tpu.memory_space<hbm>>
          %dma_wait3A_1036 = arith.constant 0 : i32
          %dma_wait3A_1037 = tpu.memref_slice %arg4[%sub3A_1007, %dma_wait3A_1030, %add3A_156, %dma_wait3A_1036] : memref<200x8x128x1024xf32, #tpu.memory_space<hbm>> -> memref<1x1x1x1024xf32, #tpu.memory_space<hbm>>
          %dma_wait3A_1038 = tpu.memref_squeeze %dma_wait3A_1037 : memref<1x1x1x1024xf32, #tpu.memory_space<hbm>> -> memref<1024xf32, #tpu.memory_space<hbm>>
          %dma_wait3A_1039 = arith.constant 2048 : i32
          %dma_wait3A_1040 = tpu.memref_slice %arg11[%dma_wait3A_1039] : memref<8192xf32, #tpu.memory_space<vmem>> -> memref<1024xf32, #tpu.memory_space<vmem>>
          tpu.wait_dma2 semaphore(%arg17 : memref<!tpu.dma_semaphore, #tpu.memory_space<semaphore_mem>>) src(%dma_wait3A_1040 : memref<1024xf32, #tpu.memory_space<vmem>>) dst(%dma_wait3A_1038 : memref<1024xf32, #tpu.memory_space<hbm>>)
          %dma_wait3A_1041 = arith.constant 3 : i32
          %dma_wait3A_1042 = arith.constant 3072 : i32
          %dma_wait3A_1043 = tpu.memref_slice %arg11[%dma_wait3A_1042] : memref<8192xf32, #tpu.memory_space<vmem>> -> memref<1024xf32, #tpu.memory_space<vmem>>
          %dma_wait3A_1044 = arith.constant 0 : i32
          %dma_wait3A_1045 = tpu.memref_slice %arg4[%sub3A_1007, %dma_wait3A_1041, %add3A_156, %dma_wait3A_1044] : memref<200x8x128x1024xf32, #tpu.memory_space<hbm>> -> memref<1x1x1x1024xf32, #tpu.memory_space<hbm>>
          %dma_wait3A_1046 = tpu.memref_squeeze %dma_wait3A_1045 : memref<1x1x1x1024xf32, #tpu.memory_space<hbm>> -> memref<1024xf32, #tpu.memory_space<hbm>>
          %dma_wait3A_1047 = arith.constant 0 : i32
          %dma_wait3A_1048 = tpu.memref_slice %arg4[%sub3A_1007, %dma_wait3A_1041, %add3A_156, %dma_wait3A_1047] : memref<200x8x128x1024xf32, #tpu.memory_space<hbm>> -> memref<1x1x1x1024xf32, #tpu.memory_space<hbm>>
          %dma_wait3A_1049 = tpu.memref_squeeze %dma_wait3A_1048 : memref<1x1x1x1024xf32, #tpu.memory_space<hbm>> -> memref<1024xf32, #tpu.memory_space<hbm>>
          %dma_wait3A_1050 = arith.constant 3072 : i32
          %dma_wait3A_1051 = tpu.memref_slice %arg11[%dma_wait3A_1050] : memref<8192xf32, #tpu.memory_space<vmem>> -> memref<1024xf32, #tpu.memory_space<vmem>>
          tpu.wait_dma2 semaphore(%arg17 : memref<!tpu.dma_semaphore, #tpu.memory_space<semaphore_mem>>) src(%dma_wait3A_1051 : memref<1024xf32, #tpu.memory_space<vmem>>) dst(%dma_wait3A_1049 : memref<1024xf32, #tpu.memory_space<hbm>>)
          %dma_wait3A_1052 = arith.constant 4 : i32
          %dma_wait3A_1053 = arith.constant 4096 : i32
          %dma_wait3A_1054 = tpu.memref_slice %arg11[%dma_wait3A_1053] : memref<8192xf32, #tpu.memory_space<vmem>> -> memref<1024xf32, #tpu.memory_space<vmem>>
          %dma_wait3A_1055 = arith.constant 0 : i32
          %dma_wait3A_1056 = tpu.memref_slice %arg4[%sub3A_1007, %dma_wait3A_1052, %add3A_156, %dma_wait3A_1055] : memref<200x8x128x1024xf32, #tpu.memory_space<hbm>> -> memref<1x1x1x1024xf32, #tpu.memory_space<hbm>>
          %dma_wait3A_1057 = tpu.memref_squeeze %dma_wait3A_1056 : memref<1x1x1x1024xf32, #tpu.memory_space<hbm>> -> memref<1024xf32, #tpu.memory_space<hbm>>
          %dma_wait3A_1058 = arith.constant 0 : i32
          %dma_wait3A_1059 = tpu.memref_slice %arg4[%sub3A_1007, %dma_wait3A_1052, %add3A_156, %dma_wait3A_1058] : memref<200x8x128x1024xf32, #tpu.memory_space<hbm>> -> memref<1x1x1x1024xf32, #tpu.memory_space<hbm>>
          %dma_wait3A_1060 = tpu.memref_squeeze %dma_wait3A_1059 : memref<1x1x1x1024xf32, #tpu.memory_space<hbm>> -> memref<1024xf32, #tpu.memory_space<hbm>>
          %dma_wait3A_1061 = arith.constant 4096 : i32
          %dma_wait3A_1062 = tpu.memref_slice %arg11[%dma_wait3A_1061] : memref<8192xf32, #tpu.memory_space<vmem>> -> memref<1024xf32, #tpu.memory_space<vmem>>
          tpu.wait_dma2 semaphore(%arg17 : memref<!tpu.dma_semaphore, #tpu.memory_space<semaphore_mem>>) src(%dma_wait3A_1062 : memref<1024xf32, #tpu.memory_space<vmem>>) dst(%dma_wait3A_1060 : memref<1024xf32, #tpu.memory_space<hbm>>)
          %dma_wait3A_1063 = arith.constant 5 : i32
          %dma_wait3A_1064 = arith.constant 5120 : i32
          %dma_wait3A_1065 = tpu.memref_slice %arg11[%dma_wait3A_1064] : memref<8192xf32, #tpu.memory_space<vmem>> -> memref<1024xf32, #tpu.memory_space<vmem>>
          %dma_wait3A_1066 = arith.constant 0 : i32
          %dma_wait3A_1067 = tpu.memref_slice %arg4[%sub3A_1007, %dma_wait3A_1063, %add3A_156, %dma_wait3A_1066] : memref<200x8x128x1024xf32, #tpu.memory_space<hbm>> -> memref<1x1x1x1024xf32, #tpu.memory_space<hbm>>
          %dma_wait3A_1068 = tpu.memref_squeeze %dma_wait3A_1067 : memref<1x1x1x1024xf32, #tpu.memory_space<hbm>> -> memref<1024xf32, #tpu.memory_space<hbm>>
          %dma_wait3A_1069 = arith.constant 0 : i32
          %dma_wait3A_1070 = tpu.memref_slice %arg4[%sub3A_1007, %dma_wait3A_1063, %add3A_156, %dma_wait3A_1069] : memref<200x8x128x1024xf32, #tpu.memory_space<hbm>> -> memref<1x1x1x1024xf32, #tpu.memory_space<hbm>>
          %dma_wait3A_1071 = tpu.memref_squeeze %dma_wait3A_1070 : memref<1x1x1x1024xf32, #tpu.memory_space<hbm>> -> memref<1024xf32, #tpu.memory_space<hbm>>
          %dma_wait3A_1072 = arith.constant 5120 : i32
          %dma_wait3A_1073 = tpu.memref_slice %arg11[%dma_wait3A_1072] : memref<8192xf32, #tpu.memory_space<vmem>> -> memref<1024xf32, #tpu.memory_space<vmem>>
          tpu.wait_dma2 semaphore(%arg17 : memref<!tpu.dma_semaphore, #tpu.memory_space<semaphore_mem>>) src(%dma_wait3A_1073 : memref<1024xf32, #tpu.memory_space<vmem>>) dst(%dma_wait3A_1071 : memref<1024xf32, #tpu.memory_space<hbm>>)
          %dma_wait3A_1074 = arith.constant 6 : i32
          %dma_wait3A_1075 = arith.constant 6144 : i32
          %dma_wait3A_1076 = tpu.memref_slice %arg11[%dma_wait3A_1075] : memref<8192xf32, #tpu.memory_space<vmem>> -> memref<1024xf32, #tpu.memory_space<vmem>>
          %dma_wait3A_1077 = arith.constant 0 : i32
          %dma_wait3A_1078 = tpu.memref_slice %arg4[%sub3A_1007, %dma_wait3A_1074, %add3A_156, %dma_wait3A_1077] : memref<200x8x128x1024xf32, #tpu.memory_space<hbm>> -> memref<1x1x1x1024xf32, #tpu.memory_space<hbm>>
          %dma_wait3A_1079 = tpu.memref_squeeze %dma_wait3A_1078 : memref<1x1x1x1024xf32, #tpu.memory_space<hbm>> -> memref<1024xf32, #tpu.memory_space<hbm>>
          %dma_wait3A_1080 = arith.constant 0 : i32
          %dma_wait3A_1081 = tpu.memref_slice %arg4[%sub3A_1007, %dma_wait3A_1074, %add3A_156, %dma_wait3A_1080] : memref<200x8x128x1024xf32, #tpu.memory_space<hbm>> -> memref<1x1x1x1024xf32, #tpu.memory_space<hbm>>
          %dma_wait3A_1082 = tpu.memref_squeeze %dma_wait3A_1081 : memref<1x1x1x1024xf32, #tpu.memory_space<hbm>> -> memref<1024xf32, #tpu.memory_space<hbm>>
          %dma_wait3A_1083 = arith.constant 6144 : i32
          %dma_wait3A_1084 = tpu.memref_slice %arg11[%dma_wait3A_1083] : memref<8192xf32, #tpu.memory_space<vmem>> -> memref<1024xf32, #tpu.memory_space<vmem>>
          tpu.wait_dma2 semaphore(%arg17 : memref<!tpu.dma_semaphore, #tpu.memory_space<semaphore_mem>>) src(%dma_wait3A_1084 : memref<1024xf32, #tpu.memory_space<vmem>>) dst(%dma_wait3A_1082 : memref<1024xf32, #tpu.memory_space<hbm>>)
          %dma_wait3A_1085 = arith.constant 7 : i32
          %dma_wait3A_1086 = arith.constant 7168 : i32
          %dma_wait3A_1087 = tpu.memref_slice %arg11[%dma_wait3A_1086] : memref<8192xf32, #tpu.memory_space<vmem>> -> memref<1024xf32, #tpu.memory_space<vmem>>
          %dma_wait3A_1088 = arith.constant 0 : i32
          %dma_wait3A_1089 = tpu.memref_slice %arg4[%sub3A_1007, %dma_wait3A_1085, %add3A_156, %dma_wait3A_1088] : memref<200x8x128x1024xf32, #tpu.memory_space<hbm>> -> memref<1x1x1x1024xf32, #tpu.memory_space<hbm>>
          %dma_wait3A_1090 = tpu.memref_squeeze %dma_wait3A_1089 : memref<1x1x1x1024xf32, #tpu.memory_space<hbm>> -> memref<1024xf32, #tpu.memory_space<hbm>>
          %dma_wait3A_1091 = arith.constant 0 : i32
          %dma_wait3A_1092 = tpu.memref_slice %arg4[%sub3A_1007, %dma_wait3A_1085, %add3A_156, %dma_wait3A_1091] : memref<200x8x128x1024xf32, #tpu.memory_space<hbm>> -> memref<1x1x1x1024xf32, #tpu.memory_space<hbm>>
          %dma_wait3A_1093 = tpu.memref_squeeze %dma_wait3A_1092 : memref<1x1x1x1024xf32, #tpu.memory_space<hbm>> -> memref<1024xf32, #tpu.memory_space<hbm>>
          %dma_wait3A_1094 = arith.constant 7168 : i32
          %dma_wait3A_1095 = tpu.memref_slice %arg11[%dma_wait3A_1094] : memref<8192xf32, #tpu.memory_space<vmem>> -> memref<1024xf32, #tpu.memory_space<vmem>>
          tpu.wait_dma2 semaphore(%arg17 : memref<!tpu.dma_semaphore, #tpu.memory_space<semaphore_mem>>) src(%dma_wait3A_1095 : memref<1024xf32, #tpu.memory_space<vmem>>) dst(%dma_wait3A_1093 : memref<1024xf32, #tpu.memory_space<hbm>>)
        } else {
        }
        %scan3A_799 = arith.constant 0 : i32
        %scan3A_800 = arith.constant 0 : i32
        %scan3A_801 = arith.constant 8 : i32
        %scan3A_802 = arith.addi %scan3A_800, %scan3A_801 : i32
        %scan3A_803 = arith.constant 1 : i32
        scf.for %scan3A_1007 = %scan3A_800 to %scan3A_802 step %scan3A_803  : i32 {
          %mul3A_1008 = arith.constant 16 : i32
          %mul3A_1009 = arith.muli %scan3A_1007, %mul3A_1008 : i32
          %add3A_1010 = vector.broadcast %mul3A_1009 : i32 to vector<16xi32>
          %add3A_1011 = arith.addi %iota3A, %add3A_1010 : vector<16xi32>
          %mul3A_1012 = arith.constant 16 : i32
          %mul3A_1013 = arith.muli %scan3A_1007, %mul3A_1012 : i32
          %scan3A_1014 = arith.constant 0 : i32
          %scan3A_1015 = arith.constant 4 : i32
          %scan3A_1016 = arith.addi %scan3A_1014, %scan3A_1015 : i32
          %scan3A_1017 = arith.constant 1 : i32
          scf.for %scan3A_1019 = %scan3A_1014 to %scan3A_1016 step %scan3A_1017  : i32 {
            %mul3A_1020 = arith.constant 16 : i32
            %mul3A_1021 = arith.muli %scan3A_1019, %mul3A_1020 : i32
            %mul3A_1022 = arith.constant 128 : i32
            %mul3A_1023 = arith.muli %mul3A_1021, %mul3A_1022 : i32
            %add3A_1024 = arith.addi %mul3A_1023, %mul3A_1013 : i32
            %add3A_1025 = vector.broadcast %add3A_1024 : i32 to vector<16xi32>
            %add3A_1026 = arith.addi %iota3A, %add3A_1025 : vector<16xi32>
            %add3A_1027 = vector.broadcast %mul3A_1021 : i32 to vector<16xi32>
            %add3A_1028 = arith.addi %and3A_9, %add3A_1027 : vector<16xi32>
            %gather3A = tpu.vector_load_idx %arg7[%add3A_1011, %add3A_1028] : memref<128x64xf32, #tpu.memory_space<vmem>>[vector<16xi32>, vector<16xi32>], vector<16xf32>,
            %add3A_1029 = vector.broadcast %mul3A_1021 : i32 to vector<16xi32>
            %add3A_1030 = arith.addi %and3A_15, %add3A_1029 : vector<16xi32>
            %gather3A_1031 = tpu.vector_load_idx %arg7[%add3A_1011, %add3A_1030] : memref<128x64xf32, #tpu.memory_space<vmem>>[vector<16xi32>, vector<16xi32>], vector<16xf32>,
            %add3A_1032 = vector.broadcast %mul3A_1021 : i32 to vector<16xi32>
            %add3A_1033 = arith.addi %and3A_21, %add3A_1032 : vector<16xi32>
            %gather3A_1034 = tpu.vector_load_idx %arg7[%add3A_1011, %add3A_1033] : memref<128x64xf32, #tpu.memory_space<vmem>>[vector<16xi32>, vector<16xi32>], vector<16xf32>,
            %add3A_1035 = vector.broadcast %mul3A_1021 : i32 to vector<16xi32>
            %add3A_1036 = arith.addi %and3A_27, %add3A_1035 : vector<16xi32>
            %gather3A_1037 = tpu.vector_load_idx %arg7[%add3A_1011, %add3A_1036] : memref<128x64xf32, #tpu.memory_space<vmem>>[vector<16xi32>, vector<16xi32>], vector<16xf32>,
            %add3A_1038 = vector.broadcast %mul3A_1021 : i32 to vector<16xi32>
            %add3A_1039 = arith.addi %and3A_33, %add3A_1038 : vector<16xi32>
            %gather3A_1040 = tpu.vector_load_idx %arg7[%add3A_1011, %add3A_1039] : memref<128x64xf32, #tpu.memory_space<vmem>>[vector<16xi32>, vector<16xi32>], vector<16xf32>,
            %add3A_1041 = vector.broadcast %mul3A_1021 : i32 to vector<16xi32>
            %add3A_1042 = arith.addi %and3A_39, %add3A_1041 : vector<16xi32>
            %gather3A_1043 = tpu.vector_load_idx %arg7[%add3A_1011, %add3A_1042] : memref<128x64xf32, #tpu.memory_space<vmem>>[vector<16xi32>, vector<16xi32>], vector<16xf32>,
            %add3A_1044 = vector.broadcast %mul3A_1021 : i32 to vector<16xi32>
            %add3A_1045 = arith.addi %and3A_45, %add3A_1044 : vector<16xi32>
            %gather3A_1046 = tpu.vector_load_idx %arg7[%add3A_1011, %add3A_1045] : memref<128x64xf32, #tpu.memory_space<vmem>>[vector<16xi32>, vector<16xi32>], vector<16xf32>,
            %add3A_1047 = vector.broadcast %mul3A_1021 : i32 to vector<16xi32>
            %add3A_1048 = arith.addi %and3A_51, %add3A_1047 : vector<16xi32>
            %gather3A_1049 = tpu.vector_load_idx %arg7[%add3A_1011, %add3A_1048] : memref<128x64xf32, #tpu.memory_space<vmem>>[vector<16xi32>, vector<16xi32>], vector<16xf32>,
            %add3A_1050 = arith.addi %add3A_1026, %mul3A_102 : vector<16xi32>
            tpu.vector_store_idx %arg11[%add3A_1050], %gather3A : memref<8192xf32, #tpu.memory_space<vmem>>[vector<16xi32>], vector<16xf32>,
            %add3A_1051 = arith.addi %add3A_1026, %mul3A_105 : vector<16xi32>
            tpu.vector_store_idx %arg11[%add3A_1051], %gather3A_1031 : memref<8192xf32, #tpu.memory_space<vmem>>[vector<16xi32>], vector<16xf32>,
            %add3A_1052 = arith.addi %add3A_1026, %mul3A_108 : vector<16xi32>
            tpu.vector_store_idx %arg11[%add3A_1052], %gather3A_1034 : memref<8192xf32, #tpu.memory_space<vmem>>[vector<16xi32>], vector<16xf32>,
            %add3A_1053 = arith.addi %add3A_1026, %mul3A_111 : vector<16xi32>
            tpu.vector_store_idx %arg11[%add3A_1053], %gather3A_1037 : memref<8192xf32, #tpu.memory_space<vmem>>[vector<16xi32>], vector<16xf32>,
            %add3A_1054 = arith.addi %add3A_1026, %mul3A_114 : vector<16xi32>
            tpu.vector_store_idx %arg11[%add3A_1054], %gather3A_1040 : memref<8192xf32, #tpu.memory_space<vmem>>[vector<16xi32>], vector<16xf32>,
            %add3A_1055 = arith.addi %add3A_1026, %mul3A_117 : vector<16xi32>
            tpu.vector_store_idx %arg11[%add3A_1055], %gather3A_1043 : memref<8192xf32, #tpu.memory_space<vmem>>[vector<16xi32>], vector<16xf32>,
            %add3A_1056 = arith.addi %add3A_1026, %mul3A_120 : vector<16xi32>
            tpu.vector_store_idx %arg11[%add3A_1056], %gather3A_1046 : memref<8192xf32, #tpu.memory_space<vmem>>[vector<16xi32>], vector<16xf32>,
            %add3A_1057 = arith.addi %add3A_1026, %mul3A_123 : vector<16xi32>
            tpu.vector_store_idx %arg11[%add3A_1057], %gather3A_1049 : memref<8192xf32, #tpu.memory_space<vmem>>[vector<16xi32>], vector<16xf32>,
            %add3A_1058 = vector.broadcast %mul3A_1021 : i32 to vector<16xi32>
            %add3A_1059 = arith.addi %and3A_57, %add3A_1058 : vector<16xi32>
            %gather3A_1060 = tpu.vector_load_idx %arg7[%add3A_1011, %add3A_1059] : memref<128x64xf32, #tpu.memory_space<vmem>>[vector<16xi32>, vector<16xi32>], vector<16xf32>,
            %add3A_1061 = vector.broadcast %mul3A_1021 : i32 to vector<16xi32>
            %add3A_1062 = arith.addi %and3A_63, %add3A_1061 : vector<16xi32>
            %gather3A_1063 = tpu.vector_load_idx %arg7[%add3A_1011, %add3A_1062] : memref<128x64xf32, #tpu.memory_space<vmem>>[vector<16xi32>, vector<16xi32>], vector<16xf32>,
            %add3A_1064 = vector.broadcast %mul3A_1021 : i32 to vector<16xi32>
            %add3A_1065 = arith.addi %and3A_69, %add3A_1064 : vector<16xi32>
            %gather3A_1066 = tpu.vector_load_idx %arg7[%add3A_1011, %add3A_1065] : memref<128x64xf32, #tpu.memory_space<vmem>>[vector<16xi32>, vector<16xi32>], vector<16xf32>,
            %add3A_1067 = vector.broadcast %mul3A_1021 : i32 to vector<16xi32>
            %add3A_1068 = arith.addi %and3A_75, %add3A_1067 : vector<16xi32>
            %gather3A_1069 = tpu.vector_load_idx %arg7[%add3A_1011, %add3A_1068] : memref<128x64xf32, #tpu.memory_space<vmem>>[vector<16xi32>, vector<16xi32>], vector<16xf32>,
            %add3A_1070 = vector.broadcast %mul3A_1021 : i32 to vector<16xi32>
            %add3A_1071 = arith.addi %and3A_81, %add3A_1070 : vector<16xi32>
            %gather3A_1072 = tpu.vector_load_idx %arg7[%add3A_1011, %add3A_1071] : memref<128x64xf32, #tpu.memory_space<vmem>>[vector<16xi32>, vector<16xi32>], vector<16xf32>,
            %add3A_1073 = vector.broadcast %mul3A_1021 : i32 to vector<16xi32>
            %add3A_1074 = arith.addi %and3A_87, %add3A_1073 : vector<16xi32>
            %gather3A_1075 = tpu.vector_load_idx %arg7[%add3A_1011, %add3A_1074] : memref<128x64xf32, #tpu.memory_space<vmem>>[vector<16xi32>, vector<16xi32>], vector<16xf32>,
            %add3A_1076 = vector.broadcast %mul3A_1021 : i32 to vector<16xi32>
            %add3A_1077 = arith.addi %and3A_93, %add3A_1076 : vector<16xi32>
            %gather3A_1078 = tpu.vector_load_idx %arg7[%add3A_1011, %add3A_1077] : memref<128x64xf32, #tpu.memory_space<vmem>>[vector<16xi32>, vector<16xi32>], vector<16xf32>,
            %add3A_1079 = vector.broadcast %mul3A_1021 : i32 to vector<16xi32>
            %add3A_1080 = arith.addi %and3A_99, %add3A_1079 : vector<16xi32>
            %gather3A_1081 = tpu.vector_load_idx %arg7[%add3A_1011, %add3A_1080] : memref<128x64xf32, #tpu.memory_space<vmem>>[vector<16xi32>, vector<16xi32>], vector<16xf32>,
            %add3A_1082 = arith.addi %add3A_1026, %mul3A_126 : vector<16xi32>
            tpu.vector_store_idx %arg11[%add3A_1082], %gather3A_1060 : memref<8192xf32, #tpu.memory_space<vmem>>[vector<16xi32>], vector<16xf32>,
            %add3A_1083 = arith.addi %add3A_1026, %mul3A_129 : vector<16xi32>
            tpu.vector_store_idx %arg11[%add3A_1083], %gather3A_1063 : memref<8192xf32, #tpu.memory_space<vmem>>[vector<16xi32>], vector<16xf32>,
            %add3A_1084 = arith.addi %add3A_1026, %mul3A_132 : vector<16xi32>
            tpu.vector_store_idx %arg11[%add3A_1084], %gather3A_1066 : memref<8192xf32, #tpu.memory_space<vmem>>[vector<16xi32>], vector<16xf32>,
            %add3A_1085 = arith.addi %add3A_1026, %mul3A_135 : vector<16xi32>
            tpu.vector_store_idx %arg11[%add3A_1085], %gather3A_1069 : memref<8192xf32, #tpu.memory_space<vmem>>[vector<16xi32>], vector<16xf32>,
            %add3A_1086 = arith.addi %add3A_1026, %mul3A_138 : vector<16xi32>
            tpu.vector_store_idx %arg11[%add3A_1086], %gather3A_1072 : memref<8192xf32, #tpu.memory_space<vmem>>[vector<16xi32>], vector<16xf32>,
            %add3A_1087 = arith.addi %add3A_1026, %mul3A_141 : vector<16xi32>
            tpu.vector_store_idx %arg11[%add3A_1087], %gather3A_1075 : memref<8192xf32, #tpu.memory_space<vmem>>[vector<16xi32>], vector<16xf32>,
            %add3A_1088 = arith.addi %add3A_1026, %mul3A_144 : vector<16xi32>
            tpu.vector_store_idx %arg11[%add3A_1088], %gather3A_1078 : memref<8192xf32, #tpu.memory_space<vmem>>[vector<16xi32>], vector<16xf32>,
            %add3A_1089 = arith.addi %add3A_1026, %mul3A_147 : vector<16xi32>
            tpu.vector_store_idx %arg11[%add3A_1089], %gather3A_1081 : memref<8192xf32, #tpu.memory_space<vmem>>[vector<16xi32>], vector<16xf32>,
          }
          %scan3A_1018 = arith.constant 4 : i32
        }
        %scan3A_804 = arith.constant 8 : i32
        %dma_start3A_805 = arith.constant 0 : i32
        %dma_start3A_806 = arith.constant 0 : i32
        %dma_start3A_807 = tpu.memref_slice %arg11[%dma_start3A_806] : memref<8192xf32, #tpu.memory_space<vmem>> -> memref<1024xf32, #tpu.memory_space<vmem>>
        %dma_start3A_808 = arith.constant 0 : i32
        %dma_start3A_809 = tpu.memref_slice %arg4[%add3A_780, %dma_start3A_805, %add3A_156, %dma_start3A_808] : memref<200x8x128x1024xf32, #tpu.memory_space<hbm>> -> memref<1x1x1x1024xf32, #tpu.memory_space<hbm>>
        %dma_start3A_810 = tpu.memref_squeeze %dma_start3A_809 : memref<1x1x1x1024xf32, #tpu.memory_space<hbm>> -> memref<1024xf32, #tpu.memory_space<hbm>>
        %dma_start3A_811 = arith.constant 0 : i32
        %dma_start3A_812 = tpu.memref_slice %arg4[%add3A_780, %dma_start3A_805, %add3A_156, %dma_start3A_811] : memref<200x8x128x1024xf32, #tpu.memory_space<hbm>> -> memref<1x1x1x1024xf32, #tpu.memory_space<hbm>>
        %dma_start3A_813 = tpu.memref_squeeze %dma_start3A_812 : memref<1x1x1x1024xf32, #tpu.memory_space<hbm>> -> memref<1024xf32, #tpu.memory_space<hbm>>
        %dma_start3A_814 = arith.constant 0 : i32
        %dma_start3A_815 = tpu.memref_slice %arg11[%dma_start3A_814] : memref<8192xf32, #tpu.memory_space<vmem>> -> memref<1024xf32, #tpu.memory_space<vmem>>
        tpu.enqueue_dma source(%dma_start3A_815 : memref<1024xf32, #tpu.memory_space<vmem>>) target(%dma_start3A_813 : memref<1024xf32, #tpu.memory_space<hbm>>) target_semaphore(%arg17 : memref<!tpu.dma_semaphore, #tpu.memory_space<semaphore_mem>>)
        %dma_start3A_816 = arith.constant 1 : i32
        %dma_start3A_817 = arith.constant 1024 : i32
        %dma_start3A_818 = tpu.memref_slice %arg11[%dma_start3A_817] : memref<8192xf32, #tpu.memory_space<vmem>> -> memref<1024xf32, #tpu.memory_space<vmem>>
        %dma_start3A_819 = arith.constant 0 : i32
        %dma_start3A_820 = tpu.memref_slice %arg4[%add3A_780, %dma_start3A_816, %add3A_156, %dma_start3A_819] : memref<200x8x128x1024xf32, #tpu.memory_space<hbm>> -> memref<1x1x1x1024xf32, #tpu.memory_space<hbm>>
        %dma_start3A_821 = tpu.memref_squeeze %dma_start3A_820 : memref<1x1x1x1024xf32, #tpu.memory_space<hbm>> -> memref<1024xf32, #tpu.memory_space<hbm>>
        %dma_start3A_822 = arith.constant 0 : i32
        %dma_start3A_823 = tpu.memref_slice %arg4[%add3A_780, %dma_start3A_816, %add3A_156, %dma_start3A_822] : memref<200x8x128x1024xf32, #tpu.memory_space<hbm>> -> memref<1x1x1x1024xf32, #tpu.memory_space<hbm>>
        %dma_start3A_824 = tpu.memref_squeeze %dma_start3A_823 : memref<1x1x1x1024xf32, #tpu.memory_space<hbm>> -> memref<1024xf32, #tpu.memory_space<hbm>>
        %dma_start3A_825 = arith.constant 1024 : i32
        %dma_start3A_826 = tpu.memref_slice %arg11[%dma_start3A_825] : memref<8192xf32, #tpu.memory_space<vmem>> -> memref<1024xf32, #tpu.memory_space<vmem>>
        tpu.enqueue_dma source(%dma_start3A_826 : memref<1024xf32, #tpu.memory_space<vmem>>) target(%dma_start3A_824 : memref<1024xf32, #tpu.memory_space<hbm>>) target_semaphore(%arg17 : memref<!tpu.dma_semaphore, #tpu.memory_space<semaphore_mem>>)
        %dma_start3A_827 = arith.constant 2 : i32
        %dma_start3A_828 = arith.constant 2048 : i32
        %dma_start3A_829 = tpu.memref_slice %arg11[%dma_start3A_828] : memref<8192xf32, #tpu.memory_space<vmem>> -> memref<1024xf32, #tpu.memory_space<vmem>>
        %dma_start3A_830 = arith.constant 0 : i32
        %dma_start3A_831 = tpu.memref_slice %arg4[%add3A_780, %dma_start3A_827, %add3A_156, %dma_start3A_830] : memref<200x8x128x1024xf32, #tpu.memory_space<hbm>> -> memref<1x1x1x1024xf32, #tpu.memory_space<hbm>>
        %dma_start3A_832 = tpu.memref_squeeze %dma_start3A_831 : memref<1x1x1x1024xf32, #tpu.memory_space<hbm>> -> memref<1024xf32, #tpu.memory_space<hbm>>
        %dma_start3A_833 = arith.constant 0 : i32
        %dma_start3A_834 = tpu.memref_slice %arg4[%add3A_780, %dma_start3A_827, %add3A_156, %dma_start3A_833] : memref<200x8x128x1024xf32, #tpu.memory_space<hbm>> -> memref<1x1x1x1024xf32, #tpu.memory_space<hbm>>
        %dma_start3A_835 = tpu.memref_squeeze %dma_start3A_834 : memref<1x1x1x1024xf32, #tpu.memory_space<hbm>> -> memref<1024xf32, #tpu.memory_space<hbm>>
        %dma_start3A_836 = arith.constant 2048 : i32
        %dma_start3A_837 = tpu.memref_slice %arg11[%dma_start3A_836] : memref<8192xf32, #tpu.memory_space<vmem>> -> memref<1024xf32, #tpu.memory_space<vmem>>
        tpu.enqueue_dma source(%dma_start3A_837 : memref<1024xf32, #tpu.memory_space<vmem>>) target(%dma_start3A_835 : memref<1024xf32, #tpu.memory_space<hbm>>) target_semaphore(%arg17 : memref<!tpu.dma_semaphore, #tpu.memory_space<semaphore_mem>>)
        %dma_start3A_838 = arith.constant 3 : i32
        %dma_start3A_839 = arith.constant 3072 : i32
        %dma_start3A_840 = tpu.memref_slice %arg11[%dma_start3A_839] : memref<8192xf32, #tpu.memory_space<vmem>> -> memref<1024xf32, #tpu.memory_space<vmem>>
        %dma_start3A_841 = arith.constant 0 : i32
        %dma_start3A_842 = tpu.memref_slice %arg4[%add3A_780, %dma_start3A_838, %add3A_156, %dma_start3A_841] : memref<200x8x128x1024xf32, #tpu.memory_space<hbm>> -> memref<1x1x1x1024xf32, #tpu.memory_space<hbm>>
        %dma_start3A_843 = tpu.memref_squeeze %dma_start3A_842 : memref<1x1x1x1024xf32, #tpu.memory_space<hbm>> -> memref<1024xf32, #tpu.memory_space<hbm>>
        %dma_start3A_844 = arith.constant 0 : i32
        %dma_start3A_845 = tpu.memref_slice %arg4[%add3A_780, %dma_start3A_838, %add3A_156, %dma_start3A_844] : memref<200x8x128x1024xf32, #tpu.memory_space<hbm>> -> memref<1x1x1x1024xf32, #tpu.memory_space<hbm>>
        %dma_start3A_846 = tpu.memref_squeeze %dma_start3A_845 : memref<1x1x1x1024xf32, #tpu.memory_space<hbm>> -> memref<1024xf32, #tpu.memory_space<hbm>>
        %dma_start3A_847 = arith.constant 3072 : i32
        %dma_start3A_848 = tpu.memref_slice %arg11[%dma_start3A_847] : memref<8192xf32, #tpu.memory_space<vmem>> -> memref<1024xf32, #tpu.memory_space<vmem>>
        tpu.enqueue_dma source(%dma_start3A_848 : memref<1024xf32, #tpu.memory_space<vmem>>) target(%dma_start3A_846 : memref<1024xf32, #tpu.memory_space<hbm>>) target_semaphore(%arg17 : memref<!tpu.dma_semaphore, #tpu.memory_space<semaphore_mem>>)
        %dma_start3A_849 = arith.constant 4 : i32
        %dma_start3A_850 = arith.constant 4096 : i32
        %dma_start3A_851 = tpu.memref_slice %arg11[%dma_start3A_850] : memref<8192xf32, #tpu.memory_space<vmem>> -> memref<1024xf32, #tpu.memory_space<vmem>>
        %dma_start3A_852 = arith.constant 0 : i32
        %dma_start3A_853 = tpu.memref_slice %arg4[%add3A_780, %dma_start3A_849, %add3A_156, %dma_start3A_852] : memref<200x8x128x1024xf32, #tpu.memory_space<hbm>> -> memref<1x1x1x1024xf32, #tpu.memory_space<hbm>>
        %dma_start3A_854 = tpu.memref_squeeze %dma_start3A_853 : memref<1x1x1x1024xf32, #tpu.memory_space<hbm>> -> memref<1024xf32, #tpu.memory_space<hbm>>
        %dma_start3A_855 = arith.constant 0 : i32
        %dma_start3A_856 = tpu.memref_slice %arg4[%add3A_780, %dma_start3A_849, %add3A_156, %dma_start3A_855] : memref<200x8x128x1024xf32, #tpu.memory_space<hbm>> -> memref<1x1x1x1024xf32, #tpu.memory_space<hbm>>
        %dma_start3A_857 = tpu.memref_squeeze %dma_start3A_856 : memref<1x1x1x1024xf32, #tpu.memory_space<hbm>> -> memref<1024xf32, #tpu.memory_space<hbm>>
        %dma_start3A_858 = arith.constant 4096 : i32
        %dma_start3A_859 = tpu.memref_slice %arg11[%dma_start3A_858] : memref<8192xf32, #tpu.memory_space<vmem>> -> memref<1024xf32, #tpu.memory_space<vmem>>
        tpu.enqueue_dma source(%dma_start3A_859 : memref<1024xf32, #tpu.memory_space<vmem>>) target(%dma_start3A_857 : memref<1024xf32, #tpu.memory_space<hbm>>) target_semaphore(%arg17 : memref<!tpu.dma_semaphore, #tpu.memory_space<semaphore_mem>>)
        %dma_start3A_860 = arith.constant 5 : i32
        %dma_start3A_861 = arith.constant 5120 : i32
        %dma_start3A_862 = tpu.memref_slice %arg11[%dma_start3A_861] : memref<8192xf32, #tpu.memory_space<vmem>> -> memref<1024xf32, #tpu.memory_space<vmem>>
        %dma_start3A_863 = arith.constant 0 : i32
        %dma_start3A_864 = tpu.memref_slice %arg4[%add3A_780, %dma_start3A_860, %add3A_156, %dma_start3A_863] : memref<200x8x128x1024xf32, #tpu.memory_space<hbm>> -> memref<1x1x1x1024xf32, #tpu.memory_space<hbm>>
        %dma_start3A_865 = tpu.memref_squeeze %dma_start3A_864 : memref<1x1x1x1024xf32, #tpu.memory_space<hbm>> -> memref<1024xf32, #tpu.memory_space<hbm>>
        %dma_start3A_866 = arith.constant 0 : i32
        %dma_start3A_867 = tpu.memref_slice %arg4[%add3A_780, %dma_start3A_860, %add3A_156, %dma_start3A_866] : memref<200x8x128x1024xf32, #tpu.memory_space<hbm>> -> memref<1x1x1x1024xf32, #tpu.memory_space<hbm>>
        %dma_start3A_868 = tpu.memref_squeeze %dma_start3A_867 : memref<1x1x1x1024xf32, #tpu.memory_space<hbm>> -> memref<1024xf32, #tpu.memory_space<hbm>>
        %dma_start3A_869 = arith.constant 5120 : i32
        %dma_start3A_870 = tpu.memref_slice %arg11[%dma_start3A_869] : memref<8192xf32, #tpu.memory_space<vmem>> -> memref<1024xf32, #tpu.memory_space<vmem>>
        tpu.enqueue_dma source(%dma_start3A_870 : memref<1024xf32, #tpu.memory_space<vmem>>) target(%dma_start3A_868 : memref<1024xf32, #tpu.memory_space<hbm>>) target_semaphore(%arg17 : memref<!tpu.dma_semaphore, #tpu.memory_space<semaphore_mem>>)
        %dma_start3A_871 = arith.constant 6 : i32
        %dma_start3A_872 = arith.constant 6144 : i32
        %dma_start3A_873 = tpu.memref_slice %arg11[%dma_start3A_872] : memref<8192xf32, #tpu.memory_space<vmem>> -> memref<1024xf32, #tpu.memory_space<vmem>>
        %dma_start3A_874 = arith.constant 0 : i32
        %dma_start3A_875 = tpu.memref_slice %arg4[%add3A_780, %dma_start3A_871, %add3A_156, %dma_start3A_874] : memref<200x8x128x1024xf32, #tpu.memory_space<hbm>> -> memref<1x1x1x1024xf32, #tpu.memory_space<hbm>>
        %dma_start3A_876 = tpu.memref_squeeze %dma_start3A_875 : memref<1x1x1x1024xf32, #tpu.memory_space<hbm>> -> memref<1024xf32, #tpu.memory_space<hbm>>
        %dma_start3A_877 = arith.constant 0 : i32
        %dma_start3A_878 = tpu.memref_slice %arg4[%add3A_780, %dma_start3A_871, %add3A_156, %dma_start3A_877] : memref<200x8x128x1024xf32, #tpu.memory_space<hbm>> -> memref<1x1x1x1024xf32, #tpu.memory_space<hbm>>
        %dma_start3A_879 = tpu.memref_squeeze %dma_start3A_878 : memref<1x1x1x1024xf32, #tpu.memory_space<hbm>> -> memref<1024xf32, #tpu.memory_space<hbm>>
        %dma_start3A_880 = arith.constant 6144 : i32
        %dma_start3A_881 = tpu.memref_slice %arg11[%dma_start3A_880] : memref<8192xf32, #tpu.memory_space<vmem>> -> memref<1024xf32, #tpu.memory_space<vmem>>
        tpu.enqueue_dma source(%dma_start3A_881 : memref<1024xf32, #tpu.memory_space<vmem>>) target(%dma_start3A_879 : memref<1024xf32, #tpu.memory_space<hbm>>) target_semaphore(%arg17 : memref<!tpu.dma_semaphore, #tpu.memory_space<semaphore_mem>>)
        %dma_start3A_882 = arith.constant 7 : i32
        %dma_start3A_883 = arith.constant 7168 : i32
        %dma_start3A_884 = tpu.memref_slice %arg11[%dma_start3A_883] : memref<8192xf32, #tpu.memory_space<vmem>> -> memref<1024xf32, #tpu.memory_space<vmem>>
        %dma_start3A_885 = arith.constant 0 : i32
        %dma_start3A_886 = tpu.memref_slice %arg4[%add3A_780, %dma_start3A_882, %add3A_156, %dma_start3A_885] : memref<200x8x128x1024xf32, #tpu.memory_space<hbm>> -> memref<1x1x1x1024xf32, #tpu.memory_space<hbm>>
        %dma_start3A_887 = tpu.memref_squeeze %dma_start3A_886 : memref<1x1x1x1024xf32, #tpu.memory_space<hbm>> -> memref<1024xf32, #tpu.memory_space<hbm>>
        %dma_start3A_888 = arith.constant 0 : i32
        %dma_start3A_889 = tpu.memref_slice %arg4[%add3A_780, %dma_start3A_882, %add3A_156, %dma_start3A_888] : memref<200x8x128x1024xf32, #tpu.memory_space<hbm>> -> memref<1x1x1x1024xf32, #tpu.memory_space<hbm>>
        %dma_start3A_890 = tpu.memref_squeeze %dma_start3A_889 : memref<1x1x1x1024xf32, #tpu.memory_space<hbm>> -> memref<1024xf32, #tpu.memory_space<hbm>>
        %dma_start3A_891 = arith.constant 7168 : i32
        %dma_start3A_892 = tpu.memref_slice %arg11[%dma_start3A_891] : memref<8192xf32, #tpu.memory_space<vmem>> -> memref<1024xf32, #tpu.memory_space<vmem>>
        tpu.enqueue_dma source(%dma_start3A_892 : memref<1024xf32, #tpu.memory_space<vmem>>) target(%dma_start3A_890 : memref<1024xf32, #tpu.memory_space<hbm>>) target_semaphore(%arg17 : memref<!tpu.dma_semaphore, #tpu.memory_space<semaphore_mem>>)
        %add3A_893 = arith.constant 3 : i32
        %add3A_894 = arith.addi %mul3A_554, %add3A_893 : i32
        %add3A_895 = arith.constant 1 : i32
        %add3A_896 = arith.addi %add3A_894, %add3A_895 : i32
        %lt3A_897 = arith.constant 200 : i32
        %lt3A_898 = arith.cmpi slt, %add3A_896, %lt3A_897 : i32
        %convert_element_type3A_899 = arith.extui %lt3A_898 : i1 to i32
        %cond3A_900 = arith.constant 0 : i32
        %cond3A_901 = arith.cmpi ne, %convert_element_type3A_899, %cond3A_900 : i32
        scf.if %cond3A_901 {
          %add3A_1007 = arith.constant 1 : i32
          %add3A_1008 = arith.addi %add3A_894, %add3A_1007 : i32
          %dma_start3A_1009 = arith.constant 0 : i32
          %dma_start3A_1010 = tpu.memref_slice %arg6[%add3A_1008, %dma_start3A_1009] : memref<200x128xi32, #tpu.memory_space<vmem>> -> memref<1x128xi32, #tpu.memory_space<vmem>>
          %dma_start3A_1011 = tpu.memref_squeeze %dma_start3A_1010 : memref<1x128xi32, #tpu.memory_space<vmem>> -> memref<128xi32, #tpu.memory_space<vmem>>
          %dma_start3A_1012 = arith.constant 0 : i32
          %dma_start3A_1013 = arith.constant 0 : i32
          %dma_start3A_1014 = tpu.memref_slice %arg5[%dma_start3A_1012, %dma_start3A_1013] : memref<10000x64xf32, #tpu.memory_space<vmem_shared>> -> memref<10000x64xf32, #tpu.memory_space<vmem_shared>>
          tpu.enqueue_indirect_dma source(%dma_start3A_1014 : memref<10000x64xf32, #tpu.memory_space<vmem_shared>>) target(%arg7 : memref<128x64xf32, #tpu.memory_space<vmem>>) offsets(%dma_start3A_1011 : memref<128xi32, #tpu.memory_space<vmem>>) semaphore(%arg13 : memref<!tpu.dma_semaphore, #tpu.memory_space<semaphore_mem>>)
        } else {
        }
        %dma_wait3A_902 = arith.constant 0 : i32
        %dma_wait3A_903 = tpu.memref_slice %arg6[%add3A_894, %dma_wait3A_902] : memref<200x128xi32, #tpu.memory_space<vmem>> -> memref<1x128xi32, #tpu.memory_space<vmem>>
        %dma_wait3A_904 = tpu.memref_squeeze %dma_wait3A_903 : memref<1x128xi32, #tpu.memory_space<vmem>> -> memref<128xi32, #tpu.memory_space<vmem>>
        %dma_wait3A_905 = arith.constant 0 : i32
        %dma_wait3A_906 = arith.constant 0 : i32
        %dma_wait3A_907 = tpu.memref_slice %arg5[%dma_wait3A_905, %dma_wait3A_906] : memref<10000x64xf32, #tpu.memory_space<vmem_shared>> -> memref<10000x64xf32, #tpu.memory_space<vmem_shared>>
        tpu.wait_indirect_dma semaphore(%arg14 : memref<!tpu.dma_semaphore, #tpu.memory_space<semaphore_mem>>) src(%dma_wait3A_907 : memref<10000x64xf32, #tpu.memory_space<vmem_shared>>) dst(%arg8 : memref<128x64xf32, #tpu.memory_space<vmem>>)
        %ge3A_908 = arith.constant 1 : i32
        %ge3A_909 = arith.cmpi sge, %scan3A_552, %ge3A_908 : i32
        %convert_element_type3A_910 = arith.extui %ge3A_909 : i1 to i32
        %cond3A_911 = arith.constant 0 : i32
        %cond3A_912 = arith.cmpi ne, %convert_element_type3A_910, %cond3A_911 : i32
        scf.if %cond3A_912 {
          %sub3A = arith.constant 4 : i32
          %sub3A_1007 = arith.subi %add3A_894, %sub3A : i32
          %dma_wait3A_1008 = arith.constant 0 : i32
          %dma_wait3A_1009 = arith.constant 0 : i32
          %dma_wait3A_1010 = tpu.memref_slice %arg12[%dma_wait3A_1009] : memref<8192xf32, #tpu.memory_space<vmem>> -> memref<1024xf32, #tpu.memory_space<vmem>>
          %dma_wait3A_1011 = arith.constant 0 : i32
          %dma_wait3A_1012 = tpu.memref_slice %arg4[%sub3A_1007, %dma_wait3A_1008, %add3A_156, %dma_wait3A_1011] : memref<200x8x128x1024xf32, #tpu.memory_space<hbm>> -> memref<1x1x1x1024xf32, #tpu.memory_space<hbm>>
          %dma_wait3A_1013 = tpu.memref_squeeze %dma_wait3A_1012 : memref<1x1x1x1024xf32, #tpu.memory_space<hbm>> -> memref<1024xf32, #tpu.memory_space<hbm>>
          %dma_wait3A_1014 = arith.constant 0 : i32
          %dma_wait3A_1015 = tpu.memref_slice %arg4[%sub3A_1007, %dma_wait3A_1008, %add3A_156, %dma_wait3A_1014] : memref<200x8x128x1024xf32, #tpu.memory_space<hbm>> -> memref<1x1x1x1024xf32, #tpu.memory_space<hbm>>
          %dma_wait3A_1016 = tpu.memref_squeeze %dma_wait3A_1015 : memref<1x1x1x1024xf32, #tpu.memory_space<hbm>> -> memref<1024xf32, #tpu.memory_space<hbm>>
          %dma_wait3A_1017 = arith.constant 0 : i32
          %dma_wait3A_1018 = tpu.memref_slice %arg12[%dma_wait3A_1017] : memref<8192xf32, #tpu.memory_space<vmem>> -> memref<1024xf32, #tpu.memory_space<vmem>>
          tpu.wait_dma2 semaphore(%arg18 : memref<!tpu.dma_semaphore, #tpu.memory_space<semaphore_mem>>) src(%dma_wait3A_1018 : memref<1024xf32, #tpu.memory_space<vmem>>) dst(%dma_wait3A_1016 : memref<1024xf32, #tpu.memory_space<hbm>>)
          %dma_wait3A_1019 = arith.constant 1 : i32
          %dma_wait3A_1020 = arith.constant 1024 : i32
          %dma_wait3A_1021 = tpu.memref_slice %arg12[%dma_wait3A_1020] : memref<8192xf32, #tpu.memory_space<vmem>> -> memref<1024xf32, #tpu.memory_space<vmem>>
          %dma_wait3A_1022 = arith.constant 0 : i32
          %dma_wait3A_1023 = tpu.memref_slice %arg4[%sub3A_1007, %dma_wait3A_1019, %add3A_156, %dma_wait3A_1022] : memref<200x8x128x1024xf32, #tpu.memory_space<hbm>> -> memref<1x1x1x1024xf32, #tpu.memory_space<hbm>>
          %dma_wait3A_1024 = tpu.memref_squeeze %dma_wait3A_1023 : memref<1x1x1x1024xf32, #tpu.memory_space<hbm>> -> memref<1024xf32, #tpu.memory_space<hbm>>
          %dma_wait3A_1025 = arith.constant 0 : i32
          %dma_wait3A_1026 = tpu.memref_slice %arg4[%sub3A_1007, %dma_wait3A_1019, %add3A_156, %dma_wait3A_1025] : memref<200x8x128x1024xf32, #tpu.memory_space<hbm>> -> memref<1x1x1x1024xf32, #tpu.memory_space<hbm>>
          %dma_wait3A_1027 = tpu.memref_squeeze %dma_wait3A_1026 : memref<1x1x1x1024xf32, #tpu.memory_space<hbm>> -> memref<1024xf32, #tpu.memory_space<hbm>>
          %dma_wait3A_1028 = arith.constant 1024 : i32
          %dma_wait3A_1029 = tpu.memref_slice %arg12[%dma_wait3A_1028] : memref<8192xf32, #tpu.memory_space<vmem>> -> memref<1024xf32, #tpu.memory_space<vmem>>
          tpu.wait_dma2 semaphore(%arg18 : memref<!tpu.dma_semaphore, #tpu.memory_space<semaphore_mem>>) src(%dma_wait3A_1029 : memref<1024xf32, #tpu.memory_space<vmem>>) dst(%dma_wait3A_1027 : memref<1024xf32, #tpu.memory_space<hbm>>)
          %dma_wait3A_1030 = arith.constant 2 : i32
          %dma_wait3A_1031 = arith.constant 2048 : i32
          %dma_wait3A_1032 = tpu.memref_slice %arg12[%dma_wait3A_1031] : memref<8192xf32, #tpu.memory_space<vmem>> -> memref<1024xf32, #tpu.memory_space<vmem>>
          %dma_wait3A_1033 = arith.constant 0 : i32
          %dma_wait3A_1034 = tpu.memref_slice %arg4[%sub3A_1007, %dma_wait3A_1030, %add3A_156, %dma_wait3A_1033] : memref<200x8x128x1024xf32, #tpu.memory_space<hbm>> -> memref<1x1x1x1024xf32, #tpu.memory_space<hbm>>
          %dma_wait3A_1035 = tpu.memref_squeeze %dma_wait3A_1034 : memref<1x1x1x1024xf32, #tpu.memory_space<hbm>> -> memref<1024xf32, #tpu.memory_space<hbm>>
          %dma_wait3A_1036 = arith.constant 0 : i32
          %dma_wait3A_1037 = tpu.memref_slice %arg4[%sub3A_1007, %dma_wait3A_1030, %add3A_156, %dma_wait3A_1036] : memref<200x8x128x1024xf32, #tpu.memory_space<hbm>> -> memref<1x1x1x1024xf32, #tpu.memory_space<hbm>>
          %dma_wait3A_1038 = tpu.memref_squeeze %dma_wait3A_1037 : memref<1x1x1x1024xf32, #tpu.memory_space<hbm>> -> memref<1024xf32, #tpu.memory_space<hbm>>
          %dma_wait3A_1039 = arith.constant 2048 : i32
          %dma_wait3A_1040 = tpu.memref_slice %arg12[%dma_wait3A_1039] : memref<8192xf32, #tpu.memory_space<vmem>> -> memref<1024xf32, #tpu.memory_space<vmem>>
          tpu.wait_dma2 semaphore(%arg18 : memref<!tpu.dma_semaphore, #tpu.memory_space<semaphore_mem>>) src(%dma_wait3A_1040 : memref<1024xf32, #tpu.memory_space<vmem>>) dst(%dma_wait3A_1038 : memref<1024xf32, #tpu.memory_space<hbm>>)
          %dma_wait3A_1041 = arith.constant 3 : i32
          %dma_wait3A_1042 = arith.constant 3072 : i32
          %dma_wait3A_1043 = tpu.memref_slice %arg12[%dma_wait3A_1042] : memref<8192xf32, #tpu.memory_space<vmem>> -> memref<1024xf32, #tpu.memory_space<vmem>>
          %dma_wait3A_1044 = arith.constant 0 : i32
          %dma_wait3A_1045 = tpu.memref_slice %arg4[%sub3A_1007, %dma_wait3A_1041, %add3A_156, %dma_wait3A_1044] : memref<200x8x128x1024xf32, #tpu.memory_space<hbm>> -> memref<1x1x1x1024xf32, #tpu.memory_space<hbm>>
          %dma_wait3A_1046 = tpu.memref_squeeze %dma_wait3A_1045 : memref<1x1x1x1024xf32, #tpu.memory_space<hbm>> -> memref<1024xf32, #tpu.memory_space<hbm>>
          %dma_wait3A_1047 = arith.constant 0 : i32
          %dma_wait3A_1048 = tpu.memref_slice %arg4[%sub3A_1007, %dma_wait3A_1041, %add3A_156, %dma_wait3A_1047] : memref<200x8x128x1024xf32, #tpu.memory_space<hbm>> -> memref<1x1x1x1024xf32, #tpu.memory_space<hbm>>
          %dma_wait3A_1049 = tpu.memref_squeeze %dma_wait3A_1048 : memref<1x1x1x1024xf32, #tpu.memory_space<hbm>> -> memref<1024xf32, #tpu.memory_space<hbm>>
          %dma_wait3A_1050 = arith.constant 3072 : i32
          %dma_wait3A_1051 = tpu.memref_slice %arg12[%dma_wait3A_1050] : memref<8192xf32, #tpu.memory_space<vmem>> -> memref<1024xf32, #tpu.memory_space<vmem>>
          tpu.wait_dma2 semaphore(%arg18 : memref<!tpu.dma_semaphore, #tpu.memory_space<semaphore_mem>>) src(%dma_wait3A_1051 : memref<1024xf32, #tpu.memory_space<vmem>>) dst(%dma_wait3A_1049 : memref<1024xf32, #tpu.memory_space<hbm>>)
          %dma_wait3A_1052 = arith.constant 4 : i32
          %dma_wait3A_1053 = arith.constant 4096 : i32
          %dma_wait3A_1054 = tpu.memref_slice %arg12[%dma_wait3A_1053] : memref<8192xf32, #tpu.memory_space<vmem>> -> memref<1024xf32, #tpu.memory_space<vmem>>
          %dma_wait3A_1055 = arith.constant 0 : i32
          %dma_wait3A_1056 = tpu.memref_slice %arg4[%sub3A_1007, %dma_wait3A_1052, %add3A_156, %dma_wait3A_1055] : memref<200x8x128x1024xf32, #tpu.memory_space<hbm>> -> memref<1x1x1x1024xf32, #tpu.memory_space<hbm>>
          %dma_wait3A_1057 = tpu.memref_squeeze %dma_wait3A_1056 : memref<1x1x1x1024xf32, #tpu.memory_space<hbm>> -> memref<1024xf32, #tpu.memory_space<hbm>>
          %dma_wait3A_1058 = arith.constant 0 : i32
          %dma_wait3A_1059 = tpu.memref_slice %arg4[%sub3A_1007, %dma_wait3A_1052, %add3A_156, %dma_wait3A_1058] : memref<200x8x128x1024xf32, #tpu.memory_space<hbm>> -> memref<1x1x1x1024xf32, #tpu.memory_space<hbm>>
          %dma_wait3A_1060 = tpu.memref_squeeze %dma_wait3A_1059 : memref<1x1x1x1024xf32, #tpu.memory_space<hbm>> -> memref<1024xf32, #tpu.memory_space<hbm>>
          %dma_wait3A_1061 = arith.constant 4096 : i32
          %dma_wait3A_1062 = tpu.memref_slice %arg12[%dma_wait3A_1061] : memref<8192xf32, #tpu.memory_space<vmem>> -> memref<1024xf32, #tpu.memory_space<vmem>>
          tpu.wait_dma2 semaphore(%arg18 : memref<!tpu.dma_semaphore, #tpu.memory_space<semaphore_mem>>) src(%dma_wait3A_1062 : memref<1024xf32, #tpu.memory_space<vmem>>) dst(%dma_wait3A_1060 : memref<1024xf32, #tpu.memory_space<hbm>>)
          %dma_wait3A_1063 = arith.constant 5 : i32
          %dma_wait3A_1064 = arith.constant 5120 : i32
          %dma_wait3A_1065 = tpu.memref_slice %arg12[%dma_wait3A_1064] : memref<8192xf32, #tpu.memory_space<vmem>> -> memref<1024xf32, #tpu.memory_space<vmem>>
          %dma_wait3A_1066 = arith.constant 0 : i32
          %dma_wait3A_1067 = tpu.memref_slice %arg4[%sub3A_1007, %dma_wait3A_1063, %add3A_156, %dma_wait3A_1066] : memref<200x8x128x1024xf32, #tpu.memory_space<hbm>> -> memref<1x1x1x1024xf32, #tpu.memory_space<hbm>>
          %dma_wait3A_1068 = tpu.memref_squeeze %dma_wait3A_1067 : memref<1x1x1x1024xf32, #tpu.memory_space<hbm>> -> memref<1024xf32, #tpu.memory_space<hbm>>
          %dma_wait3A_1069 = arith.constant 0 : i32
          %dma_wait3A_1070 = tpu.memref_slice %arg4[%sub3A_1007, %dma_wait3A_1063, %add3A_156, %dma_wait3A_1069] : memref<200x8x128x1024xf32, #tpu.memory_space<hbm>> -> memref<1x1x1x1024xf32, #tpu.memory_space<hbm>>
          %dma_wait3A_1071 = tpu.memref_squeeze %dma_wait3A_1070 : memref<1x1x1x1024xf32, #tpu.memory_space<hbm>> -> memref<1024xf32, #tpu.memory_space<hbm>>
          %dma_wait3A_1072 = arith.constant 5120 : i32
          %dma_wait3A_1073 = tpu.memref_slice %arg12[%dma_wait3A_1072] : memref<8192xf32, #tpu.memory_space<vmem>> -> memref<1024xf32, #tpu.memory_space<vmem>>
          tpu.wait_dma2 semaphore(%arg18 : memref<!tpu.dma_semaphore, #tpu.memory_space<semaphore_mem>>) src(%dma_wait3A_1073 : memref<1024xf32, #tpu.memory_space<vmem>>) dst(%dma_wait3A_1071 : memref<1024xf32, #tpu.memory_space<hbm>>)
          %dma_wait3A_1074 = arith.constant 6 : i32
          %dma_wait3A_1075 = arith.constant 6144 : i32
          %dma_wait3A_1076 = tpu.memref_slice %arg12[%dma_wait3A_1075] : memref<8192xf32, #tpu.memory_space<vmem>> -> memref<1024xf32, #tpu.memory_space<vmem>>
          %dma_wait3A_1077 = arith.constant 0 : i32
          %dma_wait3A_1078 = tpu.memref_slice %arg4[%sub3A_1007, %dma_wait3A_1074, %add3A_156, %dma_wait3A_1077] : memref<200x8x128x1024xf32, #tpu.memory_space<hbm>> -> memref<1x1x1x1024xf32, #tpu.memory_space<hbm>>
          %dma_wait3A_1079 = tpu.memref_squeeze %dma_wait3A_1078 : memref<1x1x1x1024xf32, #tpu.memory_space<hbm>> -> memref<1024xf32, #tpu.memory_space<hbm>>
          %dma_wait3A_1080 = arith.constant 0 : i32
          %dma_wait3A_1081 = tpu.memref_slice %arg4[%sub3A_1007, %dma_wait3A_1074, %add3A_156, %dma_wait3A_1080] : memref<200x8x128x1024xf32, #tpu.memory_space<hbm>> -> memref<1x1x1x1024xf32, #tpu.memory_space<hbm>>
          %dma_wait3A_1082 = tpu.memref_squeeze %dma_wait3A_1081 : memref<1x1x1x1024xf32, #tpu.memory_space<hbm>> -> memref<1024xf32, #tpu.memory_space<hbm>>
          %dma_wait3A_1083 = arith.constant 6144 : i32
          %dma_wait3A_1084 = tpu.memref_slice %arg12[%dma_wait3A_1083] : memref<8192xf32, #tpu.memory_space<vmem>> -> memref<1024xf32, #tpu.memory_space<vmem>>
          tpu.wait_dma2 semaphore(%arg18 : memref<!tpu.dma_semaphore, #tpu.memory_space<semaphore_mem>>) src(%dma_wait3A_1084 : memref<1024xf32, #tpu.memory_space<vmem>>) dst(%dma_wait3A_1082 : memref<1024xf32, #tpu.memory_space<hbm>>)
          %dma_wait3A_1085 = arith.constant 7 : i32
          %dma_wait3A_1086 = arith.constant 7168 : i32
          %dma_wait3A_1087 = tpu.memref_slice %arg12[%dma_wait3A_1086] : memref<8192xf32, #tpu.memory_space<vmem>> -> memref<1024xf32, #tpu.memory_space<vmem>>
          %dma_wait3A_1088 = arith.constant 0 : i32
          %dma_wait3A_1089 = tpu.memref_slice %arg4[%sub3A_1007, %dma_wait3A_1085, %add3A_156, %dma_wait3A_1088] : memref<200x8x128x1024xf32, #tpu.memory_space<hbm>> -> memref<1x1x1x1024xf32, #tpu.memory_space<hbm>>
          %dma_wait3A_1090 = tpu.memref_squeeze %dma_wait3A_1089 : memref<1x1x1x1024xf32, #tpu.memory_space<hbm>> -> memref<1024xf32, #tpu.memory_space<hbm>>
          %dma_wait3A_1091 = arith.constant 0 : i32
          %dma_wait3A_1092 = tpu.memref_slice %arg4[%sub3A_1007, %dma_wait3A_1085, %add3A_156, %dma_wait3A_1091] : memref<200x8x128x1024xf32, #tpu.memory_space<hbm>> -> memref<1x1x1x1024xf32, #tpu.memory_space<hbm>>
          %dma_wait3A_1093 = tpu.memref_squeeze %dma_wait3A_1092 : memref<1x1x1x1024xf32, #tpu.memory_space<hbm>> -> memref<1024xf32, #tpu.memory_space<hbm>>
          %dma_wait3A_1094 = arith.constant 7168 : i32
          %dma_wait3A_1095 = tpu.memref_slice %arg12[%dma_wait3A_1094] : memref<8192xf32, #tpu.memory_space<vmem>> -> memref<1024xf32, #tpu.memory_space<vmem>>
          tpu.wait_dma2 semaphore(%arg18 : memref<!tpu.dma_semaphore, #tpu.memory_space<semaphore_mem>>) src(%dma_wait3A_1095 : memref<1024xf32, #tpu.memory_space<vmem>>) dst(%dma_wait3A_1093 : memref<1024xf32, #tpu.memory_space<hbm>>)
        } else {
        }
        %scan3A_913 = arith.constant 0 : i32
        %scan3A_914 = arith.constant 0 : i32
        %scan3A_915 = arith.constant 8 : i32
        %scan3A_916 = arith.addi %scan3A_914, %scan3A_915 : i32
        %scan3A_917 = arith.constant 1 : i32
        scf.for %scan3A_1007 = %scan3A_914 to %scan3A_916 step %scan3A_917  : i32 {
          %mul3A_1008 = arith.constant 16 : i32
          %mul3A_1009 = arith.muli %scan3A_1007, %mul3A_1008 : i32
          %add3A_1010 = vector.broadcast %mul3A_1009 : i32 to vector<16xi32>
          %add3A_1011 = arith.addi %iota3A, %add3A_1010 : vector<16xi32>
          %mul3A_1012 = arith.constant 16 : i32
          %mul3A_1013 = arith.muli %scan3A_1007, %mul3A_1012 : i32
          %scan3A_1014 = arith.constant 0 : i32
          %scan3A_1015 = arith.constant 4 : i32
          %scan3A_1016 = arith.addi %scan3A_1014, %scan3A_1015 : i32
          %scan3A_1017 = arith.constant 1 : i32
          scf.for %scan3A_1019 = %scan3A_1014 to %scan3A_1016 step %scan3A_1017  : i32 {
            %mul3A_1020 = arith.constant 16 : i32
            %mul3A_1021 = arith.muli %scan3A_1019, %mul3A_1020 : i32
            %mul3A_1022 = arith.constant 128 : i32
            %mul3A_1023 = arith.muli %mul3A_1021, %mul3A_1022 : i32
            %add3A_1024 = arith.addi %mul3A_1023, %mul3A_1013 : i32
            %add3A_1025 = vector.broadcast %add3A_1024 : i32 to vector<16xi32>
            %add3A_1026 = arith.addi %iota3A, %add3A_1025 : vector<16xi32>
            %add3A_1027 = vector.broadcast %mul3A_1021 : i32 to vector<16xi32>
            %add3A_1028 = arith.addi %and3A_9, %add3A_1027 : vector<16xi32>
            %gather3A = tpu.vector_load_idx %arg8[%add3A_1011, %add3A_1028] : memref<128x64xf32, #tpu.memory_space<vmem>>[vector<16xi32>, vector<16xi32>], vector<16xf32>,
            %add3A_1029 = vector.broadcast %mul3A_1021 : i32 to vector<16xi32>
            %add3A_1030 = arith.addi %and3A_15, %add3A_1029 : vector<16xi32>
            %gather3A_1031 = tpu.vector_load_idx %arg8[%add3A_1011, %add3A_1030] : memref<128x64xf32, #tpu.memory_space<vmem>>[vector<16xi32>, vector<16xi32>], vector<16xf32>,
            %add3A_1032 = vector.broadcast %mul3A_1021 : i32 to vector<16xi32>
            %add3A_1033 = arith.addi %and3A_21, %add3A_1032 : vector<16xi32>
            %gather3A_1034 = tpu.vector_load_idx %arg8[%add3A_1011, %add3A_1033] : memref<128x64xf32, #tpu.memory_space<vmem>>[vector<16xi32>, vector<16xi32>], vector<16xf32>,
            %add3A_1035 = vector.broadcast %mul3A_1021 : i32 to vector<16xi32>
            %add3A_1036 = arith.addi %and3A_27, %add3A_1035 : vector<16xi32>
            %gather3A_1037 = tpu.vector_load_idx %arg8[%add3A_1011, %add3A_1036] : memref<128x64xf32, #tpu.memory_space<vmem>>[vector<16xi32>, vector<16xi32>], vector<16xf32>,
            %add3A_1038 = vector.broadcast %mul3A_1021 : i32 to vector<16xi32>
            %add3A_1039 = arith.addi %and3A_33, %add3A_1038 : vector<16xi32>
            %gather3A_1040 = tpu.vector_load_idx %arg8[%add3A_1011, %add3A_1039] : memref<128x64xf32, #tpu.memory_space<vmem>>[vector<16xi32>, vector<16xi32>], vector<16xf32>,
            %add3A_1041 = vector.broadcast %mul3A_1021 : i32 to vector<16xi32>
            %add3A_1042 = arith.addi %and3A_39, %add3A_1041 : vector<16xi32>
            %gather3A_1043 = tpu.vector_load_idx %arg8[%add3A_1011, %add3A_1042] : memref<128x64xf32, #tpu.memory_space<vmem>>[vector<16xi32>, vector<16xi32>], vector<16xf32>,
            %add3A_1044 = vector.broadcast %mul3A_1021 : i32 to vector<16xi32>
            %add3A_1045 = arith.addi %and3A_45, %add3A_1044 : vector<16xi32>
            %gather3A_1046 = tpu.vector_load_idx %arg8[%add3A_1011, %add3A_1045] : memref<128x64xf32, #tpu.memory_space<vmem>>[vector<16xi32>, vector<16xi32>], vector<16xf32>,
            %add3A_1047 = vector.broadcast %mul3A_1021 : i32 to vector<16xi32>
            %add3A_1048 = arith.addi %and3A_51, %add3A_1047 : vector<16xi32>
            %gather3A_1049 = tpu.vector_load_idx %arg8[%add3A_1011, %add3A_1048] : memref<128x64xf32, #tpu.memory_space<vmem>>[vector<16xi32>, vector<16xi32>], vector<16xf32>,
            %add3A_1050 = arith.addi %add3A_1026, %mul3A_102 : vector<16xi32>
            tpu.vector_store_idx %arg12[%add3A_1050], %gather3A : memref<8192xf32, #tpu.memory_space<vmem>>[vector<16xi32>], vector<16xf32>,
            %add3A_1051 = arith.addi %add3A_1026, %mul3A_105 : vector<16xi32>
            tpu.vector_store_idx %arg12[%add3A_1051], %gather3A_1031 : memref<8192xf32, #tpu.memory_space<vmem>>[vector<16xi32>], vector<16xf32>,
            %add3A_1052 = arith.addi %add3A_1026, %mul3A_108 : vector<16xi32>
            tpu.vector_store_idx %arg12[%add3A_1052], %gather3A_1034 : memref<8192xf32, #tpu.memory_space<vmem>>[vector<16xi32>], vector<16xf32>,
            %add3A_1053 = arith.addi %add3A_1026, %mul3A_111 : vector<16xi32>
            tpu.vector_store_idx %arg12[%add3A_1053], %gather3A_1037 : memref<8192xf32, #tpu.memory_space<vmem>>[vector<16xi32>], vector<16xf32>,
            %add3A_1054 = arith.addi %add3A_1026, %mul3A_114 : vector<16xi32>
            tpu.vector_store_idx %arg12[%add3A_1054], %gather3A_1040 : memref<8192xf32, #tpu.memory_space<vmem>>[vector<16xi32>], vector<16xf32>,
            %add3A_1055 = arith.addi %add3A_1026, %mul3A_117 : vector<16xi32>
            tpu.vector_store_idx %arg12[%add3A_1055], %gather3A_1043 : memref<8192xf32, #tpu.memory_space<vmem>>[vector<16xi32>], vector<16xf32>,
            %add3A_1056 = arith.addi %add3A_1026, %mul3A_120 : vector<16xi32>
            tpu.vector_store_idx %arg12[%add3A_1056], %gather3A_1046 : memref<8192xf32, #tpu.memory_space<vmem>>[vector<16xi32>], vector<16xf32>,
            %add3A_1057 = arith.addi %add3A_1026, %mul3A_123 : vector<16xi32>
            tpu.vector_store_idx %arg12[%add3A_1057], %gather3A_1049 : memref<8192xf32, #tpu.memory_space<vmem>>[vector<16xi32>], vector<16xf32>,
            %add3A_1058 = vector.broadcast %mul3A_1021 : i32 to vector<16xi32>
            %add3A_1059 = arith.addi %and3A_57, %add3A_1058 : vector<16xi32>
            %gather3A_1060 = tpu.vector_load_idx %arg8[%add3A_1011, %add3A_1059] : memref<128x64xf32, #tpu.memory_space<vmem>>[vector<16xi32>, vector<16xi32>], vector<16xf32>,
            %add3A_1061 = vector.broadcast %mul3A_1021 : i32 to vector<16xi32>
            %add3A_1062 = arith.addi %and3A_63, %add3A_1061 : vector<16xi32>
            %gather3A_1063 = tpu.vector_load_idx %arg8[%add3A_1011, %add3A_1062] : memref<128x64xf32, #tpu.memory_space<vmem>>[vector<16xi32>, vector<16xi32>], vector<16xf32>,
            %add3A_1064 = vector.broadcast %mul3A_1021 : i32 to vector<16xi32>
            %add3A_1065 = arith.addi %and3A_69, %add3A_1064 : vector<16xi32>
            %gather3A_1066 = tpu.vector_load_idx %arg8[%add3A_1011, %add3A_1065] : memref<128x64xf32, #tpu.memory_space<vmem>>[vector<16xi32>, vector<16xi32>], vector<16xf32>,
            %add3A_1067 = vector.broadcast %mul3A_1021 : i32 to vector<16xi32>
            %add3A_1068 = arith.addi %and3A_75, %add3A_1067 : vector<16xi32>
            %gather3A_1069 = tpu.vector_load_idx %arg8[%add3A_1011, %add3A_1068] : memref<128x64xf32, #tpu.memory_space<vmem>>[vector<16xi32>, vector<16xi32>], vector<16xf32>,
            %add3A_1070 = vector.broadcast %mul3A_1021 : i32 to vector<16xi32>
            %add3A_1071 = arith.addi %and3A_81, %add3A_1070 : vector<16xi32>
            %gather3A_1072 = tpu.vector_load_idx %arg8[%add3A_1011, %add3A_1071] : memref<128x64xf32, #tpu.memory_space<vmem>>[vector<16xi32>, vector<16xi32>], vector<16xf32>,
            %add3A_1073 = vector.broadcast %mul3A_1021 : i32 to vector<16xi32>
            %add3A_1074 = arith.addi %and3A_87, %add3A_1073 : vector<16xi32>
            %gather3A_1075 = tpu.vector_load_idx %arg8[%add3A_1011, %add3A_1074] : memref<128x64xf32, #tpu.memory_space<vmem>>[vector<16xi32>, vector<16xi32>], vector<16xf32>,
            %add3A_1076 = vector.broadcast %mul3A_1021 : i32 to vector<16xi32>
            %add3A_1077 = arith.addi %and3A_93, %add3A_1076 : vector<16xi32>
            %gather3A_1078 = tpu.vector_load_idx %arg8[%add3A_1011, %add3A_1077] : memref<128x64xf32, #tpu.memory_space<vmem>>[vector<16xi32>, vector<16xi32>], vector<16xf32>,
            %add3A_1079 = vector.broadcast %mul3A_1021 : i32 to vector<16xi32>
            %add3A_1080 = arith.addi %and3A_99, %add3A_1079 : vector<16xi32>
            %gather3A_1081 = tpu.vector_load_idx %arg8[%add3A_1011, %add3A_1080] : memref<128x64xf32, #tpu.memory_space<vmem>>[vector<16xi32>, vector<16xi32>], vector<16xf32>,
            %add3A_1082 = arith.addi %add3A_1026, %mul3A_126 : vector<16xi32>
            tpu.vector_store_idx %arg12[%add3A_1082], %gather3A_1060 : memref<8192xf32, #tpu.memory_space<vmem>>[vector<16xi32>], vector<16xf32>,
            %add3A_1083 = arith.addi %add3A_1026, %mul3A_129 : vector<16xi32>
            tpu.vector_store_idx %arg12[%add3A_1083], %gather3A_1063 : memref<8192xf32, #tpu.memory_space<vmem>>[vector<16xi32>], vector<16xf32>,
            %add3A_1084 = arith.addi %add3A_1026, %mul3A_132 : vector<16xi32>
            tpu.vector_store_idx %arg12[%add3A_1084], %gather3A_1066 : memref<8192xf32, #tpu.memory_space<vmem>>[vector<16xi32>], vector<16xf32>,
            %add3A_1085 = arith.addi %add3A_1026, %mul3A_135 : vector<16xi32>
            tpu.vector_store_idx %arg12[%add3A_1085], %gather3A_1069 : memref<8192xf32, #tpu.memory_space<vmem>>[vector<16xi32>], vector<16xf32>,
            %add3A_1086 = arith.addi %add3A_1026, %mul3A_138 : vector<16xi32>
            tpu.vector_store_idx %arg12[%add3A_1086], %gather3A_1072 : memref<8192xf32, #tpu.memory_space<vmem>>[vector<16xi32>], vector<16xf32>,
            %add3A_1087 = arith.addi %add3A_1026, %mul3A_141 : vector<16xi32>
            tpu.vector_store_idx %arg12[%add3A_1087], %gather3A_1075 : memref<8192xf32, #tpu.memory_space<vmem>>[vector<16xi32>], vector<16xf32>,
            %add3A_1088 = arith.addi %add3A_1026, %mul3A_144 : vector<16xi32>
            tpu.vector_store_idx %arg12[%add3A_1088], %gather3A_1078 : memref<8192xf32, #tpu.memory_space<vmem>>[vector<16xi32>], vector<16xf32>,
            %add3A_1089 = arith.addi %add3A_1026, %mul3A_147 : vector<16xi32>
            tpu.vector_store_idx %arg12[%add3A_1089], %gather3A_1081 : memref<8192xf32, #tpu.memory_space<vmem>>[vector<16xi32>], vector<16xf32>,
          }
          %scan3A_1018 = arith.constant 4 : i32
        }
        %scan3A_918 = arith.constant 8 : i32
        %dma_start3A_919 = arith.constant 0 : i32
        %dma_start3A_920 = arith.constant 0 : i32
        %dma_start3A_921 = tpu.memref_slice %arg12[%dma_start3A_920] : memref<8192xf32, #tpu.memory_space<vmem>> -> memref<1024xf32, #tpu.memory_space<vmem>>
        %dma_start3A_922 = arith.constant 0 : i32
        %dma_start3A_923 = tpu.memref_slice %arg4[%add3A_894, %dma_start3A_919, %add3A_156, %dma_start3A_922] : memref<200x8x128x1024xf32, #tpu.memory_space<hbm>> -> memref<1x1x1x1024xf32, #tpu.memory_space<hbm>>
        %dma_start3A_924 = tpu.memref_squeeze %dma_start3A_923 : memref<1x1x1x1024xf32, #tpu.memory_space<hbm>> -> memref<1024xf32, #tpu.memory_space<hbm>>
        %dma_start3A_925 = arith.constant 0 : i32
        %dma_start3A_926 = tpu.memref_slice %arg4[%add3A_894, %dma_start3A_919, %add3A_156, %dma_start3A_925] : memref<200x8x128x1024xf32, #tpu.memory_space<hbm>> -> memref<1x1x1x1024xf32, #tpu.memory_space<hbm>>
        %dma_start3A_927 = tpu.memref_squeeze %dma_start3A_926 : memref<1x1x1x1024xf32, #tpu.memory_space<hbm>> -> memref<1024xf32, #tpu.memory_space<hbm>>
        %dma_start3A_928 = arith.constant 0 : i32
        %dma_start3A_929 = tpu.memref_slice %arg12[%dma_start3A_928] : memref<8192xf32, #tpu.memory_space<vmem>> -> memref<1024xf32, #tpu.memory_space<vmem>>
        tpu.enqueue_dma source(%dma_start3A_929 : memref<1024xf32, #tpu.memory_space<vmem>>) target(%dma_start3A_927 : memref<1024xf32, #tpu.memory_space<hbm>>) target_semaphore(%arg18 : memref<!tpu.dma_semaphore, #tpu.memory_space<semaphore_mem>>)
        %dma_start3A_930 = arith.constant 1 : i32
        %dma_start3A_931 = arith.constant 1024 : i32
        %dma_start3A_932 = tpu.memref_slice %arg12[%dma_start3A_931] : memref<8192xf32, #tpu.memory_space<vmem>> -> memref<1024xf32, #tpu.memory_space<vmem>>
        %dma_start3A_933 = arith.constant 0 : i32
        %dma_start3A_934 = tpu.memref_slice %arg4[%add3A_894, %dma_start3A_930, %add3A_156, %dma_start3A_933] : memref<200x8x128x1024xf32, #tpu.memory_space<hbm>> -> memref<1x1x1x1024xf32, #tpu.memory_space<hbm>>
        %dma_start3A_935 = tpu.memref_squeeze %dma_start3A_934 : memref<1x1x1x1024xf32, #tpu.memory_space<hbm>> -> memref<1024xf32, #tpu.memory_space<hbm>>
        %dma_start3A_936 = arith.constant 0 : i32
        %dma_start3A_937 = tpu.memref_slice %arg4[%add3A_894, %dma_start3A_930, %add3A_156, %dma_start3A_936] : memref<200x8x128x1024xf32, #tpu.memory_space<hbm>> -> memref<1x1x1x1024xf32, #tpu.memory_space<hbm>>
        %dma_start3A_938 = tpu.memref_squeeze %dma_start3A_937 : memref<1x1x1x1024xf32, #tpu.memory_space<hbm>> -> memref<1024xf32, #tpu.memory_space<hbm>>
        %dma_start3A_939 = arith.constant 1024 : i32
        %dma_start3A_940 = tpu.memref_slice %arg12[%dma_start3A_939] : memref<8192xf32, #tpu.memory_space<vmem>> -> memref<1024xf32, #tpu.memory_space<vmem>>
        tpu.enqueue_dma source(%dma_start3A_940 : memref<1024xf32, #tpu.memory_space<vmem>>) target(%dma_start3A_938 : memref<1024xf32, #tpu.memory_space<hbm>>) target_semaphore(%arg18 : memref<!tpu.dma_semaphore, #tpu.memory_space<semaphore_mem>>)
        %dma_start3A_941 = arith.constant 2 : i32
        %dma_start3A_942 = arith.constant 2048 : i32
        %dma_start3A_943 = tpu.memref_slice %arg12[%dma_start3A_942] : memref<8192xf32, #tpu.memory_space<vmem>> -> memref<1024xf32, #tpu.memory_space<vmem>>
        %dma_start3A_944 = arith.constant 0 : i32
        %dma_start3A_945 = tpu.memref_slice %arg4[%add3A_894, %dma_start3A_941, %add3A_156, %dma_start3A_944] : memref<200x8x128x1024xf32, #tpu.memory_space<hbm>> -> memref<1x1x1x1024xf32, #tpu.memory_space<hbm>>
        %dma_start3A_946 = tpu.memref_squeeze %dma_start3A_945 : memref<1x1x1x1024xf32, #tpu.memory_space<hbm>> -> memref<1024xf32, #tpu.memory_space<hbm>>
        %dma_start3A_947 = arith.constant 0 : i32
        %dma_start3A_948 = tpu.memref_slice %arg4[%add3A_894, %dma_start3A_941, %add3A_156, %dma_start3A_947] : memref<200x8x128x1024xf32, #tpu.memory_space<hbm>> -> memref<1x1x1x1024xf32, #tpu.memory_space<hbm>>
        %dma_start3A_949 = tpu.memref_squeeze %dma_start3A_948 : memref<1x1x1x1024xf32, #tpu.memory_space<hbm>> -> memref<1024xf32, #tpu.memory_space<hbm>>
        %dma_start3A_950 = arith.constant 2048 : i32
        %dma_start3A_951 = tpu.memref_slice %arg12[%dma_start3A_950] : memref<8192xf32, #tpu.memory_space<vmem>> -> memref<1024xf32, #tpu.memory_space<vmem>>
        tpu.enqueue_dma source(%dma_start3A_951 : memref<1024xf32, #tpu.memory_space<vmem>>) target(%dma_start3A_949 : memref<1024xf32, #tpu.memory_space<hbm>>) target_semaphore(%arg18 : memref<!tpu.dma_semaphore, #tpu.memory_space<semaphore_mem>>)
        %dma_start3A_952 = arith.constant 3 : i32
        %dma_start3A_953 = arith.constant 3072 : i32
        %dma_start3A_954 = tpu.memref_slice %arg12[%dma_start3A_953] : memref<8192xf32, #tpu.memory_space<vmem>> -> memref<1024xf32, #tpu.memory_space<vmem>>
        %dma_start3A_955 = arith.constant 0 : i32
        %dma_start3A_956 = tpu.memref_slice %arg4[%add3A_894, %dma_start3A_952, %add3A_156, %dma_start3A_955] : memref<200x8x128x1024xf32, #tpu.memory_space<hbm>> -> memref<1x1x1x1024xf32, #tpu.memory_space<hbm>>
        %dma_start3A_957 = tpu.memref_squeeze %dma_start3A_956 : memref<1x1x1x1024xf32, #tpu.memory_space<hbm>> -> memref<1024xf32, #tpu.memory_space<hbm>>
        %dma_start3A_958 = arith.constant 0 : i32
        %dma_start3A_959 = tpu.memref_slice %arg4[%add3A_894, %dma_start3A_952, %add3A_156, %dma_start3A_958] : memref<200x8x128x1024xf32, #tpu.memory_space<hbm>> -> memref<1x1x1x1024xf32, #tpu.memory_space<hbm>>
        %dma_start3A_960 = tpu.memref_squeeze %dma_start3A_959 : memref<1x1x1x1024xf32, #tpu.memory_space<hbm>> -> memref<1024xf32, #tpu.memory_space<hbm>>
        %dma_start3A_961 = arith.constant 3072 : i32
        %dma_start3A_962 = tpu.memref_slice %arg12[%dma_start3A_961] : memref<8192xf32, #tpu.memory_space<vmem>> -> memref<1024xf32, #tpu.memory_space<vmem>>
        tpu.enqueue_dma source(%dma_start3A_962 : memref<1024xf32, #tpu.memory_space<vmem>>) target(%dma_start3A_960 : memref<1024xf32, #tpu.memory_space<hbm>>) target_semaphore(%arg18 : memref<!tpu.dma_semaphore, #tpu.memory_space<semaphore_mem>>)
        %dma_start3A_963 = arith.constant 4 : i32
        %dma_start3A_964 = arith.constant 4096 : i32
        %dma_start3A_965 = tpu.memref_slice %arg12[%dma_start3A_964] : memref<8192xf32, #tpu.memory_space<vmem>> -> memref<1024xf32, #tpu.memory_space<vmem>>
        %dma_start3A_966 = arith.constant 0 : i32
        %dma_start3A_967 = tpu.memref_slice %arg4[%add3A_894, %dma_start3A_963, %add3A_156, %dma_start3A_966] : memref<200x8x128x1024xf32, #tpu.memory_space<hbm>> -> memref<1x1x1x1024xf32, #tpu.memory_space<hbm>>
        %dma_start3A_968 = tpu.memref_squeeze %dma_start3A_967 : memref<1x1x1x1024xf32, #tpu.memory_space<hbm>> -> memref<1024xf32, #tpu.memory_space<hbm>>
        %dma_start3A_969 = arith.constant 0 : i32
        %dma_start3A_970 = tpu.memref_slice %arg4[%add3A_894, %dma_start3A_963, %add3A_156, %dma_start3A_969] : memref<200x8x128x1024xf32, #tpu.memory_space<hbm>> -> memref<1x1x1x1024xf32, #tpu.memory_space<hbm>>
        %dma_start3A_971 = tpu.memref_squeeze %dma_start3A_970 : memref<1x1x1x1024xf32, #tpu.memory_space<hbm>> -> memref<1024xf32, #tpu.memory_space<hbm>>
        %dma_start3A_972 = arith.constant 4096 : i32
        %dma_start3A_973 = tpu.memref_slice %arg12[%dma_start3A_972] : memref<8192xf32, #tpu.memory_space<vmem>> -> memref<1024xf32, #tpu.memory_space<vmem>>
        tpu.enqueue_dma source(%dma_start3A_973 : memref<1024xf32, #tpu.memory_space<vmem>>) target(%dma_start3A_971 : memref<1024xf32, #tpu.memory_space<hbm>>) target_semaphore(%arg18 : memref<!tpu.dma_semaphore, #tpu.memory_space<semaphore_mem>>)
        %dma_start3A_974 = arith.constant 5 : i32
        %dma_start3A_975 = arith.constant 5120 : i32
        %dma_start3A_976 = tpu.memref_slice %arg12[%dma_start3A_975] : memref<8192xf32, #tpu.memory_space<vmem>> -> memref<1024xf32, #tpu.memory_space<vmem>>
        %dma_start3A_977 = arith.constant 0 : i32
        %dma_start3A_978 = tpu.memref_slice %arg4[%add3A_894, %dma_start3A_974, %add3A_156, %dma_start3A_977] : memref<200x8x128x1024xf32, #tpu.memory_space<hbm>> -> memref<1x1x1x1024xf32, #tpu.memory_space<hbm>>
        %dma_start3A_979 = tpu.memref_squeeze %dma_start3A_978 : memref<1x1x1x1024xf32, #tpu.memory_space<hbm>> -> memref<1024xf32, #tpu.memory_space<hbm>>
        %dma_start3A_980 = arith.constant 0 : i32
        %dma_start3A_981 = tpu.memref_slice %arg4[%add3A_894, %dma_start3A_974, %add3A_156, %dma_start3A_980] : memref<200x8x128x1024xf32, #tpu.memory_space<hbm>> -> memref<1x1x1x1024xf32, #tpu.memory_space<hbm>>
        %dma_start3A_982 = tpu.memref_squeeze %dma_start3A_981 : memref<1x1x1x1024xf32, #tpu.memory_space<hbm>> -> memref<1024xf32, #tpu.memory_space<hbm>>
        %dma_start3A_983 = arith.constant 5120 : i32
        %dma_start3A_984 = tpu.memref_slice %arg12[%dma_start3A_983] : memref<8192xf32, #tpu.memory_space<vmem>> -> memref<1024xf32, #tpu.memory_space<vmem>>
        tpu.enqueue_dma source(%dma_start3A_984 : memref<1024xf32, #tpu.memory_space<vmem>>) target(%dma_start3A_982 : memref<1024xf32, #tpu.memory_space<hbm>>) target_semaphore(%arg18 : memref<!tpu.dma_semaphore, #tpu.memory_space<semaphore_mem>>)
        %dma_start3A_985 = arith.constant 6 : i32
        %dma_start3A_986 = arith.constant 6144 : i32
        %dma_start3A_987 = tpu.memref_slice %arg12[%dma_start3A_986] : memref<8192xf32, #tpu.memory_space<vmem>> -> memref<1024xf32, #tpu.memory_space<vmem>>
        %dma_start3A_988 = arith.constant 0 : i32
        %dma_start3A_989 = tpu.memref_slice %arg4[%add3A_894, %dma_start3A_985, %add3A_156, %dma_start3A_988] : memref<200x8x128x1024xf32, #tpu.memory_space<hbm>> -> memref<1x1x1x1024xf32, #tpu.memory_space<hbm>>
        %dma_start3A_990 = tpu.memref_squeeze %dma_start3A_989 : memref<1x1x1x1024xf32, #tpu.memory_space<hbm>> -> memref<1024xf32, #tpu.memory_space<hbm>>
        %dma_start3A_991 = arith.constant 0 : i32
        %dma_start3A_992 = tpu.memref_slice %arg4[%add3A_894, %dma_start3A_985, %add3A_156, %dma_start3A_991] : memref<200x8x128x1024xf32, #tpu.memory_space<hbm>> -> memref<1x1x1x1024xf32, #tpu.memory_space<hbm>>
        %dma_start3A_993 = tpu.memref_squeeze %dma_start3A_992 : memref<1x1x1x1024xf32, #tpu.memory_space<hbm>> -> memref<1024xf32, #tpu.memory_space<hbm>>
        %dma_start3A_994 = arith.constant 6144 : i32
        %dma_start3A_995 = tpu.memref_slice %arg12[%dma_start3A_994] : memref<8192xf32, #tpu.memory_space<vmem>> -> memref<1024xf32, #tpu.memory_space<vmem>>
        tpu.enqueue_dma source(%dma_start3A_995 : memref<1024xf32, #tpu.memory_space<vmem>>) target(%dma_start3A_993 : memref<1024xf32, #tpu.memory_space<hbm>>) target_semaphore(%arg18 : memref<!tpu.dma_semaphore, #tpu.memory_space<semaphore_mem>>)
        %dma_start3A_996 = arith.constant 7 : i32
        %dma_start3A_997 = arith.constant 7168 : i32
        %dma_start3A_998 = tpu.memref_slice %arg12[%dma_start3A_997] : memref<8192xf32, #tpu.memory_space<vmem>> -> memref<1024xf32, #tpu.memory_space<vmem>>
        %dma_start3A_999 = arith.constant 0 : i32
        %dma_start3A_1000 = tpu.memref_slice %arg4[%add3A_894, %dma_start3A_996, %add3A_156, %dma_start3A_999] : memref<200x8x128x1024xf32, #tpu.memory_space<hbm>> -> memref<1x1x1x1024xf32, #tpu.memory_space<hbm>>
        %dma_start3A_1001 = tpu.memref_squeeze %dma_start3A_1000 : memref<1x1x1x1024xf32, #tpu.memory_space<hbm>> -> memref<1024xf32, #tpu.memory_space<hbm>>
        %dma_start3A_1002 = arith.constant 0 : i32
        %dma_start3A_1003 = tpu.memref_slice %arg4[%add3A_894, %dma_start3A_996, %add3A_156, %dma_start3A_1002] : memref<200x8x128x1024xf32, #tpu.memory_space<hbm>> -> memref<1x1x1x1024xf32, #tpu.memory_space<hbm>>
        %dma_start3A_1004 = tpu.memref_squeeze %dma_start3A_1003 : memref<1x1x1x1024xf32, #tpu.memory_space<hbm>> -> memref<1024xf32, #tpu.memory_space<hbm>>
        %dma_start3A_1005 = arith.constant 7168 : i32
        %dma_start3A_1006 = tpu.memref_slice %arg12[%dma_start3A_1005] : memref<8192xf32, #tpu.memory_space<vmem>> -> memref<1024xf32, #tpu.memory_space<vmem>>
        tpu.enqueue_dma source(%dma_start3A_1006 : memref<1024xf32, #tpu.memory_space<vmem>>) target(%dma_start3A_1004 : memref<1024xf32, #tpu.memory_space<hbm>>) target_semaphore(%arg18 : memref<!tpu.dma_semaphore, #tpu.memory_space<semaphore_mem>>)
      }
      %scan3A_168 = arith.constant 50 : i32
      %dma_wait3A = arith.constant 196 : i32
      %dma_wait3A_169 = arith.constant 0 : i32
      %dma_wait3A_170 = arith.constant 0 : i32
      %dma_wait3A_171 = tpu.memref_slice %arg9[%dma_wait3A_170] : memref<8192xf32, #tpu.memory_space<vmem>> -> memref<1024xf32, #tpu.memory_space<vmem>>
      %dma_wait3A_172 = arith.constant 0 : i32
      %dma_wait3A_173 = tpu.memref_slice %arg4[%dma_wait3A, %dma_wait3A_169, %add3A_156, %dma_wait3A_172] : memref<200x8x128x1024xf32, #tpu.memory_space<hbm>> -> memref<1x1x1x1024xf32, #tpu.memory_space<hbm>>
      %dma_wait3A_174 = tpu.memref_squeeze %dma_wait3A_173 : memref<1x1x1x1024xf32, #tpu.memory_space<hbm>> -> memref<1024xf32, #tpu.memory_space<hbm>>
      %dma_wait3A_175 = arith.constant 0 : i32
      %dma_wait3A_176 = tpu.memref_slice %arg4[%dma_wait3A, %dma_wait3A_169, %add3A_156, %dma_wait3A_175] : memref<200x8x128x1024xf32, #tpu.memory_space<hbm>> -> memref<1x1x1x1024xf32, #tpu.memory_space<hbm>>
      %dma_wait3A_177 = tpu.memref_squeeze %dma_wait3A_176 : memref<1x1x1x1024xf32, #tpu.memory_space<hbm>> -> memref<1024xf32, #tpu.memory_space<hbm>>
      %dma_wait3A_178 = arith.constant 0 : i32
      %dma_wait3A_179 = tpu.memref_slice %arg9[%dma_wait3A_178] : memref<8192xf32, #tpu.memory_space<vmem>> -> memref<1024xf32, #tpu.memory_space<vmem>>
      tpu.wait_dma2 semaphore(%arg15 : memref<!tpu.dma_semaphore, #tpu.memory_space<semaphore_mem>>) src(%dma_wait3A_179 : memref<1024xf32, #tpu.memory_space<vmem>>) dst(%dma_wait3A_177 : memref<1024xf32, #tpu.memory_space<hbm>>)
      %dma_wait3A_180 = arith.constant 196 : i32
      %dma_wait3A_181 = arith.constant 1 : i32
      %dma_wait3A_182 = arith.constant 1024 : i32
      %dma_wait3A_183 = tpu.memref_slice %arg9[%dma_wait3A_182] : memref<8192xf32, #tpu.memory_space<vmem>> -> memref<1024xf32, #tpu.memory_space<vmem>>
      %dma_wait3A_184 = arith.constant 0 : i32
      %dma_wait3A_185 = tpu.memref_slice %arg4[%dma_wait3A_180, %dma_wait3A_181, %add3A_156, %dma_wait3A_184] : memref<200x8x128x1024xf32, #tpu.memory_space<hbm>> -> memref<1x1x1x1024xf32, #tpu.memory_space<hbm>>
      %dma_wait3A_186 = tpu.memref_squeeze %dma_wait3A_185 : memref<1x1x1x1024xf32, #tpu.memory_space<hbm>> -> memref<1024xf32, #tpu.memory_space<hbm>>
      %dma_wait3A_187 = arith.constant 0 : i32
      %dma_wait3A_188 = tpu.memref_slice %arg4[%dma_wait3A_180, %dma_wait3A_181, %add3A_156, %dma_wait3A_187] : memref<200x8x128x1024xf32, #tpu.memory_space<hbm>> -> memref<1x1x1x1024xf32, #tpu.memory_space<hbm>>
      %dma_wait3A_189 = tpu.memref_squeeze %dma_wait3A_188 : memref<1x1x1x1024xf32, #tpu.memory_space<hbm>> -> memref<1024xf32, #tpu.memory_space<hbm>>
      %dma_wait3A_190 = arith.constant 1024 : i32
      %dma_wait3A_191 = tpu.memref_slice %arg9[%dma_wait3A_190] : memref<8192xf32, #tpu.memory_space<vmem>> -> memref<1024xf32, #tpu.memory_space<vmem>>
      tpu.wait_dma2 semaphore(%arg15 : memref<!tpu.dma_semaphore, #tpu.memory_space<semaphore_mem>>) src(%dma_wait3A_191 : memref<1024xf32, #tpu.memory_space<vmem>>) dst(%dma_wait3A_189 : memref<1024xf32, #tpu.memory_space<hbm>>)
      %dma_wait3A_192 = arith.constant 196 : i32
      %dma_wait3A_193 = arith.constant 2 : i32
      %dma_wait3A_194 = arith.constant 2048 : i32
      %dma_wait3A_195 = tpu.memref_slice %arg9[%dma_wait3A_194] : memref<8192xf32, #tpu.memory_space<vmem>> -> memref<1024xf32, #tpu.memory_space<vmem>>
      %dma_wait3A_196 = arith.constant 0 : i32
      %dma_wait3A_197 = tpu.memref_slice %arg4[%dma_wait3A_192, %dma_wait3A_193, %add3A_156, %dma_wait3A_196] : memref<200x8x128x1024xf32, #tpu.memory_space<hbm>> -> memref<1x1x1x1024xf32, #tpu.memory_space<hbm>>
      %dma_wait3A_198 = tpu.memref_squeeze %dma_wait3A_197 : memref<1x1x1x1024xf32, #tpu.memory_space<hbm>> -> memref<1024xf32, #tpu.memory_space<hbm>>
      %dma_wait3A_199 = arith.constant 0 : i32
      %dma_wait3A_200 = tpu.memref_slice %arg4[%dma_wait3A_192, %dma_wait3A_193, %add3A_156, %dma_wait3A_199] : memref<200x8x128x1024xf32, #tpu.memory_space<hbm>> -> memref<1x1x1x1024xf32, #tpu.memory_space<hbm>>
      %dma_wait3A_201 = tpu.memref_squeeze %dma_wait3A_200 : memref<1x1x1x1024xf32, #tpu.memory_space<hbm>> -> memref<1024xf32, #tpu.memory_space<hbm>>
      %dma_wait3A_202 = arith.constant 2048 : i32
      %dma_wait3A_203 = tpu.memref_slice %arg9[%dma_wait3A_202] : memref<8192xf32, #tpu.memory_space<vmem>> -> memref<1024xf32, #tpu.memory_space<vmem>>
      tpu.wait_dma2 semaphore(%arg15 : memref<!tpu.dma_semaphore, #tpu.memory_space<semaphore_mem>>) src(%dma_wait3A_203 : memref<1024xf32, #tpu.memory_space<vmem>>) dst(%dma_wait3A_201 : memref<1024xf32, #tpu.memory_space<hbm>>)
      %dma_wait3A_204 = arith.constant 196 : i32
      %dma_wait3A_205 = arith.constant 3 : i32
      %dma_wait3A_206 = arith.constant 3072 : i32
      %dma_wait3A_207 = tpu.memref_slice %arg9[%dma_wait3A_206] : memref<8192xf32, #tpu.memory_space<vmem>> -> memref<1024xf32, #tpu.memory_space<vmem>>
      %dma_wait3A_208 = arith.constant 0 : i32
      %dma_wait3A_209 = tpu.memref_slice %arg4[%dma_wait3A_204, %dma_wait3A_205, %add3A_156, %dma_wait3A_208] : memref<200x8x128x1024xf32, #tpu.memory_space<hbm>> -> memref<1x1x1x1024xf32, #tpu.memory_space<hbm>>
      %dma_wait3A_210 = tpu.memref_squeeze %dma_wait3A_209 : memref<1x1x1x1024xf32, #tpu.memory_space<hbm>> -> memref<1024xf32, #tpu.memory_space<hbm>>
      %dma_wait3A_211 = arith.constant 0 : i32
      %dma_wait3A_212 = tpu.memref_slice %arg4[%dma_wait3A_204, %dma_wait3A_205, %add3A_156, %dma_wait3A_211] : memref<200x8x128x1024xf32, #tpu.memory_space<hbm>> -> memref<1x1x1x1024xf32, #tpu.memory_space<hbm>>
      %dma_wait3A_213 = tpu.memref_squeeze %dma_wait3A_212 : memref<1x1x1x1024xf32, #tpu.memory_space<hbm>> -> memref<1024xf32, #tpu.memory_space<hbm>>
      %dma_wait3A_214 = arith.constant 3072 : i32
      %dma_wait3A_215 = tpu.memref_slice %arg9[%dma_wait3A_214] : memref<8192xf32, #tpu.memory_space<vmem>> -> memref<1024xf32, #tpu.memory_space<vmem>>
      tpu.wait_dma2 semaphore(%arg15 : memref<!tpu.dma_semaphore, #tpu.memory_space<semaphore_mem>>) src(%dma_wait3A_215 : memref<1024xf32, #tpu.memory_space<vmem>>) dst(%dma_wait3A_213 : memref<1024xf32, #tpu.memory_space<hbm>>)
      %dma_wait3A_216 = arith.constant 196 : i32
      %dma_wait3A_217 = arith.constant 4 : i32
      %dma_wait3A_218 = arith.constant 4096 : i32
      %dma_wait3A_219 = tpu.memref_slice %arg9[%dma_wait3A_218] : memref<8192xf32, #tpu.memory_space<vmem>> -> memref<1024xf32, #tpu.memory_space<vmem>>
      %dma_wait3A_220 = arith.constant 0 : i32
      %dma_wait3A_221 = tpu.memref_slice %arg4[%dma_wait3A_216, %dma_wait3A_217, %add3A_156, %dma_wait3A_220] : memref<200x8x128x1024xf32, #tpu.memory_space<hbm>> -> memref<1x1x1x1024xf32, #tpu.memory_space<hbm>>
      %dma_wait3A_222 = tpu.memref_squeeze %dma_wait3A_221 : memref<1x1x1x1024xf32, #tpu.memory_space<hbm>> -> memref<1024xf32, #tpu.memory_space<hbm>>
      %dma_wait3A_223 = arith.constant 0 : i32
      %dma_wait3A_224 = tpu.memref_slice %arg4[%dma_wait3A_216, %dma_wait3A_217, %add3A_156, %dma_wait3A_223] : memref<200x8x128x1024xf32, #tpu.memory_space<hbm>> -> memref<1x1x1x1024xf32, #tpu.memory_space<hbm>>
      %dma_wait3A_225 = tpu.memref_squeeze %dma_wait3A_224 : memref<1x1x1x1024xf32, #tpu.memory_space<hbm>> -> memref<1024xf32, #tpu.memory_space<hbm>>
      %dma_wait3A_226 = arith.constant 4096 : i32
      %dma_wait3A_227 = tpu.memref_slice %arg9[%dma_wait3A_226] : memref<8192xf32, #tpu.memory_space<vmem>> -> memref<1024xf32, #tpu.memory_space<vmem>>
      tpu.wait_dma2 semaphore(%arg15 : memref<!tpu.dma_semaphore, #tpu.memory_space<semaphore_mem>>) src(%dma_wait3A_227 : memref<1024xf32, #tpu.memory_space<vmem>>) dst(%dma_wait3A_225 : memref<1024xf32, #tpu.memory_space<hbm>>)
      %dma_wait3A_228 = arith.constant 196 : i32
      %dma_wait3A_229 = arith.constant 5 : i32
      %dma_wait3A_230 = arith.constant 5120 : i32
      %dma_wait3A_231 = tpu.memref_slice %arg9[%dma_wait3A_230] : memref<8192xf32, #tpu.memory_space<vmem>> -> memref<1024xf32, #tpu.memory_space<vmem>>
      %dma_wait3A_232 = arith.constant 0 : i32
      %dma_wait3A_233 = tpu.memref_slice %arg4[%dma_wait3A_228, %dma_wait3A_229, %add3A_156, %dma_wait3A_232] : memref<200x8x128x1024xf32, #tpu.memory_space<hbm>> -> memref<1x1x1x1024xf32, #tpu.memory_space<hbm>>
      %dma_wait3A_234 = tpu.memref_squeeze %dma_wait3A_233 : memref<1x1x1x1024xf32, #tpu.memory_space<hbm>> -> memref<1024xf32, #tpu.memory_space<hbm>>
      %dma_wait3A_235 = arith.constant 0 : i32
      %dma_wait3A_236 = tpu.memref_slice %arg4[%dma_wait3A_228, %dma_wait3A_229, %add3A_156, %dma_wait3A_235] : memref<200x8x128x1024xf32, #tpu.memory_space<hbm>> -> memref<1x1x1x1024xf32, #tpu.memory_space<hbm>>
      %dma_wait3A_237 = tpu.memref_squeeze %dma_wait3A_236 : memref<1x1x1x1024xf32, #tpu.memory_space<hbm>> -> memref<1024xf32, #tpu.memory_space<hbm>>
      %dma_wait3A_238 = arith.constant 5120 : i32
      %dma_wait3A_239 = tpu.memref_slice %arg9[%dma_wait3A_238] : memref<8192xf32, #tpu.memory_space<vmem>> -> memref<1024xf32, #tpu.memory_space<vmem>>
      tpu.wait_dma2 semaphore(%arg15 : memref<!tpu.dma_semaphore, #tpu.memory_space<semaphore_mem>>) src(%dma_wait3A_239 : memref<1024xf32, #tpu.memory_space<vmem>>) dst(%dma_wait3A_237 : memref<1024xf32, #tpu.memory_space<hbm>>)
      %dma_wait3A_240 = arith.constant 196 : i32
      %dma_wait3A_241 = arith.constant 6 : i32
      %dma_wait3A_242 = arith.constant 6144 : i32
      %dma_wait3A_243 = tpu.memref_slice %arg9[%dma_wait3A_242] : memref<8192xf32, #tpu.memory_space<vmem>> -> memref<1024xf32, #tpu.memory_space<vmem>>
      %dma_wait3A_244 = arith.constant 0 : i32
      %dma_wait3A_245 = tpu.memref_slice %arg4[%dma_wait3A_240, %dma_wait3A_241, %add3A_156, %dma_wait3A_244] : memref<200x8x128x1024xf32, #tpu.memory_space<hbm>> -> memref<1x1x1x1024xf32, #tpu.memory_space<hbm>>
      %dma_wait3A_246 = tpu.memref_squeeze %dma_wait3A_245 : memref<1x1x1x1024xf32, #tpu.memory_space<hbm>> -> memref<1024xf32, #tpu.memory_space<hbm>>
      %dma_wait3A_247 = arith.constant 0 : i32
      %dma_wait3A_248 = tpu.memref_slice %arg4[%dma_wait3A_240, %dma_wait3A_241, %add3A_156, %dma_wait3A_247] : memref<200x8x128x1024xf32, #tpu.memory_space<hbm>> -> memref<1x1x1x1024xf32, #tpu.memory_space<hbm>>
      %dma_wait3A_249 = tpu.memref_squeeze %dma_wait3A_248 : memref<1x1x1x1024xf32, #tpu.memory_space<hbm>> -> memref<1024xf32, #tpu.memory_space<hbm>>
      %dma_wait3A_250 = arith.constant 6144 : i32
      %dma_wait3A_251 = tpu.memref_slice %arg9[%dma_wait3A_250] : memref<8192xf32, #tpu.memory_space<vmem>> -> memref<1024xf32, #tpu.memory_space<vmem>>
      tpu.wait_dma2 semaphore(%arg15 : memref<!tpu.dma_semaphore, #tpu.memory_space<semaphore_mem>>) src(%dma_wait3A_251 : memref<1024xf32, #tpu.memory_space<vmem>>) dst(%dma_wait3A_249 : memref<1024xf32, #tpu.memory_space<hbm>>)
      %dma_wait3A_252 = arith.constant 196 : i32
      %dma_wait3A_253 = arith.constant 7 : i32
      %dma_wait3A_254 = arith.constant 7168 : i32
      %dma_wait3A_255 = tpu.memref_slice %arg9[%dma_wait3A_254] : memref<8192xf32, #tpu.memory_space<vmem>> -> memref<1024xf32, #tpu.memory_space<vmem>>
      %dma_wait3A_256 = arith.constant 0 : i32
      %dma_wait3A_257 = tpu.memref_slice %arg4[%dma_wait3A_252, %dma_wait3A_253, %add3A_156, %dma_wait3A_256] : memref<200x8x128x1024xf32, #tpu.memory_space<hbm>> -> memref<1x1x1x1024xf32, #tpu.memory_space<hbm>>
      %dma_wait3A_258 = tpu.memref_squeeze %dma_wait3A_257 : memref<1x1x1x1024xf32, #tpu.memory_space<hbm>> -> memref<1024xf32, #tpu.memory_space<hbm>>
      %dma_wait3A_259 = arith.constant 0 : i32
      %dma_wait3A_260 = tpu.memref_slice %arg4[%dma_wait3A_252, %dma_wait3A_253, %add3A_156, %dma_wait3A_259] : memref<200x8x128x1024xf32, #tpu.memory_space<hbm>> -> memref<1x1x1x1024xf32, #tpu.memory_space<hbm>>
      %dma_wait3A_261 = tpu.memref_squeeze %dma_wait3A_260 : memref<1x1x1x1024xf32, #tpu.memory_space<hbm>> -> memref<1024xf32, #tpu.memory_space<hbm>>
      %dma_wait3A_262 = arith.constant 7168 : i32
      %dma_wait3A_263 = tpu.memref_slice %arg9[%dma_wait3A_262] : memref<8192xf32, #tpu.memory_space<vmem>> -> memref<1024xf32, #tpu.memory_space<vmem>>
      tpu.wait_dma2 semaphore(%arg15 : memref<!tpu.dma_semaphore, #tpu.memory_space<semaphore_mem>>) src(%dma_wait3A_263 : memref<1024xf32, #tpu.memory_space<vmem>>) dst(%dma_wait3A_261 : memref<1024xf32, #tpu.memory_space<hbm>>)
      %dma_wait3A_264 = arith.constant 197 : i32
      %dma_wait3A_265 = arith.constant 0 : i32
      %dma_wait3A_266 = arith.constant 0 : i32
      %dma_wait3A_267 = tpu.memref_slice %arg10[%dma_wait3A_266] : memref<8192xf32, #tpu.memory_space<vmem>> -> memref<1024xf32, #tpu.memory_space<vmem>>
      %dma_wait3A_268 = arith.constant 0 : i32
      %dma_wait3A_269 = tpu.memref_slice %arg4[%dma_wait3A_264, %dma_wait3A_265, %add3A_156, %dma_wait3A_268] : memref<200x8x128x1024xf32, #tpu.memory_space<hbm>> -> memref<1x1x1x1024xf32, #tpu.memory_space<hbm>>
      %dma_wait3A_270 = tpu.memref_squeeze %dma_wait3A_269 : memref<1x1x1x1024xf32, #tpu.memory_space<hbm>> -> memref<1024xf32, #tpu.memory_space<hbm>>
      %dma_wait3A_271 = arith.constant 0 : i32
      %dma_wait3A_272 = tpu.memref_slice %arg4[%dma_wait3A_264, %dma_wait3A_265, %add3A_156, %dma_wait3A_271] : memref<200x8x128x1024xf32, #tpu.memory_space<hbm>> -> memref<1x1x1x1024xf32, #tpu.memory_space<hbm>>
      %dma_wait3A_273 = tpu.memref_squeeze %dma_wait3A_272 : memref<1x1x1x1024xf32, #tpu.memory_space<hbm>> -> memref<1024xf32, #tpu.memory_space<hbm>>
      %dma_wait3A_274 = arith.constant 0 : i32
      %dma_wait3A_275 = tpu.memref_slice %arg10[%dma_wait3A_274] : memref<8192xf32, #tpu.memory_space<vmem>> -> memref<1024xf32, #tpu.memory_space<vmem>>
      tpu.wait_dma2 semaphore(%arg16 : memref<!tpu.dma_semaphore, #tpu.memory_space<semaphore_mem>>) src(%dma_wait3A_275 : memref<1024xf32, #tpu.memory_space<vmem>>) dst(%dma_wait3A_273 : memref<1024xf32, #tpu.memory_space<hbm>>)
      %dma_wait3A_276 = arith.constant 197 : i32
      %dma_wait3A_277 = arith.constant 1 : i32
      %dma_wait3A_278 = arith.constant 1024 : i32
      %dma_wait3A_279 = tpu.memref_slice %arg10[%dma_wait3A_278] : memref<8192xf32, #tpu.memory_space<vmem>> -> memref<1024xf32, #tpu.memory_space<vmem>>
      %dma_wait3A_280 = arith.constant 0 : i32
      %dma_wait3A_281 = tpu.memref_slice %arg4[%dma_wait3A_276, %dma_wait3A_277, %add3A_156, %dma_wait3A_280] : memref<200x8x128x1024xf32, #tpu.memory_space<hbm>> -> memref<1x1x1x1024xf32, #tpu.memory_space<hbm>>
      %dma_wait3A_282 = tpu.memref_squeeze %dma_wait3A_281 : memref<1x1x1x1024xf32, #tpu.memory_space<hbm>> -> memref<1024xf32, #tpu.memory_space<hbm>>
      %dma_wait3A_283 = arith.constant 0 : i32
      %dma_wait3A_284 = tpu.memref_slice %arg4[%dma_wait3A_276, %dma_wait3A_277, %add3A_156, %dma_wait3A_283] : memref<200x8x128x1024xf32, #tpu.memory_space<hbm>> -> memref<1x1x1x1024xf32, #tpu.memory_space<hbm>>
      %dma_wait3A_285 = tpu.memref_squeeze %dma_wait3A_284 : memref<1x1x1x1024xf32, #tpu.memory_space<hbm>> -> memref<1024xf32, #tpu.memory_space<hbm>>
      %dma_wait3A_286 = arith.constant 1024 : i32
      %dma_wait3A_287 = tpu.memref_slice %arg10[%dma_wait3A_286] : memref<8192xf32, #tpu.memory_space<vmem>> -> memref<1024xf32, #tpu.memory_space<vmem>>
      tpu.wait_dma2 semaphore(%arg16 : memref<!tpu.dma_semaphore, #tpu.memory_space<semaphore_mem>>) src(%dma_wait3A_287 : memref<1024xf32, #tpu.memory_space<vmem>>) dst(%dma_wait3A_285 : memref<1024xf32, #tpu.memory_space<hbm>>)
      %dma_wait3A_288 = arith.constant 197 : i32
      %dma_wait3A_289 = arith.constant 2 : i32
      %dma_wait3A_290 = arith.constant 2048 : i32
      %dma_wait3A_291 = tpu.memref_slice %arg10[%dma_wait3A_290] : memref<8192xf32, #tpu.memory_space<vmem>> -> memref<1024xf32, #tpu.memory_space<vmem>>
      %dma_wait3A_292 = arith.constant 0 : i32
      %dma_wait3A_293 = tpu.memref_slice %arg4[%dma_wait3A_288, %dma_wait3A_289, %add3A_156, %dma_wait3A_292] : memref<200x8x128x1024xf32, #tpu.memory_space<hbm>> -> memref<1x1x1x1024xf32, #tpu.memory_space<hbm>>
      %dma_wait3A_294 = tpu.memref_squeeze %dma_wait3A_293 : memref<1x1x1x1024xf32, #tpu.memory_space<hbm>> -> memref<1024xf32, #tpu.memory_space<hbm>>
      %dma_wait3A_295 = arith.constant 0 : i32
      %dma_wait3A_296 = tpu.memref_slice %arg4[%dma_wait3A_288, %dma_wait3A_289, %add3A_156, %dma_wait3A_295] : memref<200x8x128x1024xf32, #tpu.memory_space<hbm>> -> memref<1x1x1x1024xf32, #tpu.memory_space<hbm>>
      %dma_wait3A_297 = tpu.memref_squeeze %dma_wait3A_296 : memref<1x1x1x1024xf32, #tpu.memory_space<hbm>> -> memref<1024xf32, #tpu.memory_space<hbm>>
      %dma_wait3A_298 = arith.constant 2048 : i32
      %dma_wait3A_299 = tpu.memref_slice %arg10[%dma_wait3A_298] : memref<8192xf32, #tpu.memory_space<vmem>> -> memref<1024xf32, #tpu.memory_space<vmem>>
      tpu.wait_dma2 semaphore(%arg16 : memref<!tpu.dma_semaphore, #tpu.memory_space<semaphore_mem>>) src(%dma_wait3A_299 : memref<1024xf32, #tpu.memory_space<vmem>>) dst(%dma_wait3A_297 : memref<1024xf32, #tpu.memory_space<hbm>>)
      %dma_wait3A_300 = arith.constant 197 : i32
      %dma_wait3A_301 = arith.constant 3 : i32
      %dma_wait3A_302 = arith.constant 3072 : i32
      %dma_wait3A_303 = tpu.memref_slice %arg10[%dma_wait3A_302] : memref<8192xf32, #tpu.memory_space<vmem>> -> memref<1024xf32, #tpu.memory_space<vmem>>
      %dma_wait3A_304 = arith.constant 0 : i32
      %dma_wait3A_305 = tpu.memref_slice %arg4[%dma_wait3A_300, %dma_wait3A_301, %add3A_156, %dma_wait3A_304] : memref<200x8x128x1024xf32, #tpu.memory_space<hbm>> -> memref<1x1x1x1024xf32, #tpu.memory_space<hbm>>
      %dma_wait3A_306 = tpu.memref_squeeze %dma_wait3A_305 : memref<1x1x1x1024xf32, #tpu.memory_space<hbm>> -> memref<1024xf32, #tpu.memory_space<hbm>>
      %dma_wait3A_307 = arith.constant 0 : i32
      %dma_wait3A_308 = tpu.memref_slice %arg4[%dma_wait3A_300, %dma_wait3A_301, %add3A_156, %dma_wait3A_307] : memref<200x8x128x1024xf32, #tpu.memory_space<hbm>> -> memref<1x1x1x1024xf32, #tpu.memory_space<hbm>>
      %dma_wait3A_309 = tpu.memref_squeeze %dma_wait3A_308 : memref<1x1x1x1024xf32, #tpu.memory_space<hbm>> -> memref<1024xf32, #tpu.memory_space<hbm>>
      %dma_wait3A_310 = arith.constant 3072 : i32
      %dma_wait3A_311 = tpu.memref_slice %arg10[%dma_wait3A_310] : memref<8192xf32, #tpu.memory_space<vmem>> -> memref<1024xf32, #tpu.memory_space<vmem>>
      tpu.wait_dma2 semaphore(%arg16 : memref<!tpu.dma_semaphore, #tpu.memory_space<semaphore_mem>>) src(%dma_wait3A_311 : memref<1024xf32, #tpu.memory_space<vmem>>) dst(%dma_wait3A_309 : memref<1024xf32, #tpu.memory_space<hbm>>)
      %dma_wait3A_312 = arith.constant 197 : i32
      %dma_wait3A_313 = arith.constant 4 : i32
      %dma_wait3A_314 = arith.constant 4096 : i32
      %dma_wait3A_315 = tpu.memref_slice %arg10[%dma_wait3A_314] : memref<8192xf32, #tpu.memory_space<vmem>> -> memref<1024xf32, #tpu.memory_space<vmem>>
      %dma_wait3A_316 = arith.constant 0 : i32
      %dma_wait3A_317 = tpu.memref_slice %arg4[%dma_wait3A_312, %dma_wait3A_313, %add3A_156, %dma_wait3A_316] : memref<200x8x128x1024xf32, #tpu.memory_space<hbm>> -> memref<1x1x1x1024xf32, #tpu.memory_space<hbm>>
      %dma_wait3A_318 = tpu.memref_squeeze %dma_wait3A_317 : memref<1x1x1x1024xf32, #tpu.memory_space<hbm>> -> memref<1024xf32, #tpu.memory_space<hbm>>
      %dma_wait3A_319 = arith.constant 0 : i32
      %dma_wait3A_320 = tpu.memref_slice %arg4[%dma_wait3A_312, %dma_wait3A_313, %add3A_156, %dma_wait3A_319] : memref<200x8x128x1024xf32, #tpu.memory_space<hbm>> -> memref<1x1x1x1024xf32, #tpu.memory_space<hbm>>
      %dma_wait3A_321 = tpu.memref_squeeze %dma_wait3A_320 : memref<1x1x1x1024xf32, #tpu.memory_space<hbm>> -> memref<1024xf32, #tpu.memory_space<hbm>>
      %dma_wait3A_322 = arith.constant 4096 : i32
      %dma_wait3A_323 = tpu.memref_slice %arg10[%dma_wait3A_322] : memref<8192xf32, #tpu.memory_space<vmem>> -> memref<1024xf32, #tpu.memory_space<vmem>>
      tpu.wait_dma2 semaphore(%arg16 : memref<!tpu.dma_semaphore, #tpu.memory_space<semaphore_mem>>) src(%dma_wait3A_323 : memref<1024xf32, #tpu.memory_space<vmem>>) dst(%dma_wait3A_321 : memref<1024xf32, #tpu.memory_space<hbm>>)
      %dma_wait3A_324 = arith.constant 197 : i32
      %dma_wait3A_325 = arith.constant 5 : i32
      %dma_wait3A_326 = arith.constant 5120 : i32
      %dma_wait3A_327 = tpu.memref_slice %arg10[%dma_wait3A_326] : memref<8192xf32, #tpu.memory_space<vmem>> -> memref<1024xf32, #tpu.memory_space<vmem>>
      %dma_wait3A_328 = arith.constant 0 : i32
      %dma_wait3A_329 = tpu.memref_slice %arg4[%dma_wait3A_324, %dma_wait3A_325, %add3A_156, %dma_wait3A_328] : memref<200x8x128x1024xf32, #tpu.memory_space<hbm>> -> memref<1x1x1x1024xf32, #tpu.memory_space<hbm>>
      %dma_wait3A_330 = tpu.memref_squeeze %dma_wait3A_329 : memref<1x1x1x1024xf32, #tpu.memory_space<hbm>> -> memref<1024xf32, #tpu.memory_space<hbm>>
      %dma_wait3A_331 = arith.constant 0 : i32
      %dma_wait3A_332 = tpu.memref_slice %arg4[%dma_wait3A_324, %dma_wait3A_325, %add3A_156, %dma_wait3A_331] : memref<200x8x128x1024xf32, #tpu.memory_space<hbm>> -> memref<1x1x1x1024xf32, #tpu.memory_space<hbm>>
      %dma_wait3A_333 = tpu.memref_squeeze %dma_wait3A_332 : memref<1x1x1x1024xf32, #tpu.memory_space<hbm>> -> memref<1024xf32, #tpu.memory_space<hbm>>
      %dma_wait3A_334 = arith.constant 5120 : i32
      %dma_wait3A_335 = tpu.memref_slice %arg10[%dma_wait3A_334] : memref<8192xf32, #tpu.memory_space<vmem>> -> memref<1024xf32, #tpu.memory_space<vmem>>
      tpu.wait_dma2 semaphore(%arg16 : memref<!tpu.dma_semaphore, #tpu.memory_space<semaphore_mem>>) src(%dma_wait3A_335 : memref<1024xf32, #tpu.memory_space<vmem>>) dst(%dma_wait3A_333 : memref<1024xf32, #tpu.memory_space<hbm>>)
      %dma_wait3A_336 = arith.constant 197 : i32
      %dma_wait3A_337 = arith.constant 6 : i32
      %dma_wait3A_338 = arith.constant 6144 : i32
      %dma_wait3A_339 = tpu.memref_slice %arg10[%dma_wait3A_338] : memref<8192xf32, #tpu.memory_space<vmem>> -> memref<1024xf32, #tpu.memory_space<vmem>>
      %dma_wait3A_340 = arith.constant 0 : i32
      %dma_wait3A_341 = tpu.memref_slice %arg4[%dma_wait3A_336, %dma_wait3A_337, %add3A_156, %dma_wait3A_340] : memref<200x8x128x1024xf32, #tpu.memory_space<hbm>> -> memref<1x1x1x1024xf32, #tpu.memory_space<hbm>>
      %dma_wait3A_342 = tpu.memref_squeeze %dma_wait3A_341 : memref<1x1x1x1024xf32, #tpu.memory_space<hbm>> -> memref<1024xf32, #tpu.memory_space<hbm>>
      %dma_wait3A_343 = arith.constant 0 : i32
      %dma_wait3A_344 = tpu.memref_slice %arg4[%dma_wait3A_336, %dma_wait3A_337, %add3A_156, %dma_wait3A_343] : memref<200x8x128x1024xf32, #tpu.memory_space<hbm>> -> memref<1x1x1x1024xf32, #tpu.memory_space<hbm>>
      %dma_wait3A_345 = tpu.memref_squeeze %dma_wait3A_344 : memref<1x1x1x1024xf32, #tpu.memory_space<hbm>> -> memref<1024xf32, #tpu.memory_space<hbm>>
      %dma_wait3A_346 = arith.constant 6144 : i32
      %dma_wait3A_347 = tpu.memref_slice %arg10[%dma_wait3A_346] : memref<8192xf32, #tpu.memory_space<vmem>> -> memref<1024xf32, #tpu.memory_space<vmem>>
      tpu.wait_dma2 semaphore(%arg16 : memref<!tpu.dma_semaphore, #tpu.memory_space<semaphore_mem>>) src(%dma_wait3A_347 : memref<1024xf32, #tpu.memory_space<vmem>>) dst(%dma_wait3A_345 : memref<1024xf32, #tpu.memory_space<hbm>>)
      %dma_wait3A_348 = arith.constant 197 : i32
      %dma_wait3A_349 = arith.constant 7 : i32
      %dma_wait3A_350 = arith.constant 7168 : i32
      %dma_wait3A_351 = tpu.memref_slice %arg10[%dma_wait3A_350] : memref<8192xf32, #tpu.memory_space<vmem>> -> memref<1024xf32, #tpu.memory_space<vmem>>
      %dma_wait3A_352 = arith.constant 0 : i32
      %dma_wait3A_353 = tpu.memref_slice %arg4[%dma_wait3A_348, %dma_wait3A_349, %add3A_156, %dma_wait3A_352] : memref<200x8x128x1024xf32, #tpu.memory_space<hbm>> -> memref<1x1x1x1024xf32, #tpu.memory_space<hbm>>
      %dma_wait3A_354 = tpu.memref_squeeze %dma_wait3A_353 : memref<1x1x1x1024xf32, #tpu.memory_space<hbm>> -> memref<1024xf32, #tpu.memory_space<hbm>>
      %dma_wait3A_355 = arith.constant 0 : i32
      %dma_wait3A_356 = tpu.memref_slice %arg4[%dma_wait3A_348, %dma_wait3A_349, %add3A_156, %dma_wait3A_355] : memref<200x8x128x1024xf32, #tpu.memory_space<hbm>> -> memref<1x1x1x1024xf32, #tpu.memory_space<hbm>>
      %dma_wait3A_357 = tpu.memref_squeeze %dma_wait3A_356 : memref<1x1x1x1024xf32, #tpu.memory_space<hbm>> -> memref<1024xf32, #tpu.memory_space<hbm>>
      %dma_wait3A_358 = arith.constant 7168 : i32
      %dma_wait3A_359 = tpu.memref_slice %arg10[%dma_wait3A_358] : memref<8192xf32, #tpu.memory_space<vmem>> -> memref<1024xf32, #tpu.memory_space<vmem>>
      tpu.wait_dma2 semaphore(%arg16 : memref<!tpu.dma_semaphore, #tpu.memory_space<semaphore_mem>>) src(%dma_wait3A_359 : memref<1024xf32, #tpu.memory_space<vmem>>) dst(%dma_wait3A_357 : memref<1024xf32, #tpu.memory_space<hbm>>)
      %dma_wait3A_360 = arith.constant 198 : i32
      %dma_wait3A_361 = arith.constant 0 : i32
      %dma_wait3A_362 = arith.constant 0 : i32
      %dma_wait3A_363 = tpu.memref_slice %arg11[%dma_wait3A_362] : memref<8192xf32, #tpu.memory_space<vmem>> -> memref<1024xf32, #tpu.memory_space<vmem>>
      %dma_wait3A_364 = arith.constant 0 : i32
      %dma_wait3A_365 = tpu.memref_slice %arg4[%dma_wait3A_360, %dma_wait3A_361, %add3A_156, %dma_wait3A_364] : memref<200x8x128x1024xf32, #tpu.memory_space<hbm>> -> memref<1x1x1x1024xf32, #tpu.memory_space<hbm>>
      %dma_wait3A_366 = tpu.memref_squeeze %dma_wait3A_365 : memref<1x1x1x1024xf32, #tpu.memory_space<hbm>> -> memref<1024xf32, #tpu.memory_space<hbm>>
      %dma_wait3A_367 = arith.constant 0 : i32
      %dma_wait3A_368 = tpu.memref_slice %arg4[%dma_wait3A_360, %dma_wait3A_361, %add3A_156, %dma_wait3A_367] : memref<200x8x128x1024xf32, #tpu.memory_space<hbm>> -> memref<1x1x1x1024xf32, #tpu.memory_space<hbm>>
      %dma_wait3A_369 = tpu.memref_squeeze %dma_wait3A_368 : memref<1x1x1x1024xf32, #tpu.memory_space<hbm>> -> memref<1024xf32, #tpu.memory_space<hbm>>
      %dma_wait3A_370 = arith.constant 0 : i32
      %dma_wait3A_371 = tpu.memref_slice %arg11[%dma_wait3A_370] : memref<8192xf32, #tpu.memory_space<vmem>> -> memref<1024xf32, #tpu.memory_space<vmem>>
      tpu.wait_dma2 semaphore(%arg17 : memref<!tpu.dma_semaphore, #tpu.memory_space<semaphore_mem>>) src(%dma_wait3A_371 : memref<1024xf32, #tpu.memory_space<vmem>>) dst(%dma_wait3A_369 : memref<1024xf32, #tpu.memory_space<hbm>>)
      %dma_wait3A_372 = arith.constant 198 : i32
      %dma_wait3A_373 = arith.constant 1 : i32
      %dma_wait3A_374 = arith.constant 1024 : i32
      %dma_wait3A_375 = tpu.memref_slice %arg11[%dma_wait3A_374] : memref<8192xf32, #tpu.memory_space<vmem>> -> memref<1024xf32, #tpu.memory_space<vmem>>
      %dma_wait3A_376 = arith.constant 0 : i32
      %dma_wait3A_377 = tpu.memref_slice %arg4[%dma_wait3A_372, %dma_wait3A_373, %add3A_156, %dma_wait3A_376] : memref<200x8x128x1024xf32, #tpu.memory_space<hbm>> -> memref<1x1x1x1024xf32, #tpu.memory_space<hbm>>
      %dma_wait3A_378 = tpu.memref_squeeze %dma_wait3A_377 : memref<1x1x1x1024xf32, #tpu.memory_space<hbm>> -> memref<1024xf32, #tpu.memory_space<hbm>>
      %dma_wait3A_379 = arith.constant 0 : i32
      %dma_wait3A_380 = tpu.memref_slice %arg4[%dma_wait3A_372, %dma_wait3A_373, %add3A_156, %dma_wait3A_379] : memref<200x8x128x1024xf32, #tpu.memory_space<hbm>> -> memref<1x1x1x1024xf32, #tpu.memory_space<hbm>>
      %dma_wait3A_381 = tpu.memref_squeeze %dma_wait3A_380 : memref<1x1x1x1024xf32, #tpu.memory_space<hbm>> -> memref<1024xf32, #tpu.memory_space<hbm>>
      %dma_wait3A_382 = arith.constant 1024 : i32
      %dma_wait3A_383 = tpu.memref_slice %arg11[%dma_wait3A_382] : memref<8192xf32, #tpu.memory_space<vmem>> -> memref<1024xf32, #tpu.memory_space<vmem>>
      tpu.wait_dma2 semaphore(%arg17 : memref<!tpu.dma_semaphore, #tpu.memory_space<semaphore_mem>>) src(%dma_wait3A_383 : memref<1024xf32, #tpu.memory_space<vmem>>) dst(%dma_wait3A_381 : memref<1024xf32, #tpu.memory_space<hbm>>)
      %dma_wait3A_384 = arith.constant 198 : i32
      %dma_wait3A_385 = arith.constant 2 : i32
      %dma_wait3A_386 = arith.constant 2048 : i32
      %dma_wait3A_387 = tpu.memref_slice %arg11[%dma_wait3A_386] : memref<8192xf32, #tpu.memory_space<vmem>> -> memref<1024xf32, #tpu.memory_space<vmem>>
      %dma_wait3A_388 = arith.constant 0 : i32
      %dma_wait3A_389 = tpu.memref_slice %arg4[%dma_wait3A_384, %dma_wait3A_385, %add3A_156, %dma_wait3A_388] : memref<200x8x128x1024xf32, #tpu.memory_space<hbm>> -> memref<1x1x1x1024xf32, #tpu.memory_space<hbm>>
      %dma_wait3A_390 = tpu.memref_squeeze %dma_wait3A_389 : memref<1x1x1x1024xf32, #tpu.memory_space<hbm>> -> memref<1024xf32, #tpu.memory_space<hbm>>
      %dma_wait3A_391 = arith.constant 0 : i32
      %dma_wait3A_392 = tpu.memref_slice %arg4[%dma_wait3A_384, %dma_wait3A_385, %add3A_156, %dma_wait3A_391] : memref<200x8x128x1024xf32, #tpu.memory_space<hbm>> -> memref<1x1x1x1024xf32, #tpu.memory_space<hbm>>
      %dma_wait3A_393 = tpu.memref_squeeze %dma_wait3A_392 : memref<1x1x1x1024xf32, #tpu.memory_space<hbm>> -> memref<1024xf32, #tpu.memory_space<hbm>>
      %dma_wait3A_394 = arith.constant 2048 : i32
      %dma_wait3A_395 = tpu.memref_slice %arg11[%dma_wait3A_394] : memref<8192xf32, #tpu.memory_space<vmem>> -> memref<1024xf32, #tpu.memory_space<vmem>>
      tpu.wait_dma2 semaphore(%arg17 : memref<!tpu.dma_semaphore, #tpu.memory_space<semaphore_mem>>) src(%dma_wait3A_395 : memref<1024xf32, #tpu.memory_space<vmem>>) dst(%dma_wait3A_393 : memref<1024xf32, #tpu.memory_space<hbm>>)
      %dma_wait3A_396 = arith.constant 198 : i32
      %dma_wait3A_397 = arith.constant 3 : i32
      %dma_wait3A_398 = arith.constant 3072 : i32
      %dma_wait3A_399 = tpu.memref_slice %arg11[%dma_wait3A_398] : memref<8192xf32, #tpu.memory_space<vmem>> -> memref<1024xf32, #tpu.memory_space<vmem>>
      %dma_wait3A_400 = arith.constant 0 : i32
      %dma_wait3A_401 = tpu.memref_slice %arg4[%dma_wait3A_396, %dma_wait3A_397, %add3A_156, %dma_wait3A_400] : memref<200x8x128x1024xf32, #tpu.memory_space<hbm>> -> memref<1x1x1x1024xf32, #tpu.memory_space<hbm>>
      %dma_wait3A_402 = tpu.memref_squeeze %dma_wait3A_401 : memref<1x1x1x1024xf32, #tpu.memory_space<hbm>> -> memref<1024xf32, #tpu.memory_space<hbm>>
      %dma_wait3A_403 = arith.constant 0 : i32
      %dma_wait3A_404 = tpu.memref_slice %arg4[%dma_wait3A_396, %dma_wait3A_397, %add3A_156, %dma_wait3A_403] : memref<200x8x128x1024xf32, #tpu.memory_space<hbm>> -> memref<1x1x1x1024xf32, #tpu.memory_space<hbm>>
      %dma_wait3A_405 = tpu.memref_squeeze %dma_wait3A_404 : memref<1x1x1x1024xf32, #tpu.memory_space<hbm>> -> memref<1024xf32, #tpu.memory_space<hbm>>
      %dma_wait3A_406 = arith.constant 3072 : i32
      %dma_wait3A_407 = tpu.memref_slice %arg11[%dma_wait3A_406] : memref<8192xf32, #tpu.memory_space<vmem>> -> memref<1024xf32, #tpu.memory_space<vmem>>
      tpu.wait_dma2 semaphore(%arg17 : memref<!tpu.dma_semaphore, #tpu.memory_space<semaphore_mem>>) src(%dma_wait3A_407 : memref<1024xf32, #tpu.memory_space<vmem>>) dst(%dma_wait3A_405 : memref<1024xf32, #tpu.memory_space<hbm>>)
      %dma_wait3A_408 = arith.constant 198 : i32
      %dma_wait3A_409 = arith.constant 4 : i32
      %dma_wait3A_410 = arith.constant 4096 : i32
      %dma_wait3A_411 = tpu.memref_slice %arg11[%dma_wait3A_410] : memref<8192xf32, #tpu.memory_space<vmem>> -> memref<1024xf32, #tpu.memory_space<vmem>>
      %dma_wait3A_412 = arith.constant 0 : i32
      %dma_wait3A_413 = tpu.memref_slice %arg4[%dma_wait3A_408, %dma_wait3A_409, %add3A_156, %dma_wait3A_412] : memref<200x8x128x1024xf32, #tpu.memory_space<hbm>> -> memref<1x1x1x1024xf32, #tpu.memory_space<hbm>>
      %dma_wait3A_414 = tpu.memref_squeeze %dma_wait3A_413 : memref<1x1x1x1024xf32, #tpu.memory_space<hbm>> -> memref<1024xf32, #tpu.memory_space<hbm>>
      %dma_wait3A_415 = arith.constant 0 : i32
      %dma_wait3A_416 = tpu.memref_slice %arg4[%dma_wait3A_408, %dma_wait3A_409, %add3A_156, %dma_wait3A_415] : memref<200x8x128x1024xf32, #tpu.memory_space<hbm>> -> memref<1x1x1x1024xf32, #tpu.memory_space<hbm>>
      %dma_wait3A_417 = tpu.memref_squeeze %dma_wait3A_416 : memref<1x1x1x1024xf32, #tpu.memory_space<hbm>> -> memref<1024xf32, #tpu.memory_space<hbm>>
      %dma_wait3A_418 = arith.constant 4096 : i32
      %dma_wait3A_419 = tpu.memref_slice %arg11[%dma_wait3A_418] : memref<8192xf32, #tpu.memory_space<vmem>> -> memref<1024xf32, #tpu.memory_space<vmem>>
      tpu.wait_dma2 semaphore(%arg17 : memref<!tpu.dma_semaphore, #tpu.memory_space<semaphore_mem>>) src(%dma_wait3A_419 : memref<1024xf32, #tpu.memory_space<vmem>>) dst(%dma_wait3A_417 : memref<1024xf32, #tpu.memory_space<hbm>>)
      %dma_wait3A_420 = arith.constant 198 : i32
      %dma_wait3A_421 = arith.constant 5 : i32
      %dma_wait3A_422 = arith.constant 5120 : i32
      %dma_wait3A_423 = tpu.memref_slice %arg11[%dma_wait3A_422] : memref<8192xf32, #tpu.memory_space<vmem>> -> memref<1024xf32, #tpu.memory_space<vmem>>
      %dma_wait3A_424 = arith.constant 0 : i32
      %dma_wait3A_425 = tpu.memref_slice %arg4[%dma_wait3A_420, %dma_wait3A_421, %add3A_156, %dma_wait3A_424] : memref<200x8x128x1024xf32, #tpu.memory_space<hbm>> -> memref<1x1x1x1024xf32, #tpu.memory_space<hbm>>
      %dma_wait3A_426 = tpu.memref_squeeze %dma_wait3A_425 : memref<1x1x1x1024xf32, #tpu.memory_space<hbm>> -> memref<1024xf32, #tpu.memory_space<hbm>>
      %dma_wait3A_427 = arith.constant 0 : i32
      %dma_wait3A_428 = tpu.memref_slice %arg4[%dma_wait3A_420, %dma_wait3A_421, %add3A_156, %dma_wait3A_427] : memref<200x8x128x1024xf32, #tpu.memory_space<hbm>> -> memref<1x1x1x1024xf32, #tpu.memory_space<hbm>>
      %dma_wait3A_429 = tpu.memref_squeeze %dma_wait3A_428 : memref<1x1x1x1024xf32, #tpu.memory_space<hbm>> -> memref<1024xf32, #tpu.memory_space<hbm>>
      %dma_wait3A_430 = arith.constant 5120 : i32
      %dma_wait3A_431 = tpu.memref_slice %arg11[%dma_wait3A_430] : memref<8192xf32, #tpu.memory_space<vmem>> -> memref<1024xf32, #tpu.memory_space<vmem>>
      tpu.wait_dma2 semaphore(%arg17 : memref<!tpu.dma_semaphore, #tpu.memory_space<semaphore_mem>>) src(%dma_wait3A_431 : memref<1024xf32, #tpu.memory_space<vmem>>) dst(%dma_wait3A_429 : memref<1024xf32, #tpu.memory_space<hbm>>)
      %dma_wait3A_432 = arith.constant 198 : i32
      %dma_wait3A_433 = arith.constant 6 : i32
      %dma_wait3A_434 = arith.constant 6144 : i32
      %dma_wait3A_435 = tpu.memref_slice %arg11[%dma_wait3A_434] : memref<8192xf32, #tpu.memory_space<vmem>> -> memref<1024xf32, #tpu.memory_space<vmem>>
      %dma_wait3A_436 = arith.constant 0 : i32
      %dma_wait3A_437 = tpu.memref_slice %arg4[%dma_wait3A_432, %dma_wait3A_433, %add3A_156, %dma_wait3A_436] : memref<200x8x128x1024xf32, #tpu.memory_space<hbm>> -> memref<1x1x1x1024xf32, #tpu.memory_space<hbm>>
      %dma_wait3A_438 = tpu.memref_squeeze %dma_wait3A_437 : memref<1x1x1x1024xf32, #tpu.memory_space<hbm>> -> memref<1024xf32, #tpu.memory_space<hbm>>
      %dma_wait3A_439 = arith.constant 0 : i32
      %dma_wait3A_440 = tpu.memref_slice %arg4[%dma_wait3A_432, %dma_wait3A_433, %add3A_156, %dma_wait3A_439] : memref<200x8x128x1024xf32, #tpu.memory_space<hbm>> -> memref<1x1x1x1024xf32, #tpu.memory_space<hbm>>
      %dma_wait3A_441 = tpu.memref_squeeze %dma_wait3A_440 : memref<1x1x1x1024xf32, #tpu.memory_space<hbm>> -> memref<1024xf32, #tpu.memory_space<hbm>>
      %dma_wait3A_442 = arith.constant 6144 : i32
      %dma_wait3A_443 = tpu.memref_slice %arg11[%dma_wait3A_442] : memref<8192xf32, #tpu.memory_space<vmem>> -> memref<1024xf32, #tpu.memory_space<vmem>>
      tpu.wait_dma2 semaphore(%arg17 : memref<!tpu.dma_semaphore, #tpu.memory_space<semaphore_mem>>) src(%dma_wait3A_443 : memref<1024xf32, #tpu.memory_space<vmem>>) dst(%dma_wait3A_441 : memref<1024xf32, #tpu.memory_space<hbm>>)
      %dma_wait3A_444 = arith.constant 198 : i32
      %dma_wait3A_445 = arith.constant 7 : i32
      %dma_wait3A_446 = arith.constant 7168 : i32
      %dma_wait3A_447 = tpu.memref_slice %arg11[%dma_wait3A_446] : memref<8192xf32, #tpu.memory_space<vmem>> -> memref<1024xf32, #tpu.memory_space<vmem>>
      %dma_wait3A_448 = arith.constant 0 : i32
      %dma_wait3A_449 = tpu.memref_slice %arg4[%dma_wait3A_444, %dma_wait3A_445, %add3A_156, %dma_wait3A_448] : memref<200x8x128x1024xf32, #tpu.memory_space<hbm>> -> memref<1x1x1x1024xf32, #tpu.memory_space<hbm>>
      %dma_wait3A_450 = tpu.memref_squeeze %dma_wait3A_449 : memref<1x1x1x1024xf32, #tpu.memory_space<hbm>> -> memref<1024xf32, #tpu.memory_space<hbm>>
      %dma_wait3A_451 = arith.constant 0 : i32
      %dma_wait3A_452 = tpu.memref_slice %arg4[%dma_wait3A_444, %dma_wait3A_445, %add3A_156, %dma_wait3A_451] : memref<200x8x128x1024xf32, #tpu.memory_space<hbm>> -> memref<1x1x1x1024xf32, #tpu.memory_space<hbm>>
      %dma_wait3A_453 = tpu.memref_squeeze %dma_wait3A_452 : memref<1x1x1x1024xf32, #tpu.memory_space<hbm>> -> memref<1024xf32, #tpu.memory_space<hbm>>
      %dma_wait3A_454 = arith.constant 7168 : i32
      %dma_wait3A_455 = tpu.memref_slice %arg11[%dma_wait3A_454] : memref<8192xf32, #tpu.memory_space<vmem>> -> memref<1024xf32, #tpu.memory_space<vmem>>
      tpu.wait_dma2 semaphore(%arg17 : memref<!tpu.dma_semaphore, #tpu.memory_space<semaphore_mem>>) src(%dma_wait3A_455 : memref<1024xf32, #tpu.memory_space<vmem>>) dst(%dma_wait3A_453 : memref<1024xf32, #tpu.memory_space<hbm>>)
      %dma_wait3A_456 = arith.constant 199 : i32
      %dma_wait3A_457 = arith.constant 0 : i32
      %dma_wait3A_458 = arith.constant 0 : i32
      %dma_wait3A_459 = tpu.memref_slice %arg12[%dma_wait3A_458] : memref<8192xf32, #tpu.memory_space<vmem>> -> memref<1024xf32, #tpu.memory_space<vmem>>
      %dma_wait3A_460 = arith.constant 0 : i32
      %dma_wait3A_461 = tpu.memref_slice %arg4[%dma_wait3A_456, %dma_wait3A_457, %add3A_156, %dma_wait3A_460] : memref<200x8x128x1024xf32, #tpu.memory_space<hbm>> -> memref<1x1x1x1024xf32, #tpu.memory_space<hbm>>
      %dma_wait3A_462 = tpu.memref_squeeze %dma_wait3A_461 : memref<1x1x1x1024xf32, #tpu.memory_space<hbm>> -> memref<1024xf32, #tpu.memory_space<hbm>>
      %dma_wait3A_463 = arith.constant 0 : i32
      %dma_wait3A_464 = tpu.memref_slice %arg4[%dma_wait3A_456, %dma_wait3A_457, %add3A_156, %dma_wait3A_463] : memref<200x8x128x1024xf32, #tpu.memory_space<hbm>> -> memref<1x1x1x1024xf32, #tpu.memory_space<hbm>>
      %dma_wait3A_465 = tpu.memref_squeeze %dma_wait3A_464 : memref<1x1x1x1024xf32, #tpu.memory_space<hbm>> -> memref<1024xf32, #tpu.memory_space<hbm>>
      %dma_wait3A_466 = arith.constant 0 : i32
      %dma_wait3A_467 = tpu.memref_slice %arg12[%dma_wait3A_466] : memref<8192xf32, #tpu.memory_space<vmem>> -> memref<1024xf32, #tpu.memory_space<vmem>>
      tpu.wait_dma2 semaphore(%arg18 : memref<!tpu.dma_semaphore, #tpu.memory_space<semaphore_mem>>) src(%dma_wait3A_467 : memref<1024xf32, #tpu.memory_space<vmem>>) dst(%dma_wait3A_465 : memref<1024xf32, #tpu.memory_space<hbm>>)
      %dma_wait3A_468 = arith.constant 199 : i32
      %dma_wait3A_469 = arith.constant 1 : i32
      %dma_wait3A_470 = arith.constant 1024 : i32
      %dma_wait3A_471 = tpu.memref_slice %arg12[%dma_wait3A_470] : memref<8192xf32, #tpu.memory_space<vmem>> -> memref<1024xf32, #tpu.memory_space<vmem>>
      %dma_wait3A_472 = arith.constant 0 : i32
      %dma_wait3A_473 = tpu.memref_slice %arg4[%dma_wait3A_468, %dma_wait3A_469, %add3A_156, %dma_wait3A_472] : memref<200x8x128x1024xf32, #tpu.memory_space<hbm>> -> memref<1x1x1x1024xf32, #tpu.memory_space<hbm>>
      %dma_wait3A_474 = tpu.memref_squeeze %dma_wait3A_473 : memref<1x1x1x1024xf32, #tpu.memory_space<hbm>> -> memref<1024xf32, #tpu.memory_space<hbm>>
      %dma_wait3A_475 = arith.constant 0 : i32
      %dma_wait3A_476 = tpu.memref_slice %arg4[%dma_wait3A_468, %dma_wait3A_469, %add3A_156, %dma_wait3A_475] : memref<200x8x128x1024xf32, #tpu.memory_space<hbm>> -> memref<1x1x1x1024xf32, #tpu.memory_space<hbm>>
      %dma_wait3A_477 = tpu.memref_squeeze %dma_wait3A_476 : memref<1x1x1x1024xf32, #tpu.memory_space<hbm>> -> memref<1024xf32, #tpu.memory_space<hbm>>
      %dma_wait3A_478 = arith.constant 1024 : i32
      %dma_wait3A_479 = tpu.memref_slice %arg12[%dma_wait3A_478] : memref<8192xf32, #tpu.memory_space<vmem>> -> memref<1024xf32, #tpu.memory_space<vmem>>
      tpu.wait_dma2 semaphore(%arg18 : memref<!tpu.dma_semaphore, #tpu.memory_space<semaphore_mem>>) src(%dma_wait3A_479 : memref<1024xf32, #tpu.memory_space<vmem>>) dst(%dma_wait3A_477 : memref<1024xf32, #tpu.memory_space<hbm>>)
      %dma_wait3A_480 = arith.constant 199 : i32
      %dma_wait3A_481 = arith.constant 2 : i32
      %dma_wait3A_482 = arith.constant 2048 : i32
      %dma_wait3A_483 = tpu.memref_slice %arg12[%dma_wait3A_482] : memref<8192xf32, #tpu.memory_space<vmem>> -> memref<1024xf32, #tpu.memory_space<vmem>>
      %dma_wait3A_484 = arith.constant 0 : i32
      %dma_wait3A_485 = tpu.memref_slice %arg4[%dma_wait3A_480, %dma_wait3A_481, %add3A_156, %dma_wait3A_484] : memref<200x8x128x1024xf32, #tpu.memory_space<hbm>> -> memref<1x1x1x1024xf32, #tpu.memory_space<hbm>>
      %dma_wait3A_486 = tpu.memref_squeeze %dma_wait3A_485 : memref<1x1x1x1024xf32, #tpu.memory_space<hbm>> -> memref<1024xf32, #tpu.memory_space<hbm>>
      %dma_wait3A_487 = arith.constant 0 : i32
      %dma_wait3A_488 = tpu.memref_slice %arg4[%dma_wait3A_480, %dma_wait3A_481, %add3A_156, %dma_wait3A_487] : memref<200x8x128x1024xf32, #tpu.memory_space<hbm>> -> memref<1x1x1x1024xf32, #tpu.memory_space<hbm>>
      %dma_wait3A_489 = tpu.memref_squeeze %dma_wait3A_488 : memref<1x1x1x1024xf32, #tpu.memory_space<hbm>> -> memref<1024xf32, #tpu.memory_space<hbm>>
      %dma_wait3A_490 = arith.constant 2048 : i32
      %dma_wait3A_491 = tpu.memref_slice %arg12[%dma_wait3A_490] : memref<8192xf32, #tpu.memory_space<vmem>> -> memref<1024xf32, #tpu.memory_space<vmem>>
      tpu.wait_dma2 semaphore(%arg18 : memref<!tpu.dma_semaphore, #tpu.memory_space<semaphore_mem>>) src(%dma_wait3A_491 : memref<1024xf32, #tpu.memory_space<vmem>>) dst(%dma_wait3A_489 : memref<1024xf32, #tpu.memory_space<hbm>>)
      %dma_wait3A_492 = arith.constant 199 : i32
      %dma_wait3A_493 = arith.constant 3 : i32
      %dma_wait3A_494 = arith.constant 3072 : i32
      %dma_wait3A_495 = tpu.memref_slice %arg12[%dma_wait3A_494] : memref<8192xf32, #tpu.memory_space<vmem>> -> memref<1024xf32, #tpu.memory_space<vmem>>
      %dma_wait3A_496 = arith.constant 0 : i32
      %dma_wait3A_497 = tpu.memref_slice %arg4[%dma_wait3A_492, %dma_wait3A_493, %add3A_156, %dma_wait3A_496] : memref<200x8x128x1024xf32, #tpu.memory_space<hbm>> -> memref<1x1x1x1024xf32, #tpu.memory_space<hbm>>
      %dma_wait3A_498 = tpu.memref_squeeze %dma_wait3A_497 : memref<1x1x1x1024xf32, #tpu.memory_space<hbm>> -> memref<1024xf32, #tpu.memory_space<hbm>>
      %dma_wait3A_499 = arith.constant 0 : i32
      %dma_wait3A_500 = tpu.memref_slice %arg4[%dma_wait3A_492, %dma_wait3A_493, %add3A_156, %dma_wait3A_499] : memref<200x8x128x1024xf32, #tpu.memory_space<hbm>> -> memref<1x1x1x1024xf32, #tpu.memory_space<hbm>>
      %dma_wait3A_501 = tpu.memref_squeeze %dma_wait3A_500 : memref<1x1x1x1024xf32, #tpu.memory_space<hbm>> -> memref<1024xf32, #tpu.memory_space<hbm>>
      %dma_wait3A_502 = arith.constant 3072 : i32
      %dma_wait3A_503 = tpu.memref_slice %arg12[%dma_wait3A_502] : memref<8192xf32, #tpu.memory_space<vmem>> -> memref<1024xf32, #tpu.memory_space<vmem>>
      tpu.wait_dma2 semaphore(%arg18 : memref<!tpu.dma_semaphore, #tpu.memory_space<semaphore_mem>>) src(%dma_wait3A_503 : memref<1024xf32, #tpu.memory_space<vmem>>) dst(%dma_wait3A_501 : memref<1024xf32, #tpu.memory_space<hbm>>)
      %dma_wait3A_504 = arith.constant 199 : i32
      %dma_wait3A_505 = arith.constant 4 : i32
      %dma_wait3A_506 = arith.constant 4096 : i32
      %dma_wait3A_507 = tpu.memref_slice %arg12[%dma_wait3A_506] : memref<8192xf32, #tpu.memory_space<vmem>> -> memref<1024xf32, #tpu.memory_space<vmem>>
      %dma_wait3A_508 = arith.constant 0 : i32
      %dma_wait3A_509 = tpu.memref_slice %arg4[%dma_wait3A_504, %dma_wait3A_505, %add3A_156, %dma_wait3A_508] : memref<200x8x128x1024xf32, #tpu.memory_space<hbm>> -> memref<1x1x1x1024xf32, #tpu.memory_space<hbm>>
      %dma_wait3A_510 = tpu.memref_squeeze %dma_wait3A_509 : memref<1x1x1x1024xf32, #tpu.memory_space<hbm>> -> memref<1024xf32, #tpu.memory_space<hbm>>
      %dma_wait3A_511 = arith.constant 0 : i32
      %dma_wait3A_512 = tpu.memref_slice %arg4[%dma_wait3A_504, %dma_wait3A_505, %add3A_156, %dma_wait3A_511] : memref<200x8x128x1024xf32, #tpu.memory_space<hbm>> -> memref<1x1x1x1024xf32, #tpu.memory_space<hbm>>
      %dma_wait3A_513 = tpu.memref_squeeze %dma_wait3A_512 : memref<1x1x1x1024xf32, #tpu.memory_space<hbm>> -> memref<1024xf32, #tpu.memory_space<hbm>>
      %dma_wait3A_514 = arith.constant 4096 : i32
      %dma_wait3A_515 = tpu.memref_slice %arg12[%dma_wait3A_514] : memref<8192xf32, #tpu.memory_space<vmem>> -> memref<1024xf32, #tpu.memory_space<vmem>>
      tpu.wait_dma2 semaphore(%arg18 : memref<!tpu.dma_semaphore, #tpu.memory_space<semaphore_mem>>) src(%dma_wait3A_515 : memref<1024xf32, #tpu.memory_space<vmem>>) dst(%dma_wait3A_513 : memref<1024xf32, #tpu.memory_space<hbm>>)
      %dma_wait3A_516 = arith.constant 199 : i32
      %dma_wait3A_517 = arith.constant 5 : i32
      %dma_wait3A_518 = arith.constant 5120 : i32
      %dma_wait3A_519 = tpu.memref_slice %arg12[%dma_wait3A_518] : memref<8192xf32, #tpu.memory_space<vmem>> -> memref<1024xf32, #tpu.memory_space<vmem>>
      %dma_wait3A_520 = arith.constant 0 : i32
      %dma_wait3A_521 = tpu.memref_slice %arg4[%dma_wait3A_516, %dma_wait3A_517, %add3A_156, %dma_wait3A_520] : memref<200x8x128x1024xf32, #tpu.memory_space<hbm>> -> memref<1x1x1x1024xf32, #tpu.memory_space<hbm>>
      %dma_wait3A_522 = tpu.memref_squeeze %dma_wait3A_521 : memref<1x1x1x1024xf32, #tpu.memory_space<hbm>> -> memref<1024xf32, #tpu.memory_space<hbm>>
      %dma_wait3A_523 = arith.constant 0 : i32
      %dma_wait3A_524 = tpu.memref_slice %arg4[%dma_wait3A_516, %dma_wait3A_517, %add3A_156, %dma_wait3A_523] : memref<200x8x128x1024xf32, #tpu.memory_space<hbm>> -> memref<1x1x1x1024xf32, #tpu.memory_space<hbm>>
      %dma_wait3A_525 = tpu.memref_squeeze %dma_wait3A_524 : memref<1x1x1x1024xf32, #tpu.memory_space<hbm>> -> memref<1024xf32, #tpu.memory_space<hbm>>
      %dma_wait3A_526 = arith.constant 5120 : i32
      %dma_wait3A_527 = tpu.memref_slice %arg12[%dma_wait3A_526] : memref<8192xf32, #tpu.memory_space<vmem>> -> memref<1024xf32, #tpu.memory_space<vmem>>
      tpu.wait_dma2 semaphore(%arg18 : memref<!tpu.dma_semaphore, #tpu.memory_space<semaphore_mem>>) src(%dma_wait3A_527 : memref<1024xf32, #tpu.memory_space<vmem>>) dst(%dma_wait3A_525 : memref<1024xf32, #tpu.memory_space<hbm>>)
      %dma_wait3A_528 = arith.constant 199 : i32
      %dma_wait3A_529 = arith.constant 6 : i32
      %dma_wait3A_530 = arith.constant 6144 : i32
      %dma_wait3A_531 = tpu.memref_slice %arg12[%dma_wait3A_530] : memref<8192xf32, #tpu.memory_space<vmem>> -> memref<1024xf32, #tpu.memory_space<vmem>>
      %dma_wait3A_532 = arith.constant 0 : i32
      %dma_wait3A_533 = tpu.memref_slice %arg4[%dma_wait3A_528, %dma_wait3A_529, %add3A_156, %dma_wait3A_532] : memref<200x8x128x1024xf32, #tpu.memory_space<hbm>> -> memref<1x1x1x1024xf32, #tpu.memory_space<hbm>>
      %dma_wait3A_534 = tpu.memref_squeeze %dma_wait3A_533 : memref<1x1x1x1024xf32, #tpu.memory_space<hbm>> -> memref<1024xf32, #tpu.memory_space<hbm>>
      %dma_wait3A_535 = arith.constant 0 : i32
      %dma_wait3A_536 = tpu.memref_slice %arg4[%dma_wait3A_528, %dma_wait3A_529, %add3A_156, %dma_wait3A_535] : memref<200x8x128x1024xf32, #tpu.memory_space<hbm>> -> memref<1x1x1x1024xf32, #tpu.memory_space<hbm>>
      %dma_wait3A_537 = tpu.memref_squeeze %dma_wait3A_536 : memref<1x1x1x1024xf32, #tpu.memory_space<hbm>> -> memref<1024xf32, #tpu.memory_space<hbm>>
      %dma_wait3A_538 = arith.constant 6144 : i32
      %dma_wait3A_539 = tpu.memref_slice %arg12[%dma_wait3A_538] : memref<8192xf32, #tpu.memory_space<vmem>> -> memref<1024xf32, #tpu.memory_space<vmem>>
      tpu.wait_dma2 semaphore(%arg18 : memref<!tpu.dma_semaphore, #tpu.memory_space<semaphore_mem>>) src(%dma_wait3A_539 : memref<1024xf32, #tpu.memory_space<vmem>>) dst(%dma_wait3A_537 : memref<1024xf32, #tpu.memory_space<hbm>>)
      %dma_wait3A_540 = arith.constant 199 : i32
      %dma_wait3A_541 = arith.constant 7 : i32
      %dma_wait3A_542 = arith.constant 7168 : i32
      %dma_wait3A_543 = tpu.memref_slice %arg12[%dma_wait3A_542] : memref<8192xf32, #tpu.memory_space<vmem>> -> memref<1024xf32, #tpu.memory_space<vmem>>
      %dma_wait3A_544 = arith.constant 0 : i32
      %dma_wait3A_545 = tpu.memref_slice %arg4[%dma_wait3A_540, %dma_wait3A_541, %add3A_156, %dma_wait3A_544] : memref<200x8x128x1024xf32, #tpu.memory_space<hbm>> -> memref<1x1x1x1024xf32, #tpu.memory_space<hbm>>
      %dma_wait3A_546 = tpu.memref_squeeze %dma_wait3A_545 : memref<1x1x1x1024xf32, #tpu.memory_space<hbm>> -> memref<1024xf32, #tpu.memory_space<hbm>>
      %dma_wait3A_547 = arith.constant 0 : i32
      %dma_wait3A_548 = tpu.memref_slice %arg4[%dma_wait3A_540, %dma_wait3A_541, %add3A_156, %dma_wait3A_547] : memref<200x8x128x1024xf32, #tpu.memory_space<hbm>> -> memref<1x1x1x1024xf32, #tpu.memory_space<hbm>>
      %dma_wait3A_549 = tpu.memref_squeeze %dma_wait3A_548 : memref<1x1x1x1024xf32, #tpu.memory_space<hbm>> -> memref<1024xf32, #tpu.memory_space<hbm>>
      %dma_wait3A_550 = arith.constant 7168 : i32
      %dma_wait3A_551 = tpu.memref_slice %arg12[%dma_wait3A_550] : memref<8192xf32, #tpu.memory_space<vmem>> -> memref<1024xf32, #tpu.memory_space<vmem>>
      tpu.wait_dma2 semaphore(%arg18 : memref<!tpu.dma_semaphore, #tpu.memory_space<semaphore_mem>>) src(%dma_wait3A_551 : memref<1024xf32, #tpu.memory_space<vmem>>) dst(%dma_wait3A_549 : memref<1024xf32, #tpu.memory_space<hbm>>)
    }
    %scan3A_152 = arith.constant 4 : i32
    return
  }
}

</mosaic_0001>

<sc_bundles>
// kernel: kernel.3.cloned.1.call-start
scs
__scs_entry_jumppad:
0x0: {  	(pc) =	sbr.rel $0x88, $3  }
0x1: {  	(tag) =	ssettag $0x0;
	lr =	simm.s32 $0x1  }
0x2: {  	[smem:$0x3F9F] =	sst lr;
	_ =	strace $0xD0000000  }
0x3: {  	_ = 	snop  }
0x4: {  	_ = 	snop  }
0x5: {  	_ = 	snop  }
0x6: {  	_ = 	snop  }
0x7: {  	_ = 	snop  }
__scs_overlays_trampoline_lowered:
0x8: {  	[smem:$0x3FAE] =	sst s0  }
0x9: {  	[smem:$0x3FAF] =	sst s1  }
0xa: {  	[smem:$0x3FB0] =	sst s2  }
0xb: {  	[smem:$0x3FB1] =	sst s3  }
0xc: {  	[smem:$0x3FB2] =	sst s4  }
0xd: {  	[smem:$0x3FB3] =	sst s5  }
0xe: {  	[smem:$0x3FB4] =	sst s6  }
0xf: {  	[smem:$0x3FB5] =	sst s7  }
0x10: {  	[smem:$0x3FB6] =	sst s8  }
0x11: {  	[smem:$0x3FB7] =	sst s9;
	s0 =	simm.s32 @!p0 $0x0  }
0x12: {  	s1 =	sld [smem:$0x3F9D];
	s0 =	simm.s32 @p0 $0x1  }
0x13: {  	[smem:$0x3FB8] =	sst s0;
	s0 =	simm.s32 @!p1 $0x0  }
0x14: {  	s2 =	sld [smem:$0x3F9C];
	s0 =	simm.s32 @p1 $0x1  }
0x15: {  	[smem:$0x3FB9] =	sst s0;
	s0 =	simm.s32 @!p2 $0x0  }
0x16: {  	s3 =	sld [smem:$0x3FDB];
	s0 =	simm.s32 @p2 $0x1  }
0x17: {  	s4 =	simm.s32 $0x1BF5;
	[smem:$0x3FBB] =	sst s0  }
0x18: {  	s0 =	sld [smem:$0x3F9E];
	_ =	swait.ge [sflag:s4], $0x0  }
0x19: {  	s7 =	sld [smem:$0x3F9F]  }
0x1a: {  	s8 =	sadd.s32 $0xFFFFE003, lr  }
0x1b: {  	s9 =	sadd.s32 $0xFFFFFEF7, lr;
	s5 =	simm.s32 $0xFFFFFFFF;
	p2 =	slt.u32 s8, $0xFFFFF086  }
0x1c: {  	p1 =	slt.u32 s9, $0xF7A;
	s5 =	simm.s32 @!p2 $0x0  }
0x1d: {  	s5 =	simm.s32 @p1 $0x1;
	p0 =	seq.s32 s7, s2  }
0x1e: {  	s7 =	smul.u32 @!p0 $0xF7A, s2;
	p2 =	seq.s32 @!p0 s5, $0x0  }
0x1f: {  	s9 =	smul.u32 $0xF7A, s1;
	s8 =	simm.s32 @!p0 $0x1BF5;
	p2 =	por !p2, p0  }
0x20: {  	[sflag:s8] =	ssyncset.s32 @!p0 $0xFFFFF086;
	s6 =	sadd.s32 @!p0 s3, s7;
	s7 =	simm.s32 @!p0 $0x108  }
0x21: {  	s3 =	sadd.s32 s3, s9;
	s6 =	sadd.s32 @!p0 $0x88, s6;
	s7 =	simm.s32 @p2 $0x1082  }
0x22: {  	[simem:s7], [sflag:s8] =	dma.local @!p0 [hbm:s6], $0xF7A  }
0x23: {  	s9 =	sor.u32 $0xD0000000, s2;
	s6 =	simm.s32 $0x108;
	_ =	swait.ge @!p0 [sflag:s8], $0x0  }
0x24: {  	s3 =	sadd.s32 $0x88, s3;
	s6 =	simm.s32 @!p1 $0x1082;
	[sflag:s4] =	ssyncset.s32 $0xFFFFF086  }
0x25: {  	[simem:s6], [sflag:s4] =	dma.local [hbm:s3], $0xF7A  }
0x26: {  	[smem:$0x3F9F] =	sst s1;
	(tag) =	ssettag s2;
	_ =	strace s9  }
0x27: {  	s1 =	sld [smem:$0x3FAF]  }
0x28: {  	s2 =	sld [smem:$0x3FB0]  }
0x29: {  	s4 =	sld [smem:$0x3FB2]  }
0x2a: {  	p0 =	seq.s32 s5, $0x0;
	s5 =	sld [smem:$0x3FB3]  }
0x2b: {  	s6 =	sld [smem:$0x3FB4]  }
0x2c: {  	s7 =	sld [smem:$0x3FB5]  }
0x2d: {  	s3 =	simm.s32 $0x108;
	s8 =	sld [smem:$0x3FB6]  }
0x2e: {  	s3 =	simm.s32 @!p0 $0x1082;
	s9 =	sld [smem:$0x3FB7]  }
0x2f: {  	lr =	sadd.s32 s0, s3;
	s0 =	sld [smem:$0x3FAE]  }
0x30: {  	s3 =	sld [smem:$0x3FB1]  }
0x31: {  	[smem:$0x3FBA] =	sst s10  }
0x32: {  	s10 =	sld [smem:$0x3FB8];
	_ =	sdelay $0x3  }
0x33: {  	p0 =	seq.s32 s10, $0x1;
	s10 =	sld [smem:$0x3FBA];
	_ =	sdelay $0x3  }
0x34: {  	[smem:$0x3FBA] =	sst s10  }
0x35: {  	s10 =	sld [smem:$0x3FB9];
	_ =	sdelay $0x3  }
0x36: {  	p1 =	seq.s32 s10, $0x1;
	s10 =	sld [smem:$0x3FBA];
	_ =	sdelay $0x3  }
0x37: {  	[smem:$0x3FBA] =	sst s10  }
0x38: {  	s10 =	sld [smem:$0x3FBB]  }
0x39: {  	_ = 	snop;
	(pc) =	sbr.ind lr, $3  }
0x3a: {  	_ = 	snop  }
0x3b: {  	_ = 	snop  }
0x3c: {  	p2 =	seq.s32 s10, $0x1;
	s10 =	sld [smem:$0x3FBA]  }
0x3d: {  	_ =	shalt  }
0x3e: {  	_ =	shalt  }
0x3f: {  	_ =	shalt  }
0x40: {  	_ =	shalt  }
0x41: {  	_ =	shalt  }
0x42: {  	_ =	shalt  }
0x43: {  	_ =	shalt  }
0x44: {  	_ =	shalt  }
0x45: {  	_ =	shalt  }
0x46: {  	_ =	shalt  }
0x47: {  	_ =	shalt  }
0x48: {  	_ =	shalt  }
0x49: {  	_ =	shalt  }
0x4a: {  	_ =	shalt  }
0x4b: {  	_ =	shalt  }
0x4c: {  	_ =	shalt  }
0x4d: {  	_ =	shalt  }
0x4e: {  	_ =	shalt  }
0x4f: {  	_ =	shalt  }
0x50: {  	_ =	shalt  }
0x51: {  	_ =	shalt  }
0x52: {  	_ =	shalt  }
0x53: {  	_ =	shalt  }
0x54: {  	_ =	shalt  }
0x55: {  	_ =	shalt  }
0x56: {  	_ =	shalt  }
0x57: {  	_ =	shalt  }
0x58: {  	_ =	shalt  }
0x59: {  	_ =	shalt  }
0x5a: {  	_ =	shalt  }
0x5b: {  	_ =	shalt  }
0x5c: {  	_ =	shalt  }
0x5d: {  	_ =	shalt  }
0x5e: {  	_ =	shalt  }
0x5f: {  	_ =	shalt  }
0x60: {  	_ =	shalt  }
0x61: {  	_ =	shalt  }
0x62: {  	_ =	shalt  }
0x63: {  	_ =	shalt  }
0x64: {  	_ =	shalt  }
0x65: {  	_ =	shalt  }
0x66: {  	_ =	shalt  }
0x67: {  	_ =	shalt  }
0x68: {  	_ =	shalt  }
0x69: {  	_ =	shalt  }
0x6a: {  	_ =	shalt  }
0x6b: {  	_ =	shalt  }
0x6c: {  	_ =	shalt  }
0x6d: {  	_ =	shalt  }
0x6e: {  	_ =	shalt  }
0x6f: {  	_ =	shalt  }
0x70: {  	_ =	shalt  }
0x71: {  	_ =	shalt  }
0x72: {  	_ =	shalt  }
0x73: {  	_ =	shalt  }
0x74: {  	_ =	shalt  }
0x75: {  	_ =	shalt  }
0x76: {  	_ =	shalt  }
0x77: {  	_ =	shalt  }
0x78: {  	_ =	shalt  }
0x79: {  	_ =	shalt  }
0x7a: {  	_ =	shalt  }
0x7b: {  	_ =	shalt  }
0x7c: {  	_ =	shalt  }
0x7d: {  	_ =	shalt  }
0x7e: {  	_ =	shalt  }
0x7f: {  	_ =	shalt  }
0x80: {  	_ =	shalt  }
0x81: {  	_ =	shalt  }
0x82: {  	_ =	shalt  }
0x83: {  	_ =	shalt  }
0x84: {  	_ =	shalt  }
0x85: {  	_ =	shalt  }
0x86: {  	_ =	shalt  }
0x87: {  	_ =	shalt  }
.Lfunc_end0:
.L_simem_size_0:
called_computation_lowered:
.L_overlay_start_0:
0x88: {  	s2 =	sld [smem:$0x3FD9]  }
0x89: {  	s3 =	sld [smem:$0x3FFE];
	_ =	sdelay $0x1  }
0x8a: {  	s1 =	srdreg.scid  }
0x8b: {  	s0 =	sand.u32 $0x1, s1  }
0x8c: {  	s17 =	sshll.u32 s0, $0xA;
	s2 =	sadd.s32 s3, s2  }
0x8d: {  	s2 =	sadd.s32 s2, s17  }
0x8e: {  	[smem:$0x3FC6] =	sst s2  }
0x8f: {  	_ = 	snop  }
0x90: {  	s2 =	sld [smem:$0x3FD0];
	(tm) =	ssettm $0x1  }
0x91: {  	s18 =	sld [smem:$0x3FFB];
	_ =	sdelay $0x3  }
0x92: {  	_ =	strace s18  }
0x93: {  	s3 =	sld [smem:$0x3FFC];
	_ =	sdelay $0x3  }
0x94: {  	_ =	strace s3  }
0x95: {  	s3 =	sld [smem:$0x3FFD];
	_ =	sdelay $0x3  }
0x96: {  	_ =	strace s3  }
0x97: {  	_ =	strace $0x8FFFFFFF  }
0x98: {  	s19 =	sld [smem:$0x3FDB];
	_ =	sdelay $0x1  }
0x99: {  	s4 =	simm.s32 $_scs_section_size  }
0x9a: {  	s5 =	simm.s32 $_size__tile_overlayer_lowered;
	s6 =	simm.s32 $_tile_overlayer_lowered  }
0x9b: {  	s22 =	simm.s32 $0x1BFF;
	s21 =	sshll.u32 s6, $0x1;
	s3 =	sadd.s32 s4, s19  }
0x9c: {  	s7 =	simm.s32 $0x0;
	s20 =	sshll.u32 s5, $0x1;
	s5 =	sadd.s32 s21, s3  }
0x9d: {  	[timem:s7], [sflag:s22] =	dma.local [hbm:s5], s20  }
0x9e: {  	_ =	swait.ge [sflag:s22], s20  }
0x9f: {  	s4 =	ssub.s32 $0x0, s20;
	[sflag:s22] =	ssyncset.done $0x0  }
0xa0: {  	[sflag:s22] =	ssyncadd.s32 s4;
	_ =	sdelay $0x1  }
0xa1: {  	s23 =	simm.s32 $0x1B8B  }
0xa2: {  	_ =	swait.ge [sflag:s23], $0x1  }
0xa3: {  	[sflag:s23] =	ssyncset.done $0x0  }
0xa4: {  	s25 =	simm.s32 $0x1B8E;
	s24 =	sld [smem:$0x3FFE];
	[sflag:s23] =	ssyncadd.s32 $0xFFFFFFFF  }
0xa5: {  	s26 =	simm.s32 $execute0_lowered;
	[smem:$0x3FD2] =	sst s25  }
0xa6: {  	s5 =	sshll.u32 s26, $0x1;
	_ =	strace $0x80000046;
	[dreg:$0x1] =	wrdreg $0xFFFFFFFF  }
0xa7: {  	s28 =	simm.s32 $_size_execute0_lowered;
	s3 =	sadd.s32 s3, s5;
	[dreg:$0x0] =	wrdreg $0x0  }
0xa8: {  	s5 =	sshll.u32 s28, $0x1;
	[dreg:$0x2] =	wrdreg s3  }
0xa9: {  	[dreg:$0x3] =	wrdreg s5  }
0xaa: {  	[dreg:$0x4] =	wrdreg $0xC0  }
0xab: {  	_ =	task [dreg:s7], $0x5FFFF  }
0xac: {  	[dreg:$0x1] =	wrdreg $0xFFFFFFFF  }
0xad: {  	[dreg:$0x0] =	wrdreg $0x60  }
0xae: {  	[dreg:$0x2] =	wrdreg s24  }
0xaf: {  	[dreg:$0x3] =	wrdreg s2  }
0xb0: {  	[dreg:$0x4] =	wrdreg $0x0  }
0xb1: {  	[dreg:$0x5] =	wrdreg $0x9  }
0xb2: {  	_ =	task.clear_ibuf [dreg:s7], $0x6FFFF;
	_ =	strace $0x90000046  }
0xb3: {  	s29 =	simm.s32 $0x9;
	_ =	strace $0x80000048  }
0xb4: {  	_ =	swait.ge [sflag:s29], $0x1  }
0xb5: {  	[sflag:s29] =	ssyncadd.s32 $0xFFFFFFFF  }
0xb6: {  	_ =	strace $0x90000048  }
0xb7: {  	_ =	sfence  }
0xb8: {  	s30 =	sld [smem:$0x0];
	_ =	sdelay $0x2  }
0xb9: {  	s31 =	sshll.u32 s1, $0xD;
	s1 =	sshrl.u32 s1, $0x2  }
0xba: {  	s3 =	sand.u32 $0x4000, s31;
	s1 =	sadd.s32 s1, s30  }
0xbb: {  	s0 =	sor.u32 s3, s0;
	s1 =	sshll.u32 s1, $0x11  }
0xbc: {  	s0 =	sor.u32 s1, s0  }
0xbd: {  	s0 =	sadd.s32 $0x8F2B, s0  }
0xbe: {  	[sflag:s0] =	ssyncadd.remote.s32 $0x1  }
0xbf: {  	_ =	sfence.sel $0xFFFF  }
0xc0: {  	[dreg:$0x0] =	wrdreg $0xFFFFFFFF;
	(pc) =	sbr.abs _section_cstart, $3  }
0xc1: {  	[dreg:$0x1] =	wrdreg $0xFFFFFFFF  }
0xc2: {  	_ =	task.clear_ibuf [dreg:s7], $0x2FFFF;
	_ =	strace $0x9FFFFFFF  }
0xc3: {  	(tm) =	ssettm $0x7FFFFFFF  }
tec
execute0_lowered:
.L_overlay_start_1:
0x0: {  	(tag) =	ssettag $0x1  }
0x1: {  	v0 =	vimm.s32 $0xFEDCBA9;
	v1 =	vimm.s32 $0x87654321;
	v3 =	vimm.s32 $0x10FEDCBA  }
0x2: {  	v4 =	vimm.s32 $0x98765432;
	v5 =	vimm.s32 $0x210FEDCB;
	v6 =	vimm.s32 $0xA9876543  }
0x3: {  	v9 =	vimm.s32 $0x3210FEDC;
	v10 =	vimm.s32 $0xBA987654;
	v16 =	vimm.s32 $0x543210FE  }
0x4: {  	v19 =	vimm.s32 $0x6543210F;
	v20 =	vimm.s32 $0xEDCBA987;
	v21 =	vimm.s32 $0xFEDCBA98  }
0x5: {  	vm14 =	vcmask $0x300;
	vm13 =	vcmask $0x704;
	vm12 =	vcmask $0xB08  }
0x6: {  	vm11 =	vcmask $0xF0C;
	vm10 =	vcmask $0x1310;
	vm9 =	vcmask $0x1714  }
0x7: {  	vm8 =	vcmask $0x1B18;
	vm0 =	vcmask $0x1F1C;
	vm1 =	vcmask $0x2320  }
0x8: {  	vm2 =	vcmask $0x2724;
	vm3 =	vcmask $0x2B28;
	vm4 =	vcmask $0x2F2C  }
0x9: {  	vm5 =	vcmask $0x3330;
	vm6 =	vcmask $0x3734;
	vm7 =	vcmask $0x3B38  }
0xa: {  	v26 =	vimm.s32 $0x40F;
	v27 =	vimm.s32 $0x48F;
	v28 =	vimm.s32 $0x50F  }
0xb: {  	v29 =	vimm.s32 $0x58F;
	v30 =	vimm.s32 $0x60F;
	v31 =	vimm.s32 $0x68F  }
0xc: {  	v32 =	vimm.s32 $0x70F;
	v0 =	vunpack.c.l.s4.s8 v0;
	v1 =	vunpack.c.l.s4.s8 v1  }
0xd: {  	v3 =	vunpack.c.l.s4.s8 v3;
	v4 =	vunpack.c.l.s4.s8 v4;
	v5 =	vunpack.c.l.s4.s8 v5  }
0xe: {  	v6 =	vunpack.c.l.s4.s8 v6;
	v9 =	vunpack.c.l.s4.s8 v9;
	v16 =	vunpack.c.l.s4.s8 v16  }
0xf: {  	v19 =	vunpack.c.l.s4.s8 v19;
	v20 =	vunpack.c.l.s4.s8 v20;
	v21 =	vunpack.c.l.s4.s8 v21  }
0x10: {  	v26 =	vsel vm14, $0x480, v26;
	v27 =	vsel vm14, $0x500, v27;
	v28 =	vsel vm14, $0x580, v28  }
0x11: {  	v29 =	vsel vm14, $0x600, v29;
	v30 =	vsel vm14, $0x680, v30;
	v31 =	vsel vm14, $0x700, v31  }
0x12: {  	v32 =	vsel vm14, $0x780, v32;
	v26 =	vsel vm13, $0x501, v26;
	v27 =	vsel vm13, $0x581, v27  }
0x13: {  	v28 =	vsel vm13, $0x601, v28;
	v29 =	vsel vm13, $0x681, v29;
	v30 =	vsel vm13, $0x701, v30  }
0x14: {  	v31 =	vsel vm13, $0x781, v31;
	v32 =	vsel vm13, $0x1, v32;
	v7 =	vunpack.c.0.s8.s32 v0  }
0x15: {  	v8 =	vunpack.c.0.s8.s32 v1;
	v0 =	vlaneseq.u32;
	v11 =	vunpack.c.0.s8.s32 v3  }
0x16: {  	v12 =	vunpack.c.0.s8.s32 v4;
	v3 =	vunpack.c.l.s4.s8 v10;
	v10 =	vunpack.c.0.s8.s32 v5  }
0x17: {  	v13 =	vunpack.c.0.s8.s32 v6;
	v14 =	vunpack.c.0.s8.s32 v9;
	v4 =	vimm.s32 $0xCBA98765  }
0x18: {  	v16 =	vunpack.c.0.s8.s32 v16;
	v19 =	vunpack.c.0.s8.s32 v19;
	v20 =	vunpack.c.0.s8.s32 v20  }
0x19: {  	v21 =	vunpack.c.0.s8.s32 v21;
	v26 =	vsel vm12, $0x582, v26;
	v27 =	vsel vm12, $0x602, v27  }
0x1a: {  	v28 =	vsel vm12, $0x682, v28;
	v29 =	vsel vm12, $0x702, v29;
	v30 =	vsel vm12, $0x782, v30  }
0x1b: {  	v31 =	vsel vm12, $0x2, v31;
	v32 =	vsel vm12, $0x82, v32;
	v1 =	vmul.u32 $0x40, v0  }
0x1c: {  	v4 =	vunpack.c.l.s4.s8 v4;
	v26 =	vsel vm11, $0x603, v26;
	v27 =	vsel vm11, $0x683, v27  }
0x1d: {  	v28 =	vsel vm11, $0x703, v28;
	v29 =	vsel vm11, $0x783, v29;
	v30 =	vsel vm11, $0x3, v30  }
0x1e: {  	v31 =	vsel vm11, $0x83, v31;
	v32 =	vsel vm11, $0x103, v32;
	v2 =	vcombine.low v8, v7  }
0x1f: {  	v15 =	vunpack.c.0.s8.s32 v3;
	v5 =	vcombine.low v12, v11;
	v6 =	vcombine.low v13, v10  }
0x20: {  	v3 =	vimm.s32 $0x43210FED;
	v24 =	vcombine.low v20, v19;
	v25 =	vcombine.low v7, v8  }
0x21: {  	v21 =	vand.u32 $0xF, v21;
	v11 =	vcombine.low v11, v12;
	v12 =	vcombine.low v10, v13  }
0x22: {  	v26 =	vsel vm10, $0x684, v26;
	v27 =	vsel vm10, $0x704, v27;
	v28 =	vsel vm10, $0x784, v28  }
0x23: {  	v29 =	vsel vm10, $0x4, v29;
	v30 =	vsel vm10, $0x84, v30;
	v31 =	vsel vm10, $0x104, v31  }
0x24: {  	v32 =	vsel vm10, $0x184, v32;
	v3 =	vunpack.c.l.s4.s8 v3;
	v18 =	vunpack.c.0.s8.s32 v4  }
0x25: {  	v26 =	vsel vm9, $0x705, v26;
	v27 =	vsel vm9, $0x785, v27;
	v28 =	vsel vm9, $0x5, v28  }
0x26: {  	v29 =	vsel vm9, $0x85, v29;
	v30 =	vsel vm9, $0x105, v30;
	v31 =	vsel vm9, $0x185, v31  }
0x27: {  	[tilespmem:$0x1FFE0] =	vst v1;
	v32 =	vsel vm9, $0x205, v32;
	v1 =	vand.u32 $0xF, v2;
	v9 =	vcombine.low v15, v14  }
0x28: {  	v4 =	vand.u32 $0xF, v6;
	v8 =	vand.u32 $0xF, v24;
	v10 =	vand.u32 $0xF, v25  }
0x29: {  	v11 =	vand.u32 $0xF, v11;
	v12 =	vand.u32 $0xF, v12;
	v13 =	vcombine.low v14, v15  }
0x2a: {  	v14 =	vimm.s32 $0xF;
	v24 =	vimm.s32 $0x30F;
	v25 =	vimm.s32 $0x38F  }
0x2b: {  	v26 =	vsel vm8, $0x786, v26;
	v27 =	vsel vm8, $0x6, v27;
	v28 =	vsel vm8, $0x86, v28  }
0x2c: {  	v29 =	vsel vm8, $0x106, v29;
	v30 =	vsel vm8, $0x186, v30;
	v31 =	vsel vm8, $0x206, v31  }
0x2d: {  	v32 =	vsel vm8, $0x286, v32;
	v17 =	vunpack.c.0.s8.s32 v3;
	v3 =	vand.u32 $0xF, v5  }
0x2e: {  	v14 =	vsel vm14, $0x80, v14;
	v24 =	vsel vm14, $0x380, v24;
	v25 =	vsel vm14, $0x400, v25  }
0x2f: {  	v26 =	vsel vm0, $0x7, v26;
	v27 =	vsel vm0, $0x87, v27;
	v28 =	vsel vm0, $0x107, v28  }
0x30: {  	v29 =	vsel vm0, $0x187, v29;
	v30 =	vsel vm0, $0x207, v30;
	v31 =	vsel vm0, $0x287, v31  }
0x31: {  	v32 =	vsel vm0, $0x307, v32;
	v5 =	vand.u32 $0xF, v9;
	v9 =	vimm.s32 $0xDCBA9876  }
0x32: {  	v13 =	vand.u32 $0xF, v13;
	v24 =	vsel vm13, $0x401, v24;
	v25 =	vsel vm13, $0x481, v25  }
0x33: {  	v26 =	vsel vm1, $0x88, v26;
	v27 =	vsel vm1, $0x108, v27;
	v28 =	vsel vm1, $0x188, v28  }
0x34: {  	v29 =	vsel vm1, $0x208, v29;
	v30 =	vsel vm1, $0x288, v30;
	v31 =	vsel vm1, $0x308, v31  }
0x35: {  	v32 =	vsel vm1, $0x388, v32;
	v6 =	vcombine.low v18, v17;
	v9 =	vunpack.c.l.s4.s8 v9  }
0x36: {  	v15 =	vcombine.low v17, v18;
	v17 =	vsel vm13, $0x101, v14;
	v24 =	vsel vm12, $0x482, v24  }
0x37: {  	v25 =	vsel vm12, $0x502, v25;
	v26 =	vsel vm2, $0x109, v26;
	v27 =	vsel vm2, $0x189, v27  }
0x38: {  	v28 =	vsel vm2, $0x209, v28;
	v29 =	vsel vm2, $0x289, v29;
	v30 =	vsel vm2, $0x309, v30  }
0x39: {  	v31 =	vsel vm2, $0x389, v31;
	v32 =	vsel vm2, $0x409, v32;
	v24 =	vsel vm11, $0x503, v24  }
0x3a: {  	v25 =	vsel vm11, $0x583, v25;
	v26 =	vsel vm3, $0x18A, v26;
	v27 =	vsel vm3, $0x20A, v27  }
0x3b: {  	v28 =	vsel vm3, $0x28A, v28;
	v29 =	vsel vm3, $0x30A, v29;
	v30 =	vsel vm3, $0x38A, v30  }
0x3c: {  	v31 =	vsel vm3, $0x40A, v31;
	v32 =	vsel vm3, $0x48A, v32;
	v22 =	vunpack.c.0.s8.s32 v9  }
0x3d: {  	v9 =	vimm.s32 $0x76543210;
	v6 =	vand.u32 $0xF, v6;
	v14 =	vand.u32 $0xF, v15  }
0x3e: {  	v15 =	vsel vm12, $0x182, v17;
	v17 =	vcombine.low v19, v20;
	v19 =	vimm.s32 $0x8F  }
0x3f: {  	v20 =	vimm.s32 $0x10F;
	v24 =	vsel vm10, $0x584, v24;
	v25 =	vsel vm10, $0x604, v25  }
0x40: {  	v26 =	vsel vm4, $0x20B, v26;
	v27 =	vsel vm4, $0x28B, v27;
	v28 =	vsel vm4, $0x30B, v28  }
0x41: {  	v29 =	vsel vm4, $0x38B, v29;
	v30 =	vsel vm4, $0x40B, v30;
	v31 =	vsel vm4, $0x48B, v31  }
0x42: {  	v32 =	vsel vm4, $0x50B, v32;
	v9 =	vunpack.c.l.s4.s8 v9;
	v15 =	vsel vm11, $0x203, v15  }
0x43: {  	v19 =	vsel vm14, $0x100, v19;
	v20 =	vsel vm14, $0x180, v20;
	v24 =	vsel vm9, $0x605, v24  }
0x44: {  	v25 =	vsel vm9, $0x685, v25;
	v26 =	vsel vm5, $0x28C, v26;
	v27 =	vsel vm5, $0x30C, v27  }
0x45: {  	v28 =	vsel vm5, $0x38C, v28;
	v29 =	vsel vm5, $0x40C, v29;
	v30 =	vsel vm5, $0x48C, v30  }
0x46: {  	v31 =	vsel vm5, $0x50C, v31;
	v32 =	vsel vm5, $0x58C, v32;
	v23 =	vcombine.low v22, v16  }
0x47: {  	v16 =	vcombine.low v16, v22;
	v18 =	vsel vm10, $0x284, v15;
	v19 =	vsel vm13, $0x181, v19  }
0x48: {  	v20 =	vsel vm13, $0x201, v20;
	v22 =	vimm.s32 $0x20F;
	v24 =	vsel vm8, $0x686, v24  }
0x49: {  	v25 =	vsel vm8, $0x706, v25;
	v26 =	vsel vm6, $0x30D, v26;
	v27 =	vsel vm6, $0x38D, v27  }
0x4a: {  	v28 =	vsel vm6, $0x40D, v28;
	v29 =	vsel vm6, $0x48D, v29;
	v30 =	vsel vm6, $0x50D, v30  }
0x4b: {  	v31 =	vsel vm6, $0x58D, v31;
	v32 =	vsel vm6, $0x60D, v32;
	v9 =	vunpack.c.0.s8.s32 v9  }
0x4c: {  	v18 =	vsel vm9, $0x305, v18;
	v19 =	vsel vm12, $0x202, v19;
	v20 =	vsel vm12, $0x282, v20  }
0x4d: {  	v22 =	vsel vm14, $0x280, v22;
	v24 =	vsel vm0, $0x707, v24;
	v25 =	vsel vm0, $0x787, v25  }
0x4e: {  	v26 =	vsel vm7, $0x38E, v26;
	v27 =	vsel vm7, $0x40E, v27;
	v28 =	vsel vm7, $0x48E, v28  }
0x4f: {  	v29 =	vsel vm7, $0x50E, v29;
	v30 =	vsel vm7, $0x58E, v30;
	v31 =	vsel vm7, $0x60E, v31  }
0x50: {  	v32 =	vsel vm7, $0x68E, v32;
	v7 =	vand.u32 $0xF, v23;
	v15 =	vand.u32 $0xF, v16  }
0x51: {  	v16 =	vand.u32 $0xF, v17;
	v17 =	vmul.u32 $0x81, v0;
	v18 =	vsel vm8, $0x386, v18  }
0x52: {  	v19 =	vsel vm11, $0x283, v19;
	v20 =	vsel vm11, $0x303, v20;
	v23 =	vimm.s32 $0x28F  }
0x53: {  	v22 =	vsel vm13, $0x301, v22;
	v24 =	vsel vm1, $0x788, v24;
	v25 =	vsel vm1, $0x8, v25  }
0x54: {  	v9 =	vcombine.low v21, v9;
	v18 =	vsel vm0, $0x407, v18;
	v19 =	vsel vm10, $0x304, v19  }
0x55: {  	v20 =	vsel vm10, $0x384, v20;
	v21 =	vimm.s32 $0x18F;
	v23 =	vsel vm14, $0x300, v23  }
0x56: {  	v22 =	vsel vm12, $0x382, v22;
	v24 =	vsel vm2, $0x9, v24;
	v25 =	vsel vm2, $0x89, v25  }
0x57: {  	v18 =	vsel vm1, $0x488, v18;
	v19 =	vsel vm9, $0x385, v19;
	v20 =	vsel vm9, $0x405, v20  }
0x58: {  	v21 =	vsel vm14, $0x200, v21;
	v23 =	vsel vm13, $0x381, v23;
	v22 =	vsel vm11, $0x403, v22  }
0x59: {  	v24 =	vsel vm3, $0x8A, v24;
	v25 =	vsel vm3, $0x10A, v25;
	v18 =	vsel vm2, $0x509, v18  }
0x5a: {  	v19 =	vsel vm8, $0x406, v19;
	v20 =	vsel vm8, $0x486, v20;
	v21 =	vsel vm13, $0x281, v21  }
0x5b: {  	v23 =	vsel vm12, $0x402, v23;
	v22 =	vsel vm10, $0x484, v22;
	v24 =	vsel vm4, $0x10B, v24  }
0x5c: {  	v25 =	vsel vm4, $0x18B, v25;
	v18 =	vsel vm3, $0x58A, v18;
	v19 =	vsel vm0, $0x487, v19  }
0x5d: {  	v20 =	vsel vm0, $0x507, v20;
	v21 =	vsel vm12, $0x302, v21;
	v23 =	vsel vm11, $0x483, v23  }
0x5e: {  	v22 =	vsel vm9, $0x505, v22;
	v24 =	vsel vm5, $0x18C, v24;
	v25 =	vsel vm5, $0x20C, v25  }
0x5f: {  	v18 =	vsel vm4, $0x60B, v18;
	v19 =	vsel vm1, $0x508, v19;
	v20 =	vsel vm1, $0x588, v20  }
0x60: {  	s1 =	rddreg [dreg:$0x0];
	v21 =	vsel vm11, $0x383, v21;
	v23 =	vsel vm10, $0x504, v23;
	v22 =	vsel vm8, $0x586, v22  }
0x61: {  	s0 =	rddreg [dreg:$0x1];
	v24 =	vsel vm6, $0x20D, v24;
	v25 =	vsel vm6, $0x28D, v25;
	v19 =	vsel vm2, $0x589, v19  }
0x62: {  	s2 =	rddreg [dreg:$0x2];
	s8 =	stileid.u32;
	v20 =	vsel vm2, $0x609, v20;
	v18 =	vsel vm5, $0x68C, v18;
	v21 =	vsel vm10, $0x404, v21  }
0x63: {  	s4 =	simm.s32 $0x0;
	s5 =	srdreg.scid;
	s13 =	simm.s32 $0x80;
	v23 =	vsel vm9, $0x585, v23;
	v22 =	vsel vm0, $0x607, v22;
	v24 =	vsel vm7, $0x28E, v24  }
0x64: {  	s14 =	simm.s32 $0x10040;
	s15 =	simm.s32 $0x12040;
	s16 =	simm.s32 $0x1;
	v25 =	vsel vm7, $0x30E, v25;
	v19 =	vsel vm3, $0x60A, v19;
	v20 =	vsel vm3, $0x68A, v20  }
0x65: {  	s17 =	simm.s32 $0x14040;
	s19 =	simm.s32 $0x6;
	s20 =	simm.s32 $0x1A040;
	v18 =	vsel vm6, $0x70D, v18;
	v21 =	vsel vm9, $0x485, v21;
	v23 =	vsel vm8, $0x606, v23  }
0x66: {  	s28 =	simm.s32 $0x1B440;
	s29 =	simm.s32 $0x1B840;
	s30 =	simm.s32 $0x1BC40;
	v22 =	vsel vm1, $0x688, v22;
	v19 =	vsel vm4, $0x68B, v19;
	v20 =	vsel vm4, $0x70B, v20  }
0x67: {  	s3 =	smul.u32 $0x9C40, s8;
	[smem:$0x7FF] =	sst s4;
	s5 =	sand.u32 $0x1, s5;
	v18 =	vsel vm7, $0x78E, v18;
	v21 =	vsel vm8, $0x506, v21;
	v23 =	vsel vm0, $0x687, v23  }
0x68: {  	s9 =	sadd.s32 $0x14000, s1;
	s23 =	sshll.u32 s8, $0x6;
	s24 =	sshll.u32 s8, $0x3;
	v22 =	vsel vm2, $0x709, v22;
	v19 =	vsel vm5, $0x70C, v19;
	v20 =	vsel vm5, $0x78C, v20  }
0x69: {  	s7 =	ssub.s32 $0x2, s5;
	s5 =	sshll.u32 s5, $0x2;
	s6 =	sshrl.u32 s3, $0x3;
	v21 =	vsel vm0, $0x587, v21;
	v23 =	vsel vm1, $0x708, v23;
	v22 =	vsel vm3, $0x78A, v22  }
0x6a: {  	s22 =	sshrl.u32 s7, $0x1;
	s3 =	sadd.s32 s3, s2;
	s1 =	sadd.s32 s6, s1;
	[tilespmem:$0x1FFF0] =	vst v1;
	v19 =	vsel vm6, $0x78D, v19;
	v20 =	vsel vm6, $0xD, v20;
	v21 =	vsel vm1, $0x608, v21  }
0x6b: {  	s1 =	sadd.s32 $0x600, s1;
	_ =	strace $0x80000047;
	[dreg:$0x4] =	wrdreg s9;
	v23 =	vsel vm2, $0x789, v23;
	v22 =	vsel vm4, $0xB, v22;
	v21 =	vsel vm2, $0x689, v21  }
0x6c: {  	s25 =	sor.u32 s5, s24;
	s6 =	ssub.s32 s7, s22;
	[dreg:$0x5] =	wrdreg s1;
	v19 =	vsel vm7, $0xE, v19;
	v23 =	vsel vm3, $0xA, v23;
	v21 =	vsel vm3, $0x70A, v21  }
0x6d: {  	s24 =	simm.s32 $0x1B040;
	s26 =	smax.u32 s6, $0x1;
	[dreg:$0x7] =	wrdreg s25;
	v20 =	vsel vm7, $0x8E, v20;
	v23 =	vsel vm4, $0x8B, v23;
	v21 =	vsel vm4, $0x78B, v21  }
0x6e: {  	s31 =	sshrl.u32 s3, $0x3;
	s7 =	simm.s32 $0x18040;
	[dreg:$0x8] =	wrdreg s26;
	v22 =	vsel vm5, $0x8C, v22;
	v23 =	vsel vm5, $0x10C, v23;
	v21 =	vsel vm5, $0xC, v21  }
0x6f: {  	s3 =	simm.s32 $0x0;
	s1 =	sor.u32 $0x1C07, s23;
	[dreg:$0x9] =	wrdreg s31;
	v22 =	vsel vm6, $0x10D, v22;
	v23 =	vsel vm6, $0x18D, v23;
	v21 =	vsel vm6, $0x8D, v21  }
0x70: {  	s25 =	simm.s32 $0x2;
	s26 =	simm.s32 $0x16040;
	[dreg:$0x6] =	wrdreg s1;
	v22 =	vsel vm7, $0x18E, v22;
	v23 =	vsel vm7, $0x20E, v23;
	v21 =	vsel vm7, $0x10E, v21  }
.LBB2_1:
0x71: {  	[dreg:$0xa] =	wrdreg s3  }
0x72: {  	s1 =	rddreg [dreg:$0x5]  }
0x73: {  	s23 =	rddreg [dreg:$0x6]  }
0x74: {  	s5 =	rddreg [dreg:$0x9];
	s31 =	simm.s32 $0x7  }
0x75: {  	[spmem:s5], [sflag:s23] =	dma.local [hbm:s1], $0x1388  }
0x76: {  	_ =	swait.ge [sflag:s31], $0x1388  }
0x77: {  	[sflag:s31] =	ssyncset.done $0x0  }
0x78: {  	[sflag:s31] =	ssyncadd.s32 $0xFFFFEC78  }
0x79: {  	s3 =	simm.s32 $0x0;
	[bflag:$0x0] =	sbarrier.arrive $0xFFFF  }
.LBB2_2:
0x7a: {  	s1 =	rddreg [dreg:$0x7]  }
0x7b: {  	s1 =	sadd.s32 s1, s3  }
0x7c: {  	[dreg:$0xb] =	wrdreg s3;
	s3 =	smul.u32 $0xC80, s1  }
0x7d: {  	s5 =	rddreg [dreg:$0x4];
	s31 =	simm.s32 $0x0  }
0x7e: {  	s22 =	simm.s32 $0x9C40;
	s23 =	simm.s32 $0x7;
	s3 =	sadd.s32 s5, s3  }
0x7f: {  	[tilespmem:s22], [sflag:$0x7] =	stream.linear.gather [hbm4b:s3+s31], $0x6400, $0x38;
	[tilespmem:$0x1C040] =	vst v63  }
0x80: {  	_ =	swait.ge [sflag:s23], $0x6400  }
0x81: {  	[sflag:s23] =	ssyncset.done $0x0  }
0x82: {  	s1 =	sshll.u32 s1, $0xA;
	[sflag:s23] =	ssyncadd.s32 $0xFFFF9C00  }
0x83: {  	[tilespmem:s14], [sflag:$0x1] =	stream.indirect.gather [spmem:s2], $0x40, s22, s13, $0xb8;
	[tilespmem:$0x1C040] =	vst v63  }
.LBB2_3:
0x84: {  	s3 =	sshll.u32 s31, $0x2  }
0x85: {  	s6 =	sor.u32 $0x1, s3  }
0x86: {  	s5 =	sshll.u32 s6, $0x7  }
0x87: {  	s5 =	sand.u32 $0x3FFFFE80, s5  }
0x88: {  	s5 =	sadd.s32 $0x9C40, s5  }
0x89: {  	[tilespmem:s15], [sflag:$0x2] =	stream.indirect.gather [spmem:s2], $0x40, s5, s13, $0xb8;
	[tilespmem:$0x1C040] =	vst v63  }
0x8a: {  	_ =	swait.ge [sflag:s16], $0x2000  }
0x8b: {  	p0 =	seq.s32 s31, $0x0;
	[sflag:s16] =	ssyncset.done $0x0  }
0x8c: {  	s5 =	simm.s32 @!p0 $0x3;
	[sflag:s16] =	ssyncadd.s32 $0xFFFFE000  }
0x8d: {  	_ =	swait.ge @!p0 [sflag:s5], $0x400  }
0x8e: {  	[sflag:s5] =	ssyncset.done @!p0 $0x0  }
0x8f: {  	[sflag:s5] =	ssyncadd.s32 @!p0 $0xFFFFFC00  }
0x90: {  	_ =	swait.ge @!p0 [sflag:s5], $0x400  }
0x91: {  	[sflag:s5] =	ssyncset.done @!p0 $0x0  }
0x92: {  	[sflag:s5] =	ssyncadd.s32 @!p0 $0xFFFFFC00  }
0x93: {  	_ =	swait.ge @!p0 [sflag:s5], $0x400  }
0x94: {  	[sflag:s5] =	ssyncset.done @!p0 $0x0  }
0x95: {  	[sflag:s5] =	ssyncadd.s32 @!p0 $0xFFFFFC00  }
0x96: {  	_ =	swait.ge @!p0 [sflag:s5], $0x400  }
0x97: {  	[sflag:s5] =	ssyncset.done @!p0 $0x0  }
0x98: {  	[sflag:s5] =	ssyncadd.s32 @!p0 $0xFFFFFC00  }
0x99: {  	_ =	swait.ge @!p0 [sflag:s5], $0x400  }
0x9a: {  	[sflag:s5] =	ssyncset.done @!p0 $0x0  }
0x9b: {  	[sflag:s5] =	ssyncadd.s32 @!p0 $0xFFFFFC00  }
0x9c: {  	_ =	swait.ge @!p0 [sflag:s5], $0x400  }
0x9d: {  	[sflag:s5] =	ssyncset.done @!p0 $0x0  }
0x9e: {  	[sflag:s5] =	ssyncadd.s32 @!p0 $0xFFFFFC00  }
0x9f: {  	_ =	swait.ge @!p0 [sflag:s5], $0x400  }
0xa0: {  	[sflag:s5] =	ssyncset.done @!p0 $0x0  }
0xa1: {  	[sflag:s5] =	ssyncadd.s32 @!p0 $0xFFFFFC00  }
0xa2: {  	_ =	swait.ge @!p0 [sflag:s5], $0x400  }
0xa3: {  	[sflag:s5] =	ssyncset.done @!p0 $0x0  }
0xa4: {  	s9 =	simm.s32 $0x0;
	s10 =	simm.s32 $0x0;
	[sflag:s5] =	ssyncadd.s32 @!p0 $0xFFFFFC00  }
.LBB2_4:
0xa5: {  	v0 =	vld [tilespmem:$0x1FFE0];
	_ =	sdelay $0x1  }
0xa6: {  	s5 =	sshll.u32 s10, $0x4  }
0xa7: {  	v33 =	vmov s5  }
0xa8: {  	v33 =	vshll.u32 v33, $0x6  }
0xa9: {  	v33 =	vor.u32 v0, v33;
	v0 =	vlaneseq.u32  }
0xaa: {  	v35 =	vor.u32 v0, v33;
	v0 =	vld [tilespmem:$0x1FFF0];
	_ =	sdelay $0x1  }
0xab: {  	s8 =	simm.s32 $0x0;
	v38 =	vor.u32 v4, v33  }
0xac: {  	v41 =	vor.u32 v8, v33;
	v40 =	vor.u32 s8, v38  }
0xad: {  	v42 =	vor.u32 s8, v41  }
0xae: {  	v43 =	vor.u32 s8, v35;
	v36 =	vor.u32 v0, v33  }
0xaf: {  	v37 =	vor.u32 v3, v33;
	v44 =	vor.u32 s8, v36  }
0xb0: {  	v34 =	vor.u32 v5, v33;
	v45 =	vor.u32 s8, v37  }
0xb1: {  	v39 =	vor.u32 v6, v33;
	v47 =	vor.u32 s8, v34;
	v46 =	vld.idx.msk [tilespmem:v40+s14+$0x0], $0xffff  }
0xb2: {  	v48 =	vor.u32 s8, v39;
	v40 =	vor.u32 v7, v33;
	v49 =	vld.idx.msk [tilespmem:v42+s14+$0x0], $0xffff  }
0xb3: {  	v50 =	vor.u32 s9, v17;
	v58 =	vld.idx.msk [tilespmem:v43+s14+$0x0], $0xffff;
	v59 =	vor.u32 s8, v40  }
0xb4: {  	v51 =	vor.u32 s9, v18;
	v44 =	vld.idx.msk [tilespmem:v44+s14+$0x0], $0xffff  }
0xb5: {  	v52 =	vor.u32 s9, v19;
	v45 =	vld.idx.msk [tilespmem:v45+s14+$0x0], $0xffff  }
0xb6: {  	v53 =	vor.u32 s9, v20;
	v47 =	vld.idx.msk [tilespmem:v47+s14+$0x0], $0xffff  }
0xb7: {  	v55 =	vor.u32 s9, v21;
	v48 =	vld.idx.msk [tilespmem:v48+s14+$0x0], $0xffff  }
0xb8: {  	v60 =	vor.u32 s9, v22;
	v54 =	vld.idx.msk [tilespmem:v59+s14+$0x0], $0xffff;
	[tilespmem:v50+s17+$0x0] =	vst.idx.msk $0xffff, v58  }
0xb9: {  	[tilespmem:v51+s17+$0x0] =	vst.idx.msk $0xffff, v44  }
0xba: {  	v61 =	vor.u32 s9, v23;
	[tilespmem:v52+s17+$0x0] =	vst.idx.msk $0xffff, v45  }
0xbb: {  	v62 =	vor.u32 s9, v24;
	v42 =	vor.u32 v9, v33;
	[tilespmem:v53+s17+$0x0] =	vst.idx.msk $0xffff, v46  }
0xbc: {  	v63 =	vor.u32 s8, v42;
	v44 =	vor.u32 v16, v33;
	[tilespmem:v55+s17+$0x0] =	vst.idx.msk $0xffff, v47  }
0xbd: {  	v43 =	vor.u32 v13, v33;
	[tilespmem:v60+s17+$0x0] =	vst.idx.msk $0xffff, v48;
	v48 =	vor.u32 s8, v44  }
0xbe: {  	v46 =	vor.u32 v11, v33;
	v55 =	vor.u32 s8, v43  }
0xbf: {  	v45 =	vor.u32 v10, v33;
	v56 =	vor.u32 s8, v46;
	[tilespmem:v61+s17+$0x0] =	vst.idx.msk $0xffff, v54  }
0xc0: {  	v47 =	vor.u32 v12, v33;
	v54 =	vor.u32 s8, v45;
	[tilespmem:v62+s17+$0x0] =	vst.idx.msk $0xffff, v49  }
0xc1: {  	v61 =	vor.u32 s8, v47;
	v49 =	vor.u32 v15, v33;
	v53 =	vld.idx.msk [tilespmem:v63+s14+$0x0], $0xffff  }
0xc2: {  	v59 =	vor.u32 s8, v49;
	v51 =	vld.idx.msk [tilespmem:v48+s14+$0x0], $0xffff;
	v48 =	vor.u32 v14, v33  }
0xc3: {  	v52 =	vld.idx.msk [tilespmem:v55+s14+$0x0], $0xffff;
	v57 =	vor.u32 s8, v48  }
0xc4: {  	v60 =	vor.u32 s9, v25;
	v55 =	vld.idx.msk [tilespmem:v56+s14+$0x0], $0xffff  }
0xc5: {  	s12 =	simm.s32 $0x20;
	s5 =	sadd.s32 $0x800, s9;
	v58 =	vor.u32 s9, v26;
	v54 =	vld.idx.msk [tilespmem:v54+s14+$0x0], $0xffff  }
0xc6: {  	s11 =	smov.u32 s9;
	s18 =	sadd.s32 $0x800, s5;
	v50 =	vor.u32 s9, v28;
	v33 =	vor.u32 s5, v28;
	s8 =	simm.s32 $0x10;
	v56 =	vld.idx.msk [tilespmem:v61+s14+$0x0], $0xffff;
	v61 =	vor.u32 s9, v27  }
.LBB2_5:
0xc7: {  	v62 =	vor.u32 s18, v28;
	p1 =	sne.s32 s12, $0x30;
	v63 =	vor.u32 s8, v35;
	v59 =	vld.idx.msk [tilespmem:v59+s14+$0x0], $0xffff;
	s21 =	smov.u32 s12;
	s12 =	sadd.s32 $0x10, s12  }
0xc8: {  	v0 =	vor.u32 s8, v36;
	v1 =	vor.u32 s11, v29;
	v57 =	vld.idx.msk [tilespmem:v57+s14+$0x0], $0xffff  }
0xc9: {  	v2 =	vor.u32 s8, v37;
	[tilespmem:v60+s17+$0x0] =	vst.idx.msk $0xffff, v53;
	v53 =	vor.u32 s11, v30  }
0xca: {  	[tilespmem:v58+s17+$0x0] =	vst.idx.msk $0xffff, v54;
	v54 =	vor.u32 s11, v31  }
0xcb: {  	[tilespmem:v61+s17+$0x0] =	vst.idx.msk $0xffff, v55;
	v55 =	vor.u32 s11, v32;
	s11 =	smov.u32 s5;
	s5 =	smov.u32 s18  }
0xcc: {  	v58 =	vor.u32 s8, v38;
	[tilespmem:v50+s17+$0x0] =	vst.idx.msk $0xffff, v56;
	v50 =	vmov v33;
	v33 =	vmov v62  }
0xcd: {  	v56 =	vor.u32 s8, v41;
	[tilespmem:v1+s17+$0x0] =	vst.idx.msk $0xffff, v52  }
0xce: {  	[tilespmem:v53+s17+$0x0] =	vst.idx.msk $0xffff, v57  }
0xcf: {  	[tilespmem:v54+s17+$0x0] =	vst.idx.msk $0xffff, v59  }
0xd0: {  	[tilespmem:v55+s17+$0x0] =	vst.idx.msk $0xffff, v51  }
0xd1: {  	v51 =	vor.u32 s8, v34;
	v1 =	vld.idx.msk [tilespmem:v58+s14+$0x0], $0xffff  }
0xd2: {  	v52 =	vor.u32 s8, v39;
	v53 =	vld.idx.msk [tilespmem:v56+s14+$0x0], $0xffff  }
0xd3: {  	v55 =	vor.u32 s8, v40;
	v54 =	vld.idx.msk [tilespmem:v63+s14+$0x0], $0xffff  }
0xd4: {  	v56 =	vor.u32 s11, v17;
	v0 =	vld.idx.msk [tilespmem:v0+s14+$0x0], $0xffff  }
0xd5: {  	v57 =	vor.u32 s11, v18;
	v2 =	vld.idx.msk [tilespmem:v2+s14+$0x0], $0xffff  }
0xd6: {  	v58 =	vor.u32 s11, v19;
	v51 =	vld.idx.msk [tilespmem:v51+s14+$0x0], $0xffff  }
0xd7: {  	v59 =	vor.u32 s11, v20;
	v52 =	vld.idx.msk [tilespmem:v52+s14+$0x0], $0xffff  }
0xd8: {  	v60 =	vor.u32 s11, v21;
	v55 =	vld.idx.msk [tilespmem:v55+s14+$0x0], $0xffff  }
0xd9: {  	[tilespmem:v56+s17+$0x0] =	vst.idx.msk $0xffff, v54;
	v54 =	vor.u32 s11, v22  }
0xda: {  	[tilespmem:v57+s17+$0x0] =	vst.idx.msk $0xffff, v0;
	v0 =	vor.u32 s11, v23  }
0xdb: {  	[tilespmem:v58+s17+$0x0] =	vst.idx.msk $0xffff, v2;
	v2 =	vor.u32 s11, v24  }
0xdc: {  	[tilespmem:v59+s17+$0x0] =	vst.idx.msk $0xffff, v1;
	v1 =	vor.u32 s8, v42  }
0xdd: {  	[tilespmem:v60+s17+$0x0] =	vst.idx.msk $0xffff, v51;
	v51 =	vor.u32 s8, v43  }
0xde: {  	[tilespmem:v54+s17+$0x0] =	vst.idx.msk $0xffff, v52;
	v54 =	vor.u32 s8, v44  }
0xdf: {  	[tilespmem:v0+s17+$0x0] =	vst.idx.msk $0xffff, v55;
	v0 =	vor.u32 s8, v45  }
0xe0: {  	[tilespmem:v2+s17+$0x0] =	vst.idx.msk $0xffff, v53;
	v2 =	vor.u32 s8, v46  }
0xe1: {  	v53 =	vld.idx.msk [tilespmem:v1+s14+$0x0], $0xffff;
	v1 =	vor.u32 s8, v47  }
.Ltmp0:
0xe2: {  	v59 =	vor.u32 s8, v49;
	v52 =	vld.idx.msk [tilespmem:v51+s14+$0x0], $0xffff;
	(pc) =	sbr.rel @p1 .LBB2_5-.Ltmp0, $4  }
0xe3: {  	v57 =	vor.u32 s8, v48;
	s8 =	smov.u32 s21;
	v51 =	vld.idx.msk [tilespmem:v54+s14+$0x0], $0xffff  }
0xe4: {  	v60 =	vor.u32 s11, v25;
	v54 =	vld.idx.msk [tilespmem:v0+s14+$0x0], $0xffff  }
0xe5: {  	v58 =	vor.u32 s11, v26;
	v55 =	vld.idx.msk [tilespmem:v2+s14+$0x0], $0xffff  }
0xe6: {  	s18 =	sadd.s32 $0x800, s18;
	v61 =	vor.u32 s11, v27;
	v56 =	vld.idx.msk [tilespmem:v1+s14+$0x0], $0xffff  }
0xe7: {  	_ =	sdelay $0x3  }
0xe8: {  	v0 =	vld.idx.msk [tilespmem:v59+s14+$0x0], $0xffff;
	v2 =	vor.u32 s11, v29  }
0xe9: {  	v1 =	vld.idx.msk [tilespmem:v57+s14+$0x0], $0xffff;
	[tilespmem:v60+s17+$0x0] =	vst.idx.msk $0xffff, v53;
	v60 =	vor.u32 s11, v30  }
0xea: {  	v62 =	vor.u32 s11, v31;
	[tilespmem:v58+s17+$0x0] =	vst.idx.msk $0xffff, v54  }
0xeb: {  	v63 =	vor.u32 s11, v32;
	[tilespmem:v61+s17+$0x0] =	vst.idx.msk $0xffff, v55  }
0xec: {  	v38 =	vor.u32 s8, v38;
	[tilespmem:v50+s17+$0x0] =	vst.idx.msk $0xffff, v56  }
0xed: {  	v41 =	vor.u32 s8, v41;
	[tilespmem:v2+s17+$0x0] =	vst.idx.msk $0xffff, v52  }
0xee: {  	v2 =	vor.u32 s8, v35;
	[tilespmem:v60+s17+$0x0] =	vst.idx.msk $0xffff, v1  }
0xef: {  	v1 =	vor.u32 s8, v36;
	[tilespmem:v62+s17+$0x0] =	vst.idx.msk $0xffff, v0  }
0xf0: {  	v0 =	vor.u32 s8, v37;
	[tilespmem:v63+s17+$0x0] =	vst.idx.msk $0xffff, v51  }
0xf1: {  	v34 =	vor.u32 s8, v34;
	v55 =	vld.idx.msk [tilespmem:v38+s14+$0x0], $0xffff  }
0xf2: {  	v56 =	vor.u32 s8, v39;
	v57 =	vld.idx.msk [tilespmem:v41+s14+$0x0], $0xffff  }
0xf3: {  	v59 =	vor.u32 s5, v17;
	v58 =	vor.u32 s8, v40;
	v2 =	vld.idx.msk [tilespmem:v2+s14+$0x0], $0xffff  }
0xf4: {  	v60 =	vor.u32 s5, v18;
	v1 =	vld.idx.msk [tilespmem:v1+s14+$0x0], $0xffff  }
0xf5: {  	v61 =	vor.u32 s5, v19;
	v0 =	vld.idx.msk [tilespmem:v0+s14+$0x0], $0xffff  }
0xf6: {  	v62 =	vor.u32 s5, v20;
	v34 =	vld.idx.msk [tilespmem:v34+s14+$0x0], $0xffff  }
0xf7: {  	v63 =	vor.u32 s5, v21;
	v36 =	vld.idx.msk [tilespmem:v56+s14+$0x0], $0xffff  }
0xf8: {  	v38 =	vld.idx.msk [tilespmem:v58+s14+$0x0], $0xffff;
	[tilespmem:v59+s17+$0x0] =	vst.idx.msk $0xffff, v2;
	v2 =	vor.u32 s5, v22  }
0xf9: {  	[tilespmem:v60+s17+$0x0] =	vst.idx.msk $0xffff, v1;
	v1 =	vor.u32 s5, v23  }
0xfa: {  	[tilespmem:v61+s17+$0x0] =	vst.idx.msk $0xffff, v0;
	v0 =	vor.u32 s5, v24  }
0xfb: {  	v54 =	vor.u32 s8, v42;
	[tilespmem:v62+s17+$0x0] =	vst.idx.msk $0xffff, v55  }
0xfc: {  	v55 =	vor.u32 s8, v43;
	[tilespmem:v63+s17+$0x0] =	vst.idx.msk $0xffff, v34  }
0xfd: {  	v56 =	vor.u32 s8, v47;
	[tilespmem:v2+s17+$0x0] =	vst.idx.msk $0xffff, v36  }
0xfe: {  	[tilespmem:v1+s17+$0x0] =	vst.idx.msk $0xffff, v38;
	v1 =	vor.u32 s8, v45  }
0xff: {  	[tilespmem:v0+s17+$0x0] =	vst.idx.msk $0xffff, v57;
	v0 =	vor.u32 s8, v46  }
0x100: {  	v58 =	vor.u32 s8, v48;
	v35 =	vld.idx.msk [tilespmem:v54+s14+$0x0], $0xffff  }
0x101: {  	v2 =	vor.u32 s8, v44;
	v34 =	vld.idx.msk [tilespmem:v55+s14+$0x0], $0xffff  }
0x102: {  	v59 =	vor.u32 s5, v25;
	v57 =	vor.u32 s8, v49;
	v36 =	vld.idx.msk [tilespmem:v56+s14+$0x0], $0xffff  }
0x103: {  	v60 =	vor.u32 s5, v26;
	v1 =	vld.idx.msk [tilespmem:v1+s14+$0x0], $0xffff  }
0x104: {  	v61 =	vor.u32 s5, v27;
	v0 =	vld.idx.msk [tilespmem:v0+s14+$0x0], $0xffff  }
0x105: {  	v38 =	vld.idx.msk [tilespmem:v58+s14+$0x0], $0xffff  }
0x106: {  	v62 =	vor.u32 s5, v29;
	v2 =	vld.idx.msk [tilespmem:v2+s14+$0x0], $0xffff  }
0x107: {  	v63 =	vor.u32 s5, v30;
	v37 =	vld.idx.msk [tilespmem:v57+s14+$0x0], $0xffff;
	[tilespmem:v59+s17+$0x0] =	vst.idx.msk $0xffff, v35  }
0x108: {  	s10 =	sadd.s32 $0x1, s10;
	[tilespmem:v60+s17+$0x0] =	vst.idx.msk $0xffff, v1;
	v1 =	vor.u32 s5, v31  }
0x109: {  	p1 =	sne.s32 s10, $0x8;
	[tilespmem:v61+s17+$0x0] =	vst.idx.msk $0xffff, v0;
	v0 =	vor.u32 s5, v32  }
.Ltmp1:
0x10a: {  	[tilespmem:v33+s17+$0x0] =	vst.idx.msk $0xffff, v36;
	(pc) =	sbr.rel @p1 .LBB2_4-.Ltmp1, $4  }
0x10b: {  	[tilespmem:v62+s17+$0x0] =	vst.idx.msk $0xffff, v34  }
0x10c: {  	[tilespmem:v63+s17+$0x0] =	vst.idx.msk $0xffff, v38  }
0x10d: {  	[tilespmem:v1+s17+$0x0] =	vst.idx.msk $0xffff, v37  }
0x10e: {  	s9 =	sadd.s32 $0x10, s9;
	[tilespmem:v0+s17+$0x0] =	vst.idx.msk $0xffff, v2  }
0x10f: {  	s5 =	sshll.u32 s31, $0x16  }
0x110: {  	s5 =	sadd.s32 s1, s5  }
0x111: {  	s5 =	sshrl.u32 s5, $0x3  }
0x112: {  	s9 =	simm.s32 $0x14440;
	s8 =	sadd.s32 s0, s5;
	s12 =	sor.u32 $0x4000, s5  }
0x113: {  	[hbm4b:s8+s4] =	stream.linear.scatter [tilespmem:s17], [sflag:$0x3], $0x400, $0x38;
	[tilespmem:$0x1C040] =	vst v63  }
0x114: {  	s21 =	simm.s32 $0x14840;
	s18 =	sor.u32 $0x8000, s5;
	s8 =	sadd.s32 s0, s12  }
0x115: {  	[hbm4b:s8+s4] =	stream.linear.scatter [tilespmem:s9], [sflag:$0x3], $0x400, $0x38;
	[tilespmem:$0x1C040] =	vst v63  }
0x116: {  	s23 =	simm.s32 $0x14C40;
	s22 =	sor.u32 $0xC000, s5;
	s8 =	sadd.s32 s0, s18  }
0x117: {  	[hbm4b:s8+s4] =	stream.linear.scatter [tilespmem:s21], [sflag:$0x3], $0x400, $0x38;
	[tilespmem:$0x1C040] =	vst v63  }
0x118: {  	s10 =	simm.s32 $0x15040;
	s9 =	sor.u32 $0x10000, s5;
	s8 =	sadd.s32 s0, s22  }
0x119: {  	[hbm4b:s8+s4] =	stream.linear.scatter [tilespmem:s23], [sflag:$0x3], $0x400, $0x38;
	[tilespmem:$0x1C040] =	vst v63  }
0x11a: {  	s11 =	sor.u32 $0x14000, s5;
	s12 =	simm.s32 $0x15440;
	s8 =	sadd.s32 s0, s9  }
0x11b: {  	[hbm4b:s8+s4] =	stream.linear.scatter [tilespmem:s10], [sflag:$0x3], $0x400, $0x38;
	[tilespmem:$0x1C040] =	vst v63  }
0x11c: {  	s18 =	sor.u32 $0x18000, s5;
	s5 =	sor.u32 $0x1C000, s5;
	s8 =	sadd.s32 s0, s11  }
0x11d: {  	[hbm4b:s8+s4] =	stream.linear.scatter [tilespmem:s12], [sflag:$0x3], $0x400, $0x38;
	[tilespmem:$0x1C040] =	vst v63  }
0x11e: {  	s21 =	simm.s32 $0x15840;
	s9 =	sor.u32 $0x2, s3;
	s8 =	sadd.s32 s0, s18  }
0x11f: {  	[hbm4b:s8+s4] =	stream.linear.scatter [tilespmem:s21], [sflag:$0x3], $0x400, $0x38;
	[tilespmem:$0x1C040] =	vst v63  }
0x120: {  	s5 =	sadd.s32 s0, s5;
	s22 =	simm.s32 $0x15C40;
	s23 =	sshll.u32 s9, $0x7  }
0x121: {  	[hbm4b:s5+s4] =	stream.linear.scatter [tilespmem:s22], [sflag:$0x3], $0x400, $0x38;
	[tilespmem:$0x1C040] =	vst v63  }
0x122: {  	s5 =	sand.u32 $0x3FFFFF80, s23  }
0x123: {  	s5 =	sadd.s32 $0x9C40, s5  }
0x124: {  	[tilespmem:s14], [sflag:$0x1] =	stream.indirect.gather [spmem:s2], $0x40, s5, s13, $0xb8;
	[tilespmem:$0x1C040] =	vst v63  }
0x125: {  	_ =	swait.ge [sflag:s25], $0x2000  }
0x126: {  	[sflag:s25] =	ssyncset.done $0x0  }
0x127: {  	s5 =	simm.s32 @!p0 $0x4;
	[sflag:s25] =	ssyncadd.s32 $0xFFFFE000  }
0x128: {  	_ =	swait.ge @!p0 [sflag:s5], $0x400  }
0x129: {  	[sflag:s5] =	ssyncset.done @!p0 $0x0  }
0x12a: {  	[sflag:s5] =	ssyncadd.s32 @!p0 $0xFFFFFC00  }
0x12b: {  	_ =	swait.ge @!p0 [sflag:s5], $0x400  }
0x12c: {  	[sflag:s5] =	ssyncset.done @!p0 $0x0  }
0x12d: {  	[sflag:s5] =	ssyncadd.s32 @!p0 $0xFFFFFC00  }
0x12e: {  	_ =	swait.ge @!p0 [sflag:s5], $0x400  }
0x12f: {  	[sflag:s5] =	ssyncset.done @!p0 $0x0  }
0x130: {  	[sflag:s5] =	ssyncadd.s32 @!p0 $0xFFFFFC00  }
0x131: {  	_ =	swait.ge @!p0 [sflag:s5], $0x400  }
0x132: {  	[sflag:s5] =	ssyncset.done @!p0 $0x0  }
0x133: {  	[sflag:s5] =	ssyncadd.s32 @!p0 $0xFFFFFC00  }
0x134: {  	_ =	swait.ge @!p0 [sflag:s5], $0x400  }
0x135: {  	[sflag:s5] =	ssyncset.done @!p0 $0x0  }
0x136: {  	[sflag:s5] =	ssyncadd.s32 @!p0 $0xFFFFFC00  }
0x137: {  	_ =	swait.ge @!p0 [sflag:s5], $0x400  }
0x138: {  	[sflag:s5] =	ssyncset.done @!p0 $0x0  }
0x139: {  	[sflag:s5] =	ssyncadd.s32 @!p0 $0xFFFFFC00  }
0x13a: {  	_ =	swait.ge @!p0 [sflag:s5], $0x400  }
0x13b: {  	[sflag:s5] =	ssyncset.done @!p0 $0x0  }
0x13c: {  	[sflag:s5] =	ssyncadd.s32 @!p0 $0xFFFFFC00  }
0x13d: {  	_ =	swait.ge @!p0 [sflag:s5], $0x400  }
0x13e: {  	s10 =	simm.s32 $0x0;
	[sflag:s5] =	ssyncset.done @!p0 $0x0  }
0x13f: {  	s18 =	simm.s32 $0x0;
	s8 =	simm.s32 $0x0;
	[sflag:s5] =	ssyncadd.s32 @!p0 $0xFFFFFC00  }
.LBB2_8:
0x140: {  	v1 =	vld [tilespmem:$0x1FFE0];
	_ =	sdelay $0x1  }
0x141: {  	s5 =	sshll.u32 s8, $0x4  }
0x142: {  	v0 =	vmov s5  }
0x143: {  	v33 =	vld [tilespmem:$0x1FFF0];
	v0 =	vshll.u32 v0, $0x6  }
0x144: {  	v0 =	vor.u32 v1, v0  }
0x145: {  	v41 =	vor.u32 v4, v0  }
0x146: {  	v2 =	vlaneseq.u32;
	v40 =	vor.u32 v8, v0;
	v1 =	vor.u32 s10, v41  }
0x147: {  	v35 =	vor.u32 v2, v0;
	v2 =	vor.u32 s10, v40  }
0x148: {  	v36 =	vor.u32 v33, v0;
	v55 =	vor.u32 s10, v35  }
0x149: {  	v37 =	vor.u32 v3, v0;
	v42 =	vor.u32 s10, v36  }
0x14a: {  	v34 =	vor.u32 v5, v0;
	v43 =	vor.u32 s10, v37  }
0x14b: {  	v38 =	vor.u32 v6, v0;
	v44 =	vor.u32 s10, v34;
	v1 =	vld.idx.msk [tilespmem:v1+s15+$0x0], $0xffff  }
0x14c: {  	v39 =	vor.u32 v7, v0;
	v45 =	vor.u32 s10, v38;
	v2 =	vld.idx.msk [tilespmem:v2+s15+$0x0], $0xffff  }
0x14d: {  	v47 =	vor.u32 s18, v17;
	v46 =	vor.u32 s10, v39;
	v33 =	vld.idx.msk [tilespmem:v55+s15+$0x0], $0xffff  }
0x14e: {  	v48 =	vor.u32 s18, v18;
	v42 =	vld.idx.msk [tilespmem:v42+s15+$0x0], $0xffff  }
0x14f: {  	v56 =	vor.u32 s18, v19;
	v43 =	vld.idx.msk [tilespmem:v43+s15+$0x0], $0xffff  }
0x150: {  	v57 =	vor.u32 s18, v20;
	v49 =	vld.idx.msk [tilespmem:v44+s15+$0x0], $0xffff  }
0x151: {  	v58 =	vor.u32 s18, v21;
	v50 =	vld.idx.msk [tilespmem:v45+s15+$0x0], $0xffff  }
0x152: {  	v59 =	vor.u32 s18, v22;
	v51 =	vld.idx.msk [tilespmem:v46+s15+$0x0], $0xffff;
	[tilespmem:v47+s26+$0x0] =	vst.idx.msk $0xffff, v33  }
0x153: {  	v60 =	vor.u32 s18, v23;
	[tilespmem:v48+s26+$0x0] =	vst.idx.msk $0xffff, v42  }
0x154: {  	v61 =	vor.u32 s18, v24;
	v42 =	vor.u32 v9, v0;
	[tilespmem:v56+s26+$0x0] =	vst.idx.msk $0xffff, v43  }
0x155: {  	v43 =	vor.u32 v13, v0;
	[tilespmem:v57+s26+$0x0] =	vst.idx.msk $0xffff, v1;
	v1 =	vor.u32 s10, v42  }
0x156: {  	v44 =	vor.u32 v16, v0;
	v62 =	vor.u32 s10, v43;
	[tilespmem:v58+s26+$0x0] =	vst.idx.msk $0xffff, v49  }
0x157: {  	v45 =	vor.u32 v10, v0;
	v63 =	vor.u32 s10, v44;
	[tilespmem:v59+s26+$0x0] =	vst.idx.msk $0xffff, v50  }
0x158: {  	v46 =	vor.u32 v11, v0;
	v54 =	vor.u32 s10, v45;
	[tilespmem:v60+s26+$0x0] =	vst.idx.msk $0xffff, v51  }
0x159: {  	v47 =	vor.u32 v12, v0;
	[tilespmem:v61+s26+$0x0] =	vst.idx.msk $0xffff, v2;
	v2 =	vor.u32 s10, v46  }
0x15a: {  	v49 =	vor.u32 v15, v0;
	v53 =	vld.idx.msk [tilespmem:v1+s15+$0x0], $0xffff;
	v1 =	vor.u32 s10, v47  }
0x15b: {  	v48 =	vor.u32 v14, v0;
	v59 =	vor.u32 s10, v49;
	v52 =	vld.idx.msk [tilespmem:v62+s15+$0x0], $0xffff  }
0x15c: {  	v57 =	vor.u32 s10, v48;
	v51 =	vld.idx.msk [tilespmem:v63+s15+$0x0], $0xffff  }
0x15d: {  	v60 =	vor.u32 s18, v25;
	v54 =	vld.idx.msk [tilespmem:v54+s15+$0x0], $0xffff  }
0x15e: {  	s12 =	sadd.s32 $0x800, s18;
	s11 =	simm.s32 $0x10;
	v58 =	vor.u32 s18, v26;
	v55 =	vld.idx.msk [tilespmem:v2+s15+$0x0], $0xffff  }
0x15f: {  	s21 =	simm.s32 $0x20;
	s22 =	sadd.s32 $0x800, s12;
	s5 =	smov.u32 s18;
	v33 =	vor.u32 s12, v28;
	v50 =	vor.u32 s18, v28;
	v61 =	vor.u32 s18, v27;
	v56 =	vld.idx.msk [tilespmem:v1+s15+$0x0], $0xffff  }
.LBB2_9:
0x160: {  	v0 =	vor.u32 s22, v28;
	p1 =	sne.s32 s21, $0x30;
	v1 =	vor.u32 s11, v35;
	v2 =	vld.idx.msk [tilespmem:v59+s15+$0x0], $0xffff;
	s23 =	smov.u32 s21;
	s21 =	sadd.s32 $0x10, s21  }
0x161: {  	v59 =	vor.u32 s11, v36;
	v62 =	vor.u32 s5, v29;
	v57 =	vld.idx.msk [tilespmem:v57+s15+$0x0], $0xffff  }
0x162: {  	v63 =	vor.u32 s11, v37;
	[tilespmem:v60+s26+$0x0] =	vst.idx.msk $0xffff, v53;
	v53 =	vor.u32 s5, v30  }
0x163: {  	[tilespmem:v58+s26+$0x0] =	vst.idx.msk $0xffff, v54;
	v54 =	vor.u32 s5, v31  }
0x164: {  	[tilespmem:v61+s26+$0x0] =	vst.idx.msk $0xffff, v55;
	v55 =	vor.u32 s5, v32;
	s5 =	smov.u32 s12;
	s12 =	smov.u32 s22  }
0x165: {  	v58 =	vor.u32 s11, v41;
	[tilespmem:v50+s26+$0x0] =	vst.idx.msk $0xffff, v56;
	v50 =	vmov v33;
	v33 =	vmov v0  }
0x166: {  	v0 =	vor.u32 s11, v40;
	[tilespmem:v62+s26+$0x0] =	vst.idx.msk $0xffff, v52  }
0x167: {  	[tilespmem:v53+s26+$0x0] =	vst.idx.msk $0xffff, v57  }
0x168: {  	[tilespmem:v54+s26+$0x0] =	vst.idx.msk $0xffff, v2  }
0x169: {  	[tilespmem:v55+s26+$0x0] =	vst.idx.msk $0xffff, v51  }
0x16a: {  	v51 =	vor.u32 s11, v34;
	v2 =	vld.idx.msk [tilespmem:v58+s15+$0x0], $0xffff  }
0x16b: {  	v52 =	vor.u32 s11, v38;
	v0 =	vld.idx.msk [tilespmem:v0+s15+$0x0], $0xffff  }
0x16c: {  	v53 =	vor.u32 s11, v39;
	v1 =	vld.idx.msk [tilespmem:v1+s15+$0x0], $0xffff  }
0x16d: {  	v55 =	vor.u32 s5, v17;
	v54 =	vld.idx.msk [tilespmem:v59+s15+$0x0], $0xffff  }
0x16e: {  	v57 =	vor.u32 s5, v18;
	v56 =	vld.idx.msk [tilespmem:v63+s15+$0x0], $0xffff  }
0x16f: {  	v58 =	vor.u32 s5, v19;
	v51 =	vld.idx.msk [tilespmem:v51+s15+$0x0], $0xffff  }
0x170: {  	v59 =	vor.u32 s5, v20;
	v52 =	vld.idx.msk [tilespmem:v52+s15+$0x0], $0xffff  }
0x171: {  	v60 =	vor.u32 s5, v21;
	v53 =	vld.idx.msk [tilespmem:v53+s15+$0x0], $0xffff  }
0x172: {  	[tilespmem:v55+s26+$0x0] =	vst.idx.msk $0xffff, v1;
	v1 =	vor.u32 s5, v22  }
0x173: {  	[tilespmem:v57+s26+$0x0] =	vst.idx.msk $0xffff, v54;
	v54 =	vor.u32 s5, v23  }
0x174: {  	v55 =	vor.u32 s5, v24;
	[tilespmem:v58+s26+$0x0] =	vst.idx.msk $0xffff, v56  }
0x175: {  	[tilespmem:v59+s26+$0x0] =	vst.idx.msk $0xffff, v2;
	v2 =	vor.u32 s11, v42  }
0x176: {  	[tilespmem:v60+s26+$0x0] =	vst.idx.msk $0xffff, v51;
	v51 =	vor.u32 s11, v43  }
0x177: {  	[tilespmem:v1+s26+$0x0] =	vst.idx.msk $0xffff, v52;
	v1 =	vor.u32 s11, v44  }
0x178: {  	[tilespmem:v54+s26+$0x0] =	vst.idx.msk $0xffff, v53;
	v54 =	vor.u32 s11, v45  }
0x179: {  	[tilespmem:v55+s26+$0x0] =	vst.idx.msk $0xffff, v0;
	v0 =	vor.u32 s11, v46  }
0x17a: {  	v53 =	vld.idx.msk [tilespmem:v2+s15+$0x0], $0xffff;
	v2 =	vor.u32 s11, v47  }
.Ltmp2:
0x17b: {  	v59 =	vor.u32 s11, v49;
	v52 =	vld.idx.msk [tilespmem:v51+s15+$0x0], $0xffff;
	(pc) =	sbr.rel @p1 .LBB2_9-.Ltmp2, $4  }
0x17c: {  	v57 =	vor.u32 s11, v48;
	s11 =	smov.u32 s23;
	v51 =	vld.idx.msk [tilespmem:v1+s15+$0x0], $0xffff  }
0x17d: {  	v60 =	vor.u32 s5, v25;
	v54 =	vld.idx.msk [tilespmem:v54+s15+$0x0], $0xffff  }
0x17e: {  	v58 =	vor.u32 s5, v26;
	v55 =	vld.idx.msk [tilespmem:v0+s15+$0x0], $0xffff  }
0x17f: {  	s22 =	sadd.s32 $0x800, s22;
	v61 =	vor.u32 s5, v27;
	v56 =	vld.idx.msk [tilespmem:v2+s15+$0x0], $0xffff  }
0x180: {  	_ =	sdelay $0x3  }
0x181: {  	v0 =	vld.idx.msk [tilespmem:v59+s15+$0x0], $0xffff;
	v2 =	vor.u32 s5, v29  }
0x182: {  	v1 =	vld.idx.msk [tilespmem:v57+s15+$0x0], $0xffff;
	[tilespmem:v60+s26+$0x0] =	vst.idx.msk $0xffff, v53;
	v60 =	vor.u32 s5, v30  }
0x183: {  	v62 =	vor.u32 s5, v31;
	[tilespmem:v58+s26+$0x0] =	vst.idx.msk $0xffff, v54  }
0x184: {  	v63 =	vor.u32 s5, v32;
	[tilespmem:v61+s26+$0x0] =	vst.idx.msk $0xffff, v55  }
0x185: {  	v41 =	vor.u32 s11, v41;
	[tilespmem:v50+s26+$0x0] =	vst.idx.msk $0xffff, v56  }
0x186: {  	v40 =	vor.u32 s11, v40;
	[tilespmem:v2+s26+$0x0] =	vst.idx.msk $0xffff, v52  }
0x187: {  	v2 =	vor.u32 s11, v35;
	[tilespmem:v60+s26+$0x0] =	vst.idx.msk $0xffff, v1  }
0x188: {  	v1 =	vor.u32 s11, v36;
	[tilespmem:v62+s26+$0x0] =	vst.idx.msk $0xffff, v0  }
0x189: {  	v0 =	vor.u32 s11, v37;
	[tilespmem:v63+s26+$0x0] =	vst.idx.msk $0xffff, v51  }
0x18a: {  	v34 =	vor.u32 s11, v34;
	v55 =	vld.idx.msk [tilespmem:v41+s15+$0x0], $0xffff  }
0x18b: {  	v56 =	vor.u32 s11, v38;
	v57 =	vld.idx.msk [tilespmem:v40+s15+$0x0], $0xffff  }
0x18c: {  	v59 =	vor.u32 s12, v17;
	v58 =	vor.u32 s11, v39;
	v2 =	vld.idx.msk [tilespmem:v2+s15+$0x0], $0xffff  }
0x18d: {  	v60 =	vor.u32 s12, v18;
	v1 =	vld.idx.msk [tilespmem:v1+s15+$0x0], $0xffff  }
0x18e: {  	v61 =	vor.u32 s12, v19;
	v0 =	vld.idx.msk [tilespmem:v0+s15+$0x0], $0xffff  }
0x18f: {  	v62 =	vor.u32 s12, v20;
	v34 =	vld.idx.msk [tilespmem:v34+s15+$0x0], $0xffff  }
0x190: {  	v63 =	vor.u32 s12, v21;
	v36 =	vld.idx.msk [tilespmem:v56+s15+$0x0], $0xffff  }
0x191: {  	v38 =	vld.idx.msk [tilespmem:v58+s15+$0x0], $0xffff;
	[tilespmem:v59+s26+$0x0] =	vst.idx.msk $0xffff, v2;
	v2 =	vor.u32 s12, v22  }
0x192: {  	[tilespmem:v60+s26+$0x0] =	vst.idx.msk $0xffff, v1;
	v1 =	vor.u32 s12, v23  }
0x193: {  	[tilespmem:v61+s26+$0x0] =	vst.idx.msk $0xffff, v0;
	v0 =	vor.u32 s12, v24  }
0x194: {  	v54 =	vor.u32 s11, v42;
	[tilespmem:v62+s26+$0x0] =	vst.idx.msk $0xffff, v55  }
0x195: {  	v55 =	vor.u32 s11, v43;
	[tilespmem:v63+s26+$0x0] =	vst.idx.msk $0xffff, v34  }
0x196: {  	v56 =	vor.u32 s11, v47;
	[tilespmem:v2+s26+$0x0] =	vst.idx.msk $0xffff, v36  }
0x197: {  	[tilespmem:v1+s26+$0x0] =	vst.idx.msk $0xffff, v38;
	v1 =	vor.u32 s11, v45  }
0x198: {  	[tilespmem:v0+s26+$0x0] =	vst.idx.msk $0xffff, v57;
	v0 =	vor.u32 s11, v46  }
0x199: {  	v58 =	vor.u32 s11, v48;
	v35 =	vld.idx.msk [tilespmem:v54+s15+$0x0], $0xffff  }
0x19a: {  	v2 =	vor.u32 s11, v44;
	v34 =	vld.idx.msk [tilespmem:v55+s15+$0x0], $0xffff  }
0x19b: {  	v59 =	vor.u32 s12, v25;
	v57 =	vor.u32 s11, v49;
	v36 =	vld.idx.msk [tilespmem:v56+s15+$0x0], $0xffff  }
0x19c: {  	v60 =	vor.u32 s12, v26;
	v1 =	vld.idx.msk [tilespmem:v1+s15+$0x0], $0xffff  }
0x19d: {  	v61 =	vor.u32 s12, v27;
	v0 =	vld.idx.msk [tilespmem:v0+s15+$0x0], $0xffff  }
0x19e: {  	v38 =	vld.idx.msk [tilespmem:v58+s15+$0x0], $0xffff  }
0x19f: {  	v62 =	vor.u32 s12, v29;
	v2 =	vld.idx.msk [tilespmem:v2+s15+$0x0], $0xffff  }
0x1a0: {  	v63 =	vor.u32 s12, v30;
	v37 =	vld.idx.msk [tilespmem:v57+s15+$0x0], $0xffff;
	[tilespmem:v59+s26+$0x0] =	vst.idx.msk $0xffff, v35  }
0x1a1: {  	s8 =	sadd.s32 $0x1, s8;
	[tilespmem:v60+s26+$0x0] =	vst.idx.msk $0xffff, v1;
	v1 =	vor.u32 s12, v31  }
0x1a2: {  	p1 =	sne.s32 s8, $0x8;
	[tilespmem:v61+s26+$0x0] =	vst.idx.msk $0xffff, v0;
	v0 =	vor.u32 s12, v32  }
.Ltmp3:
0x1a3: {  	[tilespmem:v33+s26+$0x0] =	vst.idx.msk $0xffff, v36;
	(pc) =	sbr.rel @p1 .LBB2_8-.Ltmp3, $4  }
0x1a4: {  	[tilespmem:v62+s26+$0x0] =	vst.idx.msk $0xffff, v34  }
0x1a5: {  	[tilespmem:v63+s26+$0x0] =	vst.idx.msk $0xffff, v38  }
0x1a6: {  	[tilespmem:v1+s26+$0x0] =	vst.idx.msk $0xffff, v37  }
0x1a7: {  	s18 =	sadd.s32 $0x10, s18;
	[tilespmem:v0+s26+$0x0] =	vst.idx.msk $0xffff, v2  }
0x1a8: {  	s5 =	sshll.u32 s6, $0x14  }
0x1a9: {  	s5 =	sadd.s32 s1, s5  }
0x1aa: {  	s5 =	sshrl.u32 s5, $0x3  }
0x1ab: {  	s8 =	simm.s32 $0x16440;
	s11 =	sadd.s32 s0, s5;
	s12 =	sor.u32 $0x4000, s5  }
0x1ac: {  	[hbm4b:s11+s4] =	stream.linear.scatter [tilespmem:s26], [sflag:$0x4], $0x400, $0x38;
	[tilespmem:$0x1C040] =	vst v63  }
0x1ad: {  	s21 =	simm.s32 $0x16840;
	s18 =	sor.u32 $0x8000, s5;
	s6 =	sadd.s32 s0, s12  }
0x1ae: {  	[hbm4b:s6+s4] =	stream.linear.scatter [tilespmem:s8], [sflag:$0x4], $0x400, $0x38;
	[tilespmem:$0x1C040] =	vst v63  }
0x1af: {  	s23 =	simm.s32 $0x16C40;
	s22 =	sor.u32 $0xC000, s5;
	s6 =	sadd.s32 s0, s18  }
0x1b0: {  	[hbm4b:s6+s4] =	stream.linear.scatter [tilespmem:s21], [sflag:$0x4], $0x400, $0x38;
	[tilespmem:$0x1C040] =	vst v63  }
0x1b1: {  	s10 =	simm.s32 $0x17040;
	s8 =	sor.u32 $0x10000, s5;
	s6 =	sadd.s32 s0, s22  }
0x1b2: {  	[hbm4b:s6+s4] =	stream.linear.scatter [tilespmem:s23], [sflag:$0x4], $0x400, $0x38;
	[tilespmem:$0x1C040] =	vst v63  }
0x1b3: {  	s3 =	sor.u32 $0x3, s3;
	s11 =	sor.u32 $0x14000, s5;
	s6 =	sadd.s32 s0, s8  }
0x1b4: {  	[hbm4b:s6+s4] =	stream.linear.scatter [tilespmem:s10], [sflag:$0x4], $0x400, $0x38;
	[tilespmem:$0x1C040] =	vst v63  }
0x1b5: {  	s12 =	simm.s32 $0x17440;
	s18 =	sor.u32 $0x18000, s5;
	s6 =	sadd.s32 s0, s11  }
0x1b6: {  	[hbm4b:s6+s4] =	stream.linear.scatter [tilespmem:s12], [sflag:$0x4], $0x400, $0x38;
	[tilespmem:$0x1C040] =	vst v63  }
0x1b7: {  	s5 =	sor.u32 $0x1C000, s5;
	s21 =	simm.s32 $0x17840;
	s6 =	sadd.s32 s0, s18  }
0x1b8: {  	[hbm4b:s6+s4] =	stream.linear.scatter [tilespmem:s21], [sflag:$0x4], $0x400, $0x38;
	[tilespmem:$0x1C040] =	vst v63  }
0x1b9: {  	s5 =	sadd.s32 s0, s5;
	s22 =	simm.s32 $0x17C40;
	s23 =	sshll.u32 s3, $0x7  }
0x1ba: {  	[hbm4b:s5+s4] =	stream.linear.scatter [tilespmem:s22], [sflag:$0x4], $0x400, $0x38;
	[tilespmem:$0x1C040] =	vst v63  }
0x1bb: {  	s5 =	sand.u32 $0x3FFFFF80, s23  }
0x1bc: {  	s5 =	sadd.s32 $0x9C40, s5  }
0x1bd: {  	[tilespmem:s15], [sflag:$0x2] =	stream.indirect.gather [spmem:s2], $0x40, s5, s13, $0xb8;
	[tilespmem:$0x1C040] =	vst v63  }
0x1be: {  	_ =	swait.ge [sflag:s16], $0x2000  }
0x1bf: {  	[sflag:s16] =	ssyncset.done $0x0  }
0x1c0: {  	s5 =	simm.s32 @!p0 $0x5;
	[sflag:s16] =	ssyncadd.s32 $0xFFFFE000  }
0x1c1: {  	_ =	swait.ge @!p0 [sflag:s5], $0x400  }
0x1c2: {  	[sflag:s5] =	ssyncset.done @!p0 $0x0  }
0x1c3: {  	[sflag:s5] =	ssyncadd.s32 @!p0 $0xFFFFFC00  }
0x1c4: {  	_ =	swait.ge @!p0 [sflag:s5], $0x400  }
0x1c5: {  	[sflag:s5] =	ssyncset.done @!p0 $0x0  }
0x1c6: {  	[sflag:s5] =	ssyncadd.s32 @!p0 $0xFFFFFC00  }
0x1c7: {  	_ =	swait.ge @!p0 [sflag:s5], $0x400  }
0x1c8: {  	[sflag:s5] =	ssyncset.done @!p0 $0x0  }
0x1c9: {  	[sflag:s5] =	ssyncadd.s32 @!p0 $0xFFFFFC00  }
0x1ca: {  	_ =	swait.ge @!p0 [sflag:s5], $0x400  }
0x1cb: {  	[sflag:s5] =	ssyncset.done @!p0 $0x0  }
0x1cc: {  	[sflag:s5] =	ssyncadd.s32 @!p0 $0xFFFFFC00  }
0x1cd: {  	_ =	swait.ge @!p0 [sflag:s5], $0x400  }
0x1ce: {  	[sflag:s5] =	ssyncset.done @!p0 $0x0  }
0x1cf: {  	[sflag:s5] =	ssyncadd.s32 @!p0 $0xFFFFFC00  }
0x1d0: {  	_ =	swait.ge @!p0 [sflag:s5], $0x400  }
0x1d1: {  	[sflag:s5] =	ssyncset.done @!p0 $0x0  }
0x1d2: {  	[sflag:s5] =	ssyncadd.s32 @!p0 $0xFFFFFC00  }
0x1d3: {  	_ =	swait.ge @!p0 [sflag:s5], $0x400  }
0x1d4: {  	[sflag:s5] =	ssyncset.done @!p0 $0x0  }
0x1d5: {  	[sflag:s5] =	ssyncadd.s32 @!p0 $0xFFFFFC00  }
0x1d6: {  	_ =	swait.ge @!p0 [sflag:s5], $0x400  }
0x1d7: {  	s8 =	simm.s32 $0x0;
	[sflag:s5] =	ssyncset.done @!p0 $0x0  }
0x1d8: {  	s6 =	simm.s32 $0x0;
	[sflag:s5] =	ssyncadd.s32 @!p0 $0xFFFFFC00;
	s5 =	simm.s32 $0x0  }
.LBB2_12:
0x1d9: {  	v1 =	vld [tilespmem:$0x1FFE0];
	_ =	sdelay $0x1  }
0x1da: {  	s10 =	sshll.u32 s8, $0x4  }
0x1db: {  	v0 =	vmov s10  }
0x1dc: {  	v33 =	vld [tilespmem:$0x1FFF0];
	v0 =	vshll.u32 v0, $0x6  }
0x1dd: {  	v0 =	vor.u32 v1, v0  }
0x1de: {  	v41 =	vor.u32 v4, v0  }
0x1df: {  	v2 =	vlaneseq.u32;
	v40 =	vor.u32 v8, v0;
	v1 =	vor.u32 s6, v41  }
0x1e0: {  	v35 =	vor.u32 v2, v0;
	v2 =	vor.u32 s6, v40  }
0x1e1: {  	v36 =	vor.u32 v33, v0;
	v55 =	vor.u32 s6, v35  }
0x1e2: {  	v37 =	vor.u32 v3, v0;
	v42 =	vor.u32 s6, v36  }
0x1e3: {  	v34 =	vor.u32 v5, v0;
	v43 =	vor.u32 s6, v37  }
0x1e4: {  	v38 =	vor.u32 v6, v0;
	v44 =	vor.u32 s6, v34;
	v1 =	vld.idx.msk [tilespmem:v1+s14+$0x0], $0xffff  }
0x1e5: {  	v39 =	vor.u32 v7, v0;
	v45 =	vor.u32 s6, v38;
	v2 =	vld.idx.msk [tilespmem:v2+s14+$0x0], $0xffff  }
0x1e6: {  	v47 =	vor.u32 s5, v17;
	v46 =	vor.u32 s6, v39;
	v33 =	vld.idx.msk [tilespmem:v55+s14+$0x0], $0xffff  }
0x1e7: {  	v48 =	vor.u32 s5, v18;
	v42 =	vld.idx.msk [tilespmem:v42+s14+$0x0], $0xffff  }
0x1e8: {  	v56 =	vor.u32 s5, v19;
	v43 =	vld.idx.msk [tilespmem:v43+s14+$0x0], $0xffff  }
0x1e9: {  	v57 =	vor.u32 s5, v20;
	v49 =	vld.idx.msk [tilespmem:v44+s14+$0x0], $0xffff  }
0x1ea: {  	v58 =	vor.u32 s5, v21;
	v50 =	vld.idx.msk [tilespmem:v45+s14+$0x0], $0xffff  }
0x1eb: {  	v59 =	vor.u32 s5, v22;
	v51 =	vld.idx.msk [tilespmem:v46+s14+$0x0], $0xffff;
	[tilespmem:v47+s7+$0x0] =	vst.idx.msk $0xffff, v33  }
0x1ec: {  	v60 =	vor.u32 s5, v23;
	[tilespmem:v48+s7+$0x0] =	vst.idx.msk $0xffff, v42  }
0x1ed: {  	v61 =	vor.u32 s5, v24;
	v42 =	vor.u32 v9, v0;
	[tilespmem:v56+s7+$0x0] =	vst.idx.msk $0xffff, v43  }
0x1ee: {  	v43 =	vor.u32 v13, v0;
	[tilespmem:v57+s7+$0x0] =	vst.idx.msk $0xffff, v1;
	v1 =	vor.u32 s6, v42  }
0x1ef: {  	v44 =	vor.u32 v16, v0;
	v62 =	vor.u32 s6, v43;
	[tilespmem:v58+s7+$0x0] =	vst.idx.msk $0xffff, v49  }
0x1f0: {  	v45 =	vor.u32 v10, v0;
	v63 =	vor.u32 s6, v44;
	[tilespmem:v59+s7+$0x0] =	vst.idx.msk $0xffff, v50  }
0x1f1: {  	v46 =	vor.u32 v11, v0;
	v54 =	vor.u32 s6, v45;
	[tilespmem:v60+s7+$0x0] =	vst.idx.msk $0xffff, v51  }
0x1f2: {  	v47 =	vor.u32 v12, v0;
	[tilespmem:v61+s7+$0x0] =	vst.idx.msk $0xffff, v2;
	v2 =	vor.u32 s6, v46  }
0x1f3: {  	v49 =	vor.u32 v15, v0;
	v53 =	vld.idx.msk [tilespmem:v1+s14+$0x0], $0xffff;
	v1 =	vor.u32 s6, v47  }
0x1f4: {  	v48 =	vor.u32 v14, v0;
	v59 =	vor.u32 s6, v49;
	v52 =	vld.idx.msk [tilespmem:v62+s14+$0x0], $0xffff  }
0x1f5: {  	v57 =	vor.u32 s6, v48;
	v51 =	vld.idx.msk [tilespmem:v63+s14+$0x0], $0xffff  }
0x1f6: {  	v60 =	vor.u32 s5, v25;
	v54 =	vld.idx.msk [tilespmem:v54+s14+$0x0], $0xffff  }
0x1f7: {  	s11 =	simm.s32 $0x10;
	s10 =	sadd.s32 $0x800, s5;
	v58 =	vor.u32 s5, v26;
	v55 =	vld.idx.msk [tilespmem:v2+s14+$0x0], $0xffff  }
0x1f8: {  	s18 =	simm.s32 $0x20;
	s12 =	smov.u32 s5;
	s21 =	sadd.s32 $0x800, s10;
	v33 =	vor.u32 s10, v28;
	v50 =	vor.u32 s5, v28;
	v61 =	vor.u32 s5, v27;
	v56 =	vld.idx.msk [tilespmem:v1+s14+$0x0], $0xffff  }
.LBB2_13:
0x1f9: {  	v0 =	vor.u32 s21, v28;
	p1 =	sne.s32 s18, $0x30;
	v1 =	vor.u32 s11, v35;
	v2 =	vld.idx.msk [tilespmem:v59+s14+$0x0], $0xffff;
	s22 =	smov.u32 s18;
	s18 =	sadd.s32 $0x10, s18  }
0x1fa: {  	v59 =	vor.u32 s11, v36;
	v62 =	vor.u32 s12, v29;
	v57 =	vld.idx.msk [tilespmem:v57+s14+$0x0], $0xffff  }
0x1fb: {  	v63 =	vor.u32 s11, v37;
	[tilespmem:v60+s7+$0x0] =	vst.idx.msk $0xffff, v53;
	v53 =	vor.u32 s12, v30  }
0x1fc: {  	[tilespmem:v58+s7+$0x0] =	vst.idx.msk $0xffff, v54;
	v54 =	vor.u32 s12, v31  }
0x1fd: {  	[tilespmem:v61+s7+$0x0] =	vst.idx.msk $0xffff, v55;
	v55 =	vor.u32 s12, v32;
	s12 =	smov.u32 s10;
	s10 =	smov.u32 s21  }
0x1fe: {  	v58 =	vor.u32 s11, v41;
	[tilespmem:v50+s7+$0x0] =	vst.idx.msk $0xffff, v56;
	v50 =	vmov v33;
	v33 =	vmov v0  }
0x1ff: {  	v0 =	vor.u32 s11, v40;
	[tilespmem:v62+s7+$0x0] =	vst.idx.msk $0xffff, v52  }
0x200: {  	[tilespmem:v53+s7+$0x0] =	vst.idx.msk $0xffff, v57  }
0x201: {  	[tilespmem:v54+s7+$0x0] =	vst.idx.msk $0xffff, v2  }
0x202: {  	[tilespmem:v55+s7+$0x0] =	vst.idx.msk $0xffff, v51  }
0x203: {  	v51 =	vor.u32 s11, v34;
	v2 =	vld.idx.msk [tilespmem:v58+s14+$0x0], $0xffff  }
0x204: {  	v52 =	vor.u32 s11, v38;
	v0 =	vld.idx.msk [tilespmem:v0+s14+$0x0], $0xffff  }
0x205: {  	v53 =	vor.u32 s11, v39;
	v1 =	vld.idx.msk [tilespmem:v1+s14+$0x0], $0xffff  }
0x206: {  	v55 =	vor.u32 s12, v17;
	v54 =	vld.idx.msk [tilespmem:v59+s14+$0x0], $0xffff  }
0x207: {  	v57 =	vor.u32 s12, v18;
	v56 =	vld.idx.msk [tilespmem:v63+s14+$0x0], $0xffff  }
0x208: {  	v58 =	vor.u32 s12, v19;
	v51 =	vld.idx.msk [tilespmem:v51+s14+$0x0], $0xffff  }
0x209: {  	v59 =	vor.u32 s12, v20;
	v52 =	vld.idx.msk [tilespmem:v52+s14+$0x0], $0xffff  }
0x20a: {  	v60 =	vor.u32 s12, v21;
	v53 =	vld.idx.msk [tilespmem:v53+s14+$0x0], $0xffff  }
0x20b: {  	[tilespmem:v55+s7+$0x0] =	vst.idx.msk $0xffff, v1;
	v1 =	vor.u32 s12, v22  }
0x20c: {  	[tilespmem:v57+s7+$0x0] =	vst.idx.msk $0xffff, v54;
	v54 =	vor.u32 s12, v23  }
0x20d: {  	v55 =	vor.u32 s12, v24;
	[tilespmem:v58+s7+$0x0] =	vst.idx.msk $0xffff, v56  }
0x20e: {  	[tilespmem:v59+s7+$0x0] =	vst.idx.msk $0xffff, v2;
	v2 =	vor.u32 s11, v42  }
0x20f: {  	[tilespmem:v60+s7+$0x0] =	vst.idx.msk $0xffff, v51;
	v51 =	vor.u32 s11, v43  }
0x210: {  	[tilespmem:v1+s7+$0x0] =	vst.idx.msk $0xffff, v52;
	v1 =	vor.u32 s11, v44  }
0x211: {  	[tilespmem:v54+s7+$0x0] =	vst.idx.msk $0xffff, v53;
	v54 =	vor.u32 s11, v45  }
0x212: {  	[tilespmem:v55+s7+$0x0] =	vst.idx.msk $0xffff, v0;
	v0 =	vor.u32 s11, v46  }
0x213: {  	v53 =	vld.idx.msk [tilespmem:v2+s14+$0x0], $0xffff;
	v2 =	vor.u32 s11, v47  }
.Ltmp4:
0x214: {  	v59 =	vor.u32 s11, v49;
	v52 =	vld.idx.msk [tilespmem:v51+s14+$0x0], $0xffff;
	(pc) =	sbr.rel @p1 .LBB2_13-.Ltmp4, $4  }
0x215: {  	v57 =	vor.u32 s11, v48;
	s11 =	smov.u32 s22;
	v51 =	vld.idx.msk [tilespmem:v1+s14+$0x0], $0xffff  }
0x216: {  	v60 =	vor.u32 s12, v25;
	v54 =	vld.idx.msk [tilespmem:v54+s14+$0x0], $0xffff  }
0x217: {  	v58 =	vor.u32 s12, v26;
	v55 =	vld.idx.msk [tilespmem:v0+s14+$0x0], $0xffff  }
0x218: {  	s21 =	sadd.s32 $0x800, s21;
	v61 =	vor.u32 s12, v27;
	v56 =	vld.idx.msk [tilespmem:v2+s14+$0x0], $0xffff  }
0x219: {  	_ =	sdelay $0x3  }
0x21a: {  	v0 =	vld.idx.msk [tilespmem:v59+s14+$0x0], $0xffff;
	v2 =	vor.u32 s12, v29  }
0x21b: {  	v1 =	vld.idx.msk [tilespmem:v57+s14+$0x0], $0xffff;
	[tilespmem:v60+s7+$0x0] =	vst.idx.msk $0xffff, v53;
	v60 =	vor.u32 s12, v30  }
0x21c: {  	v62 =	vor.u32 s12, v31;
	[tilespmem:v58+s7+$0x0] =	vst.idx.msk $0xffff, v54  }
0x21d: {  	v63 =	vor.u32 s12, v32;
	[tilespmem:v61+s7+$0x0] =	vst.idx.msk $0xffff, v55  }
0x21e: {  	v41 =	vor.u32 s11, v41;
	[tilespmem:v50+s7+$0x0] =	vst.idx.msk $0xffff, v56  }
0x21f: {  	v40 =	vor.u32 s11, v40;
	[tilespmem:v2+s7+$0x0] =	vst.idx.msk $0xffff, v52  }
0x220: {  	v2 =	vor.u32 s11, v35;
	[tilespmem:v60+s7+$0x0] =	vst.idx.msk $0xffff, v1  }
0x221: {  	v1 =	vor.u32 s11, v36;
	[tilespmem:v62+s7+$0x0] =	vst.idx.msk $0xffff, v0  }
0x222: {  	v0 =	vor.u32 s11, v37;
	[tilespmem:v63+s7+$0x0] =	vst.idx.msk $0xffff, v51  }
0x223: {  	v34 =	vor.u32 s11, v34;
	v55 =	vld.idx.msk [tilespmem:v41+s14+$0x0], $0xffff  }
0x224: {  	v56 =	vor.u32 s11, v38;
	v57 =	vld.idx.msk [tilespmem:v40+s14+$0x0], $0xffff  }
0x225: {  	v59 =	vor.u32 s10, v17;
	v58 =	vor.u32 s11, v39;
	v2 =	vld.idx.msk [tilespmem:v2+s14+$0x0], $0xffff  }
0x226: {  	v60 =	vor.u32 s10, v18;
	v1 =	vld.idx.msk [tilespmem:v1+s14+$0x0], $0xffff  }
0x227: {  	v61 =	vor.u32 s10, v19;
	v0 =	vld.idx.msk [tilespmem:v0+s14+$0x0], $0xffff  }
0x228: {  	v62 =	vor.u32 s10, v20;
	v34 =	vld.idx.msk [tilespmem:v34+s14+$0x0], $0xffff  }
0x229: {  	v63 =	vor.u32 s10, v21;
	v36 =	vld.idx.msk [tilespmem:v56+s14+$0x0], $0xffff  }
0x22a: {  	v38 =	vld.idx.msk [tilespmem:v58+s14+$0x0], $0xffff;
	[tilespmem:v59+s7+$0x0] =	vst.idx.msk $0xffff, v2;
	v2 =	vor.u32 s10, v22  }
0x22b: {  	[tilespmem:v60+s7+$0x0] =	vst.idx.msk $0xffff, v1;
	v1 =	vor.u32 s10, v23  }
0x22c: {  	[tilespmem:v61+s7+$0x0] =	vst.idx.msk $0xffff, v0;
	v0 =	vor.u32 s10, v24  }
0x22d: {  	v54 =	vor.u32 s11, v42;
	[tilespmem:v62+s7+$0x0] =	vst.idx.msk $0xffff, v55  }
0x22e: {  	v55 =	vor.u32 s11, v43;
	[tilespmem:v63+s7+$0x0] =	vst.idx.msk $0xffff, v34  }
0x22f: {  	v56 =	vor.u32 s11, v47;
	[tilespmem:v2+s7+$0x0] =	vst.idx.msk $0xffff, v36  }
0x230: {  	[tilespmem:v1+s7+$0x0] =	vst.idx.msk $0xffff, v38;
	v1 =	vor.u32 s11, v45  }
0x231: {  	[tilespmem:v0+s7+$0x0] =	vst.idx.msk $0xffff, v57;
	v0 =	vor.u32 s11, v46  }
0x232: {  	v58 =	vor.u32 s11, v48;
	v35 =	vld.idx.msk [tilespmem:v54+s14+$0x0], $0xffff  }
0x233: {  	v2 =	vor.u32 s11, v44;
	v34 =	vld.idx.msk [tilespmem:v55+s14+$0x0], $0xffff  }
0x234: {  	v59 =	vor.u32 s10, v25;
	v57 =	vor.u32 s11, v49;
	v36 =	vld.idx.msk [tilespmem:v56+s14+$0x0], $0xffff  }
0x235: {  	v60 =	vor.u32 s10, v26;
	v1 =	vld.idx.msk [tilespmem:v1+s14+$0x0], $0xffff  }
0x236: {  	v61 =	vor.u32 s10, v27;
	v0 =	vld.idx.msk [tilespmem:v0+s14+$0x0], $0xffff  }
0x237: {  	v38 =	vld.idx.msk [tilespmem:v58+s14+$0x0], $0xffff  }
0x238: {  	v62 =	vor.u32 s10, v29;
	v2 =	vld.idx.msk [tilespmem:v2+s14+$0x0], $0xffff  }
0x239: {  	v63 =	vor.u32 s10, v30;
	v37 =	vld.idx.msk [tilespmem:v57+s14+$0x0], $0xffff;
	[tilespmem:v59+s7+$0x0] =	vst.idx.msk $0xffff, v35  }
0x23a: {  	s8 =	sadd.s32 $0x1, s8;
	[tilespmem:v60+s7+$0x0] =	vst.idx.msk $0xffff, v1;
	v1 =	vor.u32 s10, v31  }
0x23b: {  	p1 =	sne.s32 s8, $0x8;
	[tilespmem:v61+s7+$0x0] =	vst.idx.msk $0xffff, v0;
	v0 =	vor.u32 s10, v32  }
.Ltmp5:
0x23c: {  	[tilespmem:v33+s7+$0x0] =	vst.idx.msk $0xffff, v36;
	(pc) =	sbr.rel @p1 .LBB2_12-.Ltmp5, $4  }
0x23d: {  	[tilespmem:v62+s7+$0x0] =	vst.idx.msk $0xffff, v34  }
0x23e: {  	[tilespmem:v63+s7+$0x0] =	vst.idx.msk $0xffff, v38  }
0x23f: {  	[tilespmem:v1+s7+$0x0] =	vst.idx.msk $0xffff, v37  }
0x240: {  	s5 =	sadd.s32 $0x10, s5;
	[tilespmem:v0+s7+$0x0] =	vst.idx.msk $0xffff, v2  }
0x241: {  	s5 =	sshll.u32 s9, $0x14  }
0x242: {  	s5 =	sadd.s32 s1, s5  }
0x243: {  	s5 =	sshrl.u32 s5, $0x3  }
0x244: {  	s6 =	sadd.s32 s0, s5;
	s21 =	sor.u32 $0x4000, s5  }
0x245: {  	[hbm4b:s6+s4] =	stream.linear.scatter [tilespmem:s7], [sflag:$0x5], $0x400, $0x38;
	[tilespmem:$0x1C040] =	vst v63  }
0x246: {  	s8 =	simm.s32 $0x18440;
	s22 =	sor.u32 $0x8000, s5;
	s6 =	sadd.s32 s0, s21  }
0x247: {  	[hbm4b:s6+s4] =	stream.linear.scatter [tilespmem:s8], [sflag:$0x5], $0x400, $0x38;
	[tilespmem:$0x1C040] =	vst v63  }
0x248: {  	s23 =	simm.s32 $0x18840;
	s6 =	sadd.s32 s0, s22;
	s8 =	sor.u32 $0xC000, s5  }
0x249: {  	[hbm4b:s6+s4] =	stream.linear.scatter [tilespmem:s23], [sflag:$0x5], $0x400, $0x38;
	[tilespmem:$0x1C040] =	vst v63  }
0x24a: {  	s9 =	simm.s32 $0x18C40;
	s10 =	sor.u32 $0x10000, s5;
	s6 =	sadd.s32 s0, s8  }
0x24b: {  	[hbm4b:s6+s4] =	stream.linear.scatter [tilespmem:s9], [sflag:$0x5], $0x400, $0x38;
	[tilespmem:$0x1C040] =	vst v63  }
0x24c: {  	s11 =	simm.s32 $0x19040;
	s12 =	sor.u32 $0x14000, s5;
	s6 =	sadd.s32 s0, s10  }
0x24d: {  	[hbm4b:s6+s4] =	stream.linear.scatter [tilespmem:s11], [sflag:$0x5], $0x400, $0x38;
	[tilespmem:$0x1C040] =	vst v63  }
0x24e: {  	s18 =	simm.s32 $0x19440;
	p1 =	sne.s32 s31, $0x31;
	s6 =	sadd.s32 s0, s12  }
0x24f: {  	[hbm4b:s6+s4] =	stream.linear.scatter [tilespmem:s18], [sflag:$0x5], $0x400, $0x38;
	[tilespmem:$0x1C040] =	vst v63  }
.Ltmp6:
0x250: {  	s21 =	sor.u32 $0x18000, s5;
	(pc) =	sbr.rel @p1 .LBB2_17-.Ltmp6, $4  }
0x251: {  	s22 =	simm.s32 $0x19840;
	s5 =	sor.u32 $0x1C000, s5;
	s6 =	sadd.s32 s0, s21  }
0x252: {  	[hbm4b:s6+s4] =	stream.linear.scatter [tilespmem:s22], [sflag:$0x5], $0x400, $0x38;
	[tilespmem:$0x1C040] =	vst v63  }
0x253: {  	s5 =	sadd.s32 s0, s5;
	s23 =	simm.s32 $0x19C40  }
0x254: {  	[hbm4b:s5+s4] =	stream.linear.scatter [tilespmem:s23], [sflag:$0x5], $0x400, $0x38;
	[tilespmem:$0x1C040] =	vst v63  }
.Ltmp7:
0x255: {  	(pc) =	sbr.rel .LBB2_18-.Ltmp7, $4  }
0x256: {  	_ = 	snop  }
0x257: {  	_ =	swait.ge [sflag:s25], $0x2000  }
0x258: {  	[sflag:s25] =	ssyncset.done $0x0  }
0x259: {  	[sflag:s25] =	ssyncadd.s32 $0xFFFFE000  }
.LBB2_17:
0x25a: {  	s5 =	sshll.u32 s31, $0x9  }
0x25b: {  	s5 =	sand.u32 $0x3FFFFE00, s5  }
.Ltmp8:
0x25c: {  	s5 =	sadd.s32 $0x9E40, s5;
	(pc) =	sbr.rel @p0 .LBB2_19-.Ltmp8, $4  }
0x25d: {  	[tilespmem:s14], [sflag:$0x1] =	stream.indirect.gather [spmem:s2], $0x40, s5, s13, $0xb8;
	[tilespmem:$0x1C040] =	vst v63  }
0x25e: {  	_ =	swait.ge [sflag:s25], $0x2000  }
0x25f: {  	[sflag:s25] =	ssyncset.done $0x0  }
0x260: {  	[sflag:s25] =	ssyncadd.s32 $0xFFFFE000  }
.LBB2_18:
0x261: {  	_ =	swait.ge [sflag:s19], $0x400  }
0x262: {  	[sflag:s19] =	ssyncset.done $0x0  }
0x263: {  	[sflag:s19] =	ssyncadd.s32 $0xFFFFFC00  }
0x264: {  	_ =	swait.ge [sflag:s19], $0x400  }
0x265: {  	[sflag:s19] =	ssyncset.done $0x0  }
0x266: {  	[sflag:s19] =	ssyncadd.s32 $0xFFFFFC00  }
0x267: {  	_ =	swait.ge [sflag:s19], $0x400  }
0x268: {  	[sflag:s19] =	ssyncset.done $0x0  }
0x269: {  	[sflag:s19] =	ssyncadd.s32 $0xFFFFFC00  }
0x26a: {  	_ =	swait.ge [sflag:s19], $0x400  }
0x26b: {  	[sflag:s19] =	ssyncset.done $0x0  }
0x26c: {  	[sflag:s19] =	ssyncadd.s32 $0xFFFFFC00  }
0x26d: {  	_ =	swait.ge [sflag:s19], $0x400  }
0x26e: {  	[sflag:s19] =	ssyncset.done $0x0  }
0x26f: {  	[sflag:s19] =	ssyncadd.s32 $0xFFFFFC00  }
0x270: {  	_ =	swait.ge [sflag:s19], $0x400  }
0x271: {  	[sflag:s19] =	ssyncset.done $0x0  }
0x272: {  	[sflag:s19] =	ssyncadd.s32 $0xFFFFFC00  }
0x273: {  	_ =	swait.ge [sflag:s19], $0x400  }
0x274: {  	[sflag:s19] =	ssyncset.done $0x0  }
0x275: {  	[sflag:s19] =	ssyncadd.s32 $0xFFFFFC00  }
0x276: {  	_ =	swait.ge [sflag:s19], $0x400  }
0x277: {  	[sflag:s19] =	ssyncset.done $0x0  }
0x278: {  	[sflag:s19] =	ssyncadd.s32 $0xFFFFFC00  }
.LBB2_19:
0x279: {  	s6 =	simm.s32 $0x0;
	s5 =	simm.s32 $0x0;
	s8 =	simm.s32 $0x0  }
.LBB2_20:
0x27a: {  	v1 =	vld [tilespmem:$0x1FFE0];
	_ =	sdelay $0x1  }
0x27b: {  	s9 =	sshll.u32 s8, $0x4  }
0x27c: {  	v0 =	vmov s9  }
0x27d: {  	v33 =	vld [tilespmem:$0x1FFF0];
	v0 =	vshll.u32 v0, $0x6  }
0x27e: {  	v0 =	vor.u32 v1, v0  }
0x27f: {  	v41 =	vor.u32 v4, v0  }
0x280: {  	v2 =	vlaneseq.u32;
	v40 =	vor.u32 v8, v0;
	v1 =	vor.u32 s6, v41  }
0x281: {  	v35 =	vor.u32 v2, v0;
	v2 =	vor.u32 s6, v40  }
0x282: {  	v36 =	vor.u32 v33, v0;
	v55 =	vor.u32 s6, v35  }
0x283: {  	v37 =	vor.u32 v3, v0;
	v42 =	vor.u32 s6, v36  }
0x284: {  	v34 =	vor.u32 v5, v0;
	v43 =	vor.u32 s6, v37  }
0x285: {  	v38 =	vor.u32 v6, v0;
	v44 =	vor.u32 s6, v34;
	v1 =	vld.idx.msk [tilespmem:v1+s15+$0x0], $0xffff  }
0x286: {  	v39 =	vor.u32 v7, v0;
	v45 =	vor.u32 s6, v38;
	v2 =	vld.idx.msk [tilespmem:v2+s15+$0x0], $0xffff  }
0x287: {  	v47 =	vor.u32 s5, v17;
	v46 =	vor.u32 s6, v39;
	v33 =	vld.idx.msk [tilespmem:v55+s15+$0x0], $0xffff  }
0x288: {  	v48 =	vor.u32 s5, v18;
	v42 =	vld.idx.msk [tilespmem:v42+s15+$0x0], $0xffff  }
0x289: {  	v56 =	vor.u32 s5, v19;
	v43 =	vld.idx.msk [tilespmem:v43+s15+$0x0], $0xffff  }
0x28a: {  	v57 =	vor.u32 s5, v20;
	v49 =	vld.idx.msk [tilespmem:v44+s15+$0x0], $0xffff  }
0x28b: {  	v58 =	vor.u32 s5, v21;
	v50 =	vld.idx.msk [tilespmem:v45+s15+$0x0], $0xffff  }
0x28c: {  	v59 =	vor.u32 s5, v22;
	v51 =	vld.idx.msk [tilespmem:v46+s15+$0x0], $0xffff;
	[tilespmem:v47+s20+$0x0] =	vst.idx.msk $0xffff, v33  }
0x28d: {  	v60 =	vor.u32 s5, v23;
	[tilespmem:v48+s20+$0x0] =	vst.idx.msk $0xffff, v42  }
0x28e: {  	v61 =	vor.u32 s5, v24;
	v42 =	vor.u32 v9, v0;
	[tilespmem:v56+s20+$0x0] =	vst.idx.msk $0xffff, v43  }
0x28f: {  	v43 =	vor.u32 v13, v0;
	[tilespmem:v57+s20+$0x0] =	vst.idx.msk $0xffff, v1;
	v1 =	vor.u32 s6, v42  }
0x290: {  	v44 =	vor.u32 v16, v0;
	v62 =	vor.u32 s6, v43;
	[tilespmem:v58+s20+$0x0] =	vst.idx.msk $0xffff, v49  }
0x291: {  	v45 =	vor.u32 v10, v0;
	v63 =	vor.u32 s6, v44;
	[tilespmem:v59+s20+$0x0] =	vst.idx.msk $0xffff, v50  }
0x292: {  	v46 =	vor.u32 v11, v0;
	v54 =	vor.u32 s6, v45;
	[tilespmem:v60+s20+$0x0] =	vst.idx.msk $0xffff, v51  }
0x293: {  	v47 =	vor.u32 v12, v0;
	[tilespmem:v61+s20+$0x0] =	vst.idx.msk $0xffff, v2;
	v2 =	vor.u32 s6, v46  }
0x294: {  	v49 =	vor.u32 v15, v0;
	v53 =	vld.idx.msk [tilespmem:v1+s15+$0x0], $0xffff;
	v1 =	vor.u32 s6, v47  }
0x295: {  	v48 =	vor.u32 v14, v0;
	v59 =	vor.u32 s6, v49;
	v52 =	vld.idx.msk [tilespmem:v62+s15+$0x0], $0xffff  }
0x296: {  	v57 =	vor.u32 s6, v48;
	v51 =	vld.idx.msk [tilespmem:v63+s15+$0x0], $0xffff  }
0x297: {  	v60 =	vor.u32 s5, v25;
	v54 =	vld.idx.msk [tilespmem:v54+s15+$0x0], $0xffff  }
0x298: {  	s10 =	simm.s32 $0x10;
	s9 =	sadd.s32 $0x800, s5;
	v58 =	vor.u32 s5, v26;
	v55 =	vld.idx.msk [tilespmem:v2+s15+$0x0], $0xffff  }
0x299: {  	s12 =	simm.s32 $0x20;
	s11 =	smov.u32 s5;
	s18 =	sadd.s32 $0x800, s9;
	v33 =	vor.u32 s9, v28;
	v50 =	vor.u32 s5, v28;
	v61 =	vor.u32 s5, v27;
	v56 =	vld.idx.msk [tilespmem:v1+s15+$0x0], $0xffff  }
.LBB2_21:
0x29a: {  	v0 =	vor.u32 s18, v28;
	p0 =	sne.s32 s12, $0x30;
	v1 =	vor.u32 s10, v35;
	v2 =	vld.idx.msk [tilespmem:v59+s15+$0x0], $0xffff;
	s21 =	smov.u32 s12;
	s12 =	sadd.s32 $0x10, s12  }
0x29b: {  	v59 =	vor.u32 s10, v36;
	v62 =	vor.u32 s11, v29;
	v57 =	vld.idx.msk [tilespmem:v57+s15+$0x0], $0xffff  }
0x29c: {  	v63 =	vor.u32 s10, v37;
	[tilespmem:v60+s20+$0x0] =	vst.idx.msk $0xffff, v53;
	v53 =	vor.u32 s11, v30  }
0x29d: {  	[tilespmem:v58+s20+$0x0] =	vst.idx.msk $0xffff, v54;
	v54 =	vor.u32 s11, v31  }
0x29e: {  	[tilespmem:v61+s20+$0x0] =	vst.idx.msk $0xffff, v55;
	v55 =	vor.u32 s11, v32;
	s11 =	smov.u32 s9;
	s9 =	smov.u32 s18  }
0x29f: {  	v58 =	vor.u32 s10, v41;
	[tilespmem:v50+s20+$0x0] =	vst.idx.msk $0xffff, v56;
	v50 =	vmov v33;
	v33 =	vmov v0  }
0x2a0: {  	v0 =	vor.u32 s10, v40;
	[tilespmem:v62+s20+$0x0] =	vst.idx.msk $0xffff, v52  }
0x2a1: {  	[tilespmem:v53+s20+$0x0] =	vst.idx.msk $0xffff, v57  }
0x2a2: {  	[tilespmem:v54+s20+$0x0] =	vst.idx.msk $0xffff, v2  }
0x2a3: {  	[tilespmem:v55+s20+$0x0] =	vst.idx.msk $0xffff, v51  }
0x2a4: {  	v51 =	vor.u32 s10, v34;
	v2 =	vld.idx.msk [tilespmem:v58+s15+$0x0], $0xffff  }
0x2a5: {  	v52 =	vor.u32 s10, v38;
	v0 =	vld.idx.msk [tilespmem:v0+s15+$0x0], $0xffff  }
0x2a6: {  	v53 =	vor.u32 s10, v39;
	v1 =	vld.idx.msk [tilespmem:v1+s15+$0x0], $0xffff  }
0x2a7: {  	v55 =	vor.u32 s11, v17;
	v54 =	vld.idx.msk [tilespmem:v59+s15+$0x0], $0xffff  }
0x2a8: {  	v57 =	vor.u32 s11, v18;
	v56 =	vld.idx.msk [tilespmem:v63+s15+$0x0], $0xffff  }
0x2a9: {  	v58 =	vor.u32 s11, v19;
	v51 =	vld.idx.msk [tilespmem:v51+s15+$0x0], $0xffff  }
0x2aa: {  	v59 =	vor.u32 s11, v20;
	v52 =	vld.idx.msk [tilespmem:v52+s15+$0x0], $0xffff  }
0x2ab: {  	v60 =	vor.u32 s11, v21;
	v53 =	vld.idx.msk [tilespmem:v53+s15+$0x0], $0xffff  }
0x2ac: {  	[tilespmem:v55+s20+$0x0] =	vst.idx.msk $0xffff, v1;
	v1 =	vor.u32 s11, v22  }
0x2ad: {  	[tilespmem:v57+s20+$0x0] =	vst.idx.msk $0xffff, v54;
	v54 =	vor.u32 s11, v23  }
0x2ae: {  	v55 =	vor.u32 s11, v24;
	[tilespmem:v58+s20+$0x0] =	vst.idx.msk $0xffff, v56  }
0x2af: {  	[tilespmem:v59+s20+$0x0] =	vst.idx.msk $0xffff, v2;
	v2 =	vor.u32 s10, v42  }
0x2b0: {  	[tilespmem:v60+s20+$0x0] =	vst.idx.msk $0xffff, v51;
	v51 =	vor.u32 s10, v43  }
0x2b1: {  	[tilespmem:v1+s20+$0x0] =	vst.idx.msk $0xffff, v52;
	v1 =	vor.u32 s10, v44  }
0x2b2: {  	[tilespmem:v54+s20+$0x0] =	vst.idx.msk $0xffff, v53;
	v54 =	vor.u32 s10, v45  }
0x2b3: {  	[tilespmem:v55+s20+$0x0] =	vst.idx.msk $0xffff, v0;
	v0 =	vor.u32 s10, v46  }
0x2b4: {  	v53 =	vld.idx.msk [tilespmem:v2+s15+$0x0], $0xffff;
	v2 =	vor.u32 s10, v47  }
.Ltmp9:
0x2b5: {  	v59 =	vor.u32 s10, v49;
	v52 =	vld.idx.msk [tilespmem:v51+s15+$0x0], $0xffff;
	(pc) =	sbr.rel @p0 .LBB2_21-.Ltmp9, $4  }
0x2b6: {  	v57 =	vor.u32 s10, v48;
	s10 =	smov.u32 s21;
	v51 =	vld.idx.msk [tilespmem:v1+s15+$0x0], $0xffff  }
0x2b7: {  	v60 =	vor.u32 s11, v25;
	v54 =	vld.idx.msk [tilespmem:v54+s15+$0x0], $0xffff  }
0x2b8: {  	v58 =	vor.u32 s11, v26;
	v55 =	vld.idx.msk [tilespmem:v0+s15+$0x0], $0xffff  }
0x2b9: {  	s18 =	sadd.s32 $0x800, s18;
	v61 =	vor.u32 s11, v27;
	v56 =	vld.idx.msk [tilespmem:v2+s15+$0x0], $0xffff  }
0x2ba: {  	_ =	sdelay $0x3  }
0x2bb: {  	v0 =	vld.idx.msk [tilespmem:v59+s15+$0x0], $0xffff;
	v2 =	vor.u32 s11, v29  }
0x2bc: {  	v1 =	vld.idx.msk [tilespmem:v57+s15+$0x0], $0xffff;
	[tilespmem:v60+s20+$0x0] =	vst.idx.msk $0xffff, v53;
	v60 =	vor.u32 s11, v30  }
0x2bd: {  	v62 =	vor.u32 s11, v31;
	[tilespmem:v58+s20+$0x0] =	vst.idx.msk $0xffff, v54  }
0x2be: {  	v63 =	vor.u32 s11, v32;
	[tilespmem:v61+s20+$0x0] =	vst.idx.msk $0xffff, v55  }
0x2bf: {  	v41 =	vor.u32 s10, v41;
	[tilespmem:v50+s20+$0x0] =	vst.idx.msk $0xffff, v56  }
0x2c0: {  	v40 =	vor.u32 s10, v40;
	[tilespmem:v2+s20+$0x0] =	vst.idx.msk $0xffff, v52  }
0x2c1: {  	v2 =	vor.u32 s10, v35;
	[tilespmem:v60+s20+$0x0] =	vst.idx.msk $0xffff, v1  }
0x2c2: {  	v1 =	vor.u32 s10, v36;
	[tilespmem:v62+s20+$0x0] =	vst.idx.msk $0xffff, v0  }
0x2c3: {  	v0 =	vor.u32 s10, v37;
	[tilespmem:v63+s20+$0x0] =	vst.idx.msk $0xffff, v51  }
0x2c4: {  	v34 =	vor.u32 s10, v34;
	v55 =	vld.idx.msk [tilespmem:v41+s15+$0x0], $0xffff  }
0x2c5: {  	v56 =	vor.u32 s10, v38;
	v57 =	vld.idx.msk [tilespmem:v40+s15+$0x0], $0xffff  }
0x2c6: {  	v59 =	vor.u32 s9, v17;
	v58 =	vor.u32 s10, v39;
	v2 =	vld.idx.msk [tilespmem:v2+s15+$0x0], $0xffff  }
0x2c7: {  	v60 =	vor.u32 s9, v18;
	v1 =	vld.idx.msk [tilespmem:v1+s15+$0x0], $0xffff  }
0x2c8: {  	v61 =	vor.u32 s9, v19;
	v0 =	vld.idx.msk [tilespmem:v0+s15+$0x0], $0xffff  }
0x2c9: {  	v62 =	vor.u32 s9, v20;
	v34 =	vld.idx.msk [tilespmem:v34+s15+$0x0], $0xffff  }
0x2ca: {  	v63 =	vor.u32 s9, v21;
	v36 =	vld.idx.msk [tilespmem:v56+s15+$0x0], $0xffff  }
0x2cb: {  	v38 =	vld.idx.msk [tilespmem:v58+s15+$0x0], $0xffff;
	[tilespmem:v59+s20+$0x0] =	vst.idx.msk $0xffff, v2;
	v2 =	vor.u32 s9, v22  }
0x2cc: {  	[tilespmem:v60+s20+$0x0] =	vst.idx.msk $0xffff, v1;
	v1 =	vor.u32 s9, v23  }
0x2cd: {  	[tilespmem:v61+s20+$0x0] =	vst.idx.msk $0xffff, v0;
	v0 =	vor.u32 s9, v24  }
0x2ce: {  	v54 =	vor.u32 s10, v42;
	[tilespmem:v62+s20+$0x0] =	vst.idx.msk $0xffff, v55  }
0x2cf: {  	v55 =	vor.u32 s10, v43;
	[tilespmem:v63+s20+$0x0] =	vst.idx.msk $0xffff, v34  }
0x2d0: {  	v56 =	vor.u32 s10, v47;
	[tilespmem:v2+s20+$0x0] =	vst.idx.msk $0xffff, v36  }
0x2d1: {  	[tilespmem:v1+s20+$0x0] =	vst.idx.msk $0xffff, v38;
	v1 =	vor.u32 s10, v45  }
0x2d2: {  	[tilespmem:v0+s20+$0x0] =	vst.idx.msk $0xffff, v57;
	v0 =	vor.u32 s10, v46  }
0x2d3: {  	v58 =	vor.u32 s10, v48;
	v35 =	vld.idx.msk [tilespmem:v54+s15+$0x0], $0xffff  }
0x2d4: {  	v2 =	vor.u32 s10, v44;
	v34 =	vld.idx.msk [tilespmem:v55+s15+$0x0], $0xffff  }
0x2d5: {  	v59 =	vor.u32 s9, v25;
	v57 =	vor.u32 s10, v49;
	v36 =	vld.idx.msk [tilespmem:v56+s15+$0x0], $0xffff  }
0x2d6: {  	v60 =	vor.u32 s9, v26;
	v1 =	vld.idx.msk [tilespmem:v1+s15+$0x0], $0xffff  }
0x2d7: {  	v61 =	vor.u32 s9, v27;
	v0 =	vld.idx.msk [tilespmem:v0+s15+$0x0], $0xffff  }
0x2d8: {  	v38 =	vld.idx.msk [tilespmem:v58+s15+$0x0], $0xffff  }
0x2d9: {  	v62 =	vor.u32 s9, v29;
	v2 =	vld.idx.msk [tilespmem:v2+s15+$0x0], $0xffff  }
0x2da: {  	v63 =	vor.u32 s9, v30;
	v37 =	vld.idx.msk [tilespmem:v57+s15+$0x0], $0xffff;
	[tilespmem:v59+s20+$0x0] =	vst.idx.msk $0xffff, v35  }
0x2db: {  	s8 =	sadd.s32 $0x1, s8;
	[tilespmem:v60+s20+$0x0] =	vst.idx.msk $0xffff, v1;
	v1 =	vor.u32 s9, v31  }
0x2dc: {  	p0 =	sne.s32 s8, $0x8;
	[tilespmem:v61+s20+$0x0] =	vst.idx.msk $0xffff, v0;
	v0 =	vor.u32 s9, v32  }
.Ltmp10:
0x2dd: {  	[tilespmem:v33+s20+$0x0] =	vst.idx.msk $0xffff, v36;
	(pc) =	sbr.rel @p0 .LBB2_20-.Ltmp10, $4  }
0x2de: {  	[tilespmem:v62+s20+$0x0] =	vst.idx.msk $0xffff, v34  }
0x2df: {  	[tilespmem:v63+s20+$0x0] =	vst.idx.msk $0xffff, v38  }
0x2e0: {  	[tilespmem:v1+s20+$0x0] =	vst.idx.msk $0xffff, v37  }
0x2e1: {  	s5 =	sadd.s32 $0x10, s5;
	[tilespmem:v0+s20+$0x0] =	vst.idx.msk $0xffff, v2  }
0x2e2: {  	s3 =	sshll.u32 s3, $0x14  }
0x2e3: {  	s3 =	sadd.s32 s1, s3  }
0x2e4: {  	s3 =	sshrl.u32 s3, $0x3  }
0x2e5: {  	s5 =	sadd.s32 s0, s3;
	s9 =	sor.u32 $0x4000, s3  }
0x2e6: {  	[hbm4b:s5+s4] =	stream.linear.scatter [tilespmem:s20], [sflag:$0x6], $0x400, $0x38;
	[tilespmem:$0x1C040] =	vst v63  }
0x2e7: {  	s6 =	simm.s32 $0x1A440;
	s10 =	sor.u32 $0x8000, s3;
	s5 =	sadd.s32 s0, s9  }
0x2e8: {  	[hbm4b:s5+s4] =	stream.linear.scatter [tilespmem:s6], [sflag:$0x6], $0x400, $0x38;
	[tilespmem:$0x1C040] =	vst v63  }
0x2e9: {  	s11 =	simm.s32 $0x1A840;
	s12 =	sor.u32 $0xC000, s3;
	s5 =	sadd.s32 s0, s10  }
0x2ea: {  	[hbm4b:s5+s4] =	stream.linear.scatter [tilespmem:s11], [sflag:$0x6], $0x400, $0x38;
	[tilespmem:$0x1C040] =	vst v63  }
0x2eb: {  	s18 =	simm.s32 $0x1AC40;
	s21 =	sor.u32 $0x10000, s3;
	s5 =	sadd.s32 s0, s12  }
0x2ec: {  	[hbm4b:s5+s4] =	stream.linear.scatter [tilespmem:s18], [sflag:$0x6], $0x400, $0x38;
	[tilespmem:$0x1C040] =	vst v63  }
0x2ed: {  	s31 =	sadd.s32 $0x1, s31;
	s22 =	sor.u32 $0x14000, s3;
	s5 =	sadd.s32 s0, s21  }
0x2ee: {  	[hbm4b:s5+s4] =	stream.linear.scatter [tilespmem:s24], [sflag:$0x6], $0x400, $0x38;
	[tilespmem:$0x1C040] =	vst v63  }
0x2ef: {  	p0 =	sne.s32 s31, $0x32;
	s5 =	sadd.s32 s0, s22  }
0x2f0: {  	[hbm4b:s5+s4] =	stream.linear.scatter [tilespmem:s28], [sflag:$0x6], $0x400, $0x38;
	[tilespmem:$0x1C040] =	vst v63  }
.Ltmp11:
0x2f1: {  	s23 =	sor.u32 $0x18000, s3;
	(pc) =	sbr.rel @p0 .LBB2_3-.Ltmp11, $4  }
0x2f2: {  	s3 =	sor.u32 $0x1C000, s3;
	s5 =	sadd.s32 s0, s23  }
0x2f3: {  	[hbm4b:s5+s4] =	stream.linear.scatter [tilespmem:s29], [sflag:$0x6], $0x400, $0x38;
	[tilespmem:$0x1C040] =	vst v63  }
0x2f4: {  	s3 =	sadd.s32 s0, s3  }
0x2f5: {  	[hbm4b:s3+s4] =	stream.linear.scatter [tilespmem:s30], [sflag:$0x6], $0x400, $0x38;
	[tilespmem:$0x1C040] =	vst v63  }
0x2f6: {  	s1 =	simm.s32 $0x3  }
0x2f7: {  	_ =	swait.ge [sflag:s1], $0x400  }
0x2f8: {  	[sflag:s1] =	ssyncset.done $0x0  }
0x2f9: {  	[sflag:s1] =	ssyncadd.s32 $0xFFFFFC00  }
0x2fa: {  	_ =	swait.ge [sflag:s1], $0x400  }
0x2fb: {  	[sflag:s1] =	ssyncset.done $0x0  }
0x2fc: {  	[sflag:s1] =	ssyncadd.s32 $0xFFFFFC00  }
0x2fd: {  	_ =	swait.ge [sflag:s1], $0x400  }
0x2fe: {  	[sflag:s1] =	ssyncset.done $0x0  }
0x2ff: {  	[sflag:s1] =	ssyncadd.s32 $0xFFFFFC00  }
0x300: {  	_ =	swait.ge [sflag:s1], $0x400  }
0x301: {  	[sflag:s1] =	ssyncset.done $0x0  }
0x302: {  	[sflag:s1] =	ssyncadd.s32 $0xFFFFFC00  }
0x303: {  	_ =	swait.ge [sflag:s1], $0x400  }
0x304: {  	[sflag:s1] =	ssyncset.done $0x0  }
0x305: {  	[sflag:s1] =	ssyncadd.s32 $0xFFFFFC00  }
0x306: {  	_ =	swait.ge [sflag:s1], $0x400  }
0x307: {  	[sflag:s1] =	ssyncset.done $0x0  }
0x308: {  	[sflag:s1] =	ssyncadd.s32 $0xFFFFFC00  }
0x309: {  	_ =	swait.ge [sflag:s1], $0x400  }
0x30a: {  	[sflag:s1] =	ssyncset.done $0x0  }
0x30b: {  	[sflag:s1] =	ssyncadd.s32 $0xFFFFFC00  }
0x30c: {  	_ =	swait.ge [sflag:s1], $0x400  }
0x30d: {  	[sflag:s1] =	ssyncset.done $0x0  }
0x30e: {  	s23 =	simm.s32 $0x4;
	[sflag:s1] =	ssyncadd.s32 $0xFFFFFC00  }
0x30f: {  	_ =	swait.ge [sflag:s23], $0x400  }
0x310: {  	[sflag:s23] =	ssyncset.done $0x0  }
0x311: {  	[sflag:s23] =	ssyncadd.s32 $0xFFFFFC00  }
0x312: {  	_ =	swait.ge [sflag:s23], $0x400  }
0x313: {  	[sflag:s23] =	ssyncset.done $0x0  }
0x314: {  	[sflag:s23] =	ssyncadd.s32 $0xFFFFFC00  }
0x315: {  	_ =	swait.ge [sflag:s23], $0x400  }
0x316: {  	[sflag:s23] =	ssyncset.done $0x0  }
0x317: {  	[sflag:s23] =	ssyncadd.s32 $0xFFFFFC00  }
0x318: {  	_ =	swait.ge [sflag:s23], $0x400  }
0x319: {  	[sflag:s23] =	ssyncset.done $0x0  }
0x31a: {  	[sflag:s23] =	ssyncadd.s32 $0xFFFFFC00  }
0x31b: {  	_ =	swait.ge [sflag:s23], $0x400  }
0x31c: {  	[sflag:s23] =	ssyncset.done $0x0  }
0x31d: {  	[sflag:s23] =	ssyncadd.s32 $0xFFFFFC00  }
0x31e: {  	_ =	swait.ge [sflag:s23], $0x400  }
0x31f: {  	[sflag:s23] =	ssyncset.done $0x0  }
0x320: {  	[sflag:s23] =	ssyncadd.s32 $0xFFFFFC00  }
0x321: {  	_ =	swait.ge [sflag:s23], $0x400  }
0x322: {  	[sflag:s23] =	ssyncset.done $0x0  }
0x323: {  	[sflag:s23] =	ssyncadd.s32 $0xFFFFFC00  }
0x324: {  	_ =	swait.ge [sflag:s23], $0x400  }
0x325: {  	[sflag:s23] =	ssyncset.done $0x0  }
0x326: {  	s31 =	simm.s32 $0x5;
	[sflag:s23] =	ssyncadd.s32 $0xFFFFFC00  }
0x327: {  	_ =	swait.ge [sflag:s31], $0x400  }
0x328: {  	[sflag:s31] =	ssyncset.done $0x0  }
0x329: {  	[sflag:s31] =	ssyncadd.s32 $0xFFFFFC00  }
0x32a: {  	_ =	swait.ge [sflag:s31], $0x400  }
0x32b: {  	[sflag:s31] =	ssyncset.done $0x0  }
0x32c: {  	[sflag:s31] =	ssyncadd.s32 $0xFFFFFC00  }
0x32d: {  	_ =	swait.ge [sflag:s31], $0x400  }
0x32e: {  	[sflag:s31] =	ssyncset.done $0x0  }
0x32f: {  	[sflag:s31] =	ssyncadd.s32 $0xFFFFFC00  }
0x330: {  	_ =	swait.ge [sflag:s31], $0x400  }
0x331: {  	[sflag:s31] =	ssyncset.done $0x0  }
0x332: {  	[sflag:s31] =	ssyncadd.s32 $0xFFFFFC00  }
0x333: {  	_ =	swait.ge [sflag:s31], $0x400  }
0x334: {  	[sflag:s31] =	ssyncset.done $0x0  }
0x335: {  	[sflag:s31] =	ssyncadd.s32 $0xFFFFFC00  }
0x336: {  	_ =	swait.ge [sflag:s31], $0x400  }
0x337: {  	[sflag:s31] =	ssyncset.done $0x0  }
0x338: {  	[sflag:s31] =	ssyncadd.s32 $0xFFFFFC00  }
0x339: {  	_ =	swait.ge [sflag:s31], $0x400  }
0x33a: {  	[sflag:s31] =	ssyncset.done $0x0  }
0x33b: {  	[sflag:s31] =	ssyncadd.s32 $0xFFFFFC00  }
0x33c: {  	_ =	swait.ge [sflag:s31], $0x400  }
0x33d: {  	[sflag:s31] =	ssyncset.done $0x0  }
0x33e: {  	[sflag:s31] =	ssyncadd.s32 $0xFFFFFC00  }
0x33f: {  	_ =	swait.ge [sflag:s19], $0x400  }
0x340: {  	[sflag:s19] =	ssyncset.done $0x0  }
0x341: {  	[sflag:s19] =	ssyncadd.s32 $0xFFFFFC00  }
0x342: {  	_ =	swait.ge [sflag:s19], $0x400  }
0x343: {  	[sflag:s19] =	ssyncset.done $0x0  }
0x344: {  	[sflag:s19] =	ssyncadd.s32 $0xFFFFFC00  }
0x345: {  	_ =	swait.ge [sflag:s19], $0x400  }
0x346: {  	[sflag:s19] =	ssyncset.done $0x0  }
0x347: {  	[sflag:s19] =	ssyncadd.s32 $0xFFFFFC00  }
0x348: {  	_ =	swait.ge [sflag:s19], $0x400  }
0x349: {  	[sflag:s19] =	ssyncset.done $0x0  }
0x34a: {  	[sflag:s19] =	ssyncadd.s32 $0xFFFFFC00  }
0x34b: {  	_ =	swait.ge [sflag:s19], $0x400  }
0x34c: {  	[sflag:s19] =	ssyncset.done $0x0  }
0x34d: {  	[sflag:s19] =	ssyncadd.s32 $0xFFFFFC00  }
0x34e: {  	_ =	swait.ge [sflag:s19], $0x400  }
0x34f: {  	[sflag:s19] =	ssyncset.done $0x0  }
0x350: {  	[sflag:s19] =	ssyncadd.s32 $0xFFFFFC00  }
0x351: {  	_ =	swait.ge [sflag:s19], $0x400  }
0x352: {  	[sflag:s19] =	ssyncset.done $0x0  }
0x353: {  	[sflag:s19] =	ssyncadd.s32 $0xFFFFFC00  }
0x354: {  	_ =	swait.ge [sflag:s19], $0x400  }
0x355: {  	s3 =	rddreg [dreg:$0xb]  }
0x356: {  	s3 =	sadd.s32 $0x1, s3  }
0x357: {  	p0 =	sne.s32 s3, $0x4  }
.Ltmp12:
0x358: {  	_ = 	snop;
	(pc) =	sbr.rel @p0 .LBB2_2-.Ltmp12, $3  }
0x359: {  	_ =	sdelay $0x1  }
0x35a: {  	[sflag:s19] =	ssyncset.done $0x0  }
0x35b: {  	[sflag:s19] =	ssyncadd.s32 $0xFFFFFC00  }
0x35c: {  	s3 =	rddreg [dreg:$0xa]  }
0x35d: {  	s1 =	rddreg [dreg:$0x8];
	s3 =	sadd.s32 $0x1, s3  }
0x35e: {  	p0 =	sne.s32 s3, s1  }
.Ltmp13:
0x35f: {  	_ = 	snop;
	(pc) =	sbr.rel @p0 .LBB2_1-.Ltmp13, $1  }
0x360: {  	_ =	sdelay $0x3  }
0x361: {  	_ =	sfence.sel $0x180000  }
0x362: {  	[bflag:$0x0] =	sbarrier.arrive $0xFFFF  }
0x363: {  	_ =	strace $0x90000047  }
0x364: {  	s0 =	stileid.u32;
	[bflag:$0x2] =	sbarrier.arrive $0xFFFF  }
0x365: {  	p0 =	sne.s32 s0, $0x0;
	s0 =	rddreg [dreg:$0x3]  }
0x366: {  	s0 =	sadd.s32 @!p0 $0x100000, s0  }
0x367: {  	[sflag:s0] =	ssyncadd.tile.s32 @!p0 $0x1;
	_ =	shalt  }
.Lfunc_end2:
_tile_overlayer_lowered:
.L_overlay_start_2:
0x368: {  	(tag) =	ssettag $0x2  }
0x369: {  	s0 =	rddreg [dreg:$0x0];
	s2 =	stileid.u32  }
0x36a: {  	s1 =	rddreg [dreg:$0x1];
	p0 =	sne.s32 s2, $0x0  }
0x36b: {  	s3 =	rddreg [dreg:$0x2];
	[bflag:$0x3] =	sbarrier.arrive $0xFFFF;
	s2 =	simm.s32 @!p0 $0x1C07  }
0x36c: {  	[timem:s3], [sflag:s2] =	dma.local @!p0 [hbm:s0], s1  }
0x36d: {  	s0 =	simm.s32 @!p0 $0x7  }
0x36e: {  	_ =	swait.ge @!p0 [sflag:s0], s1  }
0x36f: {  	s1 =	ssub.s32 @!p0 $0x0, s1;
	[sflag:s0] =	ssyncset.done @!p0 $0x0  }
0x370: {  	[sflag:s0] =	ssyncadd.s32 @!p0 s1  }
0x371: {  	[bflag:$0x3] =	sbarrier.arrive $0xFFFF  }
0x372: {  	_ =	shalt  }

</sc_bundles>
